<compile_context>
chip_gen: v7x
topology: tpu7x:2x2x1
jax: 0.10.2.dev20260603
libtpu: 0.0.44.dev20260713+nightly
codegen_flags: <defaults>
</compile_context>

<pallas_src>
import jax
import jax.numpy as jnp
from jax import lax
from jax.experimental import pallas as pl
from jax.experimental.pallas import tpu as pltpu
from jax.experimental.pallas import tpu_sc as plsc

N = 10000
DIN = 128
DH = 128
DOUT = 47
EPS = 1e-5

N_PAD = 10240
DHALF = DH // 2
BM = 512
EB = 320
NBUF = 8
PRE = 6
NC = 2
NS = 16
ROWS_PER_TILE = N_PAD // NS



def _make_agg(rb_per_worker: int, with_cnt: bool, dh: int):
    mesh = plsc.VectorSubcoreMesh(core_axis_name="c", subcore_axis_name="s")
    out_type = [jax.ShapeDtypeStruct((NC, N_PAD, dh), jnp.bfloat16)]
    scratch = (
        [pltpu.VMEM((EB,), jnp.int32) for _ in range(NBUF)]
        + [pltpu.VMEM((EB,), jnp.int32) for _ in range(NBUF)]
        + [pltpu.VMEM((EB, dh), jnp.bfloat16) for _ in range(NBUF)]
        + [pltpu.VMEM_SHARED((N_PAD, dh), jnp.bfloat16)]
        + [pltpu.SemaphoreType.DMA for _ in range(3 * NBUF)]
    )
    if with_cnt:
        out_type.append(jax.ShapeDtypeStruct((NC, N_PAD, 16), jnp.float32))
        scratch += [
            pltpu.VMEM((EB, 16), jnp.float32),
            pltpu.VMEM_SHARED((N_PAD, 16), jnp.float32),
        ]

    n_iters = rb_per_worker // NBUF

    def body(y_hbm, src_hbm, dst_hbm, zeros_hbm, zeros16_hbm, ones_hbm,
             acc_out, *rest):
        rest = list(rest)
        cnt_out = rest.pop(0) if with_cnt else None
        srcs = [rest.pop(0) for _ in range(NBUF)]
        dsts = [rest.pop(0) for _ in range(NBUF)]
        bufs = [rest.pop(0) for _ in range(NBUF)]
        acc_sh = rest.pop(0)
        semG = [rest.pop(0) for _ in range(NBUF)]
        semS = [rest.pop(0) for _ in range(NBUF)]
        semI = [rest.pop(0) for _ in range(NBUF)]
        if with_cnt:
            ones_v, cnt_sh = rest
        c = lax.axis_index("c")
        s = lax.axis_index("s")
        row0 = s * ROWS_PER_TILE
        tile_base = s * rb_per_worker

        pltpu.sync_copy(zeros_hbm, acc_sh.at[pl.ds(row0, ROWS_PER_TILE)])
        if with_cnt:
            pltpu.sync_copy(zeros16_hbm, cnt_sh.at[pl.ds(row0, ROWS_PER_TILE)])
            pltpu.sync_copy(ones_hbm, ones_v)
        plsc.subcore_barrier()

        def load_idx(sbuf, dbuf, row, sem):
            return [
                pltpu.async_copy(src_hbm.at[row], sbuf, sem),
                pltpu.async_copy(dst_hbm.at[row], dbuf, sem),
            ]

        def fire_gathers(sbuf, rowbuf, sem):
            return [pltpu.async_copy(y_hbm.at[c].at[sbuf], rowbuf, sem)]

        def fire_scatters(dbuf, rowbuf, sem):
            return [pltpu.async_copy(rowbuf, acc_sh.at[dbuf], sem, add=True)]

        def cnt_adds(dbuf, pred):
            if not with_cnt:
                return

            @pl.when(pred)
            def _():
                pltpu.sync_copy(ones_v, cnt_sh.at[dbuf], add=True)

        def drain(descs):
            for d in descs:
                d.wait()

        @pl.loop(0, n_iters)
        def _(m):
            pred = (c == 0) == (m < n_iters // 2)
            base = tile_base + m * NBUF
            idx = [load_idx(srcs[k], dsts[k], base + k, semI[k])
                   for k in range(NBUF)]
            g = []
            for k in range(PRE):
                drain(idx[k])
                g.append(fire_gathers(srcs[k], bufs[k], semG[k]))
            sc = []
            for k in range(NBUF):
                drain(g[k])
                sc.append(fire_scatters(dsts[k], bufs[k], semS[k]))
                if k + PRE < NBUF:
                    drain(idx[k + PRE])
                    g.append(fire_gathers(srcs[k + PRE], bufs[k + PRE],
                                          semG[k + PRE]))
                cnt_adds(dsts[k], pred)
            for k in range(NBUF):
                drain(sc[k])

        plsc.subcore_barrier()
        sl = pl.ds(row0, ROWS_PER_TILE)
        pltpu.sync_copy(acc_sh.at[sl], acc_out.at[c].at[sl])
        if with_cnt:
            pltpu.sync_copy(cnt_sh.at[sl], cnt_out.at[c].at[sl])

    return pl.kernel(body, out_type=tuple(out_type), mesh=mesh,
                     scratch_types=tuple(scratch),
                     compiler_params=pltpu.CompilerParams(
                         use_tc_tiling_on_sc=False))



def _mm_body(x_ref, w_ref, o_ref):
    y = jnp.dot(x_ref[...], w_ref[...],
                preferred_element_type=jnp.float32).astype(jnp.bfloat16)
    ynh = o_ref.shape[2]
    o_ref[0] = y[:, :ynh]
    o_ref[1] = y[:, ynh:]


def _matmul(x, w):
    n, k = x.shape
    m = w.shape[1]
    return pl.pallas_call(
        _mm_body,
        grid=(n // BM,),
        in_specs=[pl.BlockSpec((BM, k), lambda i: (i, 0)),
                  pl.BlockSpec((k, m), lambda i: (0, 0))],
        out_specs=pl.BlockSpec((NC, BM, m // 2), lambda i: (0, i, 0)),
        out_shape=jax.ShapeDtypeStruct((NC, n, m // 2), jnp.bfloat16),
    )(x, w)


def _combine_body(acc_ref, cnt_ref, x_ref, wr_ref, wn_ref, bl_ref, g_ref,
                  beta_ref, h_ref, y_ref):
    cnt = cnt_ref[0, :, 0:1] + cnt_ref[1, :, 0:1]
    inv = 1.0 / jnp.maximum(cnt, 1.0)
    agg = jnp.concatenate([acc_ref[0], acc_ref[1]], axis=1).astype(jnp.float32)
    h = agg * inv + bl_ref[...] + jnp.dot(
        x_ref[...], wr_ref[...], preferred_element_type=jnp.float32)
    scale = g_ref[...] * (1.0 / jnp.sqrt(1.0 + EPS))
    h = jnp.maximum(scale * h + beta_ref[...], 0.0)
    h_ref[...] = h
    y = jnp.dot(h, wn_ref[...],
                preferred_element_type=jnp.float32).astype(jnp.bfloat16)
    ynh = y_ref.shape[2]
    y_ref[0] = y[:, :ynh]
    y_ref[1] = y[:, ynh:]


def _combine(acc, cnt, x, wrT, wnextT, bl, g, beta):
    ah = acc.shape[2]
    ynh = wnextT.shape[1] // 2
    return pl.pallas_call(
        _combine_body,
        grid=(N_PAD // BM,),
        in_specs=[
            pl.BlockSpec((NC, BM, ah), lambda i: (0, i, 0)),
            pl.BlockSpec((NC, BM, 16), lambda i: (0, i, 0)),
            pl.BlockSpec((BM, DH), lambda i: (i, 0)),
            pl.BlockSpec((DH, DH), lambda i: (0, 0)),
            pl.BlockSpec((DH, wnextT.shape[1]), lambda i: (0, 0)),
            pl.BlockSpec((1, DH), lambda i: (0, 0)),
            pl.BlockSpec((1, DH), lambda i: (0, 0)),
            pl.BlockSpec((1, DH), lambda i: (0, 0)),
        ],
        out_specs=[pl.BlockSpec((BM, DH), lambda i: (i, 0)),
                   pl.BlockSpec((NC, BM, ynh), lambda i: (0, i, 0))],
        out_shape=[jax.ShapeDtypeStruct((N_PAD, DH), jnp.float32),
                   jax.ShapeDtypeStruct((NC, N_PAD, ynh), jnp.bfloat16)],
    )(acc, cnt, x, wrT, wnextT, bl, g, beta)


D3 = 64


def _final_body(acc_ref, cnt_ref, h_ref, wr_ref, bl_ref, o_ref):
    cnt = cnt_ref[0, :, 0:1] + cnt_ref[1, :, 0:1]
    inv = 1.0 / jnp.maximum(cnt, 1.0)
    agg = jnp.concatenate([acc_ref[0], acc_ref[1]], axis=1).astype(jnp.float32)
    z = agg * inv + bl_ref[...] + jnp.dot(
        h_ref[...], wr_ref[...], preferred_element_type=jnp.float32)
    col = lax.broadcasted_iota(jnp.int32, z.shape, 1)
    valid = col < DOUT
    zm = jnp.where(valid, z, -jnp.inf)
    m = jnp.max(zm, axis=1, keepdims=True)
    e = jnp.where(valid, jnp.exp(z - m), 0.0)
    lse = jnp.log(jnp.sum(e, axis=1, keepdims=True))
    o_ref[...] = z - m - lse


def _final(acc, cnt, h, wrT, bl):
    return pl.pallas_call(
        _final_body,
        grid=(N_PAD // BM,),
        in_specs=[
            pl.BlockSpec((NC, BM, D3 // 2), lambda i: (0, i, 0)),
            pl.BlockSpec((NC, BM, 16), lambda i: (0, i, 0)),
            pl.BlockSpec((BM, DH), lambda i: (i, 0)),
            pl.BlockSpec((DH, D3), lambda i: (0, 0)),
            pl.BlockSpec((1, D3), lambda i: (0, 0)),
        ],
        out_specs=pl.BlockSpec((BM, D3), lambda i: (i, 0)),
        out_shape=jax.ShapeDtypeStruct((N_PAD, D3), jnp.float32),
    )(acc, cnt, h, wrT, bl)



def kernel(x, edge_index, Wl1, bl1, Wr1, g1, b1, Wl2, bl2, Wr2, g2, b2,
           Wl3, bl3, Wr3):
    e = edge_index.shape[1]
    blk_edges = NS * EB * NBUF
    e_pad = ((e + blk_edges - 1) // blk_edges) * blk_edges
    rb_total = e_pad // EB
    rb_per_worker = rb_total // NS

    src = jnp.concatenate(
        [edge_index[0], jnp.zeros((e_pad - e,), jnp.int32)]).reshape(rb_total, EB)
    dst = jnp.concatenate(
        [edge_index[1], jnp.full((e_pad - e,), N, jnp.int32)]).reshape(rb_total, EB)

    x_p = jnp.concatenate([x, jnp.zeros((N_PAD - N, DIN), jnp.float32)])
    zeros_d = jnp.zeros((ROWS_PER_TILE, DHALF), jnp.bfloat16)
    zeros16 = jnp.zeros((ROWS_PER_TILE, 16), jnp.float32)
    ones16 = jnp.ones((EB, 16), jnp.float32)

    wl3T = jnp.zeros((DH, D3), jnp.float32).at[:, :DOUT].set(Wl3.T)
    wr3T = jnp.zeros((DH, D3), jnp.float32).at[:, :DOUT].set(Wr3.T)
    bl3p = jnp.zeros((1, D3), jnp.float32).at[0, :DOUT].set(bl3)

    agg_cnt = _make_agg(rb_per_worker, True, DHALF)
    agg2 = _make_agg(rb_per_worker, False, DHALF)
    agg3 = _make_agg(rb_per_worker, False, D3 // 2)
    zeros_d3 = jnp.zeros((ROWS_PER_TILE, D3 // 2), jnp.bfloat16)

    r2 = lambda v: v.reshape(1, DH)

    y1 = _matmul(x_p, Wl1.T)
    acc1, cnt = agg_cnt(y1, src, dst, zeros_d, zeros16, ones16)
    h1, y2 = _combine(acc1, cnt, x_p, Wr1.T, Wl2.T, r2(bl1), r2(g1), r2(b1))
    (acc2,) = agg2(y2, src, dst, zeros_d, zeros16, ones16)
    h2, y3 = _combine(acc2, cnt, h1, Wr2.T, wl3T, r2(bl2), r2(g2), r2(b2))
    (acc3,) = agg3(y3, src, dst, zeros_d3, zeros16, ones16)
    o = _final(acc3, cnt, h2, wr3T, bl3p)
    return o[:N, :DOUT]

# --- scband reference (transcript-rebuilt; emitter-appended) ---
"""Pipeline reference for scband-graph-sageproducts-19911468384535 (READ-ONLY COPY).

The authoritative reference and input builder live on the scoring server;
editing this copy changes nothing except your own understanding.
"""

import jax, jax.numpy as jnp
import numpy as np

N = 10000
E = 320000
DIN = 128
DH = 128
DOUT = 47
EPS = 1e-5


def _lin_init(key, out_dim, in_dim):
    s = 1.0 / np.sqrt(in_dim)
    return jax.random.uniform(key, (out_dim, in_dim), jnp.float32, -s, s)


def setup_inputs(seed: int = 0) -> dict:
    key = jax.random.key(seed)
    ks = jax.random.split(key, 16)
    x = jax.random.normal(ks[0], (N, DIN), dtype=jnp.float32)
    edge_index = jax.random.randint(ks[1], (2, E), 0, N, dtype=jnp.int32)
    inp = {"x": x, "edge_index": edge_index}
    # layer 1 (SAGEConv in->hidden): lin_l (with bias) acts on aggregated msgs, lin_r (no bias) on root
    inp["Wl1"] = _lin_init(ks[2], DH, DIN)
    inp["bl1"] = jnp.zeros((DH,), jnp.float32)
    inp["Wr1"] = _lin_init(ks[3], DH, DIN)
    inp["g1"] = jnp.ones((DH,), jnp.float32)
    inp["b1"] = jnp.zeros((DH,), jnp.float32)
    # layer 2 (SAGEConv hidden->hidden)
    inp["Wl2"] = _lin_init(ks[4], DH, DH)
    inp["bl2"] = jnp.zeros((DH,), jnp.float32)
    inp["Wr2"] = _lin_init(ks[5], DH, DH)
    inp["g2"] = jnp.ones((DH,), jnp.float32)
    inp["b2"] = jnp.zeros((DH,), jnp.float32)
    # layer 3 (SAGEConv hidden->out)
    inp["Wl3"] = _lin_init(ks[6], DOUT, DH)
    inp["bl3"] = jnp.zeros((DOUT,), jnp.float32)
    inp["Wr3"] = _lin_init(ks[7], DOUT, DH)
    return inp


def _sage_conv(x, edge_index, Wl, bl, Wr):
    # PyG SAGEConv default: mean aggregation of source features at dst,
    # out = lin_l(mean_aggr) + lin_r(x)
    src = edge_index[0]
    dst = edge_index[1]
    n = x.shape[0]
    msg = jnp.take(x, src, axis=0)
    summed = jax.ops.segment_sum(msg, dst, num_segments=n)
    cnt = jax.ops.segment_sum(jnp.ones((src.shape[0],), x.dtype), dst, num_segments=n)
    mean = summed / jnp.clip(cnt, 1.0, None)[:, None]
    return mean @ Wl.T + bl + x @ Wr.T


def _bn_eval(x, gamma, beta):
    # BatchNorm in eval mode with running_mean=0, running_var=1
    return gamma * (x / jnp.sqrt(1.0 + EPS)) + beta


def reference(x, edge_index, Wl1, bl1, Wr1, g1, b1, Wl2, bl2, Wr2, g2, b2, Wl3, bl3, Wr3):
    h = _sage_conv(x, edge_index, Wl1, bl1, Wr1)
    h = _bn_eval(h, g1, b1)
    h = jax.nn.relu(h)
    # dropout is identity in eval mode
    h = _sage_conv(h, edge_index, Wl2, bl2, Wr2)
    h = _bn_eval(h, g2, b2)
    h = jax.nn.relu(h)
    h = _sage_conv(h, edge_index, Wl3, bl3, Wr3)
    return jax.nn.log_softmax(h, axis=1)

if __name__ == "__main__":
    import jax
    _d = setup_inputs()
    print(jax.jit(kernel)(*tuple(_d.values())))

</pallas_src>

<mosaic_0001>
#map = affine_map<(d0, d1) -> (0, 0, 0)>
#map1 = affine_map<(d0, d1) -> (0, 0)>
module attributes {stable_mosaic.version = 14 : i64} {
  func.func @body(%arg0: i32, %arg1: i32, %arg2: memref<2x10240x64xbf16, #tpu.memory_space<hbm>>, %arg3: memref<1024x320xi32, #tpu.memory_space<hbm>>, %arg4: memref<1024x320xi32, #tpu.memory_space<hbm>>, %arg5: memref<640x64xbf16, #tpu.memory_space<hbm>>, %arg6: memref<640x16xf32, #tpu.memory_space<hbm>>, %arg7: memref<320x16xf32, #tpu.memory_space<hbm>>, %arg8: memref<2x10240x64xbf16, #tpu.memory_space<hbm>>, %arg9: memref<320xi32, #tpu.memory_space<vmem>>, %arg10: memref<320xi32, #tpu.memory_space<vmem>>, %arg11: memref<320xi32, #tpu.memory_space<vmem>>, %arg12: memref<320xi32, #tpu.memory_space<vmem>>, %arg13: memref<320xi32, #tpu.memory_space<vmem>>, %arg14: memref<320xi32, #tpu.memory_space<vmem>>, %arg15: memref<320xi32, #tpu.memory_space<vmem>>, %arg16: memref<320xi32, #tpu.memory_space<vmem>>, %arg17: memref<320xi32, #tpu.memory_space<vmem>>, %arg18: memref<320xi32, #tpu.memory_space<vmem>>, %arg19: memref<320xi32, #tpu.memory_space<vmem>>, %arg20: memref<320xi32, #tpu.memory_space<vmem>>, %arg21: memref<320xi32, #tpu.memory_space<vmem>>, %arg22: memref<320xi32, #tpu.memory_space<vmem>>, %arg23: memref<320xi32, #tpu.memory_space<vmem>>, %arg24: memref<320xi32, #tpu.memory_space<vmem>>, %arg25: memref<320x64xbf16, #tpu.memory_space<vmem>>, %arg26: memref<320x64xbf16, #tpu.memory_space<vmem>>, %arg27: memref<320x64xbf16, #tpu.memory_space<vmem>>, %arg28: memref<320x64xbf16, #tpu.memory_space<vmem>>, %arg29: memref<320x64xbf16, #tpu.memory_space<vmem>>, %arg30: memref<320x64xbf16, #tpu.memory_space<vmem>>, %arg31: memref<320x64xbf16, #tpu.memory_space<vmem>>, %arg32: memref<320x64xbf16, #tpu.memory_space<vmem>>, %arg33: memref<10240x64xbf16, #tpu.memory_space<vmem_shared>>, %arg34: memref<!tpu.dma_semaphore, #tpu.memory_space<semaphore_mem>>, %arg35: memref<!tpu.dma_semaphore, #tpu.memory_space<semaphore_mem>>, %arg36: memref<!tpu.dma_semaphore, #tpu.memory_space<semaphore_mem>>, %arg37: memref<!tpu.dma_semaphore, #tpu.memory_space<semaphore_mem>>, %arg38: memref<!tpu.dma_semaphore, #tpu.memory_space<semaphore_mem>>, %arg39: memref<!tpu.dma_semaphore, #tpu.memory_space<semaphore_mem>>, %arg40: memref<!tpu.dma_semaphore, #tpu.memory_space<semaphore_mem>>, %arg41: memref<!tpu.dma_semaphore, #tpu.memory_space<semaphore_mem>>, %arg42: memref<!tpu.dma_semaphore, #tpu.memory_space<semaphore_mem>>, %arg43: memref<!tpu.dma_semaphore, #tpu.memory_space<semaphore_mem>>, %arg44: memref<!tpu.dma_semaphore, #tpu.memory_space<semaphore_mem>>, %arg45: memref<!tpu.dma_semaphore, #tpu.memory_space<semaphore_mem>>, %arg46: memref<!tpu.dma_semaphore, #tpu.memory_space<semaphore_mem>>, %arg47: memref<!tpu.dma_semaphore, #tpu.memory_space<semaphore_mem>>, %arg48: memref<!tpu.dma_semaphore, #tpu.memory_space<semaphore_mem>>, %arg49: memref<!tpu.dma_semaphore, #tpu.memory_space<semaphore_mem>>, %arg50: memref<!tpu.dma_semaphore, #tpu.memory_space<semaphore_mem>>, %arg51: memref<!tpu.dma_semaphore, #tpu.memory_space<semaphore_mem>>, %arg52: memref<!tpu.dma_semaphore, #tpu.memory_space<semaphore_mem>>, %arg53: memref<!tpu.dma_semaphore, #tpu.memory_space<semaphore_mem>>, %arg54: memref<!tpu.dma_semaphore, #tpu.memory_space<semaphore_mem>>, %arg55: memref<!tpu.dma_semaphore, #tpu.memory_space<semaphore_mem>>, %arg56: memref<!tpu.dma_semaphore, #tpu.memory_space<semaphore_mem>>, %arg57: memref<!tpu.dma_semaphore, #tpu.memory_space<semaphore_mem>>) attributes {dimension_semantics = [#tpu.dimension_semantics<core_parallel>, #tpu.dimension_semantics<subcore_parallel>], iteration_bounds = array<i64: 2, 16>, scalar_prefetch = 0 : i64, scratch_operands = 49 : i64, tpu.core_type = #tpu.core_type<sc_vector_subcore>, window_params = [{transform_indices = #map}, {transform_indices = #map1}, {transform_indices = #map1}, {transform_indices = #map1}, {transform_indices = #map1}, {transform_indices = #map1}, {transform_indices = #map}]} {
    %mul3A = arith.constant 640 : i32
    %mul3A_0 = arith.muli %arg1, %mul3A : i32
    %mul3A_1 = arith.constant 64 : i32
    %mul3A_2 = arith.muli %arg1, %mul3A_1 : i32
    "tpu.region"() ({
      %run_scoped3A = tpu.sem_alloc : memref<!tpu.dma_semaphore, #tpu.memory_space<semaphore_mem>>
      %dma_start3A = arith.constant 0 : i32
      %dma_start3A_8 = tpu.memref_slice %arg33[%mul3A_0, %dma_start3A] : memref<10240x64xbf16, #tpu.memory_space<vmem_shared>> -> memref<640x64xbf16, #tpu.memory_space<vmem_shared>>
      tpu.enqueue_dma source(%arg5 : memref<640x64xbf16, #tpu.memory_space<hbm>>) target(%dma_start3A_8 : memref<640x64xbf16, #tpu.memory_space<vmem_shared>>) target_semaphore(%run_scoped3A : memref<!tpu.dma_semaphore, #tpu.memory_space<semaphore_mem>>)
      %dma_wait3A = arith.constant 0 : i32
      %dma_wait3A_9 = tpu.memref_slice %arg33[%mul3A_0, %dma_wait3A] : memref<10240x64xbf16, #tpu.memory_space<vmem_shared>> -> memref<640x64xbf16, #tpu.memory_space<vmem_shared>>
      tpu.wait_dma2 semaphore(%run_scoped3A : memref<!tpu.dma_semaphore, #tpu.memory_space<semaphore_mem>>) src(%arg5 : memref<640x64xbf16, #tpu.memory_space<hbm>>) dst(%dma_wait3A_9 : memref<640x64xbf16, #tpu.memory_space<vmem_shared>>)
      tpu.yield
    }) : () -> ()
    %barrier3A = arith.constant 0 : index
    tpu.barrier barrier_id(%barrier3A)
    %scan3A = arith.constant 0 : i32
    %scan3A_3 = arith.constant 8 : i32
    %scan3A_4 = arith.addi %scan3A, %scan3A_3 : i32
    %scan3A_5 = arith.constant 1 : i32
    scf.for %scan3A_8 = %scan3A to %scan3A_4 step %scan3A_5  : i32 {
      %mul3A_9 = arith.constant 1 : i32
      %mul3A_10 = arith.muli %scan3A_8, %mul3A_9 : i32
      %add3A = arith.constant 0 : i32
      %add3A_11 = arith.addi %add3A, %mul3A_10 : i32
      %eq3A = arith.constant 0 : i32
      %eq3A_12 = arith.cmpi eq, %arg0, %eq3A : i32
      %lt3A = arith.constant 4 : i32
      %lt3A_13 = arith.cmpi slt, %add3A_11, %lt3A : i32
      %eq3A_14 = arith.xori %eq3A_12, %lt3A_13 : i1
      %eq3A_15 = arith.constant true
      %eq3A_16 = arith.xori %eq3A_14, %eq3A_15 : i1
      %mul3A_17 = arith.constant 8 : i32
      %mul3A_18 = arith.muli %add3A_11, %mul3A_17 : i32
      %add3A_19 = arith.addi %mul3A_2, %mul3A_18 : i32
      %add3A_20 = arith.constant 0 : i32
      %add3A_21 = arith.addi %add3A_19, %add3A_20 : i32
      %dma_start3A = arith.constant 0 : i32
      %dma_start3A_22 = tpu.memref_slice %arg3[%add3A_21, %dma_start3A] : memref<1024x320xi32, #tpu.memory_space<hbm>> -> memref<1x320xi32, #tpu.memory_space<hbm>>
      %dma_start3A_23 = tpu.memref_squeeze %dma_start3A_22 : memref<1x320xi32, #tpu.memory_space<hbm>> -> memref<320xi32, #tpu.memory_space<hbm>>
      %dma_start3A_24 = arith.constant 0 : i32
      %dma_start3A_25 = tpu.memref_slice %arg3[%add3A_21, %dma_start3A_24] : memref<1024x320xi32, #tpu.memory_space<hbm>> -> memref<1x320xi32, #tpu.memory_space<hbm>>
      %dma_start3A_26 = tpu.memref_squeeze %dma_start3A_25 : memref<1x320xi32, #tpu.memory_space<hbm>> -> memref<320xi32, #tpu.memory_space<hbm>>
      tpu.enqueue_dma source(%dma_start3A_26 : memref<320xi32, #tpu.memory_space<hbm>>) target(%arg9 : memref<320xi32, #tpu.memory_space<vmem>>) target_semaphore(%arg50 : memref<!tpu.dma_semaphore, #tpu.memory_space<semaphore_mem>>)
      %dma_start3A_27 = arith.constant 0 : i32
      %dma_start3A_28 = tpu.memref_slice %arg4[%add3A_21, %dma_start3A_27] : memref<1024x320xi32, #tpu.memory_space<hbm>> -> memref<1x320xi32, #tpu.memory_space<hbm>>
      %dma_start3A_29 = tpu.memref_squeeze %dma_start3A_28 : memref<1x320xi32, #tpu.memory_space<hbm>> -> memref<320xi32, #tpu.memory_space<hbm>>
      %dma_start3A_30 = arith.constant 0 : i32
      %dma_start3A_31 = tpu.memref_slice %arg4[%add3A_21, %dma_start3A_30] : memref<1024x320xi32, #tpu.memory_space<hbm>> -> memref<1x320xi32, #tpu.memory_space<hbm>>
      %dma_start3A_32 = tpu.memref_squeeze %dma_start3A_31 : memref<1x320xi32, #tpu.memory_space<hbm>> -> memref<320xi32, #tpu.memory_space<hbm>>
      tpu.enqueue_dma source(%dma_start3A_32 : memref<320xi32, #tpu.memory_space<hbm>>) target(%arg17 : memref<320xi32, #tpu.memory_space<vmem>>) target_semaphore(%arg50 : memref<!tpu.dma_semaphore, #tpu.memory_space<semaphore_mem>>)
      %add3A_33 = arith.constant 1 : i32
      %add3A_34 = arith.addi %add3A_19, %add3A_33 : i32
      %dma_start3A_35 = arith.constant 0 : i32
      %dma_start3A_36 = tpu.memref_slice %arg3[%add3A_34, %dma_start3A_35] : memref<1024x320xi32, #tpu.memory_space<hbm>> -> memref<1x320xi32, #tpu.memory_space<hbm>>
      %dma_start3A_37 = tpu.memref_squeeze %dma_start3A_36 : memref<1x320xi32, #tpu.memory_space<hbm>> -> memref<320xi32, #tpu.memory_space<hbm>>
      %dma_start3A_38 = arith.constant 0 : i32
      %dma_start3A_39 = tpu.memref_slice %arg3[%add3A_34, %dma_start3A_38] : memref<1024x320xi32, #tpu.memory_space<hbm>> -> memref<1x320xi32, #tpu.memory_space<hbm>>
      %dma_start3A_40 = tpu.memref_squeeze %dma_start3A_39 : memref<1x320xi32, #tpu.memory_space<hbm>> -> memref<320xi32, #tpu.memory_space<hbm>>
      tpu.enqueue_dma source(%dma_start3A_40 : memref<320xi32, #tpu.memory_space<hbm>>) target(%arg10 : memref<320xi32, #tpu.memory_space<vmem>>) target_semaphore(%arg51 : memref<!tpu.dma_semaphore, #tpu.memory_space<semaphore_mem>>)
      %dma_start3A_41 = arith.constant 0 : i32
      %dma_start3A_42 = tpu.memref_slice %arg4[%add3A_34, %dma_start3A_41] : memref<1024x320xi32, #tpu.memory_space<hbm>> -> memref<1x320xi32, #tpu.memory_space<hbm>>
      %dma_start3A_43 = tpu.memref_squeeze %dma_start3A_42 : memref<1x320xi32, #tpu.memory_space<hbm>> -> memref<320xi32, #tpu.memory_space<hbm>>
      %dma_start3A_44 = arith.constant 0 : i32
      %dma_start3A_45 = tpu.memref_slice %arg4[%add3A_34, %dma_start3A_44] : memref<1024x320xi32, #tpu.memory_space<hbm>> -> memref<1x320xi32, #tpu.memory_space<hbm>>
      %dma_start3A_46 = tpu.memref_squeeze %dma_start3A_45 : memref<1x320xi32, #tpu.memory_space<hbm>> -> memref<320xi32, #tpu.memory_space<hbm>>
      tpu.enqueue_dma source(%dma_start3A_46 : memref<320xi32, #tpu.memory_space<hbm>>) target(%arg18 : memref<320xi32, #tpu.memory_space<vmem>>) target_semaphore(%arg51 : memref<!tpu.dma_semaphore, #tpu.memory_space<semaphore_mem>>)
      %add3A_47 = arith.constant 2 : i32
      %add3A_48 = arith.addi %add3A_19, %add3A_47 : i32
      %dma_start3A_49 = arith.constant 0 : i32
      %dma_start3A_50 = tpu.memref_slice %arg3[%add3A_48, %dma_start3A_49] : memref<1024x320xi32, #tpu.memory_space<hbm>> -> memref<1x320xi32, #tpu.memory_space<hbm>>
      %dma_start3A_51 = tpu.memref_squeeze %dma_start3A_50 : memref<1x320xi32, #tpu.memory_space<hbm>> -> memref<320xi32, #tpu.memory_space<hbm>>
      %dma_start3A_52 = arith.constant 0 : i32
      %dma_start3A_53 = tpu.memref_slice %arg3[%add3A_48, %dma_start3A_52] : memref<1024x320xi32, #tpu.memory_space<hbm>> -> memref<1x320xi32, #tpu.memory_space<hbm>>
      %dma_start3A_54 = tpu.memref_squeeze %dma_start3A_53 : memref<1x320xi32, #tpu.memory_space<hbm>> -> memref<320xi32, #tpu.memory_space<hbm>>
      tpu.enqueue_dma source(%dma_start3A_54 : memref<320xi32, #tpu.memory_space<hbm>>) target(%arg11 : memref<320xi32, #tpu.memory_space<vmem>>) target_semaphore(%arg52 : memref<!tpu.dma_semaphore, #tpu.memory_space<semaphore_mem>>)
      %dma_start3A_55 = arith.constant 0 : i32
      %dma_start3A_56 = tpu.memref_slice %arg4[%add3A_48, %dma_start3A_55] : memref<1024x320xi32, #tpu.memory_space<hbm>> -> memref<1x320xi32, #tpu.memory_space<hbm>>
      %dma_start3A_57 = tpu.memref_squeeze %dma_start3A_56 : memref<1x320xi32, #tpu.memory_space<hbm>> -> memref<320xi32, #tpu.memory_space<hbm>>
      %dma_start3A_58 = arith.constant 0 : i32
      %dma_start3A_59 = tpu.memref_slice %arg4[%add3A_48, %dma_start3A_58] : memref<1024x320xi32, #tpu.memory_space<hbm>> -> memref<1x320xi32, #tpu.memory_space<hbm>>
      %dma_start3A_60 = tpu.memref_squeeze %dma_start3A_59 : memref<1x320xi32, #tpu.memory_space<hbm>> -> memref<320xi32, #tpu.memory_space<hbm>>
      tpu.enqueue_dma source(%dma_start3A_60 : memref<320xi32, #tpu.memory_space<hbm>>) target(%arg19 : memref<320xi32, #tpu.memory_space<vmem>>) target_semaphore(%arg52 : memref<!tpu.dma_semaphore, #tpu.memory_space<semaphore_mem>>)
      %add3A_61 = arith.constant 3 : i32
      %add3A_62 = arith.addi %add3A_19, %add3A_61 : i32
      %dma_start3A_63 = arith.constant 0 : i32
      %dma_start3A_64 = tpu.memref_slice %arg3[%add3A_62, %dma_start3A_63] : memref<1024x320xi32, #tpu.memory_space<hbm>> -> memref<1x320xi32, #tpu.memory_space<hbm>>
      %dma_start3A_65 = tpu.memref_squeeze %dma_start3A_64 : memref<1x320xi32, #tpu.memory_space<hbm>> -> memref<320xi32, #tpu.memory_space<hbm>>
      %dma_start3A_66 = arith.constant 0 : i32
      %dma_start3A_67 = tpu.memref_slice %arg3[%add3A_62, %dma_start3A_66] : memref<1024x320xi32, #tpu.memory_space<hbm>> -> memref<1x320xi32, #tpu.memory_space<hbm>>
      %dma_start3A_68 = tpu.memref_squeeze %dma_start3A_67 : memref<1x320xi32, #tpu.memory_space<hbm>> -> memref<320xi32, #tpu.memory_space<hbm>>
      tpu.enqueue_dma source(%dma_start3A_68 : memref<320xi32, #tpu.memory_space<hbm>>) target(%arg12 : memref<320xi32, #tpu.memory_space<vmem>>) target_semaphore(%arg53 : memref<!tpu.dma_semaphore, #tpu.memory_space<semaphore_mem>>)
      %dma_start3A_69 = arith.constant 0 : i32
      %dma_start3A_70 = tpu.memref_slice %arg4[%add3A_62, %dma_start3A_69] : memref<1024x320xi32, #tpu.memory_space<hbm>> -> memref<1x320xi32, #tpu.memory_space<hbm>>
      %dma_start3A_71 = tpu.memref_squeeze %dma_start3A_70 : memref<1x320xi32, #tpu.memory_space<hbm>> -> memref<320xi32, #tpu.memory_space<hbm>>
      %dma_start3A_72 = arith.constant 0 : i32
      %dma_start3A_73 = tpu.memref_slice %arg4[%add3A_62, %dma_start3A_72] : memref<1024x320xi32, #tpu.memory_space<hbm>> -> memref<1x320xi32, #tpu.memory_space<hbm>>
      %dma_start3A_74 = tpu.memref_squeeze %dma_start3A_73 : memref<1x320xi32, #tpu.memory_space<hbm>> -> memref<320xi32, #tpu.memory_space<hbm>>
      tpu.enqueue_dma source(%dma_start3A_74 : memref<320xi32, #tpu.memory_space<hbm>>) target(%arg20 : memref<320xi32, #tpu.memory_space<vmem>>) target_semaphore(%arg53 : memref<!tpu.dma_semaphore, #tpu.memory_space<semaphore_mem>>)
      %add3A_75 = arith.constant 4 : i32
      %add3A_76 = arith.addi %add3A_19, %add3A_75 : i32
      %dma_start3A_77 = arith.constant 0 : i32
      %dma_start3A_78 = tpu.memref_slice %arg3[%add3A_76, %dma_start3A_77] : memref<1024x320xi32, #tpu.memory_space<hbm>> -> memref<1x320xi32, #tpu.memory_space<hbm>>
      %dma_start3A_79 = tpu.memref_squeeze %dma_start3A_78 : memref<1x320xi32, #tpu.memory_space<hbm>> -> memref<320xi32, #tpu.memory_space<hbm>>
      %dma_start3A_80 = arith.constant 0 : i32
      %dma_start3A_81 = tpu.memref_slice %arg3[%add3A_76, %dma_start3A_80] : memref<1024x320xi32, #tpu.memory_space<hbm>> -> memref<1x320xi32, #tpu.memory_space<hbm>>
      %dma_start3A_82 = tpu.memref_squeeze %dma_start3A_81 : memref<1x320xi32, #tpu.memory_space<hbm>> -> memref<320xi32, #tpu.memory_space<hbm>>
      tpu.enqueue_dma source(%dma_start3A_82 : memref<320xi32, #tpu.memory_space<hbm>>) target(%arg13 : memref<320xi32, #tpu.memory_space<vmem>>) target_semaphore(%arg54 : memref<!tpu.dma_semaphore, #tpu.memory_space<semaphore_mem>>)
      %dma_start3A_83 = arith.constant 0 : i32
      %dma_start3A_84 = tpu.memref_slice %arg4[%add3A_76, %dma_start3A_83] : memref<1024x320xi32, #tpu.memory_space<hbm>> -> memref<1x320xi32, #tpu.memory_space<hbm>>
      %dma_start3A_85 = tpu.memref_squeeze %dma_start3A_84 : memref<1x320xi32, #tpu.memory_space<hbm>> -> memref<320xi32, #tpu.memory_space<hbm>>
      %dma_start3A_86 = arith.constant 0 : i32
      %dma_start3A_87 = tpu.memref_slice %arg4[%add3A_76, %dma_start3A_86] : memref<1024x320xi32, #tpu.memory_space<hbm>> -> memref<1x320xi32, #tpu.memory_space<hbm>>
      %dma_start3A_88 = tpu.memref_squeeze %dma_start3A_87 : memref<1x320xi32, #tpu.memory_space<hbm>> -> memref<320xi32, #tpu.memory_space<hbm>>
      tpu.enqueue_dma source(%dma_start3A_88 : memref<320xi32, #tpu.memory_space<hbm>>) target(%arg21 : memref<320xi32, #tpu.memory_space<vmem>>) target_semaphore(%arg54 : memref<!tpu.dma_semaphore, #tpu.memory_space<semaphore_mem>>)
      %add3A_89 = arith.constant 5 : i32
      %add3A_90 = arith.addi %add3A_19, %add3A_89 : i32
      %dma_start3A_91 = arith.constant 0 : i32
      %dma_start3A_92 = tpu.memref_slice %arg3[%add3A_90, %dma_start3A_91] : memref<1024x320xi32, #tpu.memory_space<hbm>> -> memref<1x320xi32, #tpu.memory_space<hbm>>
      %dma_start3A_93 = tpu.memref_squeeze %dma_start3A_92 : memref<1x320xi32, #tpu.memory_space<hbm>> -> memref<320xi32, #tpu.memory_space<hbm>>
      %dma_start3A_94 = arith.constant 0 : i32
      %dma_start3A_95 = tpu.memref_slice %arg3[%add3A_90, %dma_start3A_94] : memref<1024x320xi32, #tpu.memory_space<hbm>> -> memref<1x320xi32, #tpu.memory_space<hbm>>
      %dma_start3A_96 = tpu.memref_squeeze %dma_start3A_95 : memref<1x320xi32, #tpu.memory_space<hbm>> -> memref<320xi32, #tpu.memory_space<hbm>>
      tpu.enqueue_dma source(%dma_start3A_96 : memref<320xi32, #tpu.memory_space<hbm>>) target(%arg14 : memref<320xi32, #tpu.memory_space<vmem>>) target_semaphore(%arg55 : memref<!tpu.dma_semaphore, #tpu.memory_space<semaphore_mem>>)
      %dma_start3A_97 = arith.constant 0 : i32
      %dma_start3A_98 = tpu.memref_slice %arg4[%add3A_90, %dma_start3A_97] : memref<1024x320xi32, #tpu.memory_space<hbm>> -> memref<1x320xi32, #tpu.memory_space<hbm>>
      %dma_start3A_99 = tpu.memref_squeeze %dma_start3A_98 : memref<1x320xi32, #tpu.memory_space<hbm>> -> memref<320xi32, #tpu.memory_space<hbm>>
      %dma_start3A_100 = arith.constant 0 : i32
      %dma_start3A_101 = tpu.memref_slice %arg4[%add3A_90, %dma_start3A_100] : memref<1024x320xi32, #tpu.memory_space<hbm>> -> memref<1x320xi32, #tpu.memory_space<hbm>>
      %dma_start3A_102 = tpu.memref_squeeze %dma_start3A_101 : memref<1x320xi32, #tpu.memory_space<hbm>> -> memref<320xi32, #tpu.memory_space<hbm>>
      tpu.enqueue_dma source(%dma_start3A_102 : memref<320xi32, #tpu.memory_space<hbm>>) target(%arg22 : memref<320xi32, #tpu.memory_space<vmem>>) target_semaphore(%arg55 : memref<!tpu.dma_semaphore, #tpu.memory_space<semaphore_mem>>)
      %add3A_103 = arith.constant 6 : i32
      %add3A_104 = arith.addi %add3A_19, %add3A_103 : i32
      %dma_start3A_105 = arith.constant 0 : i32
      %dma_start3A_106 = tpu.memref_slice %arg3[%add3A_104, %dma_start3A_105] : memref<1024x320xi32, #tpu.memory_space<hbm>> -> memref<1x320xi32, #tpu.memory_space<hbm>>
      %dma_start3A_107 = tpu.memref_squeeze %dma_start3A_106 : memref<1x320xi32, #tpu.memory_space<hbm>> -> memref<320xi32, #tpu.memory_space<hbm>>
      %dma_start3A_108 = arith.constant 0 : i32
      %dma_start3A_109 = tpu.memref_slice %arg3[%add3A_104, %dma_start3A_108] : memref<1024x320xi32, #tpu.memory_space<hbm>> -> memref<1x320xi32, #tpu.memory_space<hbm>>
      %dma_start3A_110 = tpu.memref_squeeze %dma_start3A_109 : memref<1x320xi32, #tpu.memory_space<hbm>> -> memref<320xi32, #tpu.memory_space<hbm>>
      tpu.enqueue_dma source(%dma_start3A_110 : memref<320xi32, #tpu.memory_space<hbm>>) target(%arg15 : memref<320xi32, #tpu.memory_space<vmem>>) target_semaphore(%arg56 : memref<!tpu.dma_semaphore, #tpu.memory_space<semaphore_mem>>)
      %dma_start3A_111 = arith.constant 0 : i32
      %dma_start3A_112 = tpu.memref_slice %arg4[%add3A_104, %dma_start3A_111] : memref<1024x320xi32, #tpu.memory_space<hbm>> -> memref<1x320xi32, #tpu.memory_space<hbm>>
      %dma_start3A_113 = tpu.memref_squeeze %dma_start3A_112 : memref<1x320xi32, #tpu.memory_space<hbm>> -> memref<320xi32, #tpu.memory_space<hbm>>
      %dma_start3A_114 = arith.constant 0 : i32
      %dma_start3A_115 = tpu.memref_slice %arg4[%add3A_104, %dma_start3A_114] : memref<1024x320xi32, #tpu.memory_space<hbm>> -> memref<1x320xi32, #tpu.memory_space<hbm>>
      %dma_start3A_116 = tpu.memref_squeeze %dma_start3A_115 : memref<1x320xi32, #tpu.memory_space<hbm>> -> memref<320xi32, #tpu.memory_space<hbm>>
      tpu.enqueue_dma source(%dma_start3A_116 : memref<320xi32, #tpu.memory_space<hbm>>) target(%arg23 : memref<320xi32, #tpu.memory_space<vmem>>) target_semaphore(%arg56 : memref<!tpu.dma_semaphore, #tpu.memory_space<semaphore_mem>>)
      %add3A_117 = arith.constant 7 : i32
      %add3A_118 = arith.addi %add3A_19, %add3A_117 : i32
      %dma_start3A_119 = arith.constant 0 : i32
      %dma_start3A_120 = tpu.memref_slice %arg3[%add3A_118, %dma_start3A_119] : memref<1024x320xi32, #tpu.memory_space<hbm>> -> memref<1x320xi32, #tpu.memory_space<hbm>>
      %dma_start3A_121 = tpu.memref_squeeze %dma_start3A_120 : memref<1x320xi32, #tpu.memory_space<hbm>> -> memref<320xi32, #tpu.memory_space<hbm>>
      %dma_start3A_122 = arith.constant 0 : i32
      %dma_start3A_123 = tpu.memref_slice %arg3[%add3A_118, %dma_start3A_122] : memref<1024x320xi32, #tpu.memory_space<hbm>> -> memref<1x320xi32, #tpu.memory_space<hbm>>
      %dma_start3A_124 = tpu.memref_squeeze %dma_start3A_123 : memref<1x320xi32, #tpu.memory_space<hbm>> -> memref<320xi32, #tpu.memory_space<hbm>>
      tpu.enqueue_dma source(%dma_start3A_124 : memref<320xi32, #tpu.memory_space<hbm>>) target(%arg16 : memref<320xi32, #tpu.memory_space<vmem>>) target_semaphore(%arg57 : memref<!tpu.dma_semaphore, #tpu.memory_space<semaphore_mem>>)
      %dma_start3A_125 = arith.constant 0 : i32
      %dma_start3A_126 = tpu.memref_slice %arg4[%add3A_118, %dma_start3A_125] : memref<1024x320xi32, #tpu.memory_space<hbm>> -> memref<1x320xi32, #tpu.memory_space<hbm>>
      %dma_start3A_127 = tpu.memref_squeeze %dma_start3A_126 : memref<1x320xi32, #tpu.memory_space<hbm>> -> memref<320xi32, #tpu.memory_space<hbm>>
      %dma_start3A_128 = arith.constant 0 : i32
      %dma_start3A_129 = tpu.memref_slice %arg4[%add3A_118, %dma_start3A_128] : memref<1024x320xi32, #tpu.memory_space<hbm>> -> memref<1x320xi32, #tpu.memory_space<hbm>>
      %dma_start3A_130 = tpu.memref_squeeze %dma_start3A_129 : memref<1x320xi32, #tpu.memory_space<hbm>> -> memref<320xi32, #tpu.memory_space<hbm>>
      tpu.enqueue_dma source(%dma_start3A_130 : memref<320xi32, #tpu.memory_space<hbm>>) target(%arg24 : memref<320xi32, #tpu.memory_space<vmem>>) target_semaphore(%arg57 : memref<!tpu.dma_semaphore, #tpu.memory_space<semaphore_mem>>)
      %dma_wait3A = arith.constant 0 : i32
      %dma_wait3A_131 = tpu.memref_slice %arg3[%add3A_21, %dma_wait3A] : memref<1024x320xi32, #tpu.memory_space<hbm>> -> memref<1x320xi32, #tpu.memory_space<hbm>>
      %dma_wait3A_132 = tpu.memref_squeeze %dma_wait3A_131 : memref<1x320xi32, #tpu.memory_space<hbm>> -> memref<320xi32, #tpu.memory_space<hbm>>
      %dma_wait3A_133 = arith.constant 0 : i32
      %dma_wait3A_134 = tpu.memref_slice %arg3[%add3A_21, %dma_wait3A_133] : memref<1024x320xi32, #tpu.memory_space<hbm>> -> memref<1x320xi32, #tpu.memory_space<hbm>>
      %dma_wait3A_135 = tpu.memref_squeeze %dma_wait3A_134 : memref<1x320xi32, #tpu.memory_space<hbm>> -> memref<320xi32, #tpu.memory_space<hbm>>
      tpu.wait_dma2 semaphore(%arg50 : memref<!tpu.dma_semaphore, #tpu.memory_space<semaphore_mem>>) src(%dma_wait3A_135 : memref<320xi32, #tpu.memory_space<hbm>>) dst(%arg9 : memref<320xi32, #tpu.memory_space<vmem>>)
      %dma_wait3A_136 = arith.constant 0 : i32
      %dma_wait3A_137 = tpu.memref_slice %arg4[%add3A_21, %dma_wait3A_136] : memref<1024x320xi32, #tpu.memory_space<hbm>> -> memref<1x320xi32, #tpu.memory_space<hbm>>
      %dma_wait3A_138 = tpu.memref_squeeze %dma_wait3A_137 : memref<1x320xi32, #tpu.memory_space<hbm>> -> memref<320xi32, #tpu.memory_space<hbm>>
      %dma_wait3A_139 = arith.constant 0 : i32
      %dma_wait3A_140 = tpu.memref_slice %arg4[%add3A_21, %dma_wait3A_139] : memref<1024x320xi32, #tpu.memory_space<hbm>> -> memref<1x320xi32, #tpu.memory_space<hbm>>
      %dma_wait3A_141 = tpu.memref_squeeze %dma_wait3A_140 : memref<1x320xi32, #tpu.memory_space<hbm>> -> memref<320xi32, #tpu.memory_space<hbm>>
      tpu.wait_dma2 semaphore(%arg50 : memref<!tpu.dma_semaphore, #tpu.memory_space<semaphore_mem>>) src(%dma_wait3A_141 : memref<320xi32, #tpu.memory_space<hbm>>) dst(%arg17 : memref<320xi32, #tpu.memory_space<vmem>>)
      %dma_start3A_142 = arith.constant 0 : i32
      %dma_start3A_143 = arith.constant 0 : i32
      %dma_start3A_144 = tpu.memref_slice %arg2[%arg0, %dma_start3A_142, %dma_start3A_143] : memref<2x10240x64xbf16, #tpu.memory_space<hbm>> -> memref<1x10240x64xbf16, #tpu.memory_space<hbm>>
      %dma_start3A_145 = tpu.memref_squeeze %dma_start3A_144 : memref<1x10240x64xbf16, #tpu.memory_space<hbm>> -> memref<10240x64xbf16, #tpu.memory_space<hbm>>
      %dma_start3A_146 = arith.constant 0 : i32
      %dma_start3A_147 = arith.constant 0 : i32
      %dma_start3A_148 = tpu.memref_slice %dma_start3A_145[%dma_start3A_146, %dma_start3A_147] : memref<10240x64xbf16, #tpu.memory_space<hbm>> -> memref<10240x64xbf16, #tpu.memory_space<hbm>>
      tpu.enqueue_indirect_dma source(%dma_start3A_148 : memref<10240x64xbf16, #tpu.memory_space<hbm>>) target(%arg25 : memref<320x64xbf16, #tpu.memory_space<vmem>>) offsets(%arg9 : memref<320xi32, #tpu.memory_space<vmem>>) semaphore(%arg34 : memref<!tpu.dma_semaphore, #tpu.memory_space<semaphore_mem>>)
      %dma_wait3A_149 = arith.constant 0 : i32
      %dma_wait3A_150 = tpu.memref_slice %arg3[%add3A_34, %dma_wait3A_149] : memref<1024x320xi32, #tpu.memory_space<hbm>> -> memref<1x320xi32, #tpu.memory_space<hbm>>
      %dma_wait3A_151 = tpu.memref_squeeze %dma_wait3A_150 : memref<1x320xi32, #tpu.memory_space<hbm>> -> memref<320xi32, #tpu.memory_space<hbm>>
      %dma_wait3A_152 = arith.constant 0 : i32
      %dma_wait3A_153 = tpu.memref_slice %arg3[%add3A_34, %dma_wait3A_152] : memref<1024x320xi32, #tpu.memory_space<hbm>> -> memref<1x320xi32, #tpu.memory_space<hbm>>
      %dma_wait3A_154 = tpu.memref_squeeze %dma_wait3A_153 : memref<1x320xi32, #tpu.memory_space<hbm>> -> memref<320xi32, #tpu.memory_space<hbm>>
      tpu.wait_dma2 semaphore(%arg51 : memref<!tpu.dma_semaphore, #tpu.memory_space<semaphore_mem>>) src(%dma_wait3A_154 : memref<320xi32, #tpu.memory_space<hbm>>) dst(%arg10 : memref<320xi32, #tpu.memory_space<vmem>>)
      %dma_wait3A_155 = arith.constant 0 : i32
      %dma_wait3A_156 = tpu.memref_slice %arg4[%add3A_34, %dma_wait3A_155] : memref<1024x320xi32, #tpu.memory_space<hbm>> -> memref<1x320xi32, #tpu.memory_space<hbm>>
      %dma_wait3A_157 = tpu.memref_squeeze %dma_wait3A_156 : memref<1x320xi32, #tpu.memory_space<hbm>> -> memref<320xi32, #tpu.memory_space<hbm>>
      %dma_wait3A_158 = arith.constant 0 : i32
      %dma_wait3A_159 = tpu.memref_slice %arg4[%add3A_34, %dma_wait3A_158] : memref<1024x320xi32, #tpu.memory_space<hbm>> -> memref<1x320xi32, #tpu.memory_space<hbm>>
      %dma_wait3A_160 = tpu.memref_squeeze %dma_wait3A_159 : memref<1x320xi32, #tpu.memory_space<hbm>> -> memref<320xi32, #tpu.memory_space<hbm>>
      tpu.wait_dma2 semaphore(%arg51 : memref<!tpu.dma_semaphore, #tpu.memory_space<semaphore_mem>>) src(%dma_wait3A_160 : memref<320xi32, #tpu.memory_space<hbm>>) dst(%arg18 : memref<320xi32, #tpu.memory_space<vmem>>)
      %dma_start3A_161 = arith.constant 0 : i32
      %dma_start3A_162 = arith.constant 0 : i32
      %dma_start3A_163 = tpu.memref_slice %arg2[%arg0, %dma_start3A_161, %dma_start3A_162] : memref<2x10240x64xbf16, #tpu.memory_space<hbm>> -> memref<1x10240x64xbf16, #tpu.memory_space<hbm>>
      %dma_start3A_164 = tpu.memref_squeeze %dma_start3A_163 : memref<1x10240x64xbf16, #tpu.memory_space<hbm>> -> memref<10240x64xbf16, #tpu.memory_space<hbm>>
      %dma_start3A_165 = arith.constant 0 : i32
      %dma_start3A_166 = arith.constant 0 : i32
      %dma_start3A_167 = tpu.memref_slice %dma_start3A_164[%dma_start3A_165, %dma_start3A_166] : memref<10240x64xbf16, #tpu.memory_space<hbm>> -> memref<10240x64xbf16, #tpu.memory_space<hbm>>
      tpu.enqueue_indirect_dma source(%dma_start3A_167 : memref<10240x64xbf16, #tpu.memory_space<hbm>>) target(%arg26 : memref<320x64xbf16, #tpu.memory_space<vmem>>) offsets(%arg10 : memref<320xi32, #tpu.memory_space<vmem>>) semaphore(%arg35 : memref<!tpu.dma_semaphore, #tpu.memory_space<semaphore_mem>>)
      %dma_wait3A_168 = arith.constant 0 : i32
      %dma_wait3A_169 = tpu.memref_slice %arg3[%add3A_48, %dma_wait3A_168] : memref<1024x320xi32, #tpu.memory_space<hbm>> -> memref<1x320xi32, #tpu.memory_space<hbm>>
      %dma_wait3A_170 = tpu.memref_squeeze %dma_wait3A_169 : memref<1x320xi32, #tpu.memory_space<hbm>> -> memref<320xi32, #tpu.memory_space<hbm>>
      %dma_wait3A_171 = arith.constant 0 : i32
      %dma_wait3A_172 = tpu.memref_slice %arg3[%add3A_48, %dma_wait3A_171] : memref<1024x320xi32, #tpu.memory_space<hbm>> -> memref<1x320xi32, #tpu.memory_space<hbm>>
      %dma_wait3A_173 = tpu.memref_squeeze %dma_wait3A_172 : memref<1x320xi32, #tpu.memory_space<hbm>> -> memref<320xi32, #tpu.memory_space<hbm>>
      tpu.wait_dma2 semaphore(%arg52 : memref<!tpu.dma_semaphore, #tpu.memory_space<semaphore_mem>>) src(%dma_wait3A_173 : memref<320xi32, #tpu.memory_space<hbm>>) dst(%arg11 : memref<320xi32, #tpu.memory_space<vmem>>)
      %dma_wait3A_174 = arith.constant 0 : i32
      %dma_wait3A_175 = tpu.memref_slice %arg4[%add3A_48, %dma_wait3A_174] : memref<1024x320xi32, #tpu.memory_space<hbm>> -> memref<1x320xi32, #tpu.memory_space<hbm>>
      %dma_wait3A_176 = tpu.memref_squeeze %dma_wait3A_175 : memref<1x320xi32, #tpu.memory_space<hbm>> -> memref<320xi32, #tpu.memory_space<hbm>>
      %dma_wait3A_177 = arith.constant 0 : i32
      %dma_wait3A_178 = tpu.memref_slice %arg4[%add3A_48, %dma_wait3A_177] : memref<1024x320xi32, #tpu.memory_space<hbm>> -> memref<1x320xi32, #tpu.memory_space<hbm>>
      %dma_wait3A_179 = tpu.memref_squeeze %dma_wait3A_178 : memref<1x320xi32, #tpu.memory_space<hbm>> -> memref<320xi32, #tpu.memory_space<hbm>>
      tpu.wait_dma2 semaphore(%arg52 : memref<!tpu.dma_semaphore, #tpu.memory_space<semaphore_mem>>) src(%dma_wait3A_179 : memref<320xi32, #tpu.memory_space<hbm>>) dst(%arg19 : memref<320xi32, #tpu.memory_space<vmem>>)
      %dma_start3A_180 = arith.constant 0 : i32
      %dma_start3A_181 = arith.constant 0 : i32
      %dma_start3A_182 = tpu.memref_slice %arg2[%arg0, %dma_start3A_180, %dma_start3A_181] : memref<2x10240x64xbf16, #tpu.memory_space<hbm>> -> memref<1x10240x64xbf16, #tpu.memory_space<hbm>>
      %dma_start3A_183 = tpu.memref_squeeze %dma_start3A_182 : memref<1x10240x64xbf16, #tpu.memory_space<hbm>> -> memref<10240x64xbf16, #tpu.memory_space<hbm>>
      %dma_start3A_184 = arith.constant 0 : i32
      %dma_start3A_185 = arith.constant 0 : i32
      %dma_start3A_186 = tpu.memref_slice %dma_start3A_183[%dma_start3A_184, %dma_start3A_185] : memref<10240x64xbf16, #tpu.memory_space<hbm>> -> memref<10240x64xbf16, #tpu.memory_space<hbm>>
      tpu.enqueue_indirect_dma source(%dma_start3A_186 : memref<10240x64xbf16, #tpu.memory_space<hbm>>) target(%arg27 : memref<320x64xbf16, #tpu.memory_space<vmem>>) offsets(%arg11 : memref<320xi32, #tpu.memory_space<vmem>>) semaphore(%arg36 : memref<!tpu.dma_semaphore, #tpu.memory_space<semaphore_mem>>)
      %dma_wait3A_187 = arith.constant 0 : i32
      %dma_wait3A_188 = tpu.memref_slice %arg3[%add3A_62, %dma_wait3A_187] : memref<1024x320xi32, #tpu.memory_space<hbm>> -> memref<1x320xi32, #tpu.memory_space<hbm>>
      %dma_wait3A_189 = tpu.memref_squeeze %dma_wait3A_188 : memref<1x320xi32, #tpu.memory_space<hbm>> -> memref<320xi32, #tpu.memory_space<hbm>>
      %dma_wait3A_190 = arith.constant 0 : i32
      %dma_wait3A_191 = tpu.memref_slice %arg3[%add3A_62, %dma_wait3A_190] : memref<1024x320xi32, #tpu.memory_space<hbm>> -> memref<1x320xi32, #tpu.memory_space<hbm>>
      %dma_wait3A_192 = tpu.memref_squeeze %dma_wait3A_191 : memref<1x320xi32, #tpu.memory_space<hbm>> -> memref<320xi32, #tpu.memory_space<hbm>>
      tpu.wait_dma2 semaphore(%arg53 : memref<!tpu.dma_semaphore, #tpu.memory_space<semaphore_mem>>) src(%dma_wait3A_192 : memref<320xi32, #tpu.memory_space<hbm>>) dst(%arg12 : memref<320xi32, #tpu.memory_space<vmem>>)
      %dma_wait3A_193 = arith.constant 0 : i32
      %dma_wait3A_194 = tpu.memref_slice %arg4[%add3A_62, %dma_wait3A_193] : memref<1024x320xi32, #tpu.memory_space<hbm>> -> memref<1x320xi32, #tpu.memory_space<hbm>>
      %dma_wait3A_195 = tpu.memref_squeeze %dma_wait3A_194 : memref<1x320xi32, #tpu.memory_space<hbm>> -> memref<320xi32, #tpu.memory_space<hbm>>
      %dma_wait3A_196 = arith.constant 0 : i32
      %dma_wait3A_197 = tpu.memref_slice %arg4[%add3A_62, %dma_wait3A_196] : memref<1024x320xi32, #tpu.memory_space<hbm>> -> memref<1x320xi32, #tpu.memory_space<hbm>>
      %dma_wait3A_198 = tpu.memref_squeeze %dma_wait3A_197 : memref<1x320xi32, #tpu.memory_space<hbm>> -> memref<320xi32, #tpu.memory_space<hbm>>
      tpu.wait_dma2 semaphore(%arg53 : memref<!tpu.dma_semaphore, #tpu.memory_space<semaphore_mem>>) src(%dma_wait3A_198 : memref<320xi32, #tpu.memory_space<hbm>>) dst(%arg20 : memref<320xi32, #tpu.memory_space<vmem>>)
      %dma_start3A_199 = arith.constant 0 : i32
      %dma_start3A_200 = arith.constant 0 : i32
      %dma_start3A_201 = tpu.memref_slice %arg2[%arg0, %dma_start3A_199, %dma_start3A_200] : memref<2x10240x64xbf16, #tpu.memory_space<hbm>> -> memref<1x10240x64xbf16, #tpu.memory_space<hbm>>
      %dma_start3A_202 = tpu.memref_squeeze %dma_start3A_201 : memref<1x10240x64xbf16, #tpu.memory_space<hbm>> -> memref<10240x64xbf16, #tpu.memory_space<hbm>>
      %dma_start3A_203 = arith.constant 0 : i32
      %dma_start3A_204 = arith.constant 0 : i32
      %dma_start3A_205 = tpu.memref_slice %dma_start3A_202[%dma_start3A_203, %dma_start3A_204] : memref<10240x64xbf16, #tpu.memory_space<hbm>> -> memref<10240x64xbf16, #tpu.memory_space<hbm>>
      tpu.enqueue_indirect_dma source(%dma_start3A_205 : memref<10240x64xbf16, #tpu.memory_space<hbm>>) target(%arg28 : memref<320x64xbf16, #tpu.memory_space<vmem>>) offsets(%arg12 : memref<320xi32, #tpu.memory_space<vmem>>) semaphore(%arg37 : memref<!tpu.dma_semaphore, #tpu.memory_space<semaphore_mem>>)
      %dma_wait3A_206 = arith.constant 0 : i32
      %dma_wait3A_207 = tpu.memref_slice %arg3[%add3A_76, %dma_wait3A_206] : memref<1024x320xi32, #tpu.memory_space<hbm>> -> memref<1x320xi32, #tpu.memory_space<hbm>>
      %dma_wait3A_208 = tpu.memref_squeeze %dma_wait3A_207 : memref<1x320xi32, #tpu.memory_space<hbm>> -> memref<320xi32, #tpu.memory_space<hbm>>
      %dma_wait3A_209 = arith.constant 0 : i32
      %dma_wait3A_210 = tpu.memref_slice %arg3[%add3A_76, %dma_wait3A_209] : memref<1024x320xi32, #tpu.memory_space<hbm>> -> memref<1x320xi32, #tpu.memory_space<hbm>>
      %dma_wait3A_211 = tpu.memref_squeeze %dma_wait3A_210 : memref<1x320xi32, #tpu.memory_space<hbm>> -> memref<320xi32, #tpu.memory_space<hbm>>
      tpu.wait_dma2 semaphore(%arg54 : memref<!tpu.dma_semaphore, #tpu.memory_space<semaphore_mem>>) src(%dma_wait3A_211 : memref<320xi32, #tpu.memory_space<hbm>>) dst(%arg13 : memref<320xi32, #tpu.memory_space<vmem>>)
      %dma_wait3A_212 = arith.constant 0 : i32
      %dma_wait3A_213 = tpu.memref_slice %arg4[%add3A_76, %dma_wait3A_212] : memref<1024x320xi32, #tpu.memory_space<hbm>> -> memref<1x320xi32, #tpu.memory_space<hbm>>
      %dma_wait3A_214 = tpu.memref_squeeze %dma_wait3A_213 : memref<1x320xi32, #tpu.memory_space<hbm>> -> memref<320xi32, #tpu.memory_space<hbm>>
      %dma_wait3A_215 = arith.constant 0 : i32
      %dma_wait3A_216 = tpu.memref_slice %arg4[%add3A_76, %dma_wait3A_215] : memref<1024x320xi32, #tpu.memory_space<hbm>> -> memref<1x320xi32, #tpu.memory_space<hbm>>
      %dma_wait3A_217 = tpu.memref_squeeze %dma_wait3A_216 : memref<1x320xi32, #tpu.memory_space<hbm>> -> memref<320xi32, #tpu.memory_space<hbm>>
      tpu.wait_dma2 semaphore(%arg54 : memref<!tpu.dma_semaphore, #tpu.memory_space<semaphore_mem>>) src(%dma_wait3A_217 : memref<320xi32, #tpu.memory_space<hbm>>) dst(%arg21 : memref<320xi32, #tpu.memory_space<vmem>>)
      %dma_start3A_218 = arith.constant 0 : i32
      %dma_start3A_219 = arith.constant 0 : i32
      %dma_start3A_220 = tpu.memref_slice %arg2[%arg0, %dma_start3A_218, %dma_start3A_219] : memref<2x10240x64xbf16, #tpu.memory_space<hbm>> -> memref<1x10240x64xbf16, #tpu.memory_space<hbm>>
      %dma_start3A_221 = tpu.memref_squeeze %dma_start3A_220 : memref<1x10240x64xbf16, #tpu.memory_space<hbm>> -> memref<10240x64xbf16, #tpu.memory_space<hbm>>
      %dma_start3A_222 = arith.constant 0 : i32
      %dma_start3A_223 = arith.constant 0 : i32
      %dma_start3A_224 = tpu.memref_slice %dma_start3A_221[%dma_start3A_222, %dma_start3A_223] : memref<10240x64xbf16, #tpu.memory_space<hbm>> -> memref<10240x64xbf16, #tpu.memory_space<hbm>>
      tpu.enqueue_indirect_dma source(%dma_start3A_224 : memref<10240x64xbf16, #tpu.memory_space<hbm>>) target(%arg29 : memref<320x64xbf16, #tpu.memory_space<vmem>>) offsets(%arg13 : memref<320xi32, #tpu.memory_space<vmem>>) semaphore(%arg38 : memref<!tpu.dma_semaphore, #tpu.memory_space<semaphore_mem>>)
      %dma_wait3A_225 = arith.constant 0 : i32
      %dma_wait3A_226 = tpu.memref_slice %arg3[%add3A_90, %dma_wait3A_225] : memref<1024x320xi32, #tpu.memory_space<hbm>> -> memref<1x320xi32, #tpu.memory_space<hbm>>
      %dma_wait3A_227 = tpu.memref_squeeze %dma_wait3A_226 : memref<1x320xi32, #tpu.memory_space<hbm>> -> memref<320xi32, #tpu.memory_space<hbm>>
      %dma_wait3A_228 = arith.constant 0 : i32
      %dma_wait3A_229 = tpu.memref_slice %arg3[%add3A_90, %dma_wait3A_228] : memref<1024x320xi32, #tpu.memory_space<hbm>> -> memref<1x320xi32, #tpu.memory_space<hbm>>
      %dma_wait3A_230 = tpu.memref_squeeze %dma_wait3A_229 : memref<1x320xi32, #tpu.memory_space<hbm>> -> memref<320xi32, #tpu.memory_space<hbm>>
      tpu.wait_dma2 semaphore(%arg55 : memref<!tpu.dma_semaphore, #tpu.memory_space<semaphore_mem>>) src(%dma_wait3A_230 : memref<320xi32, #tpu.memory_space<hbm>>) dst(%arg14 : memref<320xi32, #tpu.memory_space<vmem>>)
      %dma_wait3A_231 = arith.constant 0 : i32
      %dma_wait3A_232 = tpu.memref_slice %arg4[%add3A_90, %dma_wait3A_231] : memref<1024x320xi32, #tpu.memory_space<hbm>> -> memref<1x320xi32, #tpu.memory_space<hbm>>
      %dma_wait3A_233 = tpu.memref_squeeze %dma_wait3A_232 : memref<1x320xi32, #tpu.memory_space<hbm>> -> memref<320xi32, #tpu.memory_space<hbm>>
      %dma_wait3A_234 = arith.constant 0 : i32
      %dma_wait3A_235 = tpu.memref_slice %arg4[%add3A_90, %dma_wait3A_234] : memref<1024x320xi32, #tpu.memory_space<hbm>> -> memref<1x320xi32, #tpu.memory_space<hbm>>
      %dma_wait3A_236 = tpu.memref_squeeze %dma_wait3A_235 : memref<1x320xi32, #tpu.memory_space<hbm>> -> memref<320xi32, #tpu.memory_space<hbm>>
      tpu.wait_dma2 semaphore(%arg55 : memref<!tpu.dma_semaphore, #tpu.memory_space<semaphore_mem>>) src(%dma_wait3A_236 : memref<320xi32, #tpu.memory_space<hbm>>) dst(%arg22 : memref<320xi32, #tpu.memory_space<vmem>>)
      %dma_start3A_237 = arith.constant 0 : i32
      %dma_start3A_238 = arith.constant 0 : i32
      %dma_start3A_239 = tpu.memref_slice %arg2[%arg0, %dma_start3A_237, %dma_start3A_238] : memref<2x10240x64xbf16, #tpu.memory_space<hbm>> -> memref<1x10240x64xbf16, #tpu.memory_space<hbm>>
      %dma_start3A_240 = tpu.memref_squeeze %dma_start3A_239 : memref<1x10240x64xbf16, #tpu.memory_space<hbm>> -> memref<10240x64xbf16, #tpu.memory_space<hbm>>
      %dma_start3A_241 = arith.constant 0 : i32
      %dma_start3A_242 = arith.constant 0 : i32
      %dma_start3A_243 = tpu.memref_slice %dma_start3A_240[%dma_start3A_241, %dma_start3A_242] : memref<10240x64xbf16, #tpu.memory_space<hbm>> -> memref<10240x64xbf16, #tpu.memory_space<hbm>>
      tpu.enqueue_indirect_dma source(%dma_start3A_243 : memref<10240x64xbf16, #tpu.memory_space<hbm>>) target(%arg30 : memref<320x64xbf16, #tpu.memory_space<vmem>>) offsets(%arg14 : memref<320xi32, #tpu.memory_space<vmem>>) semaphore(%arg39 : memref<!tpu.dma_semaphore, #tpu.memory_space<semaphore_mem>>)
      %dma_wait3A_244 = arith.constant 0 : i32
      %dma_wait3A_245 = arith.constant 0 : i32
      %dma_wait3A_246 = tpu.memref_slice %arg2[%arg0, %dma_wait3A_244, %dma_wait3A_245] : memref<2x10240x64xbf16, #tpu.memory_space<hbm>> -> memref<1x10240x64xbf16, #tpu.memory_space<hbm>>
      %dma_wait3A_247 = tpu.memref_squeeze %dma_wait3A_246 : memref<1x10240x64xbf16, #tpu.memory_space<hbm>> -> memref<10240x64xbf16, #tpu.memory_space<hbm>>
      %dma_wait3A_248 = arith.constant 0 : i32
      %dma_wait3A_249 = arith.constant 0 : i32
      %dma_wait3A_250 = tpu.memref_slice %dma_wait3A_247[%dma_wait3A_248, %dma_wait3A_249] : memref<10240x64xbf16, #tpu.memory_space<hbm>> -> memref<10240x64xbf16, #tpu.memory_space<hbm>>
      tpu.wait_indirect_dma semaphore(%arg34 : memref<!tpu.dma_semaphore, #tpu.memory_space<semaphore_mem>>) src(%dma_wait3A_250 : memref<10240x64xbf16, #tpu.memory_space<hbm>>) dst(%arg25 : memref<320x64xbf16, #tpu.memory_space<vmem>>)
      %dma_start3A_251 = arith.constant 0 : i32
      %dma_start3A_252 = arith.constant 0 : i32
      %dma_start3A_253 = tpu.memref_slice %arg33[%dma_start3A_251, %dma_start3A_252] : memref<10240x64xbf16, #tpu.memory_space<vmem_shared>> -> memref<10240x64xbf16, #tpu.memory_space<vmem_shared>>
      tpu.enqueue_indirect_dma source(%arg25 : memref<320x64xbf16, #tpu.memory_space<vmem>>) target(%dma_start3A_253 : memref<10240x64xbf16, #tpu.memory_space<vmem_shared>>) offsets(%arg17 : memref<320xi32, #tpu.memory_space<vmem>>) semaphore(%arg42 : memref<!tpu.dma_semaphore, #tpu.memory_space<semaphore_mem>>) {add = true}
      %dma_wait3A_254 = arith.constant 0 : i32
      %dma_wait3A_255 = tpu.memref_slice %arg3[%add3A_104, %dma_wait3A_254] : memref<1024x320xi32, #tpu.memory_space<hbm>> -> memref<1x320xi32, #tpu.memory_space<hbm>>
      %dma_wait3A_256 = tpu.memref_squeeze %dma_wait3A_255 : memref<1x320xi32, #tpu.memory_space<hbm>> -> memref<320xi32, #tpu.memory_space<hbm>>
      %dma_wait3A_257 = arith.constant 0 : i32
      %dma_wait3A_258 = tpu.memref_slice %arg3[%add3A_104, %dma_wait3A_257] : memref<1024x320xi32, #tpu.memory_space<hbm>> -> memref<1x320xi32, #tpu.memory_space<hbm>>
      %dma_wait3A_259 = tpu.memref_squeeze %dma_wait3A_258 : memref<1x320xi32, #tpu.memory_space<hbm>> -> memref<320xi32, #tpu.memory_space<hbm>>
      tpu.wait_dma2 semaphore(%arg56 : memref<!tpu.dma_semaphore, #tpu.memory_space<semaphore_mem>>) src(%dma_wait3A_259 : memref<320xi32, #tpu.memory_space<hbm>>) dst(%arg15 : memref<320xi32, #tpu.memory_space<vmem>>)
      %dma_wait3A_260 = arith.constant 0 : i32
      %dma_wait3A_261 = tpu.memref_slice %arg4[%add3A_104, %dma_wait3A_260] : memref<1024x320xi32, #tpu.memory_space<hbm>> -> memref<1x320xi32, #tpu.memory_space<hbm>>
      %dma_wait3A_262 = tpu.memref_squeeze %dma_wait3A_261 : memref<1x320xi32, #tpu.memory_space<hbm>> -> memref<320xi32, #tpu.memory_space<hbm>>
      %dma_wait3A_263 = arith.constant 0 : i32
      %dma_wait3A_264 = tpu.memref_slice %arg4[%add3A_104, %dma_wait3A_263] : memref<1024x320xi32, #tpu.memory_space<hbm>> -> memref<1x320xi32, #tpu.memory_space<hbm>>
      %dma_wait3A_265 = tpu.memref_squeeze %dma_wait3A_264 : memref<1x320xi32, #tpu.memory_space<hbm>> -> memref<320xi32, #tpu.memory_space<hbm>>
      tpu.wait_dma2 semaphore(%arg56 : memref<!tpu.dma_semaphore, #tpu.memory_space<semaphore_mem>>) src(%dma_wait3A_265 : memref<320xi32, #tpu.memory_space<hbm>>) dst(%arg23 : memref<320xi32, #tpu.memory_space<vmem>>)
      %dma_start3A_266 = arith.constant 0 : i32
      %dma_start3A_267 = arith.constant 0 : i32
      %dma_start3A_268 = tpu.memref_slice %arg2[%arg0, %dma_start3A_266, %dma_start3A_267] : memref<2x10240x64xbf16, #tpu.memory_space<hbm>> -> memref<1x10240x64xbf16, #tpu.memory_space<hbm>>
      %dma_start3A_269 = tpu.memref_squeeze %dma_start3A_268 : memref<1x10240x64xbf16, #tpu.memory_space<hbm>> -> memref<10240x64xbf16, #tpu.memory_space<hbm>>
      %dma_start3A_270 = arith.constant 0 : i32
      %dma_start3A_271 = arith.constant 0 : i32
      %dma_start3A_272 = tpu.memref_slice %dma_start3A_269[%dma_start3A_270, %dma_start3A_271] : memref<10240x64xbf16, #tpu.memory_space<hbm>> -> memref<10240x64xbf16, #tpu.memory_space<hbm>>
      tpu.enqueue_indirect_dma source(%dma_start3A_272 : memref<10240x64xbf16, #tpu.memory_space<hbm>>) target(%arg31 : memref<320x64xbf16, #tpu.memory_space<vmem>>) offsets(%arg15 : memref<320xi32, #tpu.memory_space<vmem>>) semaphore(%arg40 : memref<!tpu.dma_semaphore, #tpu.memory_space<semaphore_mem>>)
      %dma_wait3A_273 = arith.constant 0 : i32
      %dma_wait3A_274 = arith.constant 0 : i32
      %dma_wait3A_275 = tpu.memref_slice %arg2[%arg0, %dma_wait3A_273, %dma_wait3A_274] : memref<2x10240x64xbf16, #tpu.memory_space<hbm>> -> memref<1x10240x64xbf16, #tpu.memory_space<hbm>>
      %dma_wait3A_276 = tpu.memref_squeeze %dma_wait3A_275 : memref<1x10240x64xbf16, #tpu.memory_space<hbm>> -> memref<10240x64xbf16, #tpu.memory_space<hbm>>
      %dma_wait3A_277 = arith.constant 0 : i32
      %dma_wait3A_278 = arith.constant 0 : i32
      %dma_wait3A_279 = tpu.memref_slice %dma_wait3A_276[%dma_wait3A_277, %dma_wait3A_278] : memref<10240x64xbf16, #tpu.memory_space<hbm>> -> memref<10240x64xbf16, #tpu.memory_space<hbm>>
      tpu.wait_indirect_dma semaphore(%arg35 : memref<!tpu.dma_semaphore, #tpu.memory_space<semaphore_mem>>) src(%dma_wait3A_279 : memref<10240x64xbf16, #tpu.memory_space<hbm>>) dst(%arg26 : memref<320x64xbf16, #tpu.memory_space<vmem>>)
      %dma_start3A_280 = arith.constant 0 : i32
      %dma_start3A_281 = arith.constant 0 : i32
      %dma_start3A_282 = tpu.memref_slice %arg33[%dma_start3A_280, %dma_start3A_281] : memref<10240x64xbf16, #tpu.memory_space<vmem_shared>> -> memref<10240x64xbf16, #tpu.memory_space<vmem_shared>>
      tpu.enqueue_indirect_dma source(%arg26 : memref<320x64xbf16, #tpu.memory_space<vmem>>) target(%dma_start3A_282 : memref<10240x64xbf16, #tpu.memory_space<vmem_shared>>) offsets(%arg18 : memref<320xi32, #tpu.memory_space<vmem>>) semaphore(%arg43 : memref<!tpu.dma_semaphore, #tpu.memory_space<semaphore_mem>>) {add = true}
      %dma_wait3A_283 = arith.constant 0 : i32
      %dma_wait3A_284 = tpu.memref_slice %arg3[%add3A_118, %dma_wait3A_283] : memref<1024x320xi32, #tpu.memory_space<hbm>> -> memref<1x320xi32, #tpu.memory_space<hbm>>
      %dma_wait3A_285 = tpu.memref_squeeze %dma_wait3A_284 : memref<1x320xi32, #tpu.memory_space<hbm>> -> memref<320xi32, #tpu.memory_space<hbm>>
      %dma_wait3A_286 = arith.constant 0 : i32
      %dma_wait3A_287 = tpu.memref_slice %arg3[%add3A_118, %dma_wait3A_286] : memref<1024x320xi32, #tpu.memory_space<hbm>> -> memref<1x320xi32, #tpu.memory_space<hbm>>
      %dma_wait3A_288 = tpu.memref_squeeze %dma_wait3A_287 : memref<1x320xi32, #tpu.memory_space<hbm>> -> memref<320xi32, #tpu.memory_space<hbm>>
      tpu.wait_dma2 semaphore(%arg57 : memref<!tpu.dma_semaphore, #tpu.memory_space<semaphore_mem>>) src(%dma_wait3A_288 : memref<320xi32, #tpu.memory_space<hbm>>) dst(%arg16 : memref<320xi32, #tpu.memory_space<vmem>>)
      %dma_wait3A_289 = arith.constant 0 : i32
      %dma_wait3A_290 = tpu.memref_slice %arg4[%add3A_118, %dma_wait3A_289] : memref<1024x320xi32, #tpu.memory_space<hbm>> -> memref<1x320xi32, #tpu.memory_space<hbm>>
      %dma_wait3A_291 = tpu.memref_squeeze %dma_wait3A_290 : memref<1x320xi32, #tpu.memory_space<hbm>> -> memref<320xi32, #tpu.memory_space<hbm>>
      %dma_wait3A_292 = arith.constant 0 : i32
      %dma_wait3A_293 = tpu.memref_slice %arg4[%add3A_118, %dma_wait3A_292] : memref<1024x320xi32, #tpu.memory_space<hbm>> -> memref<1x320xi32, #tpu.memory_space<hbm>>
      %dma_wait3A_294 = tpu.memref_squeeze %dma_wait3A_293 : memref<1x320xi32, #tpu.memory_space<hbm>> -> memref<320xi32, #tpu.memory_space<hbm>>
      tpu.wait_dma2 semaphore(%arg57 : memref<!tpu.dma_semaphore, #tpu.memory_space<semaphore_mem>>) src(%dma_wait3A_294 : memref<320xi32, #tpu.memory_space<hbm>>) dst(%arg24 : memref<320xi32, #tpu.memory_space<vmem>>)
      %dma_start3A_295 = arith.constant 0 : i32
      %dma_start3A_296 = arith.constant 0 : i32
      %dma_start3A_297 = tpu.memref_slice %arg2[%arg0, %dma_start3A_295, %dma_start3A_296] : memref<2x10240x64xbf16, #tpu.memory_space<hbm>> -> memref<1x10240x64xbf16, #tpu.memory_space<hbm>>
      %dma_start3A_298 = tpu.memref_squeeze %dma_start3A_297 : memref<1x10240x64xbf16, #tpu.memory_space<hbm>> -> memref<10240x64xbf16, #tpu.memory_space<hbm>>
      %dma_start3A_299 = arith.constant 0 : i32
      %dma_start3A_300 = arith.constant 0 : i32
      %dma_start3A_301 = tpu.memref_slice %dma_start3A_298[%dma_start3A_299, %dma_start3A_300] : memref<10240x64xbf16, #tpu.memory_space<hbm>> -> memref<10240x64xbf16, #tpu.memory_space<hbm>>
      tpu.enqueue_indirect_dma source(%dma_start3A_301 : memref<10240x64xbf16, #tpu.memory_space<hbm>>) target(%arg32 : memref<320x64xbf16, #tpu.memory_space<vmem>>) offsets(%arg16 : memref<320xi32, #tpu.memory_space<vmem>>) semaphore(%arg41 : memref<!tpu.dma_semaphore, #tpu.memory_space<semaphore_mem>>)
      %dma_wait3A_302 = arith.constant 0 : i32
      %dma_wait3A_303 = arith.constant 0 : i32
      %dma_wait3A_304 = tpu.memref_slice %arg2[%arg0, %dma_wait3A_302, %dma_wait3A_303] : memref<2x10240x64xbf16, #tpu.memory_space<hbm>> -> memref<1x10240x64xbf16, #tpu.memory_space<hbm>>
      %dma_wait3A_305 = tpu.memref_squeeze %dma_wait3A_304 : memref<1x10240x64xbf16, #tpu.memory_space<hbm>> -> memref<10240x64xbf16, #tpu.memory_space<hbm>>
      %dma_wait3A_306 = arith.constant 0 : i32
      %dma_wait3A_307 = arith.constant 0 : i32
      %dma_wait3A_308 = tpu.memref_slice %dma_wait3A_305[%dma_wait3A_306, %dma_wait3A_307] : memref<10240x64xbf16, #tpu.memory_space<hbm>> -> memref<10240x64xbf16, #tpu.memory_space<hbm>>
      tpu.wait_indirect_dma semaphore(%arg36 : memref<!tpu.dma_semaphore, #tpu.memory_space<semaphore_mem>>) src(%dma_wait3A_308 : memref<10240x64xbf16, #tpu.memory_space<hbm>>) dst(%arg27 : memref<320x64xbf16, #tpu.memory_space<vmem>>)
      %dma_start3A_309 = arith.constant 0 : i32
      %dma_start3A_310 = arith.constant 0 : i32
      %dma_start3A_311 = tpu.memref_slice %arg33[%dma_start3A_309, %dma_start3A_310] : memref<10240x64xbf16, #tpu.memory_space<vmem_shared>> -> memref<10240x64xbf16, #tpu.memory_space<vmem_shared>>
      tpu.enqueue_indirect_dma source(%arg27 : memref<320x64xbf16, #tpu.memory_space<vmem>>) target(%dma_start3A_311 : memref<10240x64xbf16, #tpu.memory_space<vmem_shared>>) offsets(%arg19 : memref<320xi32, #tpu.memory_space<vmem>>) semaphore(%arg44 : memref<!tpu.dma_semaphore, #tpu.memory_space<semaphore_mem>>) {add = true}
      %dma_wait3A_312 = arith.constant 0 : i32
      %dma_wait3A_313 = arith.constant 0 : i32
      %dma_wait3A_314 = tpu.memref_slice %arg2[%arg0, %dma_wait3A_312, %dma_wait3A_313] : memref<2x10240x64xbf16, #tpu.memory_space<hbm>> -> memref<1x10240x64xbf16, #tpu.memory_space<hbm>>
      %dma_wait3A_315 = tpu.memref_squeeze %dma_wait3A_314 : memref<1x10240x64xbf16, #tpu.memory_space<hbm>> -> memref<10240x64xbf16, #tpu.memory_space<hbm>>
      %dma_wait3A_316 = arith.constant 0 : i32
      %dma_wait3A_317 = arith.constant 0 : i32
      %dma_wait3A_318 = tpu.memref_slice %dma_wait3A_315[%dma_wait3A_316, %dma_wait3A_317] : memref<10240x64xbf16, #tpu.memory_space<hbm>> -> memref<10240x64xbf16, #tpu.memory_space<hbm>>
      tpu.wait_indirect_dma semaphore(%arg37 : memref<!tpu.dma_semaphore, #tpu.memory_space<semaphore_mem>>) src(%dma_wait3A_318 : memref<10240x64xbf16, #tpu.memory_space<hbm>>) dst(%arg28 : memref<320x64xbf16, #tpu.memory_space<vmem>>)
      %dma_start3A_319 = arith.constant 0 : i32
      %dma_start3A_320 = arith.constant 0 : i32
      %dma_start3A_321 = tpu.memref_slice %arg33[%dma_start3A_319, %dma_start3A_320] : memref<10240x64xbf16, #tpu.memory_space<vmem_shared>> -> memref<10240x64xbf16, #tpu.memory_space<vmem_shared>>
      tpu.enqueue_indirect_dma source(%arg28 : memref<320x64xbf16, #tpu.memory_space<vmem>>) target(%dma_start3A_321 : memref<10240x64xbf16, #tpu.memory_space<vmem_shared>>) offsets(%arg20 : memref<320xi32, #tpu.memory_space<vmem>>) semaphore(%arg45 : memref<!tpu.dma_semaphore, #tpu.memory_space<semaphore_mem>>) {add = true}
      %dma_wait3A_322 = arith.constant 0 : i32
      %dma_wait3A_323 = arith.constant 0 : i32
      %dma_wait3A_324 = tpu.memref_slice %arg2[%arg0, %dma_wait3A_322, %dma_wait3A_323] : memref<2x10240x64xbf16, #tpu.memory_space<hbm>> -> memref<1x10240x64xbf16, #tpu.memory_space<hbm>>
      %dma_wait3A_325 = tpu.memref_squeeze %dma_wait3A_324 : memref<1x10240x64xbf16, #tpu.memory_space<hbm>> -> memref<10240x64xbf16, #tpu.memory_space<hbm>>
      %dma_wait3A_326 = arith.constant 0 : i32
      %dma_wait3A_327 = arith.constant 0 : i32
      %dma_wait3A_328 = tpu.memref_slice %dma_wait3A_325[%dma_wait3A_326, %dma_wait3A_327] : memref<10240x64xbf16, #tpu.memory_space<hbm>> -> memref<10240x64xbf16, #tpu.memory_space<hbm>>
      tpu.wait_indirect_dma semaphore(%arg38 : memref<!tpu.dma_semaphore, #tpu.memory_space<semaphore_mem>>) src(%dma_wait3A_328 : memref<10240x64xbf16, #tpu.memory_space<hbm>>) dst(%arg29 : memref<320x64xbf16, #tpu.memory_space<vmem>>)
      %dma_start3A_329 = arith.constant 0 : i32
      %dma_start3A_330 = arith.constant 0 : i32
      %dma_start3A_331 = tpu.memref_slice %arg33[%dma_start3A_329, %dma_start3A_330] : memref<10240x64xbf16, #tpu.memory_space<vmem_shared>> -> memref<10240x64xbf16, #tpu.memory_space<vmem_shared>>
      tpu.enqueue_indirect_dma source(%arg29 : memref<320x64xbf16, #tpu.memory_space<vmem>>) target(%dma_start3A_331 : memref<10240x64xbf16, #tpu.memory_space<vmem_shared>>) offsets(%arg21 : memref<320xi32, #tpu.memory_space<vmem>>) semaphore(%arg46 : memref<!tpu.dma_semaphore, #tpu.memory_space<semaphore_mem>>) {add = true}
      %dma_wait3A_332 = arith.constant 0 : i32
      %dma_wait3A_333 = arith.constant 0 : i32
      %dma_wait3A_334 = tpu.memref_slice %arg2[%arg0, %dma_wait3A_332, %dma_wait3A_333] : memref<2x10240x64xbf16, #tpu.memory_space<hbm>> -> memref<1x10240x64xbf16, #tpu.memory_space<hbm>>
      %dma_wait3A_335 = tpu.memref_squeeze %dma_wait3A_334 : memref<1x10240x64xbf16, #tpu.memory_space<hbm>> -> memref<10240x64xbf16, #tpu.memory_space<hbm>>
      %dma_wait3A_336 = arith.constant 0 : i32
      %dma_wait3A_337 = arith.constant 0 : i32
      %dma_wait3A_338 = tpu.memref_slice %dma_wait3A_335[%dma_wait3A_336, %dma_wait3A_337] : memref<10240x64xbf16, #tpu.memory_space<hbm>> -> memref<10240x64xbf16, #tpu.memory_space<hbm>>
      tpu.wait_indirect_dma semaphore(%arg39 : memref<!tpu.dma_semaphore, #tpu.memory_space<semaphore_mem>>) src(%dma_wait3A_338 : memref<10240x64xbf16, #tpu.memory_space<hbm>>) dst(%arg30 : memref<320x64xbf16, #tpu.memory_space<vmem>>)
      %dma_start3A_339 = arith.constant 0 : i32
      %dma_start3A_340 = arith.constant 0 : i32
      %dma_start3A_341 = tpu.memref_slice %arg33[%dma_start3A_339, %dma_start3A_340] : memref<10240x64xbf16, #tpu.memory_space<vmem_shared>> -> memref<10240x64xbf16, #tpu.memory_space<vmem_shared>>
      tpu.enqueue_indirect_dma source(%arg30 : memref<320x64xbf16, #tpu.memory_space<vmem>>) target(%dma_start3A_341 : memref<10240x64xbf16, #tpu.memory_space<vmem_shared>>) offsets(%arg22 : memref<320xi32, #tpu.memory_space<vmem>>) semaphore(%arg47 : memref<!tpu.dma_semaphore, #tpu.memory_space<semaphore_mem>>) {add = true}
      %dma_wait3A_342 = arith.constant 0 : i32
      %dma_wait3A_343 = arith.constant 0 : i32
      %dma_wait3A_344 = tpu.memref_slice %arg2[%arg0, %dma_wait3A_342, %dma_wait3A_343] : memref<2x10240x64xbf16, #tpu.memory_space<hbm>> -> memref<1x10240x64xbf16, #tpu.memory_space<hbm>>
      %dma_wait3A_345 = tpu.memref_squeeze %dma_wait3A_344 : memref<1x10240x64xbf16, #tpu.memory_space<hbm>> -> memref<10240x64xbf16, #tpu.memory_space<hbm>>
      %dma_wait3A_346 = arith.constant 0 : i32
      %dma_wait3A_347 = arith.constant 0 : i32
      %dma_wait3A_348 = tpu.memref_slice %dma_wait3A_345[%dma_wait3A_346, %dma_wait3A_347] : memref<10240x64xbf16, #tpu.memory_space<hbm>> -> memref<10240x64xbf16, #tpu.memory_space<hbm>>
      tpu.wait_indirect_dma semaphore(%arg40 : memref<!tpu.dma_semaphore, #tpu.memory_space<semaphore_mem>>) src(%dma_wait3A_348 : memref<10240x64xbf16, #tpu.memory_space<hbm>>) dst(%arg31 : memref<320x64xbf16, #tpu.memory_space<vmem>>)
      %dma_start3A_349 = arith.constant 0 : i32
      %dma_start3A_350 = arith.constant 0 : i32
      %dma_start3A_351 = tpu.memref_slice %arg33[%dma_start3A_349, %dma_start3A_350] : memref<10240x64xbf16, #tpu.memory_space<vmem_shared>> -> memref<10240x64xbf16, #tpu.memory_space<vmem_shared>>
      tpu.enqueue_indirect_dma source(%arg31 : memref<320x64xbf16, #tpu.memory_space<vmem>>) target(%dma_start3A_351 : memref<10240x64xbf16, #tpu.memory_space<vmem_shared>>) offsets(%arg23 : memref<320xi32, #tpu.memory_space<vmem>>) semaphore(%arg48 : memref<!tpu.dma_semaphore, #tpu.memory_space<semaphore_mem>>) {add = true}
      %dma_wait3A_352 = arith.constant 0 : i32
      %dma_wait3A_353 = arith.constant 0 : i32
      %dma_wait3A_354 = tpu.memref_slice %arg2[%arg0, %dma_wait3A_352, %dma_wait3A_353] : memref<2x10240x64xbf16, #tpu.memory_space<hbm>> -> memref<1x10240x64xbf16, #tpu.memory_space<hbm>>
      %dma_wait3A_355 = tpu.memref_squeeze %dma_wait3A_354 : memref<1x10240x64xbf16, #tpu.memory_space<hbm>> -> memref<10240x64xbf16, #tpu.memory_space<hbm>>
      %dma_wait3A_356 = arith.constant 0 : i32
      %dma_wait3A_357 = arith.constant 0 : i32
      %dma_wait3A_358 = tpu.memref_slice %dma_wait3A_355[%dma_wait3A_356, %dma_wait3A_357] : memref<10240x64xbf16, #tpu.memory_space<hbm>> -> memref<10240x64xbf16, #tpu.memory_space<hbm>>
      tpu.wait_indirect_dma semaphore(%arg41 : memref<!tpu.dma_semaphore, #tpu.memory_space<semaphore_mem>>) src(%dma_wait3A_358 : memref<10240x64xbf16, #tpu.memory_space<hbm>>) dst(%arg32 : memref<320x64xbf16, #tpu.memory_space<vmem>>)
      %dma_start3A_359 = arith.constant 0 : i32
      %dma_start3A_360 = arith.constant 0 : i32
      %dma_start3A_361 = tpu.memref_slice %arg33[%dma_start3A_359, %dma_start3A_360] : memref<10240x64xbf16, #tpu.memory_space<vmem_shared>> -> memref<10240x64xbf16, #tpu.memory_space<vmem_shared>>
      tpu.enqueue_indirect_dma source(%arg32 : memref<320x64xbf16, #tpu.memory_space<vmem>>) target(%dma_start3A_361 : memref<10240x64xbf16, #tpu.memory_space<vmem_shared>>) offsets(%arg24 : memref<320xi32, #tpu.memory_space<vmem>>) semaphore(%arg49 : memref<!tpu.dma_semaphore, #tpu.memory_space<semaphore_mem>>) {add = true}
      %dma_wait3A_362 = arith.constant 0 : i32
      %dma_wait3A_363 = arith.constant 0 : i32
      %dma_wait3A_364 = tpu.memref_slice %arg33[%dma_wait3A_362, %dma_wait3A_363] : memref<10240x64xbf16, #tpu.memory_space<vmem_shared>> -> memref<10240x64xbf16, #tpu.memory_space<vmem_shared>>
      tpu.wait_indirect_dma semaphore(%arg42 : memref<!tpu.dma_semaphore, #tpu.memory_space<semaphore_mem>>) src(%arg25 : memref<320x64xbf16, #tpu.memory_space<vmem>>) dst(%dma_wait3A_364 : memref<10240x64xbf16, #tpu.memory_space<vmem_shared>>)
      %dma_wait3A_365 = arith.constant 0 : i32
      %dma_wait3A_366 = arith.constant 0 : i32
      %dma_wait3A_367 = tpu.memref_slice %arg33[%dma_wait3A_365, %dma_wait3A_366] : memref<10240x64xbf16, #tpu.memory_space<vmem_shared>> -> memref<10240x64xbf16, #tpu.memory_space<vmem_shared>>
      tpu.wait_indirect_dma semaphore(%arg43 : memref<!tpu.dma_semaphore, #tpu.memory_space<semaphore_mem>>) src(%arg26 : memref<320x64xbf16, #tpu.memory_space<vmem>>) dst(%dma_wait3A_367 : memref<10240x64xbf16, #tpu.memory_space<vmem_shared>>)
      %dma_wait3A_368 = arith.constant 0 : i32
      %dma_wait3A_369 = arith.constant 0 : i32
      %dma_wait3A_370 = tpu.memref_slice %arg33[%dma_wait3A_368, %dma_wait3A_369] : memref<10240x64xbf16, #tpu.memory_space<vmem_shared>> -> memref<10240x64xbf16, #tpu.memory_space<vmem_shared>>
      tpu.wait_indirect_dma semaphore(%arg44 : memref<!tpu.dma_semaphore, #tpu.memory_space<semaphore_mem>>) src(%arg27 : memref<320x64xbf16, #tpu.memory_space<vmem>>) dst(%dma_wait3A_370 : memref<10240x64xbf16, #tpu.memory_space<vmem_shared>>)
      %dma_wait3A_371 = arith.constant 0 : i32
      %dma_wait3A_372 = arith.constant 0 : i32
      %dma_wait3A_373 = tpu.memref_slice %arg33[%dma_wait3A_371, %dma_wait3A_372] : memref<10240x64xbf16, #tpu.memory_space<vmem_shared>> -> memref<10240x64xbf16, #tpu.memory_space<vmem_shared>>
      tpu.wait_indirect_dma semaphore(%arg45 : memref<!tpu.dma_semaphore, #tpu.memory_space<semaphore_mem>>) src(%arg28 : memref<320x64xbf16, #tpu.memory_space<vmem>>) dst(%dma_wait3A_373 : memref<10240x64xbf16, #tpu.memory_space<vmem_shared>>)
      %dma_wait3A_374 = arith.constant 0 : i32
      %dma_wait3A_375 = arith.constant 0 : i32
      %dma_wait3A_376 = tpu.memref_slice %arg33[%dma_wait3A_374, %dma_wait3A_375] : memref<10240x64xbf16, #tpu.memory_space<vmem_shared>> -> memref<10240x64xbf16, #tpu.memory_space<vmem_shared>>
      tpu.wait_indirect_dma semaphore(%arg46 : memref<!tpu.dma_semaphore, #tpu.memory_space<semaphore_mem>>) src(%arg29 : memref<320x64xbf16, #tpu.memory_space<vmem>>) dst(%dma_wait3A_376 : memref<10240x64xbf16, #tpu.memory_space<vmem_shared>>)
      %dma_wait3A_377 = arith.constant 0 : i32
      %dma_wait3A_378 = arith.constant 0 : i32
      %dma_wait3A_379 = tpu.memref_slice %arg33[%dma_wait3A_377, %dma_wait3A_378] : memref<10240x64xbf16, #tpu.memory_space<vmem_shared>> -> memref<10240x64xbf16, #tpu.memory_space<vmem_shared>>
      tpu.wait_indirect_dma semaphore(%arg47 : memref<!tpu.dma_semaphore, #tpu.memory_space<semaphore_mem>>) src(%arg30 : memref<320x64xbf16, #tpu.memory_space<vmem>>) dst(%dma_wait3A_379 : memref<10240x64xbf16, #tpu.memory_space<vmem_shared>>)
      %dma_wait3A_380 = arith.constant 0 : i32
      %dma_wait3A_381 = arith.constant 0 : i32
      %dma_wait3A_382 = tpu.memref_slice %arg33[%dma_wait3A_380, %dma_wait3A_381] : memref<10240x64xbf16, #tpu.memory_space<vmem_shared>> -> memref<10240x64xbf16, #tpu.memory_space<vmem_shared>>
      tpu.wait_indirect_dma semaphore(%arg48 : memref<!tpu.dma_semaphore, #tpu.memory_space<semaphore_mem>>) src(%arg31 : memref<320x64xbf16, #tpu.memory_space<vmem>>) dst(%dma_wait3A_382 : memref<10240x64xbf16, #tpu.memory_space<vmem_shared>>)
      %dma_wait3A_383 = arith.constant 0 : i32
      %dma_wait3A_384 = arith.constant 0 : i32
      %dma_wait3A_385 = tpu.memref_slice %arg33[%dma_wait3A_383, %dma_wait3A_384] : memref<10240x64xbf16, #tpu.memory_space<vmem_shared>> -> memref<10240x64xbf16, #tpu.memory_space<vmem_shared>>
      tpu.wait_indirect_dma semaphore(%arg49 : memref<!tpu.dma_semaphore, #tpu.memory_space<semaphore_mem>>) src(%arg32 : memref<320x64xbf16, #tpu.memory_space<vmem>>) dst(%dma_wait3A_385 : memref<10240x64xbf16, #tpu.memory_space<vmem_shared>>)
    }
    %scan3A_6 = arith.constant 8 : i32
    %barrier3A_7 = arith.constant 0 : index
    tpu.barrier barrier_id(%barrier3A_7)
    "tpu.region"() ({
      %run_scoped3A = tpu.sem_alloc : memref<!tpu.dma_semaphore, #tpu.memory_space<semaphore_mem>>
      %dma_start3A = arith.constant 0 : i32
      %dma_start3A_8 = arith.constant 0 : i32
      %dma_start3A_9 = tpu.memref_slice %arg8[%arg0, %dma_start3A, %dma_start3A_8] : memref<2x10240x64xbf16, #tpu.memory_space<hbm>> -> memref<1x10240x64xbf16, #tpu.memory_space<hbm>>
      %dma_start3A_10 = tpu.memref_squeeze %dma_start3A_9 : memref<1x10240x64xbf16, #tpu.memory_space<hbm>> -> memref<10240x64xbf16, #tpu.memory_space<hbm>>
      %dma_start3A_11 = arith.constant 0 : i32
      %dma_start3A_12 = tpu.memref_slice %dma_start3A_10[%mul3A_0, %dma_start3A_11] : memref<10240x64xbf16, #tpu.memory_space<hbm>> -> memref<640x64xbf16, #tpu.memory_space<hbm>>
      %dma_start3A_13 = arith.constant 0 : i32
      %dma_start3A_14 = tpu.memref_slice %arg33[%mul3A_0, %dma_start3A_13] : memref<10240x64xbf16, #tpu.memory_space<vmem_shared>> -> memref<640x64xbf16, #tpu.memory_space<vmem_shared>>
      tpu.enqueue_dma source(%dma_start3A_14 : memref<640x64xbf16, #tpu.memory_space<vmem_shared>>) target(%dma_start3A_12 : memref<640x64xbf16, #tpu.memory_space<hbm>>) target_semaphore(%run_scoped3A : memref<!tpu.dma_semaphore, #tpu.memory_space<semaphore_mem>>)
      %dma_wait3A = arith.constant 0 : i32
      %dma_wait3A_15 = arith.constant 0 : i32
      %dma_wait3A_16 = tpu.memref_slice %arg8[%arg0, %dma_wait3A, %dma_wait3A_15] : memref<2x10240x64xbf16, #tpu.memory_space<hbm>> -> memref<1x10240x64xbf16, #tpu.memory_space<hbm>>
      %dma_wait3A_17 = tpu.memref_squeeze %dma_wait3A_16 : memref<1x10240x64xbf16, #tpu.memory_space<hbm>> -> memref<10240x64xbf16, #tpu.memory_space<hbm>>
      %dma_wait3A_18 = arith.constant 0 : i32
      %dma_wait3A_19 = tpu.memref_slice %dma_wait3A_17[%mul3A_0, %dma_wait3A_18] : memref<10240x64xbf16, #tpu.memory_space<hbm>> -> memref<640x64xbf16, #tpu.memory_space<hbm>>
      %dma_wait3A_20 = arith.constant 0 : i32
      %dma_wait3A_21 = tpu.memref_slice %arg33[%mul3A_0, %dma_wait3A_20] : memref<10240x64xbf16, #tpu.memory_space<vmem_shared>> -> memref<640x64xbf16, #tpu.memory_space<vmem_shared>>
      tpu.wait_dma2 semaphore(%run_scoped3A : memref<!tpu.dma_semaphore, #tpu.memory_space<semaphore_mem>>) src(%dma_wait3A_21 : memref<640x64xbf16, #tpu.memory_space<vmem_shared>>) dst(%dma_wait3A_19 : memref<640x64xbf16, #tpu.memory_space<hbm>>)
      tpu.yield
    }) : () -> ()
    return
  }
}

#map = affine_map<(d0, d1) -> (0, 0, 0)>
#map1 = affine_map<(d0, d1) -> (0, 0)>
module attributes {stable_mosaic.version = 14 : i64} {
  func.func @body(%arg0: i32, %arg1: i32, %arg2: memref<2x10240x32xbf16, #tpu.memory_space<hbm>>, %arg3: memref<1024x320xi32, #tpu.memory_space<hbm>>, %arg4: memref<1024x320xi32, #tpu.memory_space<hbm>>, %arg5: memref<640x32xbf16, #tpu.memory_space<hbm>>, %arg6: memref<640x16xf32, #tpu.memory_space<hbm>>, %arg7: memref<320x16xf32, #tpu.memory_space<hbm>>, %arg8: memref<2x10240x32xbf16, #tpu.memory_space<hbm>>, %arg9: memref<320xi32, #tpu.memory_space<vmem>>, %arg10: memref<320xi32, #tpu.memory_space<vmem>>, %arg11: memref<320xi32, #tpu.memory_space<vmem>>, %arg12: memref<320xi32, #tpu.memory_space<vmem>>, %arg13: memref<320xi32, #tpu.memory_space<vmem>>, %arg14: memref<320xi32, #tpu.memory_space<vmem>>, %arg15: memref<320xi32, #tpu.memory_space<vmem>>, %arg16: memref<320xi32, #tpu.memory_space<vmem>>, %arg17: memref<320xi32, #tpu.memory_space<vmem>>, %arg18: memref<320xi32, #tpu.memory_space<vmem>>, %arg19: memref<320xi32, #tpu.memory_space<vmem>>, %arg20: memref<320xi32, #tpu.memory_space<vmem>>, %arg21: memref<320xi32, #tpu.memory_space<vmem>>, %arg22: memref<320xi32, #tpu.memory_space<vmem>>, %arg23: memref<320xi32, #tpu.memory_space<vmem>>, %arg24: memref<320xi32, #tpu.memory_space<vmem>>, %arg25: memref<320x32xbf16, #tpu.memory_space<vmem>>, %arg26: memref<320x32xbf16, #tpu.memory_space<vmem>>, %arg27: memref<320x32xbf16, #tpu.memory_space<vmem>>, %arg28: memref<320x32xbf16, #tpu.memory_space<vmem>>, %arg29: memref<320x32xbf16, #tpu.memory_space<vmem>>, %arg30: memref<320x32xbf16, #tpu.memory_space<vmem>>, %arg31: memref<320x32xbf16, #tpu.memory_space<vmem>>, %arg32: memref<320x32xbf16, #tpu.memory_space<vmem>>, %arg33: memref<10240x32xbf16, #tpu.memory_space<vmem_shared>>, %arg34: memref<!tpu.dma_semaphore, #tpu.memory_space<semaphore_mem>>, %arg35: memref<!tpu.dma_semaphore, #tpu.memory_space<semaphore_mem>>, %arg36: memref<!tpu.dma_semaphore, #tpu.memory_space<semaphore_mem>>, %arg37: memref<!tpu.dma_semaphore, #tpu.memory_space<semaphore_mem>>, %arg38: memref<!tpu.dma_semaphore, #tpu.memory_space<semaphore_mem>>, %arg39: memref<!tpu.dma_semaphore, #tpu.memory_space<semaphore_mem>>, %arg40: memref<!tpu.dma_semaphore, #tpu.memory_space<semaphore_mem>>, %arg41: memref<!tpu.dma_semaphore, #tpu.memory_space<semaphore_mem>>, %arg42: memref<!tpu.dma_semaphore, #tpu.memory_space<semaphore_mem>>, %arg43: memref<!tpu.dma_semaphore, #tpu.memory_space<semaphore_mem>>, %arg44: memref<!tpu.dma_semaphore, #tpu.memory_space<semaphore_mem>>, %arg45: memref<!tpu.dma_semaphore, #tpu.memory_space<semaphore_mem>>, %arg46: memref<!tpu.dma_semaphore, #tpu.memory_space<semaphore_mem>>, %arg47: memref<!tpu.dma_semaphore, #tpu.memory_space<semaphore_mem>>, %arg48: memref<!tpu.dma_semaphore, #tpu.memory_space<semaphore_mem>>, %arg49: memref<!tpu.dma_semaphore, #tpu.memory_space<semaphore_mem>>, %arg50: memref<!tpu.dma_semaphore, #tpu.memory_space<semaphore_mem>>, %arg51: memref<!tpu.dma_semaphore, #tpu.memory_space<semaphore_mem>>, %arg52: memref<!tpu.dma_semaphore, #tpu.memory_space<semaphore_mem>>, %arg53: memref<!tpu.dma_semaphore, #tpu.memory_space<semaphore_mem>>, %arg54: memref<!tpu.dma_semaphore, #tpu.memory_space<semaphore_mem>>, %arg55: memref<!tpu.dma_semaphore, #tpu.memory_space<semaphore_mem>>, %arg56: memref<!tpu.dma_semaphore, #tpu.memory_space<semaphore_mem>>, %arg57: memref<!tpu.dma_semaphore, #tpu.memory_space<semaphore_mem>>) attributes {dimension_semantics = [#tpu.dimension_semantics<core_parallel>, #tpu.dimension_semantics<subcore_parallel>], iteration_bounds = array<i64: 2, 16>, scalar_prefetch = 0 : i64, scratch_operands = 49 : i64, tpu.core_type = #tpu.core_type<sc_vector_subcore>, window_params = [{transform_indices = #map}, {transform_indices = #map1}, {transform_indices = #map1}, {transform_indices = #map1}, {transform_indices = #map1}, {transform_indices = #map1}, {transform_indices = #map}]} {
    %mul3A = arith.constant 640 : i32
    %mul3A_0 = arith.muli %arg1, %mul3A : i32
    %mul3A_1 = arith.constant 64 : i32
    %mul3A_2 = arith.muli %arg1, %mul3A_1 : i32
    "tpu.region"() ({
      %run_scoped3A = tpu.sem_alloc : memref<!tpu.dma_semaphore, #tpu.memory_space<semaphore_mem>>
      %dma_start3A = arith.constant 0 : i32
      %dma_start3A_8 = tpu.memref_slice %arg33[%mul3A_0, %dma_start3A] : memref<10240x32xbf16, #tpu.memory_space<vmem_shared>> -> memref<640x32xbf16, #tpu.memory_space<vmem_shared>>
      tpu.enqueue_dma source(%arg5 : memref<640x32xbf16, #tpu.memory_space<hbm>>) target(%dma_start3A_8 : memref<640x32xbf16, #tpu.memory_space<vmem_shared>>) target_semaphore(%run_scoped3A : memref<!tpu.dma_semaphore, #tpu.memory_space<semaphore_mem>>)
      %dma_wait3A = arith.constant 0 : i32
      %dma_wait3A_9 = tpu.memref_slice %arg33[%mul3A_0, %dma_wait3A] : memref<10240x32xbf16, #tpu.memory_space<vmem_shared>> -> memref<640x32xbf16, #tpu.memory_space<vmem_shared>>
      tpu.wait_dma2 semaphore(%run_scoped3A : memref<!tpu.dma_semaphore, #tpu.memory_space<semaphore_mem>>) src(%arg5 : memref<640x32xbf16, #tpu.memory_space<hbm>>) dst(%dma_wait3A_9 : memref<640x32xbf16, #tpu.memory_space<vmem_shared>>)
      tpu.yield
    }) : () -> ()
    %barrier3A = arith.constant 0 : index
    tpu.barrier barrier_id(%barrier3A)
    %scan3A = arith.constant 0 : i32
    %scan3A_3 = arith.constant 8 : i32
    %scan3A_4 = arith.addi %scan3A, %scan3A_3 : i32
    %scan3A_5 = arith.constant 1 : i32
    scf.for %scan3A_8 = %scan3A to %scan3A_4 step %scan3A_5  : i32 {
      %mul3A_9 = arith.constant 1 : i32
      %mul3A_10 = arith.muli %scan3A_8, %mul3A_9 : i32
      %add3A = arith.constant 0 : i32
      %add3A_11 = arith.addi %add3A, %mul3A_10 : i32
      %eq3A = arith.constant 0 : i32
      %eq3A_12 = arith.cmpi eq, %arg0, %eq3A : i32
      %lt3A = arith.constant 4 : i32
      %lt3A_13 = arith.cmpi slt, %add3A_11, %lt3A : i32
      %eq3A_14 = arith.xori %eq3A_12, %lt3A_13 : i1
      %eq3A_15 = arith.constant true
      %eq3A_16 = arith.xori %eq3A_14, %eq3A_15 : i1
      %mul3A_17 = arith.constant 8 : i32
      %mul3A_18 = arith.muli %add3A_11, %mul3A_17 : i32
      %add3A_19 = arith.addi %mul3A_2, %mul3A_18 : i32
      %add3A_20 = arith.constant 0 : i32
      %add3A_21 = arith.addi %add3A_19, %add3A_20 : i32
      %dma_start3A = arith.constant 0 : i32
      %dma_start3A_22 = tpu.memref_slice %arg3[%add3A_21, %dma_start3A] : memref<1024x320xi32, #tpu.memory_space<hbm>> -> memref<1x320xi32, #tpu.memory_space<hbm>>
      %dma_start3A_23 = tpu.memref_squeeze %dma_start3A_22 : memref<1x320xi32, #tpu.memory_space<hbm>> -> memref<320xi32, #tpu.memory_space<hbm>>
      %dma_start3A_24 = arith.constant 0 : i32
      %dma_start3A_25 = tpu.memref_slice %arg3[%add3A_21, %dma_start3A_24] : memref<1024x320xi32, #tpu.memory_space<hbm>> -> memref<1x320xi32, #tpu.memory_space<hbm>>
      %dma_start3A_26 = tpu.memref_squeeze %dma_start3A_25 : memref<1x320xi32, #tpu.memory_space<hbm>> -> memref<320xi32, #tpu.memory_space<hbm>>
      tpu.enqueue_dma source(%dma_start3A_26 : memref<320xi32, #tpu.memory_space<hbm>>) target(%arg9 : memref<320xi32, #tpu.memory_space<vmem>>) target_semaphore(%arg50 : memref<!tpu.dma_semaphore, #tpu.memory_space<semaphore_mem>>)
      %dma_start3A_27 = arith.constant 0 : i32
      %dma_start3A_28 = tpu.memref_slice %arg4[%add3A_21, %dma_start3A_27] : memref<1024x320xi32, #tpu.memory_space<hbm>> -> memref<1x320xi32, #tpu.memory_space<hbm>>
      %dma_start3A_29 = tpu.memref_squeeze %dma_start3A_28 : memref<1x320xi32, #tpu.memory_space<hbm>> -> memref<320xi32, #tpu.memory_space<hbm>>
      %dma_start3A_30 = arith.constant 0 : i32
      %dma_start3A_31 = tpu.memref_slice %arg4[%add3A_21, %dma_start3A_30] : memref<1024x320xi32, #tpu.memory_space<hbm>> -> memref<1x320xi32, #tpu.memory_space<hbm>>
      %dma_start3A_32 = tpu.memref_squeeze %dma_start3A_31 : memref<1x320xi32, #tpu.memory_space<hbm>> -> memref<320xi32, #tpu.memory_space<hbm>>
      tpu.enqueue_dma source(%dma_start3A_32 : memref<320xi32, #tpu.memory_space<hbm>>) target(%arg17 : memref<320xi32, #tpu.memory_space<vmem>>) target_semaphore(%arg50 : memref<!tpu.dma_semaphore, #tpu.memory_space<semaphore_mem>>)
      %add3A_33 = arith.constant 1 : i32
      %add3A_34 = arith.addi %add3A_19, %add3A_33 : i32
      %dma_start3A_35 = arith.constant 0 : i32
      %dma_start3A_36 = tpu.memref_slice %arg3[%add3A_34, %dma_start3A_35] : memref<1024x320xi32, #tpu.memory_space<hbm>> -> memref<1x320xi32, #tpu.memory_space<hbm>>
      %dma_start3A_37 = tpu.memref_squeeze %dma_start3A_36 : memref<1x320xi32, #tpu.memory_space<hbm>> -> memref<320xi32, #tpu.memory_space<hbm>>
      %dma_start3A_38 = arith.constant 0 : i32
      %dma_start3A_39 = tpu.memref_slice %arg3[%add3A_34, %dma_start3A_38] : memref<1024x320xi32, #tpu.memory_space<hbm>> -> memref<1x320xi32, #tpu.memory_space<hbm>>
      %dma_start3A_40 = tpu.memref_squeeze %dma_start3A_39 : memref<1x320xi32, #tpu.memory_space<hbm>> -> memref<320xi32, #tpu.memory_space<hbm>>
      tpu.enqueue_dma source(%dma_start3A_40 : memref<320xi32, #tpu.memory_space<hbm>>) target(%arg10 : memref<320xi32, #tpu.memory_space<vmem>>) target_semaphore(%arg51 : memref<!tpu.dma_semaphore, #tpu.memory_space<semaphore_mem>>)
      %dma_start3A_41 = arith.constant 0 : i32
      %dma_start3A_42 = tpu.memref_slice %arg4[%add3A_34, %dma_start3A_41] : memref<1024x320xi32, #tpu.memory_space<hbm>> -> memref<1x320xi32, #tpu.memory_space<hbm>>
      %dma_start3A_43 = tpu.memref_squeeze %dma_start3A_42 : memref<1x320xi32, #tpu.memory_space<hbm>> -> memref<320xi32, #tpu.memory_space<hbm>>
      %dma_start3A_44 = arith.constant 0 : i32
      %dma_start3A_45 = tpu.memref_slice %arg4[%add3A_34, %dma_start3A_44] : memref<1024x320xi32, #tpu.memory_space<hbm>> -> memref<1x320xi32, #tpu.memory_space<hbm>>
      %dma_start3A_46 = tpu.memref_squeeze %dma_start3A_45 : memref<1x320xi32, #tpu.memory_space<hbm>> -> memref<320xi32, #tpu.memory_space<hbm>>
      tpu.enqueue_dma source(%dma_start3A_46 : memref<320xi32, #tpu.memory_space<hbm>>) target(%arg18 : memref<320xi32, #tpu.memory_space<vmem>>) target_semaphore(%arg51 : memref<!tpu.dma_semaphore, #tpu.memory_space<semaphore_mem>>)
      %add3A_47 = arith.constant 2 : i32
      %add3A_48 = arith.addi %add3A_19, %add3A_47 : i32
      %dma_start3A_49 = arith.constant 0 : i32
      %dma_start3A_50 = tpu.memref_slice %arg3[%add3A_48, %dma_start3A_49] : memref<1024x320xi32, #tpu.memory_space<hbm>> -> memref<1x320xi32, #tpu.memory_space<hbm>>
      %dma_start3A_51 = tpu.memref_squeeze %dma_start3A_50 : memref<1x320xi32, #tpu.memory_space<hbm>> -> memref<320xi32, #tpu.memory_space<hbm>>
      %dma_start3A_52 = arith.constant 0 : i32
      %dma_start3A_53 = tpu.memref_slice %arg3[%add3A_48, %dma_start3A_52] : memref<1024x320xi32, #tpu.memory_space<hbm>> -> memref<1x320xi32, #tpu.memory_space<hbm>>
      %dma_start3A_54 = tpu.memref_squeeze %dma_start3A_53 : memref<1x320xi32, #tpu.memory_space<hbm>> -> memref<320xi32, #tpu.memory_space<hbm>>
      tpu.enqueue_dma source(%dma_start3A_54 : memref<320xi32, #tpu.memory_space<hbm>>) target(%arg11 : memref<320xi32, #tpu.memory_space<vmem>>) target_semaphore(%arg52 : memref<!tpu.dma_semaphore, #tpu.memory_space<semaphore_mem>>)
      %dma_start3A_55 = arith.constant 0 : i32
      %dma_start3A_56 = tpu.memref_slice %arg4[%add3A_48, %dma_start3A_55] : memref<1024x320xi32, #tpu.memory_space<hbm>> -> memref<1x320xi32, #tpu.memory_space<hbm>>
      %dma_start3A_57 = tpu.memref_squeeze %dma_start3A_56 : memref<1x320xi32, #tpu.memory_space<hbm>> -> memref<320xi32, #tpu.memory_space<hbm>>
      %dma_start3A_58 = arith.constant 0 : i32
      %dma_start3A_59 = tpu.memref_slice %arg4[%add3A_48, %dma_start3A_58] : memref<1024x320xi32, #tpu.memory_space<hbm>> -> memref<1x320xi32, #tpu.memory_space<hbm>>
      %dma_start3A_60 = tpu.memref_squeeze %dma_start3A_59 : memref<1x320xi32, #tpu.memory_space<hbm>> -> memref<320xi32, #tpu.memory_space<hbm>>
      tpu.enqueue_dma source(%dma_start3A_60 : memref<320xi32, #tpu.memory_space<hbm>>) target(%arg19 : memref<320xi32, #tpu.memory_space<vmem>>) target_semaphore(%arg52 : memref<!tpu.dma_semaphore, #tpu.memory_space<semaphore_mem>>)
      %add3A_61 = arith.constant 3 : i32
      %add3A_62 = arith.addi %add3A_19, %add3A_61 : i32
      %dma_start3A_63 = arith.constant 0 : i32
      %dma_start3A_64 = tpu.memref_slice %arg3[%add3A_62, %dma_start3A_63] : memref<1024x320xi32, #tpu.memory_space<hbm>> -> memref<1x320xi32, #tpu.memory_space<hbm>>
      %dma_start3A_65 = tpu.memref_squeeze %dma_start3A_64 : memref<1x320xi32, #tpu.memory_space<hbm>> -> memref<320xi32, #tpu.memory_space<hbm>>
      %dma_start3A_66 = arith.constant 0 : i32
      %dma_start3A_67 = tpu.memref_slice %arg3[%add3A_62, %dma_start3A_66] : memref<1024x320xi32, #tpu.memory_space<hbm>> -> memref<1x320xi32, #tpu.memory_space<hbm>>
      %dma_start3A_68 = tpu.memref_squeeze %dma_start3A_67 : memref<1x320xi32, #tpu.memory_space<hbm>> -> memref<320xi32, #tpu.memory_space<hbm>>
      tpu.enqueue_dma source(%dma_start3A_68 : memref<320xi32, #tpu.memory_space<hbm>>) target(%arg12 : memref<320xi32, #tpu.memory_space<vmem>>) target_semaphore(%arg53 : memref<!tpu.dma_semaphore, #tpu.memory_space<semaphore_mem>>)
      %dma_start3A_69 = arith.constant 0 : i32
      %dma_start3A_70 = tpu.memref_slice %arg4[%add3A_62, %dma_start3A_69] : memref<1024x320xi32, #tpu.memory_space<hbm>> -> memref<1x320xi32, #tpu.memory_space<hbm>>
      %dma_start3A_71 = tpu.memref_squeeze %dma_start3A_70 : memref<1x320xi32, #tpu.memory_space<hbm>> -> memref<320xi32, #tpu.memory_space<hbm>>
      %dma_start3A_72 = arith.constant 0 : i32
      %dma_start3A_73 = tpu.memref_slice %arg4[%add3A_62, %dma_start3A_72] : memref<1024x320xi32, #tpu.memory_space<hbm>> -> memref<1x320xi32, #tpu.memory_space<hbm>>
      %dma_start3A_74 = tpu.memref_squeeze %dma_start3A_73 : memref<1x320xi32, #tpu.memory_space<hbm>> -> memref<320xi32, #tpu.memory_space<hbm>>
      tpu.enqueue_dma source(%dma_start3A_74 : memref<320xi32, #tpu.memory_space<hbm>>) target(%arg20 : memref<320xi32, #tpu.memory_space<vmem>>) target_semaphore(%arg53 : memref<!tpu.dma_semaphore, #tpu.memory_space<semaphore_mem>>)
      %add3A_75 = arith.constant 4 : i32
      %add3A_76 = arith.addi %add3A_19, %add3A_75 : i32
      %dma_start3A_77 = arith.constant 0 : i32
      %dma_start3A_78 = tpu.memref_slice %arg3[%add3A_76, %dma_start3A_77] : memref<1024x320xi32, #tpu.memory_space<hbm>> -> memref<1x320xi32, #tpu.memory_space<hbm>>
      %dma_start3A_79 = tpu.memref_squeeze %dma_start3A_78 : memref<1x320xi32, #tpu.memory_space<hbm>> -> memref<320xi32, #tpu.memory_space<hbm>>
      %dma_start3A_80 = arith.constant 0 : i32
      %dma_start3A_81 = tpu.memref_slice %arg3[%add3A_76, %dma_start3A_80] : memref<1024x320xi32, #tpu.memory_space<hbm>> -> memref<1x320xi32, #tpu.memory_space<hbm>>
      %dma_start3A_82 = tpu.memref_squeeze %dma_start3A_81 : memref<1x320xi32, #tpu.memory_space<hbm>> -> memref<320xi32, #tpu.memory_space<hbm>>
      tpu.enqueue_dma source(%dma_start3A_82 : memref<320xi32, #tpu.memory_space<hbm>>) target(%arg13 : memref<320xi32, #tpu.memory_space<vmem>>) target_semaphore(%arg54 : memref<!tpu.dma_semaphore, #tpu.memory_space<semaphore_mem>>)
      %dma_start3A_83 = arith.constant 0 : i32
      %dma_start3A_84 = tpu.memref_slice %arg4[%add3A_76, %dma_start3A_83] : memref<1024x320xi32, #tpu.memory_space<hbm>> -> memref<1x320xi32, #tpu.memory_space<hbm>>
      %dma_start3A_85 = tpu.memref_squeeze %dma_start3A_84 : memref<1x320xi32, #tpu.memory_space<hbm>> -> memref<320xi32, #tpu.memory_space<hbm>>
      %dma_start3A_86 = arith.constant 0 : i32
      %dma_start3A_87 = tpu.memref_slice %arg4[%add3A_76, %dma_start3A_86] : memref<1024x320xi32, #tpu.memory_space<hbm>> -> memref<1x320xi32, #tpu.memory_space<hbm>>
      %dma_start3A_88 = tpu.memref_squeeze %dma_start3A_87 : memref<1x320xi32, #tpu.memory_space<hbm>> -> memref<320xi32, #tpu.memory_space<hbm>>
      tpu.enqueue_dma source(%dma_start3A_88 : memref<320xi32, #tpu.memory_space<hbm>>) target(%arg21 : memref<320xi32, #tpu.memory_space<vmem>>) target_semaphore(%arg54 : memref<!tpu.dma_semaphore, #tpu.memory_space<semaphore_mem>>)
      %add3A_89 = arith.constant 5 : i32
      %add3A_90 = arith.addi %add3A_19, %add3A_89 : i32
      %dma_start3A_91 = arith.constant 0 : i32
      %dma_start3A_92 = tpu.memref_slice %arg3[%add3A_90, %dma_start3A_91] : memref<1024x320xi32, #tpu.memory_space<hbm>> -> memref<1x320xi32, #tpu.memory_space<hbm>>
      %dma_start3A_93 = tpu.memref_squeeze %dma_start3A_92 : memref<1x320xi32, #tpu.memory_space<hbm>> -> memref<320xi32, #tpu.memory_space<hbm>>
      %dma_start3A_94 = arith.constant 0 : i32
      %dma_start3A_95 = tpu.memref_slice %arg3[%add3A_90, %dma_start3A_94] : memref<1024x320xi32, #tpu.memory_space<hbm>> -> memref<1x320xi32, #tpu.memory_space<hbm>>
      %dma_start3A_96 = tpu.memref_squeeze %dma_start3A_95 : memref<1x320xi32, #tpu.memory_space<hbm>> -> memref<320xi32, #tpu.memory_space<hbm>>
      tpu.enqueue_dma source(%dma_start3A_96 : memref<320xi32, #tpu.memory_space<hbm>>) target(%arg14 : memref<320xi32, #tpu.memory_space<vmem>>) target_semaphore(%arg55 : memref<!tpu.dma_semaphore, #tpu.memory_space<semaphore_mem>>)
      %dma_start3A_97 = arith.constant 0 : i32
      %dma_start3A_98 = tpu.memref_slice %arg4[%add3A_90, %dma_start3A_97] : memref<1024x320xi32, #tpu.memory_space<hbm>> -> memref<1x320xi32, #tpu.memory_space<hbm>>
      %dma_start3A_99 = tpu.memref_squeeze %dma_start3A_98 : memref<1x320xi32, #tpu.memory_space<hbm>> -> memref<320xi32, #tpu.memory_space<hbm>>
      %dma_start3A_100 = arith.constant 0 : i32
      %dma_start3A_101 = tpu.memref_slice %arg4[%add3A_90, %dma_start3A_100] : memref<1024x320xi32, #tpu.memory_space<hbm>> -> memref<1x320xi32, #tpu.memory_space<hbm>>
      %dma_start3A_102 = tpu.memref_squeeze %dma_start3A_101 : memref<1x320xi32, #tpu.memory_space<hbm>> -> memref<320xi32, #tpu.memory_space<hbm>>
      tpu.enqueue_dma source(%dma_start3A_102 : memref<320xi32, #tpu.memory_space<hbm>>) target(%arg22 : memref<320xi32, #tpu.memory_space<vmem>>) target_semaphore(%arg55 : memref<!tpu.dma_semaphore, #tpu.memory_space<semaphore_mem>>)
      %add3A_103 = arith.constant 6 : i32
      %add3A_104 = arith.addi %add3A_19, %add3A_103 : i32
      %dma_start3A_105 = arith.constant 0 : i32
      %dma_start3A_106 = tpu.memref_slice %arg3[%add3A_104, %dma_start3A_105] : memref<1024x320xi32, #tpu.memory_space<hbm>> -> memref<1x320xi32, #tpu.memory_space<hbm>>
      %dma_start3A_107 = tpu.memref_squeeze %dma_start3A_106 : memref<1x320xi32, #tpu.memory_space<hbm>> -> memref<320xi32, #tpu.memory_space<hbm>>
      %dma_start3A_108 = arith.constant 0 : i32
      %dma_start3A_109 = tpu.memref_slice %arg3[%add3A_104, %dma_start3A_108] : memref<1024x320xi32, #tpu.memory_space<hbm>> -> memref<1x320xi32, #tpu.memory_space<hbm>>
      %dma_start3A_110 = tpu.memref_squeeze %dma_start3A_109 : memref<1x320xi32, #tpu.memory_space<hbm>> -> memref<320xi32, #tpu.memory_space<hbm>>
      tpu.enqueue_dma source(%dma_start3A_110 : memref<320xi32, #tpu.memory_space<hbm>>) target(%arg15 : memref<320xi32, #tpu.memory_space<vmem>>) target_semaphore(%arg56 : memref<!tpu.dma_semaphore, #tpu.memory_space<semaphore_mem>>)
      %dma_start3A_111 = arith.constant 0 : i32
      %dma_start3A_112 = tpu.memref_slice %arg4[%add3A_104, %dma_start3A_111] : memref<1024x320xi32, #tpu.memory_space<hbm>> -> memref<1x320xi32, #tpu.memory_space<hbm>>
      %dma_start3A_113 = tpu.memref_squeeze %dma_start3A_112 : memref<1x320xi32, #tpu.memory_space<hbm>> -> memref<320xi32, #tpu.memory_space<hbm>>
      %dma_start3A_114 = arith.constant 0 : i32
      %dma_start3A_115 = tpu.memref_slice %arg4[%add3A_104, %dma_start3A_114] : memref<1024x320xi32, #tpu.memory_space<hbm>> -> memref<1x320xi32, #tpu.memory_space<hbm>>
      %dma_start3A_116 = tpu.memref_squeeze %dma_start3A_115 : memref<1x320xi32, #tpu.memory_space<hbm>> -> memref<320xi32, #tpu.memory_space<hbm>>
      tpu.enqueue_dma source(%dma_start3A_116 : memref<320xi32, #tpu.memory_space<hbm>>) target(%arg23 : memref<320xi32, #tpu.memory_space<vmem>>) target_semaphore(%arg56 : memref<!tpu.dma_semaphore, #tpu.memory_space<semaphore_mem>>)
      %add3A_117 = arith.constant 7 : i32
      %add3A_118 = arith.addi %add3A_19, %add3A_117 : i32
      %dma_start3A_119 = arith.constant 0 : i32
      %dma_start3A_120 = tpu.memref_slice %arg3[%add3A_118, %dma_start3A_119] : memref<1024x320xi32, #tpu.memory_space<hbm>> -> memref<1x320xi32, #tpu.memory_space<hbm>>
      %dma_start3A_121 = tpu.memref_squeeze %dma_start3A_120 : memref<1x320xi32, #tpu.memory_space<hbm>> -> memref<320xi32, #tpu.memory_space<hbm>>
      %dma_start3A_122 = arith.constant 0 : i32
      %dma_start3A_123 = tpu.memref_slice %arg3[%add3A_118, %dma_start3A_122] : memref<1024x320xi32, #tpu.memory_space<hbm>> -> memref<1x320xi32, #tpu.memory_space<hbm>>
      %dma_start3A_124 = tpu.memref_squeeze %dma_start3A_123 : memref<1x320xi32, #tpu.memory_space<hbm>> -> memref<320xi32, #tpu.memory_space<hbm>>
      tpu.enqueue_dma source(%dma_start3A_124 : memref<320xi32, #tpu.memory_space<hbm>>) target(%arg16 : memref<320xi32, #tpu.memory_space<vmem>>) target_semaphore(%arg57 : memref<!tpu.dma_semaphore, #tpu.memory_space<semaphore_mem>>)
      %dma_start3A_125 = arith.constant 0 : i32
      %dma_start3A_126 = tpu.memref_slice %arg4[%add3A_118, %dma_start3A_125] : memref<1024x320xi32, #tpu.memory_space<hbm>> -> memref<1x320xi32, #tpu.memory_space<hbm>>
      %dma_start3A_127 = tpu.memref_squeeze %dma_start3A_126 : memref<1x320xi32, #tpu.memory_space<hbm>> -> memref<320xi32, #tpu.memory_space<hbm>>
      %dma_start3A_128 = arith.constant 0 : i32
      %dma_start3A_129 = tpu.memref_slice %arg4[%add3A_118, %dma_start3A_128] : memref<1024x320xi32, #tpu.memory_space<hbm>> -> memref<1x320xi32, #tpu.memory_space<hbm>>
      %dma_start3A_130 = tpu.memref_squeeze %dma_start3A_129 : memref<1x320xi32, #tpu.memory_space<hbm>> -> memref<320xi32, #tpu.memory_space<hbm>>
      tpu.enqueue_dma source(%dma_start3A_130 : memref<320xi32, #tpu.memory_space<hbm>>) target(%arg24 : memref<320xi32, #tpu.memory_space<vmem>>) target_semaphore(%arg57 : memref<!tpu.dma_semaphore, #tpu.memory_space<semaphore_mem>>)
      %dma_wait3A = arith.constant 0 : i32
      %dma_wait3A_131 = tpu.memref_slice %arg3[%add3A_21, %dma_wait3A] : memref<1024x320xi32, #tpu.memory_space<hbm>> -> memref<1x320xi32, #tpu.memory_space<hbm>>
      %dma_wait3A_132 = tpu.memref_squeeze %dma_wait3A_131 : memref<1x320xi32, #tpu.memory_space<hbm>> -> memref<320xi32, #tpu.memory_space<hbm>>
      %dma_wait3A_133 = arith.constant 0 : i32
      %dma_wait3A_134 = tpu.memref_slice %arg3[%add3A_21, %dma_wait3A_133] : memref<1024x320xi32, #tpu.memory_space<hbm>> -> memref<1x320xi32, #tpu.memory_space<hbm>>
      %dma_wait3A_135 = tpu.memref_squeeze %dma_wait3A_134 : memref<1x320xi32, #tpu.memory_space<hbm>> -> memref<320xi32, #tpu.memory_space<hbm>>
      tpu.wait_dma2 semaphore(%arg50 : memref<!tpu.dma_semaphore, #tpu.memory_space<semaphore_mem>>) src(%dma_wait3A_135 : memref<320xi32, #tpu.memory_space<hbm>>) dst(%arg9 : memref<320xi32, #tpu.memory_space<vmem>>)
      %dma_wait3A_136 = arith.constant 0 : i32
      %dma_wait3A_137 = tpu.memref_slice %arg4[%add3A_21, %dma_wait3A_136] : memref<1024x320xi32, #tpu.memory_space<hbm>> -> memref<1x320xi32, #tpu.memory_space<hbm>>
      %dma_wait3A_138 = tpu.memref_squeeze %dma_wait3A_137 : memref<1x320xi32, #tpu.memory_space<hbm>> -> memref<320xi32, #tpu.memory_space<hbm>>
      %dma_wait3A_139 = arith.constant 0 : i32
      %dma_wait3A_140 = tpu.memref_slice %arg4[%add3A_21, %dma_wait3A_139] : memref<1024x320xi32, #tpu.memory_space<hbm>> -> memref<1x320xi32, #tpu.memory_space<hbm>>
      %dma_wait3A_141 = tpu.memref_squeeze %dma_wait3A_140 : memref<1x320xi32, #tpu.memory_space<hbm>> -> memref<320xi32, #tpu.memory_space<hbm>>
      tpu.wait_dma2 semaphore(%arg50 : memref<!tpu.dma_semaphore, #tpu.memory_space<semaphore_mem>>) src(%dma_wait3A_141 : memref<320xi32, #tpu.memory_space<hbm>>) dst(%arg17 : memref<320xi32, #tpu.memory_space<vmem>>)
      %dma_start3A_142 = arith.constant 0 : i32
      %dma_start3A_143 = arith.constant 0 : i32
      %dma_start3A_144 = tpu.memref_slice %arg2[%arg0, %dma_start3A_142, %dma_start3A_143] : memref<2x10240x32xbf16, #tpu.memory_space<hbm>> -> memref<1x10240x32xbf16, #tpu.memory_space<hbm>>
      %dma_start3A_145 = tpu.memref_squeeze %dma_start3A_144 : memref<1x10240x32xbf16, #tpu.memory_space<hbm>> -> memref<10240x32xbf16, #tpu.memory_space<hbm>>
      %dma_start3A_146 = arith.constant 0 : i32
      %dma_start3A_147 = arith.constant 0 : i32
      %dma_start3A_148 = tpu.memref_slice %dma_start3A_145[%dma_start3A_146, %dma_start3A_147] : memref<10240x32xbf16, #tpu.memory_space<hbm>> -> memref<10240x32xbf16, #tpu.memory_space<hbm>>
      tpu.enqueue_indirect_dma source(%dma_start3A_148 : memref<10240x32xbf16, #tpu.memory_space<hbm>>) target(%arg25 : memref<320x32xbf16, #tpu.memory_space<vmem>>) offsets(%arg9 : memref<320xi32, #tpu.memory_space<vmem>>) semaphore(%arg34 : memref<!tpu.dma_semaphore, #tpu.memory_space<semaphore_mem>>)
      %dma_wait3A_149 = arith.constant 0 : i32
      %dma_wait3A_150 = tpu.memref_slice %arg3[%add3A_34, %dma_wait3A_149] : memref<1024x320xi32, #tpu.memory_space<hbm>> -> memref<1x320xi32, #tpu.memory_space<hbm>>
      %dma_wait3A_151 = tpu.memref_squeeze %dma_wait3A_150 : memref<1x320xi32, #tpu.memory_space<hbm>> -> memref<320xi32, #tpu.memory_space<hbm>>
      %dma_wait3A_152 = arith.constant 0 : i32
      %dma_wait3A_153 = tpu.memref_slice %arg3[%add3A_34, %dma_wait3A_152] : memref<1024x320xi32, #tpu.memory_space<hbm>> -> memref<1x320xi32, #tpu.memory_space<hbm>>
      %dma_wait3A_154 = tpu.memref_squeeze %dma_wait3A_153 : memref<1x320xi32, #tpu.memory_space<hbm>> -> memref<320xi32, #tpu.memory_space<hbm>>
      tpu.wait_dma2 semaphore(%arg51 : memref<!tpu.dma_semaphore, #tpu.memory_space<semaphore_mem>>) src(%dma_wait3A_154 : memref<320xi32, #tpu.memory_space<hbm>>) dst(%arg10 : memref<320xi32, #tpu.memory_space<vmem>>)
      %dma_wait3A_155 = arith.constant 0 : i32
      %dma_wait3A_156 = tpu.memref_slice %arg4[%add3A_34, %dma_wait3A_155] : memref<1024x320xi32, #tpu.memory_space<hbm>> -> memref<1x320xi32, #tpu.memory_space<hbm>>
      %dma_wait3A_157 = tpu.memref_squeeze %dma_wait3A_156 : memref<1x320xi32, #tpu.memory_space<hbm>> -> memref<320xi32, #tpu.memory_space<hbm>>
      %dma_wait3A_158 = arith.constant 0 : i32
      %dma_wait3A_159 = tpu.memref_slice %arg4[%add3A_34, %dma_wait3A_158] : memref<1024x320xi32, #tpu.memory_space<hbm>> -> memref<1x320xi32, #tpu.memory_space<hbm>>
      %dma_wait3A_160 = tpu.memref_squeeze %dma_wait3A_159 : memref<1x320xi32, #tpu.memory_space<hbm>> -> memref<320xi32, #tpu.memory_space<hbm>>
      tpu.wait_dma2 semaphore(%arg51 : memref<!tpu.dma_semaphore, #tpu.memory_space<semaphore_mem>>) src(%dma_wait3A_160 : memref<320xi32, #tpu.memory_space<hbm>>) dst(%arg18 : memref<320xi32, #tpu.memory_space<vmem>>)
      %dma_start3A_161 = arith.constant 0 : i32
      %dma_start3A_162 = arith.constant 0 : i32
      %dma_start3A_163 = tpu.memref_slice %arg2[%arg0, %dma_start3A_161, %dma_start3A_162] : memref<2x10240x32xbf16, #tpu.memory_space<hbm>> -> memref<1x10240x32xbf16, #tpu.memory_space<hbm>>
      %dma_start3A_164 = tpu.memref_squeeze %dma_start3A_163 : memref<1x10240x32xbf16, #tpu.memory_space<hbm>> -> memref<10240x32xbf16, #tpu.memory_space<hbm>>
      %dma_start3A_165 = arith.constant 0 : i32
      %dma_start3A_166 = arith.constant 0 : i32
      %dma_start3A_167 = tpu.memref_slice %dma_start3A_164[%dma_start3A_165, %dma_start3A_166] : memref<10240x32xbf16, #tpu.memory_space<hbm>> -> memref<10240x32xbf16, #tpu.memory_space<hbm>>
      tpu.enqueue_indirect_dma source(%dma_start3A_167 : memref<10240x32xbf16, #tpu.memory_space<hbm>>) target(%arg26 : memref<320x32xbf16, #tpu.memory_space<vmem>>) offsets(%arg10 : memref<320xi32, #tpu.memory_space<vmem>>) semaphore(%arg35 : memref<!tpu.dma_semaphore, #tpu.memory_space<semaphore_mem>>)
      %dma_wait3A_168 = arith.constant 0 : i32
      %dma_wait3A_169 = tpu.memref_slice %arg3[%add3A_48, %dma_wait3A_168] : memref<1024x320xi32, #tpu.memory_space<hbm>> -> memref<1x320xi32, #tpu.memory_space<hbm>>
      %dma_wait3A_170 = tpu.memref_squeeze %dma_wait3A_169 : memref<1x320xi32, #tpu.memory_space<hbm>> -> memref<320xi32, #tpu.memory_space<hbm>>
      %dma_wait3A_171 = arith.constant 0 : i32
      %dma_wait3A_172 = tpu.memref_slice %arg3[%add3A_48, %dma_wait3A_171] : memref<1024x320xi32, #tpu.memory_space<hbm>> -> memref<1x320xi32, #tpu.memory_space<hbm>>
      %dma_wait3A_173 = tpu.memref_squeeze %dma_wait3A_172 : memref<1x320xi32, #tpu.memory_space<hbm>> -> memref<320xi32, #tpu.memory_space<hbm>>
      tpu.wait_dma2 semaphore(%arg52 : memref<!tpu.dma_semaphore, #tpu.memory_space<semaphore_mem>>) src(%dma_wait3A_173 : memref<320xi32, #tpu.memory_space<hbm>>) dst(%arg11 : memref<320xi32, #tpu.memory_space<vmem>>)
      %dma_wait3A_174 = arith.constant 0 : i32
      %dma_wait3A_175 = tpu.memref_slice %arg4[%add3A_48, %dma_wait3A_174] : memref<1024x320xi32, #tpu.memory_space<hbm>> -> memref<1x320xi32, #tpu.memory_space<hbm>>
      %dma_wait3A_176 = tpu.memref_squeeze %dma_wait3A_175 : memref<1x320xi32, #tpu.memory_space<hbm>> -> memref<320xi32, #tpu.memory_space<hbm>>
      %dma_wait3A_177 = arith.constant 0 : i32
      %dma_wait3A_178 = tpu.memref_slice %arg4[%add3A_48, %dma_wait3A_177] : memref<1024x320xi32, #tpu.memory_space<hbm>> -> memref<1x320xi32, #tpu.memory_space<hbm>>
      %dma_wait3A_179 = tpu.memref_squeeze %dma_wait3A_178 : memref<1x320xi32, #tpu.memory_space<hbm>> -> memref<320xi32, #tpu.memory_space<hbm>>
      tpu.wait_dma2 semaphore(%arg52 : memref<!tpu.dma_semaphore, #tpu.memory_space<semaphore_mem>>) src(%dma_wait3A_179 : memref<320xi32, #tpu.memory_space<hbm>>) dst(%arg19 : memref<320xi32, #tpu.memory_space<vmem>>)
      %dma_start3A_180 = arith.constant 0 : i32
      %dma_start3A_181 = arith.constant 0 : i32
      %dma_start3A_182 = tpu.memref_slice %arg2[%arg0, %dma_start3A_180, %dma_start3A_181] : memref<2x10240x32xbf16, #tpu.memory_space<hbm>> -> memref<1x10240x32xbf16, #tpu.memory_space<hbm>>
      %dma_start3A_183 = tpu.memref_squeeze %dma_start3A_182 : memref<1x10240x32xbf16, #tpu.memory_space<hbm>> -> memref<10240x32xbf16, #tpu.memory_space<hbm>>
      %dma_start3A_184 = arith.constant 0 : i32
      %dma_start3A_185 = arith.constant 0 : i32
      %dma_start3A_186 = tpu.memref_slice %dma_start3A_183[%dma_start3A_184, %dma_start3A_185] : memref<10240x32xbf16, #tpu.memory_space<hbm>> -> memref<10240x32xbf16, #tpu.memory_space<hbm>>
      tpu.enqueue_indirect_dma source(%dma_start3A_186 : memref<10240x32xbf16, #tpu.memory_space<hbm>>) target(%arg27 : memref<320x32xbf16, #tpu.memory_space<vmem>>) offsets(%arg11 : memref<320xi32, #tpu.memory_space<vmem>>) semaphore(%arg36 : memref<!tpu.dma_semaphore, #tpu.memory_space<semaphore_mem>>)
      %dma_wait3A_187 = arith.constant 0 : i32
      %dma_wait3A_188 = tpu.memref_slice %arg3[%add3A_62, %dma_wait3A_187] : memref<1024x320xi32, #tpu.memory_space<hbm>> -> memref<1x320xi32, #tpu.memory_space<hbm>>
      %dma_wait3A_189 = tpu.memref_squeeze %dma_wait3A_188 : memref<1x320xi32, #tpu.memory_space<hbm>> -> memref<320xi32, #tpu.memory_space<hbm>>
      %dma_wait3A_190 = arith.constant 0 : i32
      %dma_wait3A_191 = tpu.memref_slice %arg3[%add3A_62, %dma_wait3A_190] : memref<1024x320xi32, #tpu.memory_space<hbm>> -> memref<1x320xi32, #tpu.memory_space<hbm>>
      %dma_wait3A_192 = tpu.memref_squeeze %dma_wait3A_191 : memref<1x320xi32, #tpu.memory_space<hbm>> -> memref<320xi32, #tpu.memory_space<hbm>>
      tpu.wait_dma2 semaphore(%arg53 : memref<!tpu.dma_semaphore, #tpu.memory_space<semaphore_mem>>) src(%dma_wait3A_192 : memref<320xi32, #tpu.memory_space<hbm>>) dst(%arg12 : memref<320xi32, #tpu.memory_space<vmem>>)
      %dma_wait3A_193 = arith.constant 0 : i32
      %dma_wait3A_194 = tpu.memref_slice %arg4[%add3A_62, %dma_wait3A_193] : memref<1024x320xi32, #tpu.memory_space<hbm>> -> memref<1x320xi32, #tpu.memory_space<hbm>>
      %dma_wait3A_195 = tpu.memref_squeeze %dma_wait3A_194 : memref<1x320xi32, #tpu.memory_space<hbm>> -> memref<320xi32, #tpu.memory_space<hbm>>
      %dma_wait3A_196 = arith.constant 0 : i32
      %dma_wait3A_197 = tpu.memref_slice %arg4[%add3A_62, %dma_wait3A_196] : memref<1024x320xi32, #tpu.memory_space<hbm>> -> memref<1x320xi32, #tpu.memory_space<hbm>>
      %dma_wait3A_198 = tpu.memref_squeeze %dma_wait3A_197 : memref<1x320xi32, #tpu.memory_space<hbm>> -> memref<320xi32, #tpu.memory_space<hbm>>
      tpu.wait_dma2 semaphore(%arg53 : memref<!tpu.dma_semaphore, #tpu.memory_space<semaphore_mem>>) src(%dma_wait3A_198 : memref<320xi32, #tpu.memory_space<hbm>>) dst(%arg20 : memref<320xi32, #tpu.memory_space<vmem>>)
      %dma_start3A_199 = arith.constant 0 : i32
      %dma_start3A_200 = arith.constant 0 : i32
      %dma_start3A_201 = tpu.memref_slice %arg2[%arg0, %dma_start3A_199, %dma_start3A_200] : memref<2x10240x32xbf16, #tpu.memory_space<hbm>> -> memref<1x10240x32xbf16, #tpu.memory_space<hbm>>
      %dma_start3A_202 = tpu.memref_squeeze %dma_start3A_201 : memref<1x10240x32xbf16, #tpu.memory_space<hbm>> -> memref<10240x32xbf16, #tpu.memory_space<hbm>>
      %dma_start3A_203 = arith.constant 0 : i32
      %dma_start3A_204 = arith.constant 0 : i32
      %dma_start3A_205 = tpu.memref_slice %dma_start3A_202[%dma_start3A_203, %dma_start3A_204] : memref<10240x32xbf16, #tpu.memory_space<hbm>> -> memref<10240x32xbf16, #tpu.memory_space<hbm>>
      tpu.enqueue_indirect_dma source(%dma_start3A_205 : memref<10240x32xbf16, #tpu.memory_space<hbm>>) target(%arg28 : memref<320x32xbf16, #tpu.memory_space<vmem>>) offsets(%arg12 : memref<320xi32, #tpu.memory_space<vmem>>) semaphore(%arg37 : memref<!tpu.dma_semaphore, #tpu.memory_space<semaphore_mem>>)
      %dma_wait3A_206 = arith.constant 0 : i32
      %dma_wait3A_207 = tpu.memref_slice %arg3[%add3A_76, %dma_wait3A_206] : memref<1024x320xi32, #tpu.memory_space<hbm>> -> memref<1x320xi32, #tpu.memory_space<hbm>>
      %dma_wait3A_208 = tpu.memref_squeeze %dma_wait3A_207 : memref<1x320xi32, #tpu.memory_space<hbm>> -> memref<320xi32, #tpu.memory_space<hbm>>
      %dma_wait3A_209 = arith.constant 0 : i32
      %dma_wait3A_210 = tpu.memref_slice %arg3[%add3A_76, %dma_wait3A_209] : memref<1024x320xi32, #tpu.memory_space<hbm>> -> memref<1x320xi32, #tpu.memory_space<hbm>>
      %dma_wait3A_211 = tpu.memref_squeeze %dma_wait3A_210 : memref<1x320xi32, #tpu.memory_space<hbm>> -> memref<320xi32, #tpu.memory_space<hbm>>
      tpu.wait_dma2 semaphore(%arg54 : memref<!tpu.dma_semaphore, #tpu.memory_space<semaphore_mem>>) src(%dma_wait3A_211 : memref<320xi32, #tpu.memory_space<hbm>>) dst(%arg13 : memref<320xi32, #tpu.memory_space<vmem>>)
      %dma_wait3A_212 = arith.constant 0 : i32
      %dma_wait3A_213 = tpu.memref_slice %arg4[%add3A_76, %dma_wait3A_212] : memref<1024x320xi32, #tpu.memory_space<hbm>> -> memref<1x320xi32, #tpu.memory_space<hbm>>
      %dma_wait3A_214 = tpu.memref_squeeze %dma_wait3A_213 : memref<1x320xi32, #tpu.memory_space<hbm>> -> memref<320xi32, #tpu.memory_space<hbm>>
      %dma_wait3A_215 = arith.constant 0 : i32
      %dma_wait3A_216 = tpu.memref_slice %arg4[%add3A_76, %dma_wait3A_215] : memref<1024x320xi32, #tpu.memory_space<hbm>> -> memref<1x320xi32, #tpu.memory_space<hbm>>
      %dma_wait3A_217 = tpu.memref_squeeze %dma_wait3A_216 : memref<1x320xi32, #tpu.memory_space<hbm>> -> memref<320xi32, #tpu.memory_space<hbm>>
      tpu.wait_dma2 semaphore(%arg54 : memref<!tpu.dma_semaphore, #tpu.memory_space<semaphore_mem>>) src(%dma_wait3A_217 : memref<320xi32, #tpu.memory_space<hbm>>) dst(%arg21 : memref<320xi32, #tpu.memory_space<vmem>>)
      %dma_start3A_218 = arith.constant 0 : i32
      %dma_start3A_219 = arith.constant 0 : i32
      %dma_start3A_220 = tpu.memref_slice %arg2[%arg0, %dma_start3A_218, %dma_start3A_219] : memref<2x10240x32xbf16, #tpu.memory_space<hbm>> -> memref<1x10240x32xbf16, #tpu.memory_space<hbm>>
      %dma_start3A_221 = tpu.memref_squeeze %dma_start3A_220 : memref<1x10240x32xbf16, #tpu.memory_space<hbm>> -> memref<10240x32xbf16, #tpu.memory_space<hbm>>
      %dma_start3A_222 = arith.constant 0 : i32
      %dma_start3A_223 = arith.constant 0 : i32
      %dma_start3A_224 = tpu.memref_slice %dma_start3A_221[%dma_start3A_222, %dma_start3A_223] : memref<10240x32xbf16, #tpu.memory_space<hbm>> -> memref<10240x32xbf16, #tpu.memory_space<hbm>>
      tpu.enqueue_indirect_dma source(%dma_start3A_224 : memref<10240x32xbf16, #tpu.memory_space<hbm>>) target(%arg29 : memref<320x32xbf16, #tpu.memory_space<vmem>>) offsets(%arg13 : memref<320xi32, #tpu.memory_space<vmem>>) semaphore(%arg38 : memref<!tpu.dma_semaphore, #tpu.memory_space<semaphore_mem>>)
      %dma_wait3A_225 = arith.constant 0 : i32
      %dma_wait3A_226 = tpu.memref_slice %arg3[%add3A_90, %dma_wait3A_225] : memref<1024x320xi32, #tpu.memory_space<hbm>> -> memref<1x320xi32, #tpu.memory_space<hbm>>
      %dma_wait3A_227 = tpu.memref_squeeze %dma_wait3A_226 : memref<1x320xi32, #tpu.memory_space<hbm>> -> memref<320xi32, #tpu.memory_space<hbm>>
      %dma_wait3A_228 = arith.constant 0 : i32
      %dma_wait3A_229 = tpu.memref_slice %arg3[%add3A_90, %dma_wait3A_228] : memref<1024x320xi32, #tpu.memory_space<hbm>> -> memref<1x320xi32, #tpu.memory_space<hbm>>
      %dma_wait3A_230 = tpu.memref_squeeze %dma_wait3A_229 : memref<1x320xi32, #tpu.memory_space<hbm>> -> memref<320xi32, #tpu.memory_space<hbm>>
      tpu.wait_dma2 semaphore(%arg55 : memref<!tpu.dma_semaphore, #tpu.memory_space<semaphore_mem>>) src(%dma_wait3A_230 : memref<320xi32, #tpu.memory_space<hbm>>) dst(%arg14 : memref<320xi32, #tpu.memory_space<vmem>>)
      %dma_wait3A_231 = arith.constant 0 : i32
      %dma_wait3A_232 = tpu.memref_slice %arg4[%add3A_90, %dma_wait3A_231] : memref<1024x320xi32, #tpu.memory_space<hbm>> -> memref<1x320xi32, #tpu.memory_space<hbm>>
      %dma_wait3A_233 = tpu.memref_squeeze %dma_wait3A_232 : memref<1x320xi32, #tpu.memory_space<hbm>> -> memref<320xi32, #tpu.memory_space<hbm>>
      %dma_wait3A_234 = arith.constant 0 : i32
      %dma_wait3A_235 = tpu.memref_slice %arg4[%add3A_90, %dma_wait3A_234] : memref<1024x320xi32, #tpu.memory_space<hbm>> -> memref<1x320xi32, #tpu.memory_space<hbm>>
      %dma_wait3A_236 = tpu.memref_squeeze %dma_wait3A_235 : memref<1x320xi32, #tpu.memory_space<hbm>> -> memref<320xi32, #tpu.memory_space<hbm>>
      tpu.wait_dma2 semaphore(%arg55 : memref<!tpu.dma_semaphore, #tpu.memory_space<semaphore_mem>>) src(%dma_wait3A_236 : memref<320xi32, #tpu.memory_space<hbm>>) dst(%arg22 : memref<320xi32, #tpu.memory_space<vmem>>)
      %dma_start3A_237 = arith.constant 0 : i32
      %dma_start3A_238 = arith.constant 0 : i32
      %dma_start3A_239 = tpu.memref_slice %arg2[%arg0, %dma_start3A_237, %dma_start3A_238] : memref<2x10240x32xbf16, #tpu.memory_space<hbm>> -> memref<1x10240x32xbf16, #tpu.memory_space<hbm>>
      %dma_start3A_240 = tpu.memref_squeeze %dma_start3A_239 : memref<1x10240x32xbf16, #tpu.memory_space<hbm>> -> memref<10240x32xbf16, #tpu.memory_space<hbm>>
      %dma_start3A_241 = arith.constant 0 : i32
      %dma_start3A_242 = arith.constant 0 : i32
      %dma_start3A_243 = tpu.memref_slice %dma_start3A_240[%dma_start3A_241, %dma_start3A_242] : memref<10240x32xbf16, #tpu.memory_space<hbm>> -> memref<10240x32xbf16, #tpu.memory_space<hbm>>
      tpu.enqueue_indirect_dma source(%dma_start3A_243 : memref<10240x32xbf16, #tpu.memory_space<hbm>>) target(%arg30 : memref<320x32xbf16, #tpu.memory_space<vmem>>) offsets(%arg14 : memref<320xi32, #tpu.memory_space<vmem>>) semaphore(%arg39 : memref<!tpu.dma_semaphore, #tpu.memory_space<semaphore_mem>>)
      %dma_wait3A_244 = arith.constant 0 : i32
      %dma_wait3A_245 = arith.constant 0 : i32
      %dma_wait3A_246 = tpu.memref_slice %arg2[%arg0, %dma_wait3A_244, %dma_wait3A_245] : memref<2x10240x32xbf16, #tpu.memory_space<hbm>> -> memref<1x10240x32xbf16, #tpu.memory_space<hbm>>
      %dma_wait3A_247 = tpu.memref_squeeze %dma_wait3A_246 : memref<1x10240x32xbf16, #tpu.memory_space<hbm>> -> memref<10240x32xbf16, #tpu.memory_space<hbm>>
      %dma_wait3A_248 = arith.constant 0 : i32
      %dma_wait3A_249 = arith.constant 0 : i32
      %dma_wait3A_250 = tpu.memref_slice %dma_wait3A_247[%dma_wait3A_248, %dma_wait3A_249] : memref<10240x32xbf16, #tpu.memory_space<hbm>> -> memref<10240x32xbf16, #tpu.memory_space<hbm>>
      tpu.wait_indirect_dma semaphore(%arg34 : memref<!tpu.dma_semaphore, #tpu.memory_space<semaphore_mem>>) src(%dma_wait3A_250 : memref<10240x32xbf16, #tpu.memory_space<hbm>>) dst(%arg25 : memref<320x32xbf16, #tpu.memory_space<vmem>>)
      %dma_start3A_251 = arith.constant 0 : i32
      %dma_start3A_252 = arith.constant 0 : i32
      %dma_start3A_253 = tpu.memref_slice %arg33[%dma_start3A_251, %dma_start3A_252] : memref<10240x32xbf16, #tpu.memory_space<vmem_shared>> -> memref<10240x32xbf16, #tpu.memory_space<vmem_shared>>
      tpu.enqueue_indirect_dma source(%arg25 : memref<320x32xbf16, #tpu.memory_space<vmem>>) target(%dma_start3A_253 : memref<10240x32xbf16, #tpu.memory_space<vmem_shared>>) offsets(%arg17 : memref<320xi32, #tpu.memory_space<vmem>>) semaphore(%arg42 : memref<!tpu.dma_semaphore, #tpu.memory_space<semaphore_mem>>) {add = true}
      %dma_wait3A_254 = arith.constant 0 : i32
      %dma_wait3A_255 = tpu.memref_slice %arg3[%add3A_104, %dma_wait3A_254] : memref<1024x320xi32, #tpu.memory_space<hbm>> -> memref<1x320xi32, #tpu.memory_space<hbm>>
      %dma_wait3A_256 = tpu.memref_squeeze %dma_wait3A_255 : memref<1x320xi32, #tpu.memory_space<hbm>> -> memref<320xi32, #tpu.memory_space<hbm>>
      %dma_wait3A_257 = arith.constant 0 : i32
      %dma_wait3A_258 = tpu.memref_slice %arg3[%add3A_104, %dma_wait3A_257] : memref<1024x320xi32, #tpu.memory_space<hbm>> -> memref<1x320xi32, #tpu.memory_space<hbm>>
      %dma_wait3A_259 = tpu.memref_squeeze %dma_wait3A_258 : memref<1x320xi32, #tpu.memory_space<hbm>> -> memref<320xi32, #tpu.memory_space<hbm>>
      tpu.wait_dma2 semaphore(%arg56 : memref<!tpu.dma_semaphore, #tpu.memory_space<semaphore_mem>>) src(%dma_wait3A_259 : memref<320xi32, #tpu.memory_space<hbm>>) dst(%arg15 : memref<320xi32, #tpu.memory_space<vmem>>)
      %dma_wait3A_260 = arith.constant 0 : i32
      %dma_wait3A_261 = tpu.memref_slice %arg4[%add3A_104, %dma_wait3A_260] : memref<1024x320xi32, #tpu.memory_space<hbm>> -> memref<1x320xi32, #tpu.memory_space<hbm>>
      %dma_wait3A_262 = tpu.memref_squeeze %dma_wait3A_261 : memref<1x320xi32, #tpu.memory_space<hbm>> -> memref<320xi32, #tpu.memory_space<hbm>>
      %dma_wait3A_263 = arith.constant 0 : i32
      %dma_wait3A_264 = tpu.memref_slice %arg4[%add3A_104, %dma_wait3A_263] : memref<1024x320xi32, #tpu.memory_space<hbm>> -> memref<1x320xi32, #tpu.memory_space<hbm>>
      %dma_wait3A_265 = tpu.memref_squeeze %dma_wait3A_264 : memref<1x320xi32, #tpu.memory_space<hbm>> -> memref<320xi32, #tpu.memory_space<hbm>>
      tpu.wait_dma2 semaphore(%arg56 : memref<!tpu.dma_semaphore, #tpu.memory_space<semaphore_mem>>) src(%dma_wait3A_265 : memref<320xi32, #tpu.memory_space<hbm>>) dst(%arg23 : memref<320xi32, #tpu.memory_space<vmem>>)
      %dma_start3A_266 = arith.constant 0 : i32
      %dma_start3A_267 = arith.constant 0 : i32
      %dma_start3A_268 = tpu.memref_slice %arg2[%arg0, %dma_start3A_266, %dma_start3A_267] : memref<2x10240x32xbf16, #tpu.memory_space<hbm>> -> memref<1x10240x32xbf16, #tpu.memory_space<hbm>>
      %dma_start3A_269 = tpu.memref_squeeze %dma_start3A_268 : memref<1x10240x32xbf16, #tpu.memory_space<hbm>> -> memref<10240x32xbf16, #tpu.memory_space<hbm>>
      %dma_start3A_270 = arith.constant 0 : i32
      %dma_start3A_271 = arith.constant 0 : i32
      %dma_start3A_272 = tpu.memref_slice %dma_start3A_269[%dma_start3A_270, %dma_start3A_271] : memref<10240x32xbf16, #tpu.memory_space<hbm>> -> memref<10240x32xbf16, #tpu.memory_space<hbm>>
      tpu.enqueue_indirect_dma source(%dma_start3A_272 : memref<10240x32xbf16, #tpu.memory_space<hbm>>) target(%arg31 : memref<320x32xbf16, #tpu.memory_space<vmem>>) offsets(%arg15 : memref<320xi32, #tpu.memory_space<vmem>>) semaphore(%arg40 : memref<!tpu.dma_semaphore, #tpu.memory_space<semaphore_mem>>)
      %dma_wait3A_273 = arith.constant 0 : i32
      %dma_wait3A_274 = arith.constant 0 : i32
      %dma_wait3A_275 = tpu.memref_slice %arg2[%arg0, %dma_wait3A_273, %dma_wait3A_274] : memref<2x10240x32xbf16, #tpu.memory_space<hbm>> -> memref<1x10240x32xbf16, #tpu.memory_space<hbm>>
      %dma_wait3A_276 = tpu.memref_squeeze %dma_wait3A_275 : memref<1x10240x32xbf16, #tpu.memory_space<hbm>> -> memref<10240x32xbf16, #tpu.memory_space<hbm>>
      %dma_wait3A_277 = arith.constant 0 : i32
      %dma_wait3A_278 = arith.constant 0 : i32
      %dma_wait3A_279 = tpu.memref_slice %dma_wait3A_276[%dma_wait3A_277, %dma_wait3A_278] : memref<10240x32xbf16, #tpu.memory_space<hbm>> -> memref<10240x32xbf16, #tpu.memory_space<hbm>>
      tpu.wait_indirect_dma semaphore(%arg35 : memref<!tpu.dma_semaphore, #tpu.memory_space<semaphore_mem>>) src(%dma_wait3A_279 : memref<10240x32xbf16, #tpu.memory_space<hbm>>) dst(%arg26 : memref<320x32xbf16, #tpu.memory_space<vmem>>)
      %dma_start3A_280 = arith.constant 0 : i32
      %dma_start3A_281 = arith.constant 0 : i32
      %dma_start3A_282 = tpu.memref_slice %arg33[%dma_start3A_280, %dma_start3A_281] : memref<10240x32xbf16, #tpu.memory_space<vmem_shared>> -> memref<10240x32xbf16, #tpu.memory_space<vmem_shared>>
      tpu.enqueue_indirect_dma source(%arg26 : memref<320x32xbf16, #tpu.memory_space<vmem>>) target(%dma_start3A_282 : memref<10240x32xbf16, #tpu.memory_space<vmem_shared>>) offsets(%arg18 : memref<320xi32, #tpu.memory_space<vmem>>) semaphore(%arg43 : memref<!tpu.dma_semaphore, #tpu.memory_space<semaphore_mem>>) {add = true}
      %dma_wait3A_283 = arith.constant 0 : i32
      %dma_wait3A_284 = tpu.memref_slice %arg3[%add3A_118, %dma_wait3A_283] : memref<1024x320xi32, #tpu.memory_space<hbm>> -> memref<1x320xi32, #tpu.memory_space<hbm>>
      %dma_wait3A_285 = tpu.memref_squeeze %dma_wait3A_284 : memref<1x320xi32, #tpu.memory_space<hbm>> -> memref<320xi32, #tpu.memory_space<hbm>>
      %dma_wait3A_286 = arith.constant 0 : i32
      %dma_wait3A_287 = tpu.memref_slice %arg3[%add3A_118, %dma_wait3A_286] : memref<1024x320xi32, #tpu.memory_space<hbm>> -> memref<1x320xi32, #tpu.memory_space<hbm>>
      %dma_wait3A_288 = tpu.memref_squeeze %dma_wait3A_287 : memref<1x320xi32, #tpu.memory_space<hbm>> -> memref<320xi32, #tpu.memory_space<hbm>>
      tpu.wait_dma2 semaphore(%arg57 : memref<!tpu.dma_semaphore, #tpu.memory_space<semaphore_mem>>) src(%dma_wait3A_288 : memref<320xi32, #tpu.memory_space<hbm>>) dst(%arg16 : memref<320xi32, #tpu.memory_space<vmem>>)
      %dma_wait3A_289 = arith.constant 0 : i32
      %dma_wait3A_290 = tpu.memref_slice %arg4[%add3A_118, %dma_wait3A_289] : memref<1024x320xi32, #tpu.memory_space<hbm>> -> memref<1x320xi32, #tpu.memory_space<hbm>>
      %dma_wait3A_291 = tpu.memref_squeeze %dma_wait3A_290 : memref<1x320xi32, #tpu.memory_space<hbm>> -> memref<320xi32, #tpu.memory_space<hbm>>
      %dma_wait3A_292 = arith.constant 0 : i32
      %dma_wait3A_293 = tpu.memref_slice %arg4[%add3A_118, %dma_wait3A_292] : memref<1024x320xi32, #tpu.memory_space<hbm>> -> memref<1x320xi32, #tpu.memory_space<hbm>>
      %dma_wait3A_294 = tpu.memref_squeeze %dma_wait3A_293 : memref<1x320xi32, #tpu.memory_space<hbm>> -> memref<320xi32, #tpu.memory_space<hbm>>
      tpu.wait_dma2 semaphore(%arg57 : memref<!tpu.dma_semaphore, #tpu.memory_space<semaphore_mem>>) src(%dma_wait3A_294 : memref<320xi32, #tpu.memory_space<hbm>>) dst(%arg24 : memref<320xi32, #tpu.memory_space<vmem>>)
      %dma_start3A_295 = arith.constant 0 : i32
      %dma_start3A_296 = arith.constant 0 : i32
      %dma_start3A_297 = tpu.memref_slice %arg2[%arg0, %dma_start3A_295, %dma_start3A_296] : memref<2x10240x32xbf16, #tpu.memory_space<hbm>> -> memref<1x10240x32xbf16, #tpu.memory_space<hbm>>
      %dma_start3A_298 = tpu.memref_squeeze %dma_start3A_297 : memref<1x10240x32xbf16, #tpu.memory_space<hbm>> -> memref<10240x32xbf16, #tpu.memory_space<hbm>>
      %dma_start3A_299 = arith.constant 0 : i32
      %dma_start3A_300 = arith.constant 0 : i32
      %dma_start3A_301 = tpu.memref_slice %dma_start3A_298[%dma_start3A_299, %dma_start3A_300] : memref<10240x32xbf16, #tpu.memory_space<hbm>> -> memref<10240x32xbf16, #tpu.memory_space<hbm>>
      tpu.enqueue_indirect_dma source(%dma_start3A_301 : memref<10240x32xbf16, #tpu.memory_space<hbm>>) target(%arg32 : memref<320x32xbf16, #tpu.memory_space<vmem>>) offsets(%arg16 : memref<320xi32, #tpu.memory_space<vmem>>) semaphore(%arg41 : memref<!tpu.dma_semaphore, #tpu.memory_space<semaphore_mem>>)
      %dma_wait3A_302 = arith.constant 0 : i32
      %dma_wait3A_303 = arith.constant 0 : i32
      %dma_wait3A_304 = tpu.memref_slice %arg2[%arg0, %dma_wait3A_302, %dma_wait3A_303] : memref<2x10240x32xbf16, #tpu.memory_space<hbm>> -> memref<1x10240x32xbf16, #tpu.memory_space<hbm>>
      %dma_wait3A_305 = tpu.memref_squeeze %dma_wait3A_304 : memref<1x10240x32xbf16, #tpu.memory_space<hbm>> -> memref<10240x32xbf16, #tpu.memory_space<hbm>>
      %dma_wait3A_306 = arith.constant 0 : i32
      %dma_wait3A_307 = arith.constant 0 : i32
      %dma_wait3A_308 = tpu.memref_slice %dma_wait3A_305[%dma_wait3A_306, %dma_wait3A_307] : memref<10240x32xbf16, #tpu.memory_space<hbm>> -> memref<10240x32xbf16, #tpu.memory_space<hbm>>
      tpu.wait_indirect_dma semaphore(%arg36 : memref<!tpu.dma_semaphore, #tpu.memory_space<semaphore_mem>>) src(%dma_wait3A_308 : memref<10240x32xbf16, #tpu.memory_space<hbm>>) dst(%arg27 : memref<320x32xbf16, #tpu.memory_space<vmem>>)
      %dma_start3A_309 = arith.constant 0 : i32
      %dma_start3A_310 = arith.constant 0 : i32
      %dma_start3A_311 = tpu.memref_slice %arg33[%dma_start3A_309, %dma_start3A_310] : memref<10240x32xbf16, #tpu.memory_space<vmem_shared>> -> memref<10240x32xbf16, #tpu.memory_space<vmem_shared>>
      tpu.enqueue_indirect_dma source(%arg27 : memref<320x32xbf16, #tpu.memory_space<vmem>>) target(%dma_start3A_311 : memref<10240x32xbf16, #tpu.memory_space<vmem_shared>>) offsets(%arg19 : memref<320xi32, #tpu.memory_space<vmem>>) semaphore(%arg44 : memref<!tpu.dma_semaphore, #tpu.memory_space<semaphore_mem>>) {add = true}
      %dma_wait3A_312 = arith.constant 0 : i32
      %dma_wait3A_313 = arith.constant 0 : i32
      %dma_wait3A_314 = tpu.memref_slice %arg2[%arg0, %dma_wait3A_312, %dma_wait3A_313] : memref<2x10240x32xbf16, #tpu.memory_space<hbm>> -> memref<1x10240x32xbf16, #tpu.memory_space<hbm>>
      %dma_wait3A_315 = tpu.memref_squeeze %dma_wait3A_314 : memref<1x10240x32xbf16, #tpu.memory_space<hbm>> -> memref<10240x32xbf16, #tpu.memory_space<hbm>>
      %dma_wait3A_316 = arith.constant 0 : i32
      %dma_wait3A_317 = arith.constant 0 : i32
      %dma_wait3A_318 = tpu.memref_slice %dma_wait3A_315[%dma_wait3A_316, %dma_wait3A_317] : memref<10240x32xbf16, #tpu.memory_space<hbm>> -> memref<10240x32xbf16, #tpu.memory_space<hbm>>
      tpu.wait_indirect_dma semaphore(%arg37 : memref<!tpu.dma_semaphore, #tpu.memory_space<semaphore_mem>>) src(%dma_wait3A_318 : memref<10240x32xbf16, #tpu.memory_space<hbm>>) dst(%arg28 : memref<320x32xbf16, #tpu.memory_space<vmem>>)
      %dma_start3A_319 = arith.constant 0 : i32
      %dma_start3A_320 = arith.constant 0 : i32
      %dma_start3A_321 = tpu.memref_slice %arg33[%dma_start3A_319, %dma_start3A_320] : memref<10240x32xbf16, #tpu.memory_space<vmem_shared>> -> memref<10240x32xbf16, #tpu.memory_space<vmem_shared>>
      tpu.enqueue_indirect_dma source(%arg28 : memref<320x32xbf16, #tpu.memory_space<vmem>>) target(%dma_start3A_321 : memref<10240x32xbf16, #tpu.memory_space<vmem_shared>>) offsets(%arg20 : memref<320xi32, #tpu.memory_space<vmem>>) semaphore(%arg45 : memref<!tpu.dma_semaphore, #tpu.memory_space<semaphore_mem>>) {add = true}
      %dma_wait3A_322 = arith.constant 0 : i32
      %dma_wait3A_323 = arith.constant 0 : i32
      %dma_wait3A_324 = tpu.memref_slice %arg2[%arg0, %dma_wait3A_322, %dma_wait3A_323] : memref<2x10240x32xbf16, #tpu.memory_space<hbm>> -> memref<1x10240x32xbf16, #tpu.memory_space<hbm>>
      %dma_wait3A_325 = tpu.memref_squeeze %dma_wait3A_324 : memref<1x10240x32xbf16, #tpu.memory_space<hbm>> -> memref<10240x32xbf16, #tpu.memory_space<hbm>>
      %dma_wait3A_326 = arith.constant 0 : i32
      %dma_wait3A_327 = arith.constant 0 : i32
      %dma_wait3A_328 = tpu.memref_slice %dma_wait3A_325[%dma_wait3A_326, %dma_wait3A_327] : memref<10240x32xbf16, #tpu.memory_space<hbm>> -> memref<10240x32xbf16, #tpu.memory_space<hbm>>
      tpu.wait_indirect_dma semaphore(%arg38 : memref<!tpu.dma_semaphore, #tpu.memory_space<semaphore_mem>>) src(%dma_wait3A_328 : memref<10240x32xbf16, #tpu.memory_space<hbm>>) dst(%arg29 : memref<320x32xbf16, #tpu.memory_space<vmem>>)
      %dma_start3A_329 = arith.constant 0 : i32
      %dma_start3A_330 = arith.constant 0 : i32
      %dma_start3A_331 = tpu.memref_slice %arg33[%dma_start3A_329, %dma_start3A_330] : memref<10240x32xbf16, #tpu.memory_space<vmem_shared>> -> memref<10240x32xbf16, #tpu.memory_space<vmem_shared>>
      tpu.enqueue_indirect_dma source(%arg29 : memref<320x32xbf16, #tpu.memory_space<vmem>>) target(%dma_start3A_331 : memref<10240x32xbf16, #tpu.memory_space<vmem_shared>>) offsets(%arg21 : memref<320xi32, #tpu.memory_space<vmem>>) semaphore(%arg46 : memref<!tpu.dma_semaphore, #tpu.memory_space<semaphore_mem>>) {add = true}
      %dma_wait3A_332 = arith.constant 0 : i32
      %dma_wait3A_333 = arith.constant 0 : i32
      %dma_wait3A_334 = tpu.memref_slice %arg2[%arg0, %dma_wait3A_332, %dma_wait3A_333] : memref<2x10240x32xbf16, #tpu.memory_space<hbm>> -> memref<1x10240x32xbf16, #tpu.memory_space<hbm>>
      %dma_wait3A_335 = tpu.memref_squeeze %dma_wait3A_334 : memref<1x10240x32xbf16, #tpu.memory_space<hbm>> -> memref<10240x32xbf16, #tpu.memory_space<hbm>>
      %dma_wait3A_336 = arith.constant 0 : i32
      %dma_wait3A_337 = arith.constant 0 : i32
      %dma_wait3A_338 = tpu.memref_slice %dma_wait3A_335[%dma_wait3A_336, %dma_wait3A_337] : memref<10240x32xbf16, #tpu.memory_space<hbm>> -> memref<10240x32xbf16, #tpu.memory_space<hbm>>
      tpu.wait_indirect_dma semaphore(%arg39 : memref<!tpu.dma_semaphore, #tpu.memory_space<semaphore_mem>>) src(%dma_wait3A_338 : memref<10240x32xbf16, #tpu.memory_space<hbm>>) dst(%arg30 : memref<320x32xbf16, #tpu.memory_space<vmem>>)
      %dma_start3A_339 = arith.constant 0 : i32
      %dma_start3A_340 = arith.constant 0 : i32
      %dma_start3A_341 = tpu.memref_slice %arg33[%dma_start3A_339, %dma_start3A_340] : memref<10240x32xbf16, #tpu.memory_space<vmem_shared>> -> memref<10240x32xbf16, #tpu.memory_space<vmem_shared>>
      tpu.enqueue_indirect_dma source(%arg30 : memref<320x32xbf16, #tpu.memory_space<vmem>>) target(%dma_start3A_341 : memref<10240x32xbf16, #tpu.memory_space<vmem_shared>>) offsets(%arg22 : memref<320xi32, #tpu.memory_space<vmem>>) semaphore(%arg47 : memref<!tpu.dma_semaphore, #tpu.memory_space<semaphore_mem>>) {add = true}
      %dma_wait3A_342 = arith.constant 0 : i32
      %dma_wait3A_343 = arith.constant 0 : i32
      %dma_wait3A_344 = tpu.memref_slice %arg2[%arg0, %dma_wait3A_342, %dma_wait3A_343] : memref<2x10240x32xbf16, #tpu.memory_space<hbm>> -> memref<1x10240x32xbf16, #tpu.memory_space<hbm>>
      %dma_wait3A_345 = tpu.memref_squeeze %dma_wait3A_344 : memref<1x10240x32xbf16, #tpu.memory_space<hbm>> -> memref<10240x32xbf16, #tpu.memory_space<hbm>>
      %dma_wait3A_346 = arith.constant 0 : i32
      %dma_wait3A_347 = arith.constant 0 : i32
      %dma_wait3A_348 = tpu.memref_slice %dma_wait3A_345[%dma_wait3A_346, %dma_wait3A_347] : memref<10240x32xbf16, #tpu.memory_space<hbm>> -> memref<10240x32xbf16, #tpu.memory_space<hbm>>
      tpu.wait_indirect_dma semaphore(%arg40 : memref<!tpu.dma_semaphore, #tpu.memory_space<semaphore_mem>>) src(%dma_wait3A_348 : memref<10240x32xbf16, #tpu.memory_space<hbm>>) dst(%arg31 : memref<320x32xbf16, #tpu.memory_space<vmem>>)
      %dma_start3A_349 = arith.constant 0 : i32
      %dma_start3A_350 = arith.constant 0 : i32
      %dma_start3A_351 = tpu.memref_slice %arg33[%dma_start3A_349, %dma_start3A_350] : memref<10240x32xbf16, #tpu.memory_space<vmem_shared>> -> memref<10240x32xbf16, #tpu.memory_space<vmem_shared>>
      tpu.enqueue_indirect_dma source(%arg31 : memref<320x32xbf16, #tpu.memory_space<vmem>>) target(%dma_start3A_351 : memref<10240x32xbf16, #tpu.memory_space<vmem_shared>>) offsets(%arg23 : memref<320xi32, #tpu.memory_space<vmem>>) semaphore(%arg48 : memref<!tpu.dma_semaphore, #tpu.memory_space<semaphore_mem>>) {add = true}
      %dma_wait3A_352 = arith.constant 0 : i32
      %dma_wait3A_353 = arith.constant 0 : i32
      %dma_wait3A_354 = tpu.memref_slice %arg2[%arg0, %dma_wait3A_352, %dma_wait3A_353] : memref<2x10240x32xbf16, #tpu.memory_space<hbm>> -> memref<1x10240x32xbf16, #tpu.memory_space<hbm>>
      %dma_wait3A_355 = tpu.memref_squeeze %dma_wait3A_354 : memref<1x10240x32xbf16, #tpu.memory_space<hbm>> -> memref<10240x32xbf16, #tpu.memory_space<hbm>>
      %dma_wait3A_356 = arith.constant 0 : i32
      %dma_wait3A_357 = arith.constant 0 : i32
      %dma_wait3A_358 = tpu.memref_slice %dma_wait3A_355[%dma_wait3A_356, %dma_wait3A_357] : memref<10240x32xbf16, #tpu.memory_space<hbm>> -> memref<10240x32xbf16, #tpu.memory_space<hbm>>
      tpu.wait_indirect_dma semaphore(%arg41 : memref<!tpu.dma_semaphore, #tpu.memory_space<semaphore_mem>>) src(%dma_wait3A_358 : memref<10240x32xbf16, #tpu.memory_space<hbm>>) dst(%arg32 : memref<320x32xbf16, #tpu.memory_space<vmem>>)
      %dma_start3A_359 = arith.constant 0 : i32
      %dma_start3A_360 = arith.constant 0 : i32
      %dma_start3A_361 = tpu.memref_slice %arg33[%dma_start3A_359, %dma_start3A_360] : memref<10240x32xbf16, #tpu.memory_space<vmem_shared>> -> memref<10240x32xbf16, #tpu.memory_space<vmem_shared>>
      tpu.enqueue_indirect_dma source(%arg32 : memref<320x32xbf16, #tpu.memory_space<vmem>>) target(%dma_start3A_361 : memref<10240x32xbf16, #tpu.memory_space<vmem_shared>>) offsets(%arg24 : memref<320xi32, #tpu.memory_space<vmem>>) semaphore(%arg49 : memref<!tpu.dma_semaphore, #tpu.memory_space<semaphore_mem>>) {add = true}
      %dma_wait3A_362 = arith.constant 0 : i32
      %dma_wait3A_363 = arith.constant 0 : i32
      %dma_wait3A_364 = tpu.memref_slice %arg33[%dma_wait3A_362, %dma_wait3A_363] : memref<10240x32xbf16, #tpu.memory_space<vmem_shared>> -> memref<10240x32xbf16, #tpu.memory_space<vmem_shared>>
      tpu.wait_indirect_dma semaphore(%arg42 : memref<!tpu.dma_semaphore, #tpu.memory_space<semaphore_mem>>) src(%arg25 : memref<320x32xbf16, #tpu.memory_space<vmem>>) dst(%dma_wait3A_364 : memref<10240x32xbf16, #tpu.memory_space<vmem_shared>>)
      %dma_wait3A_365 = arith.constant 0 : i32
      %dma_wait3A_366 = arith.constant 0 : i32
      %dma_wait3A_367 = tpu.memref_slice %arg33[%dma_wait3A_365, %dma_wait3A_366] : memref<10240x32xbf16, #tpu.memory_space<vmem_shared>> -> memref<10240x32xbf16, #tpu.memory_space<vmem_shared>>
      tpu.wait_indirect_dma semaphore(%arg43 : memref<!tpu.dma_semaphore, #tpu.memory_space<semaphore_mem>>) src(%arg26 : memref<320x32xbf16, #tpu.memory_space<vmem>>) dst(%dma_wait3A_367 : memref<10240x32xbf16, #tpu.memory_space<vmem_shared>>)
      %dma_wait3A_368 = arith.constant 0 : i32
      %dma_wait3A_369 = arith.constant 0 : i32
      %dma_wait3A_370 = tpu.memref_slice %arg33[%dma_wait3A_368, %dma_wait3A_369] : memref<10240x32xbf16, #tpu.memory_space<vmem_shared>> -> memref<10240x32xbf16, #tpu.memory_space<vmem_shared>>
      tpu.wait_indirect_dma semaphore(%arg44 : memref<!tpu.dma_semaphore, #tpu.memory_space<semaphore_mem>>) src(%arg27 : memref<320x32xbf16, #tpu.memory_space<vmem>>) dst(%dma_wait3A_370 : memref<10240x32xbf16, #tpu.memory_space<vmem_shared>>)
      %dma_wait3A_371 = arith.constant 0 : i32
      %dma_wait3A_372 = arith.constant 0 : i32
      %dma_wait3A_373 = tpu.memref_slice %arg33[%dma_wait3A_371, %dma_wait3A_372] : memref<10240x32xbf16, #tpu.memory_space<vmem_shared>> -> memref<10240x32xbf16, #tpu.memory_space<vmem_shared>>
      tpu.wait_indirect_dma semaphore(%arg45 : memref<!tpu.dma_semaphore, #tpu.memory_space<semaphore_mem>>) src(%arg28 : memref<320x32xbf16, #tpu.memory_space<vmem>>) dst(%dma_wait3A_373 : memref<10240x32xbf16, #tpu.memory_space<vmem_shared>>)
      %dma_wait3A_374 = arith.constant 0 : i32
      %dma_wait3A_375 = arith.constant 0 : i32
      %dma_wait3A_376 = tpu.memref_slice %arg33[%dma_wait3A_374, %dma_wait3A_375] : memref<10240x32xbf16, #tpu.memory_space<vmem_shared>> -> memref<10240x32xbf16, #tpu.memory_space<vmem_shared>>
      tpu.wait_indirect_dma semaphore(%arg46 : memref<!tpu.dma_semaphore, #tpu.memory_space<semaphore_mem>>) src(%arg29 : memref<320x32xbf16, #tpu.memory_space<vmem>>) dst(%dma_wait3A_376 : memref<10240x32xbf16, #tpu.memory_space<vmem_shared>>)
      %dma_wait3A_377 = arith.constant 0 : i32
      %dma_wait3A_378 = arith.constant 0 : i32
      %dma_wait3A_379 = tpu.memref_slice %arg33[%dma_wait3A_377, %dma_wait3A_378] : memref<10240x32xbf16, #tpu.memory_space<vmem_shared>> -> memref<10240x32xbf16, #tpu.memory_space<vmem_shared>>
      tpu.wait_indirect_dma semaphore(%arg47 : memref<!tpu.dma_semaphore, #tpu.memory_space<semaphore_mem>>) src(%arg30 : memref<320x32xbf16, #tpu.memory_space<vmem>>) dst(%dma_wait3A_379 : memref<10240x32xbf16, #tpu.memory_space<vmem_shared>>)
      %dma_wait3A_380 = arith.constant 0 : i32
      %dma_wait3A_381 = arith.constant 0 : i32
      %dma_wait3A_382 = tpu.memref_slice %arg33[%dma_wait3A_380, %dma_wait3A_381] : memref<10240x32xbf16, #tpu.memory_space<vmem_shared>> -> memref<10240x32xbf16, #tpu.memory_space<vmem_shared>>
      tpu.wait_indirect_dma semaphore(%arg48 : memref<!tpu.dma_semaphore, #tpu.memory_space<semaphore_mem>>) src(%arg31 : memref<320x32xbf16, #tpu.memory_space<vmem>>) dst(%dma_wait3A_382 : memref<10240x32xbf16, #tpu.memory_space<vmem_shared>>)
      %dma_wait3A_383 = arith.constant 0 : i32
      %dma_wait3A_384 = arith.constant 0 : i32
      %dma_wait3A_385 = tpu.memref_slice %arg33[%dma_wait3A_383, %dma_wait3A_384] : memref<10240x32xbf16, #tpu.memory_space<vmem_shared>> -> memref<10240x32xbf16, #tpu.memory_space<vmem_shared>>
      tpu.wait_indirect_dma semaphore(%arg49 : memref<!tpu.dma_semaphore, #tpu.memory_space<semaphore_mem>>) src(%arg32 : memref<320x32xbf16, #tpu.memory_space<vmem>>) dst(%dma_wait3A_385 : memref<10240x32xbf16, #tpu.memory_space<vmem_shared>>)
    }
    %scan3A_6 = arith.constant 8 : i32
    %barrier3A_7 = arith.constant 0 : index
    tpu.barrier barrier_id(%barrier3A_7)
    "tpu.region"() ({
      %run_scoped3A = tpu.sem_alloc : memref<!tpu.dma_semaphore, #tpu.memory_space<semaphore_mem>>
      %dma_start3A = arith.constant 0 : i32
      %dma_start3A_8 = arith.constant 0 : i32
      %dma_start3A_9 = tpu.memref_slice %arg8[%arg0, %dma_start3A, %dma_start3A_8] : memref<2x10240x32xbf16, #tpu.memory_space<hbm>> -> memref<1x10240x32xbf16, #tpu.memory_space<hbm>>
      %dma_start3A_10 = tpu.memref_squeeze %dma_start3A_9 : memref<1x10240x32xbf16, #tpu.memory_space<hbm>> -> memref<10240x32xbf16, #tpu.memory_space<hbm>>
      %dma_start3A_11 = arith.constant 0 : i32
      %dma_start3A_12 = tpu.memref_slice %dma_start3A_10[%mul3A_0, %dma_start3A_11] : memref<10240x32xbf16, #tpu.memory_space<hbm>> -> memref<640x32xbf16, #tpu.memory_space<hbm>>
      %dma_start3A_13 = arith.constant 0 : i32
      %dma_start3A_14 = tpu.memref_slice %arg33[%mul3A_0, %dma_start3A_13] : memref<10240x32xbf16, #tpu.memory_space<vmem_shared>> -> memref<640x32xbf16, #tpu.memory_space<vmem_shared>>
      tpu.enqueue_dma source(%dma_start3A_14 : memref<640x32xbf16, #tpu.memory_space<vmem_shared>>) target(%dma_start3A_12 : memref<640x32xbf16, #tpu.memory_space<hbm>>) target_semaphore(%run_scoped3A : memref<!tpu.dma_semaphore, #tpu.memory_space<semaphore_mem>>)
      %dma_wait3A = arith.constant 0 : i32
      %dma_wait3A_15 = arith.constant 0 : i32
      %dma_wait3A_16 = tpu.memref_slice %arg8[%arg0, %dma_wait3A, %dma_wait3A_15] : memref<2x10240x32xbf16, #tpu.memory_space<hbm>> -> memref<1x10240x32xbf16, #tpu.memory_space<hbm>>
      %dma_wait3A_17 = tpu.memref_squeeze %dma_wait3A_16 : memref<1x10240x32xbf16, #tpu.memory_space<hbm>> -> memref<10240x32xbf16, #tpu.memory_space<hbm>>
      %dma_wait3A_18 = arith.constant 0 : i32
      %dma_wait3A_19 = tpu.memref_slice %dma_wait3A_17[%mul3A_0, %dma_wait3A_18] : memref<10240x32xbf16, #tpu.memory_space<hbm>> -> memref<640x32xbf16, #tpu.memory_space<hbm>>
      %dma_wait3A_20 = arith.constant 0 : i32
      %dma_wait3A_21 = tpu.memref_slice %arg33[%mul3A_0, %dma_wait3A_20] : memref<10240x32xbf16, #tpu.memory_space<vmem_shared>> -> memref<640x32xbf16, #tpu.memory_space<vmem_shared>>
      tpu.wait_dma2 semaphore(%run_scoped3A : memref<!tpu.dma_semaphore, #tpu.memory_space<semaphore_mem>>) src(%dma_wait3A_21 : memref<640x32xbf16, #tpu.memory_space<vmem_shared>>) dst(%dma_wait3A_19 : memref<640x32xbf16, #tpu.memory_space<hbm>>)
      tpu.yield
    }) : () -> ()
    return
  }
}

#map = affine_map<(d0, d1) -> (0, 0, 0)>
#map1 = affine_map<(d0, d1) -> (0, 0)>
module attributes {stable_mosaic.version = 14 : i64} {
  func.func @body(%arg0: i32, %arg1: i32, %arg2: memref<2x10240x64xbf16, #tpu.memory_space<hbm>>, %arg3: memref<1024x320xi32, #tpu.memory_space<hbm>>, %arg4: memref<1024x320xi32, #tpu.memory_space<hbm>>, %arg5: memref<640x64xbf16, #tpu.memory_space<hbm>>, %arg6: memref<640x16xf32, #tpu.memory_space<hbm>>, %arg7: memref<320x16xf32, #tpu.memory_space<hbm>>, %arg8: memref<2x10240x64xbf16, #tpu.memory_space<hbm>>, %arg9: memref<2x10240x16xf32, #tpu.memory_space<hbm>>, %arg10: memref<320xi32, #tpu.memory_space<vmem>>, %arg11: memref<320xi32, #tpu.memory_space<vmem>>, %arg12: memref<320xi32, #tpu.memory_space<vmem>>, %arg13: memref<320xi32, #tpu.memory_space<vmem>>, %arg14: memref<320xi32, #tpu.memory_space<vmem>>, %arg15: memref<320xi32, #tpu.memory_space<vmem>>, %arg16: memref<320xi32, #tpu.memory_space<vmem>>, %arg17: memref<320xi32, #tpu.memory_space<vmem>>, %arg18: memref<320xi32, #tpu.memory_space<vmem>>, %arg19: memref<320xi32, #tpu.memory_space<vmem>>, %arg20: memref<320xi32, #tpu.memory_space<vmem>>, %arg21: memref<320xi32, #tpu.memory_space<vmem>>, %arg22: memref<320xi32, #tpu.memory_space<vmem>>, %arg23: memref<320xi32, #tpu.memory_space<vmem>>, %arg24: memref<320xi32, #tpu.memory_space<vmem>>, %arg25: memref<320xi32, #tpu.memory_space<vmem>>, %arg26: memref<320x64xbf16, #tpu.memory_space<vmem>>, %arg27: memref<320x64xbf16, #tpu.memory_space<vmem>>, %arg28: memref<320x64xbf16, #tpu.memory_space<vmem>>, %arg29: memref<320x64xbf16, #tpu.memory_space<vmem>>, %arg30: memref<320x64xbf16, #tpu.memory_space<vmem>>, %arg31: memref<320x64xbf16, #tpu.memory_space<vmem>>, %arg32: memref<320x64xbf16, #tpu.memory_space<vmem>>, %arg33: memref<320x64xbf16, #tpu.memory_space<vmem>>, %arg34: memref<10240x64xbf16, #tpu.memory_space<vmem_shared>>, %arg35: memref<!tpu.dma_semaphore, #tpu.memory_space<semaphore_mem>>, %arg36: memref<!tpu.dma_semaphore, #tpu.memory_space<semaphore_mem>>, %arg37: memref<!tpu.dma_semaphore, #tpu.memory_space<semaphore_mem>>, %arg38: memref<!tpu.dma_semaphore, #tpu.memory_space<semaphore_mem>>, %arg39: memref<!tpu.dma_semaphore, #tpu.memory_space<semaphore_mem>>, %arg40: memref<!tpu.dma_semaphore, #tpu.memory_space<semaphore_mem>>, %arg41: memref<!tpu.dma_semaphore, #tpu.memory_space<semaphore_mem>>, %arg42: memref<!tpu.dma_semaphore, #tpu.memory_space<semaphore_mem>>, %arg43: memref<!tpu.dma_semaphore, #tpu.memory_space<semaphore_mem>>, %arg44: memref<!tpu.dma_semaphore, #tpu.memory_space<semaphore_mem>>, %arg45: memref<!tpu.dma_semaphore, #tpu.memory_space<semaphore_mem>>, %arg46: memref<!tpu.dma_semaphore, #tpu.memory_space<semaphore_mem>>, %arg47: memref<!tpu.dma_semaphore, #tpu.memory_space<semaphore_mem>>, %arg48: memref<!tpu.dma_semaphore, #tpu.memory_space<semaphore_mem>>, %arg49: memref<!tpu.dma_semaphore, #tpu.memory_space<semaphore_mem>>, %arg50: memref<!tpu.dma_semaphore, #tpu.memory_space<semaphore_mem>>, %arg51: memref<!tpu.dma_semaphore, #tpu.memory_space<semaphore_mem>>, %arg52: memref<!tpu.dma_semaphore, #tpu.memory_space<semaphore_mem>>, %arg53: memref<!tpu.dma_semaphore, #tpu.memory_space<semaphore_mem>>, %arg54: memref<!tpu.dma_semaphore, #tpu.memory_space<semaphore_mem>>, %arg55: memref<!tpu.dma_semaphore, #tpu.memory_space<semaphore_mem>>, %arg56: memref<!tpu.dma_semaphore, #tpu.memory_space<semaphore_mem>>, %arg57: memref<!tpu.dma_semaphore, #tpu.memory_space<semaphore_mem>>, %arg58: memref<!tpu.dma_semaphore, #tpu.memory_space<semaphore_mem>>, %arg59: memref<320x16xf32, #tpu.memory_space<vmem>>, %arg60: memref<10240x16xf32, #tpu.memory_space<vmem_shared>>) attributes {dimension_semantics = [#tpu.dimension_semantics<core_parallel>, #tpu.dimension_semantics<subcore_parallel>], iteration_bounds = array<i64: 2, 16>, scalar_prefetch = 0 : i64, scratch_operands = 51 : i64, tpu.core_type = #tpu.core_type<sc_vector_subcore>, window_params = [{transform_indices = #map}, {transform_indices = #map1}, {transform_indices = #map1}, {transform_indices = #map1}, {transform_indices = #map1}, {transform_indices = #map1}, {transform_indices = #map}, {transform_indices = #map}]} {
    %mul3A = arith.constant 640 : i32
    %mul3A_0 = arith.muli %arg1, %mul3A : i32
    %mul3A_1 = arith.constant 64 : i32
    %mul3A_2 = arith.muli %arg1, %mul3A_1 : i32
    "tpu.region"() ({
      %run_scoped3A = tpu.sem_alloc : memref<!tpu.dma_semaphore, #tpu.memory_space<semaphore_mem>>
      %dma_start3A = arith.constant 0 : i32
      %dma_start3A_8 = tpu.memref_slice %arg34[%mul3A_0, %dma_start3A] : memref<10240x64xbf16, #tpu.memory_space<vmem_shared>> -> memref<640x64xbf16, #tpu.memory_space<vmem_shared>>
      tpu.enqueue_dma source(%arg5 : memref<640x64xbf16, #tpu.memory_space<hbm>>) target(%dma_start3A_8 : memref<640x64xbf16, #tpu.memory_space<vmem_shared>>) target_semaphore(%run_scoped3A : memref<!tpu.dma_semaphore, #tpu.memory_space<semaphore_mem>>)
      %dma_wait3A = arith.constant 0 : i32
      %dma_wait3A_9 = tpu.memref_slice %arg34[%mul3A_0, %dma_wait3A] : memref<10240x64xbf16, #tpu.memory_space<vmem_shared>> -> memref<640x64xbf16, #tpu.memory_space<vmem_shared>>
      tpu.wait_dma2 semaphore(%run_scoped3A : memref<!tpu.dma_semaphore, #tpu.memory_space<semaphore_mem>>) src(%arg5 : memref<640x64xbf16, #tpu.memory_space<hbm>>) dst(%dma_wait3A_9 : memref<640x64xbf16, #tpu.memory_space<vmem_shared>>)
      tpu.yield
    }) : () -> ()
    "tpu.region"() ({
      %run_scoped3A = tpu.sem_alloc : memref<!tpu.dma_semaphore, #tpu.memory_space<semaphore_mem>>
      %dma_start3A = arith.constant 0 : i32
      %dma_start3A_8 = tpu.memref_slice %arg60[%mul3A_0, %dma_start3A] : memref<10240x16xf32, #tpu.memory_space<vmem_shared>> -> memref<640x16xf32, #tpu.memory_space<vmem_shared>>
      tpu.enqueue_dma source(%arg6 : memref<640x16xf32, #tpu.memory_space<hbm>>) target(%dma_start3A_8 : memref<640x16xf32, #tpu.memory_space<vmem_shared>>) target_semaphore(%run_scoped3A : memref<!tpu.dma_semaphore, #tpu.memory_space<semaphore_mem>>)
      %dma_wait3A = arith.constant 0 : i32
      %dma_wait3A_9 = tpu.memref_slice %arg60[%mul3A_0, %dma_wait3A] : memref<10240x16xf32, #tpu.memory_space<vmem_shared>> -> memref<640x16xf32, #tpu.memory_space<vmem_shared>>
      tpu.wait_dma2 semaphore(%run_scoped3A : memref<!tpu.dma_semaphore, #tpu.memory_space<semaphore_mem>>) src(%arg6 : memref<640x16xf32, #tpu.memory_space<hbm>>) dst(%dma_wait3A_9 : memref<640x16xf32, #tpu.memory_space<vmem_shared>>)
      tpu.yield
    }) : () -> ()
    "tpu.region"() ({
      %run_scoped3A = tpu.sem_alloc : memref<!tpu.dma_semaphore, #tpu.memory_space<semaphore_mem>>
      tpu.enqueue_dma source(%arg7 : memref<320x16xf32, #tpu.memory_space<hbm>>) target(%arg59 : memref<320x16xf32, #tpu.memory_space<vmem>>) target_semaphore(%run_scoped3A : memref<!tpu.dma_semaphore, #tpu.memory_space<semaphore_mem>>)
      tpu.wait_dma2 semaphore(%run_scoped3A : memref<!tpu.dma_semaphore, #tpu.memory_space<semaphore_mem>>) src(%arg7 : memref<320x16xf32, #tpu.memory_space<hbm>>) dst(%arg59 : memref<320x16xf32, #tpu.memory_space<vmem>>)
      tpu.yield
    }) : () -> ()
    %barrier3A = arith.constant 0 : index
    tpu.barrier barrier_id(%barrier3A)
    %scan3A = arith.constant 0 : i32
    %scan3A_3 = arith.constant 8 : i32
    %scan3A_4 = arith.addi %scan3A, %scan3A_3 : i32
    %scan3A_5 = arith.constant 1 : i32
    scf.for %scan3A_8 = %scan3A to %scan3A_4 step %scan3A_5  : i32 {
      %mul3A_9 = arith.constant 1 : i32
      %mul3A_10 = arith.muli %scan3A_8, %mul3A_9 : i32
      %add3A = arith.constant 0 : i32
      %add3A_11 = arith.addi %add3A, %mul3A_10 : i32
      %eq3A = arith.constant 0 : i32
      %eq3A_12 = arith.cmpi eq, %arg0, %eq3A : i32
      %lt3A = arith.constant 4 : i32
      %lt3A_13 = arith.cmpi slt, %add3A_11, %lt3A : i32
      %eq3A_14 = arith.xori %eq3A_12, %lt3A_13 : i1
      %eq3A_15 = arith.constant true
      %eq3A_16 = arith.xori %eq3A_14, %eq3A_15 : i1
      %mul3A_17 = arith.constant 8 : i32
      %mul3A_18 = arith.muli %add3A_11, %mul3A_17 : i32
      %add3A_19 = arith.addi %mul3A_2, %mul3A_18 : i32
      %add3A_20 = arith.constant 0 : i32
      %add3A_21 = arith.addi %add3A_19, %add3A_20 : i32
      %dma_start3A = arith.constant 0 : i32
      %dma_start3A_22 = tpu.memref_slice %arg3[%add3A_21, %dma_start3A] : memref<1024x320xi32, #tpu.memory_space<hbm>> -> memref<1x320xi32, #tpu.memory_space<hbm>>
      %dma_start3A_23 = tpu.memref_squeeze %dma_start3A_22 : memref<1x320xi32, #tpu.memory_space<hbm>> -> memref<320xi32, #tpu.memory_space<hbm>>
      %dma_start3A_24 = arith.constant 0 : i32
      %dma_start3A_25 = tpu.memref_slice %arg3[%add3A_21, %dma_start3A_24] : memref<1024x320xi32, #tpu.memory_space<hbm>> -> memref<1x320xi32, #tpu.memory_space<hbm>>
      %dma_start3A_26 = tpu.memref_squeeze %dma_start3A_25 : memref<1x320xi32, #tpu.memory_space<hbm>> -> memref<320xi32, #tpu.memory_space<hbm>>
      tpu.enqueue_dma source(%dma_start3A_26 : memref<320xi32, #tpu.memory_space<hbm>>) target(%arg10 : memref<320xi32, #tpu.memory_space<vmem>>) target_semaphore(%arg51 : memref<!tpu.dma_semaphore, #tpu.memory_space<semaphore_mem>>)
      %dma_start3A_27 = arith.constant 0 : i32
      %dma_start3A_28 = tpu.memref_slice %arg4[%add3A_21, %dma_start3A_27] : memref<1024x320xi32, #tpu.memory_space<hbm>> -> memref<1x320xi32, #tpu.memory_space<hbm>>
      %dma_start3A_29 = tpu.memref_squeeze %dma_start3A_28 : memref<1x320xi32, #tpu.memory_space<hbm>> -> memref<320xi32, #tpu.memory_space<hbm>>
      %dma_start3A_30 = arith.constant 0 : i32
      %dma_start3A_31 = tpu.memref_slice %arg4[%add3A_21, %dma_start3A_30] : memref<1024x320xi32, #tpu.memory_space<hbm>> -> memref<1x320xi32, #tpu.memory_space<hbm>>
      %dma_start3A_32 = tpu.memref_squeeze %dma_start3A_31 : memref<1x320xi32, #tpu.memory_space<hbm>> -> memref<320xi32, #tpu.memory_space<hbm>>
      tpu.enqueue_dma source(%dma_start3A_32 : memref<320xi32, #tpu.memory_space<hbm>>) target(%arg18 : memref<320xi32, #tpu.memory_space<vmem>>) target_semaphore(%arg51 : memref<!tpu.dma_semaphore, #tpu.memory_space<semaphore_mem>>)
      %add3A_33 = arith.constant 1 : i32
      %add3A_34 = arith.addi %add3A_19, %add3A_33 : i32
      %dma_start3A_35 = arith.constant 0 : i32
      %dma_start3A_36 = tpu.memref_slice %arg3[%add3A_34, %dma_start3A_35] : memref<1024x320xi32, #tpu.memory_space<hbm>> -> memref<1x320xi32, #tpu.memory_space<hbm>>
      %dma_start3A_37 = tpu.memref_squeeze %dma_start3A_36 : memref<1x320xi32, #tpu.memory_space<hbm>> -> memref<320xi32, #tpu.memory_space<hbm>>
      %dma_start3A_38 = arith.constant 0 : i32
      %dma_start3A_39 = tpu.memref_slice %arg3[%add3A_34, %dma_start3A_38] : memref<1024x320xi32, #tpu.memory_space<hbm>> -> memref<1x320xi32, #tpu.memory_space<hbm>>
      %dma_start3A_40 = tpu.memref_squeeze %dma_start3A_39 : memref<1x320xi32, #tpu.memory_space<hbm>> -> memref<320xi32, #tpu.memory_space<hbm>>
      tpu.enqueue_dma source(%dma_start3A_40 : memref<320xi32, #tpu.memory_space<hbm>>) target(%arg11 : memref<320xi32, #tpu.memory_space<vmem>>) target_semaphore(%arg52 : memref<!tpu.dma_semaphore, #tpu.memory_space<semaphore_mem>>)
      %dma_start3A_41 = arith.constant 0 : i32
      %dma_start3A_42 = tpu.memref_slice %arg4[%add3A_34, %dma_start3A_41] : memref<1024x320xi32, #tpu.memory_space<hbm>> -> memref<1x320xi32, #tpu.memory_space<hbm>>
      %dma_start3A_43 = tpu.memref_squeeze %dma_start3A_42 : memref<1x320xi32, #tpu.memory_space<hbm>> -> memref<320xi32, #tpu.memory_space<hbm>>
      %dma_start3A_44 = arith.constant 0 : i32
      %dma_start3A_45 = tpu.memref_slice %arg4[%add3A_34, %dma_start3A_44] : memref<1024x320xi32, #tpu.memory_space<hbm>> -> memref<1x320xi32, #tpu.memory_space<hbm>>
      %dma_start3A_46 = tpu.memref_squeeze %dma_start3A_45 : memref<1x320xi32, #tpu.memory_space<hbm>> -> memref<320xi32, #tpu.memory_space<hbm>>
      tpu.enqueue_dma source(%dma_start3A_46 : memref<320xi32, #tpu.memory_space<hbm>>) target(%arg19 : memref<320xi32, #tpu.memory_space<vmem>>) target_semaphore(%arg52 : memref<!tpu.dma_semaphore, #tpu.memory_space<semaphore_mem>>)
      %add3A_47 = arith.constant 2 : i32
      %add3A_48 = arith.addi %add3A_19, %add3A_47 : i32
      %dma_start3A_49 = arith.constant 0 : i32
      %dma_start3A_50 = tpu.memref_slice %arg3[%add3A_48, %dma_start3A_49] : memref<1024x320xi32, #tpu.memory_space<hbm>> -> memref<1x320xi32, #tpu.memory_space<hbm>>
      %dma_start3A_51 = tpu.memref_squeeze %dma_start3A_50 : memref<1x320xi32, #tpu.memory_space<hbm>> -> memref<320xi32, #tpu.memory_space<hbm>>
      %dma_start3A_52 = arith.constant 0 : i32
      %dma_start3A_53 = tpu.memref_slice %arg3[%add3A_48, %dma_start3A_52] : memref<1024x320xi32, #tpu.memory_space<hbm>> -> memref<1x320xi32, #tpu.memory_space<hbm>>
      %dma_start3A_54 = tpu.memref_squeeze %dma_start3A_53 : memref<1x320xi32, #tpu.memory_space<hbm>> -> memref<320xi32, #tpu.memory_space<hbm>>
      tpu.enqueue_dma source(%dma_start3A_54 : memref<320xi32, #tpu.memory_space<hbm>>) target(%arg12 : memref<320xi32, #tpu.memory_space<vmem>>) target_semaphore(%arg53 : memref<!tpu.dma_semaphore, #tpu.memory_space<semaphore_mem>>)
      %dma_start3A_55 = arith.constant 0 : i32
      %dma_start3A_56 = tpu.memref_slice %arg4[%add3A_48, %dma_start3A_55] : memref<1024x320xi32, #tpu.memory_space<hbm>> -> memref<1x320xi32, #tpu.memory_space<hbm>>
      %dma_start3A_57 = tpu.memref_squeeze %dma_start3A_56 : memref<1x320xi32, #tpu.memory_space<hbm>> -> memref<320xi32, #tpu.memory_space<hbm>>
      %dma_start3A_58 = arith.constant 0 : i32
      %dma_start3A_59 = tpu.memref_slice %arg4[%add3A_48, %dma_start3A_58] : memref<1024x320xi32, #tpu.memory_space<hbm>> -> memref<1x320xi32, #tpu.memory_space<hbm>>
      %dma_start3A_60 = tpu.memref_squeeze %dma_start3A_59 : memref<1x320xi32, #tpu.memory_space<hbm>> -> memref<320xi32, #tpu.memory_space<hbm>>
      tpu.enqueue_dma source(%dma_start3A_60 : memref<320xi32, #tpu.memory_space<hbm>>) target(%arg20 : memref<320xi32, #tpu.memory_space<vmem>>) target_semaphore(%arg53 : memref<!tpu.dma_semaphore, #tpu.memory_space<semaphore_mem>>)
      %add3A_61 = arith.constant 3 : i32
      %add3A_62 = arith.addi %add3A_19, %add3A_61 : i32
      %dma_start3A_63 = arith.constant 0 : i32
      %dma_start3A_64 = tpu.memref_slice %arg3[%add3A_62, %dma_start3A_63] : memref<1024x320xi32, #tpu.memory_space<hbm>> -> memref<1x320xi32, #tpu.memory_space<hbm>>
      %dma_start3A_65 = tpu.memref_squeeze %dma_start3A_64 : memref<1x320xi32, #tpu.memory_space<hbm>> -> memref<320xi32, #tpu.memory_space<hbm>>
      %dma_start3A_66 = arith.constant 0 : i32
      %dma_start3A_67 = tpu.memref_slice %arg3[%add3A_62, %dma_start3A_66] : memref<1024x320xi32, #tpu.memory_space<hbm>> -> memref<1x320xi32, #tpu.memory_space<hbm>>
      %dma_start3A_68 = tpu.memref_squeeze %dma_start3A_67 : memref<1x320xi32, #tpu.memory_space<hbm>> -> memref<320xi32, #tpu.memory_space<hbm>>
      tpu.enqueue_dma source(%dma_start3A_68 : memref<320xi32, #tpu.memory_space<hbm>>) target(%arg13 : memref<320xi32, #tpu.memory_space<vmem>>) target_semaphore(%arg54 : memref<!tpu.dma_semaphore, #tpu.memory_space<semaphore_mem>>)
      %dma_start3A_69 = arith.constant 0 : i32
      %dma_start3A_70 = tpu.memref_slice %arg4[%add3A_62, %dma_start3A_69] : memref<1024x320xi32, #tpu.memory_space<hbm>> -> memref<1x320xi32, #tpu.memory_space<hbm>>
      %dma_start3A_71 = tpu.memref_squeeze %dma_start3A_70 : memref<1x320xi32, #tpu.memory_space<hbm>> -> memref<320xi32, #tpu.memory_space<hbm>>
      %dma_start3A_72 = arith.constant 0 : i32
      %dma_start3A_73 = tpu.memref_slice %arg4[%add3A_62, %dma_start3A_72] : memref<1024x320xi32, #tpu.memory_space<hbm>> -> memref<1x320xi32, #tpu.memory_space<hbm>>
      %dma_start3A_74 = tpu.memref_squeeze %dma_start3A_73 : memref<1x320xi32, #tpu.memory_space<hbm>> -> memref<320xi32, #tpu.memory_space<hbm>>
      tpu.enqueue_dma source(%dma_start3A_74 : memref<320xi32, #tpu.memory_space<hbm>>) target(%arg21 : memref<320xi32, #tpu.memory_space<vmem>>) target_semaphore(%arg54 : memref<!tpu.dma_semaphore, #tpu.memory_space<semaphore_mem>>)
      %add3A_75 = arith.constant 4 : i32
      %add3A_76 = arith.addi %add3A_19, %add3A_75 : i32
      %dma_start3A_77 = arith.constant 0 : i32
      %dma_start3A_78 = tpu.memref_slice %arg3[%add3A_76, %dma_start3A_77] : memref<1024x320xi32, #tpu.memory_space<hbm>> -> memref<1x320xi32, #tpu.memory_space<hbm>>
      %dma_start3A_79 = tpu.memref_squeeze %dma_start3A_78 : memref<1x320xi32, #tpu.memory_space<hbm>> -> memref<320xi32, #tpu.memory_space<hbm>>
      %dma_start3A_80 = arith.constant 0 : i32
      %dma_start3A_81 = tpu.memref_slice %arg3[%add3A_76, %dma_start3A_80] : memref<1024x320xi32, #tpu.memory_space<hbm>> -> memref<1x320xi32, #tpu.memory_space<hbm>>
      %dma_start3A_82 = tpu.memref_squeeze %dma_start3A_81 : memref<1x320xi32, #tpu.memory_space<hbm>> -> memref<320xi32, #tpu.memory_space<hbm>>
      tpu.enqueue_dma source(%dma_start3A_82 : memref<320xi32, #tpu.memory_space<hbm>>) target(%arg14 : memref<320xi32, #tpu.memory_space<vmem>>) target_semaphore(%arg55 : memref<!tpu.dma_semaphore, #tpu.memory_space<semaphore_mem>>)
      %dma_start3A_83 = arith.constant 0 : i32
      %dma_start3A_84 = tpu.memref_slice %arg4[%add3A_76, %dma_start3A_83] : memref<1024x320xi32, #tpu.memory_space<hbm>> -> memref<1x320xi32, #tpu.memory_space<hbm>>
      %dma_start3A_85 = tpu.memref_squeeze %dma_start3A_84 : memref<1x320xi32, #tpu.memory_space<hbm>> -> memref<320xi32, #tpu.memory_space<hbm>>
      %dma_start3A_86 = arith.constant 0 : i32
      %dma_start3A_87 = tpu.memref_slice %arg4[%add3A_76, %dma_start3A_86] : memref<1024x320xi32, #tpu.memory_space<hbm>> -> memref<1x320xi32, #tpu.memory_space<hbm>>
      %dma_start3A_88 = tpu.memref_squeeze %dma_start3A_87 : memref<1x320xi32, #tpu.memory_space<hbm>> -> memref<320xi32, #tpu.memory_space<hbm>>
      tpu.enqueue_dma source(%dma_start3A_88 : memref<320xi32, #tpu.memory_space<hbm>>) target(%arg22 : memref<320xi32, #tpu.memory_space<vmem>>) target_semaphore(%arg55 : memref<!tpu.dma_semaphore, #tpu.memory_space<semaphore_mem>>)
      %add3A_89 = arith.constant 5 : i32
      %add3A_90 = arith.addi %add3A_19, %add3A_89 : i32
      %dma_start3A_91 = arith.constant 0 : i32
      %dma_start3A_92 = tpu.memref_slice %arg3[%add3A_90, %dma_start3A_91] : memref<1024x320xi32, #tpu.memory_space<hbm>> -> memref<1x320xi32, #tpu.memory_space<hbm>>
      %dma_start3A_93 = tpu.memref_squeeze %dma_start3A_92 : memref<1x320xi32, #tpu.memory_space<hbm>> -> memref<320xi32, #tpu.memory_space<hbm>>
      %dma_start3A_94 = arith.constant 0 : i32
      %dma_start3A_95 = tpu.memref_slice %arg3[%add3A_90, %dma_start3A_94] : memref<1024x320xi32, #tpu.memory_space<hbm>> -> memref<1x320xi32, #tpu.memory_space<hbm>>
      %dma_start3A_96 = tpu.memref_squeeze %dma_start3A_95 : memref<1x320xi32, #tpu.memory_space<hbm>> -> memref<320xi32, #tpu.memory_space<hbm>>
      tpu.enqueue_dma source(%dma_start3A_96 : memref<320xi32, #tpu.memory_space<hbm>>) target(%arg15 : memref<320xi32, #tpu.memory_space<vmem>>) target_semaphore(%arg56 : memref<!tpu.dma_semaphore, #tpu.memory_space<semaphore_mem>>)
      %dma_start3A_97 = arith.constant 0 : i32
      %dma_start3A_98 = tpu.memref_slice %arg4[%add3A_90, %dma_start3A_97] : memref<1024x320xi32, #tpu.memory_space<hbm>> -> memref<1x320xi32, #tpu.memory_space<hbm>>
      %dma_start3A_99 = tpu.memref_squeeze %dma_start3A_98 : memref<1x320xi32, #tpu.memory_space<hbm>> -> memref<320xi32, #tpu.memory_space<hbm>>
      %dma_start3A_100 = arith.constant 0 : i32
      %dma_start3A_101 = tpu.memref_slice %arg4[%add3A_90, %dma_start3A_100] : memref<1024x320xi32, #tpu.memory_space<hbm>> -> memref<1x320xi32, #tpu.memory_space<hbm>>
      %dma_start3A_102 = tpu.memref_squeeze %dma_start3A_101 : memref<1x320xi32, #tpu.memory_space<hbm>> -> memref<320xi32, #tpu.memory_space<hbm>>
      tpu.enqueue_dma source(%dma_start3A_102 : memref<320xi32, #tpu.memory_space<hbm>>) target(%arg23 : memref<320xi32, #tpu.memory_space<vmem>>) target_semaphore(%arg56 : memref<!tpu.dma_semaphore, #tpu.memory_space<semaphore_mem>>)
      %add3A_103 = arith.constant 6 : i32
      %add3A_104 = arith.addi %add3A_19, %add3A_103 : i32
      %dma_start3A_105 = arith.constant 0 : i32
      %dma_start3A_106 = tpu.memref_slice %arg3[%add3A_104, %dma_start3A_105] : memref<1024x320xi32, #tpu.memory_space<hbm>> -> memref<1x320xi32, #tpu.memory_space<hbm>>
      %dma_start3A_107 = tpu.memref_squeeze %dma_start3A_106 : memref<1x320xi32, #tpu.memory_space<hbm>> -> memref<320xi32, #tpu.memory_space<hbm>>
      %dma_start3A_108 = arith.constant 0 : i32
      %dma_start3A_109 = tpu.memref_slice %arg3[%add3A_104, %dma_start3A_108] : memref<1024x320xi32, #tpu.memory_space<hbm>> -> memref<1x320xi32, #tpu.memory_space<hbm>>
      %dma_start3A_110 = tpu.memref_squeeze %dma_start3A_109 : memref<1x320xi32, #tpu.memory_space<hbm>> -> memref<320xi32, #tpu.memory_space<hbm>>
      tpu.enqueue_dma source(%dma_start3A_110 : memref<320xi32, #tpu.memory_space<hbm>>) target(%arg16 : memref<320xi32, #tpu.memory_space<vmem>>) target_semaphore(%arg57 : memref<!tpu.dma_semaphore, #tpu.memory_space<semaphore_mem>>)
      %dma_start3A_111 = arith.constant 0 : i32
      %dma_start3A_112 = tpu.memref_slice %arg4[%add3A_104, %dma_start3A_111] : memref<1024x320xi32, #tpu.memory_space<hbm>> -> memref<1x320xi32, #tpu.memory_space<hbm>>
      %dma_start3A_113 = tpu.memref_squeeze %dma_start3A_112 : memref<1x320xi32, #tpu.memory_space<hbm>> -> memref<320xi32, #tpu.memory_space<hbm>>
      %dma_start3A_114 = arith.constant 0 : i32
      %dma_start3A_115 = tpu.memref_slice %arg4[%add3A_104, %dma_start3A_114] : memref<1024x320xi32, #tpu.memory_space<hbm>> -> memref<1x320xi32, #tpu.memory_space<hbm>>
      %dma_start3A_116 = tpu.memref_squeeze %dma_start3A_115 : memref<1x320xi32, #tpu.memory_space<hbm>> -> memref<320xi32, #tpu.memory_space<hbm>>
      tpu.enqueue_dma source(%dma_start3A_116 : memref<320xi32, #tpu.memory_space<hbm>>) target(%arg24 : memref<320xi32, #tpu.memory_space<vmem>>) target_semaphore(%arg57 : memref<!tpu.dma_semaphore, #tpu.memory_space<semaphore_mem>>)
      %add3A_117 = arith.constant 7 : i32
      %add3A_118 = arith.addi %add3A_19, %add3A_117 : i32
      %dma_start3A_119 = arith.constant 0 : i32
      %dma_start3A_120 = tpu.memref_slice %arg3[%add3A_118, %dma_start3A_119] : memref<1024x320xi32, #tpu.memory_space<hbm>> -> memref<1x320xi32, #tpu.memory_space<hbm>>
      %dma_start3A_121 = tpu.memref_squeeze %dma_start3A_120 : memref<1x320xi32, #tpu.memory_space<hbm>> -> memref<320xi32, #tpu.memory_space<hbm>>
      %dma_start3A_122 = arith.constant 0 : i32
      %dma_start3A_123 = tpu.memref_slice %arg3[%add3A_118, %dma_start3A_122] : memref<1024x320xi32, #tpu.memory_space<hbm>> -> memref<1x320xi32, #tpu.memory_space<hbm>>
      %dma_start3A_124 = tpu.memref_squeeze %dma_start3A_123 : memref<1x320xi32, #tpu.memory_space<hbm>> -> memref<320xi32, #tpu.memory_space<hbm>>
      tpu.enqueue_dma source(%dma_start3A_124 : memref<320xi32, #tpu.memory_space<hbm>>) target(%arg17 : memref<320xi32, #tpu.memory_space<vmem>>) target_semaphore(%arg58 : memref<!tpu.dma_semaphore, #tpu.memory_space<semaphore_mem>>)
      %dma_start3A_125 = arith.constant 0 : i32
      %dma_start3A_126 = tpu.memref_slice %arg4[%add3A_118, %dma_start3A_125] : memref<1024x320xi32, #tpu.memory_space<hbm>> -> memref<1x320xi32, #tpu.memory_space<hbm>>
      %dma_start3A_127 = tpu.memref_squeeze %dma_start3A_126 : memref<1x320xi32, #tpu.memory_space<hbm>> -> memref<320xi32, #tpu.memory_space<hbm>>
      %dma_start3A_128 = arith.constant 0 : i32
      %dma_start3A_129 = tpu.memref_slice %arg4[%add3A_118, %dma_start3A_128] : memref<1024x320xi32, #tpu.memory_space<hbm>> -> memref<1x320xi32, #tpu.memory_space<hbm>>
      %dma_start3A_130 = tpu.memref_squeeze %dma_start3A_129 : memref<1x320xi32, #tpu.memory_space<hbm>> -> memref<320xi32, #tpu.memory_space<hbm>>
      tpu.enqueue_dma source(%dma_start3A_130 : memref<320xi32, #tpu.memory_space<hbm>>) target(%arg25 : memref<320xi32, #tpu.memory_space<vmem>>) target_semaphore(%arg58 : memref<!tpu.dma_semaphore, #tpu.memory_space<semaphore_mem>>)
      %dma_wait3A = arith.constant 0 : i32
      %dma_wait3A_131 = tpu.memref_slice %arg3[%add3A_21, %dma_wait3A] : memref<1024x320xi32, #tpu.memory_space<hbm>> -> memref<1x320xi32, #tpu.memory_space<hbm>>
      %dma_wait3A_132 = tpu.memref_squeeze %dma_wait3A_131 : memref<1x320xi32, #tpu.memory_space<hbm>> -> memref<320xi32, #tpu.memory_space<hbm>>
      %dma_wait3A_133 = arith.constant 0 : i32
      %dma_wait3A_134 = tpu.memref_slice %arg3[%add3A_21, %dma_wait3A_133] : memref<1024x320xi32, #tpu.memory_space<hbm>> -> memref<1x320xi32, #tpu.memory_space<hbm>>
      %dma_wait3A_135 = tpu.memref_squeeze %dma_wait3A_134 : memref<1x320xi32, #tpu.memory_space<hbm>> -> memref<320xi32, #tpu.memory_space<hbm>>
      tpu.wait_dma2 semaphore(%arg51 : memref<!tpu.dma_semaphore, #tpu.memory_space<semaphore_mem>>) src(%dma_wait3A_135 : memref<320xi32, #tpu.memory_space<hbm>>) dst(%arg10 : memref<320xi32, #tpu.memory_space<vmem>>)
      %dma_wait3A_136 = arith.constant 0 : i32
      %dma_wait3A_137 = tpu.memref_slice %arg4[%add3A_21, %dma_wait3A_136] : memref<1024x320xi32, #tpu.memory_space<hbm>> -> memref<1x320xi32, #tpu.memory_space<hbm>>
      %dma_wait3A_138 = tpu.memref_squeeze %dma_wait3A_137 : memref<1x320xi32, #tpu.memory_space<hbm>> -> memref<320xi32, #tpu.memory_space<hbm>>
      %dma_wait3A_139 = arith.constant 0 : i32
      %dma_wait3A_140 = tpu.memref_slice %arg4[%add3A_21, %dma_wait3A_139] : memref<1024x320xi32, #tpu.memory_space<hbm>> -> memref<1x320xi32, #tpu.memory_space<hbm>>
      %dma_wait3A_141 = tpu.memref_squeeze %dma_wait3A_140 : memref<1x320xi32, #tpu.memory_space<hbm>> -> memref<320xi32, #tpu.memory_space<hbm>>
      tpu.wait_dma2 semaphore(%arg51 : memref<!tpu.dma_semaphore, #tpu.memory_space<semaphore_mem>>) src(%dma_wait3A_141 : memref<320xi32, #tpu.memory_space<hbm>>) dst(%arg18 : memref<320xi32, #tpu.memory_space<vmem>>)
      %dma_start3A_142 = arith.constant 0 : i32
      %dma_start3A_143 = arith.constant 0 : i32
      %dma_start3A_144 = tpu.memref_slice %arg2[%arg0, %dma_start3A_142, %dma_start3A_143] : memref<2x10240x64xbf16, #tpu.memory_space<hbm>> -> memref<1x10240x64xbf16, #tpu.memory_space<hbm>>
      %dma_start3A_145 = tpu.memref_squeeze %dma_start3A_144 : memref<1x10240x64xbf16, #tpu.memory_space<hbm>> -> memref<10240x64xbf16, #tpu.memory_space<hbm>>
      %dma_start3A_146 = arith.constant 0 : i32
      %dma_start3A_147 = arith.constant 0 : i32
      %dma_start3A_148 = tpu.memref_slice %dma_start3A_145[%dma_start3A_146, %dma_start3A_147] : memref<10240x64xbf16, #tpu.memory_space<hbm>> -> memref<10240x64xbf16, #tpu.memory_space<hbm>>
      tpu.enqueue_indirect_dma source(%dma_start3A_148 : memref<10240x64xbf16, #tpu.memory_space<hbm>>) target(%arg26 : memref<320x64xbf16, #tpu.memory_space<vmem>>) offsets(%arg10 : memref<320xi32, #tpu.memory_space<vmem>>) semaphore(%arg35 : memref<!tpu.dma_semaphore, #tpu.memory_space<semaphore_mem>>)
      %dma_wait3A_149 = arith.constant 0 : i32
      %dma_wait3A_150 = tpu.memref_slice %arg3[%add3A_34, %dma_wait3A_149] : memref<1024x320xi32, #tpu.memory_space<hbm>> -> memref<1x320xi32, #tpu.memory_space<hbm>>
      %dma_wait3A_151 = tpu.memref_squeeze %dma_wait3A_150 : memref<1x320xi32, #tpu.memory_space<hbm>> -> memref<320xi32, #tpu.memory_space<hbm>>
      %dma_wait3A_152 = arith.constant 0 : i32
      %dma_wait3A_153 = tpu.memref_slice %arg3[%add3A_34, %dma_wait3A_152] : memref<1024x320xi32, #tpu.memory_space<hbm>> -> memref<1x320xi32, #tpu.memory_space<hbm>>
      %dma_wait3A_154 = tpu.memref_squeeze %dma_wait3A_153 : memref<1x320xi32, #tpu.memory_space<hbm>> -> memref<320xi32, #tpu.memory_space<hbm>>
      tpu.wait_dma2 semaphore(%arg52 : memref<!tpu.dma_semaphore, #tpu.memory_space<semaphore_mem>>) src(%dma_wait3A_154 : memref<320xi32, #tpu.memory_space<hbm>>) dst(%arg11 : memref<320xi32, #tpu.memory_space<vmem>>)
      %dma_wait3A_155 = arith.constant 0 : i32
      %dma_wait3A_156 = tpu.memref_slice %arg4[%add3A_34, %dma_wait3A_155] : memref<1024x320xi32, #tpu.memory_space<hbm>> -> memref<1x320xi32, #tpu.memory_space<hbm>>
      %dma_wait3A_157 = tpu.memref_squeeze %dma_wait3A_156 : memref<1x320xi32, #tpu.memory_space<hbm>> -> memref<320xi32, #tpu.memory_space<hbm>>
      %dma_wait3A_158 = arith.constant 0 : i32
      %dma_wait3A_159 = tpu.memref_slice %arg4[%add3A_34, %dma_wait3A_158] : memref<1024x320xi32, #tpu.memory_space<hbm>> -> memref<1x320xi32, #tpu.memory_space<hbm>>
      %dma_wait3A_160 = tpu.memref_squeeze %dma_wait3A_159 : memref<1x320xi32, #tpu.memory_space<hbm>> -> memref<320xi32, #tpu.memory_space<hbm>>
      tpu.wait_dma2 semaphore(%arg52 : memref<!tpu.dma_semaphore, #tpu.memory_space<semaphore_mem>>) src(%dma_wait3A_160 : memref<320xi32, #tpu.memory_space<hbm>>) dst(%arg19 : memref<320xi32, #tpu.memory_space<vmem>>)
      %dma_start3A_161 = arith.constant 0 : i32
      %dma_start3A_162 = arith.constant 0 : i32
      %dma_start3A_163 = tpu.memref_slice %arg2[%arg0, %dma_start3A_161, %dma_start3A_162] : memref<2x10240x64xbf16, #tpu.memory_space<hbm>> -> memref<1x10240x64xbf16, #tpu.memory_space<hbm>>
      %dma_start3A_164 = tpu.memref_squeeze %dma_start3A_163 : memref<1x10240x64xbf16, #tpu.memory_space<hbm>> -> memref<10240x64xbf16, #tpu.memory_space<hbm>>
      %dma_start3A_165 = arith.constant 0 : i32
      %dma_start3A_166 = arith.constant 0 : i32
      %dma_start3A_167 = tpu.memref_slice %dma_start3A_164[%dma_start3A_165, %dma_start3A_166] : memref<10240x64xbf16, #tpu.memory_space<hbm>> -> memref<10240x64xbf16, #tpu.memory_space<hbm>>
      tpu.enqueue_indirect_dma source(%dma_start3A_167 : memref<10240x64xbf16, #tpu.memory_space<hbm>>) target(%arg27 : memref<320x64xbf16, #tpu.memory_space<vmem>>) offsets(%arg11 : memref<320xi32, #tpu.memory_space<vmem>>) semaphore(%arg36 : memref<!tpu.dma_semaphore, #tpu.memory_space<semaphore_mem>>)
      %dma_wait3A_168 = arith.constant 0 : i32
      %dma_wait3A_169 = tpu.memref_slice %arg3[%add3A_48, %dma_wait3A_168] : memref<1024x320xi32, #tpu.memory_space<hbm>> -> memref<1x320xi32, #tpu.memory_space<hbm>>
      %dma_wait3A_170 = tpu.memref_squeeze %dma_wait3A_169 : memref<1x320xi32, #tpu.memory_space<hbm>> -> memref<320xi32, #tpu.memory_space<hbm>>
      %dma_wait3A_171 = arith.constant 0 : i32
      %dma_wait3A_172 = tpu.memref_slice %arg3[%add3A_48, %dma_wait3A_171] : memref<1024x320xi32, #tpu.memory_space<hbm>> -> memref<1x320xi32, #tpu.memory_space<hbm>>
      %dma_wait3A_173 = tpu.memref_squeeze %dma_wait3A_172 : memref<1x320xi32, #tpu.memory_space<hbm>> -> memref<320xi32, #tpu.memory_space<hbm>>
      tpu.wait_dma2 semaphore(%arg53 : memref<!tpu.dma_semaphore, #tpu.memory_space<semaphore_mem>>) src(%dma_wait3A_173 : memref<320xi32, #tpu.memory_space<hbm>>) dst(%arg12 : memref<320xi32, #tpu.memory_space<vmem>>)
      %dma_wait3A_174 = arith.constant 0 : i32
      %dma_wait3A_175 = tpu.memref_slice %arg4[%add3A_48, %dma_wait3A_174] : memref<1024x320xi32, #tpu.memory_space<hbm>> -> memref<1x320xi32, #tpu.memory_space<hbm>>
      %dma_wait3A_176 = tpu.memref_squeeze %dma_wait3A_175 : memref<1x320xi32, #tpu.memory_space<hbm>> -> memref<320xi32, #tpu.memory_space<hbm>>
      %dma_wait3A_177 = arith.constant 0 : i32
      %dma_wait3A_178 = tpu.memref_slice %arg4[%add3A_48, %dma_wait3A_177] : memref<1024x320xi32, #tpu.memory_space<hbm>> -> memref<1x320xi32, #tpu.memory_space<hbm>>
      %dma_wait3A_179 = tpu.memref_squeeze %dma_wait3A_178 : memref<1x320xi32, #tpu.memory_space<hbm>> -> memref<320xi32, #tpu.memory_space<hbm>>
      tpu.wait_dma2 semaphore(%arg53 : memref<!tpu.dma_semaphore, #tpu.memory_space<semaphore_mem>>) src(%dma_wait3A_179 : memref<320xi32, #tpu.memory_space<hbm>>) dst(%arg20 : memref<320xi32, #tpu.memory_space<vmem>>)
      %dma_start3A_180 = arith.constant 0 : i32
      %dma_start3A_181 = arith.constant 0 : i32
      %dma_start3A_182 = tpu.memref_slice %arg2[%arg0, %dma_start3A_180, %dma_start3A_181] : memref<2x10240x64xbf16, #tpu.memory_space<hbm>> -> memref<1x10240x64xbf16, #tpu.memory_space<hbm>>
      %dma_start3A_183 = tpu.memref_squeeze %dma_start3A_182 : memref<1x10240x64xbf16, #tpu.memory_space<hbm>> -> memref<10240x64xbf16, #tpu.memory_space<hbm>>
      %dma_start3A_184 = arith.constant 0 : i32
      %dma_start3A_185 = arith.constant 0 : i32
      %dma_start3A_186 = tpu.memref_slice %dma_start3A_183[%dma_start3A_184, %dma_start3A_185] : memref<10240x64xbf16, #tpu.memory_space<hbm>> -> memref<10240x64xbf16, #tpu.memory_space<hbm>>
      tpu.enqueue_indirect_dma source(%dma_start3A_186 : memref<10240x64xbf16, #tpu.memory_space<hbm>>) target(%arg28 : memref<320x64xbf16, #tpu.memory_space<vmem>>) offsets(%arg12 : memref<320xi32, #tpu.memory_space<vmem>>) semaphore(%arg37 : memref<!tpu.dma_semaphore, #tpu.memory_space<semaphore_mem>>)
      %dma_wait3A_187 = arith.constant 0 : i32
      %dma_wait3A_188 = tpu.memref_slice %arg3[%add3A_62, %dma_wait3A_187] : memref<1024x320xi32, #tpu.memory_space<hbm>> -> memref<1x320xi32, #tpu.memory_space<hbm>>
      %dma_wait3A_189 = tpu.memref_squeeze %dma_wait3A_188 : memref<1x320xi32, #tpu.memory_space<hbm>> -> memref<320xi32, #tpu.memory_space<hbm>>
      %dma_wait3A_190 = arith.constant 0 : i32
      %dma_wait3A_191 = tpu.memref_slice %arg3[%add3A_62, %dma_wait3A_190] : memref<1024x320xi32, #tpu.memory_space<hbm>> -> memref<1x320xi32, #tpu.memory_space<hbm>>
      %dma_wait3A_192 = tpu.memref_squeeze %dma_wait3A_191 : memref<1x320xi32, #tpu.memory_space<hbm>> -> memref<320xi32, #tpu.memory_space<hbm>>
      tpu.wait_dma2 semaphore(%arg54 : memref<!tpu.dma_semaphore, #tpu.memory_space<semaphore_mem>>) src(%dma_wait3A_192 : memref<320xi32, #tpu.memory_space<hbm>>) dst(%arg13 : memref<320xi32, #tpu.memory_space<vmem>>)
      %dma_wait3A_193 = arith.constant 0 : i32
      %dma_wait3A_194 = tpu.memref_slice %arg4[%add3A_62, %dma_wait3A_193] : memref<1024x320xi32, #tpu.memory_space<hbm>> -> memref<1x320xi32, #tpu.memory_space<hbm>>
      %dma_wait3A_195 = tpu.memref_squeeze %dma_wait3A_194 : memref<1x320xi32, #tpu.memory_space<hbm>> -> memref<320xi32, #tpu.memory_space<hbm>>
      %dma_wait3A_196 = arith.constant 0 : i32
      %dma_wait3A_197 = tpu.memref_slice %arg4[%add3A_62, %dma_wait3A_196] : memref<1024x320xi32, #tpu.memory_space<hbm>> -> memref<1x320xi32, #tpu.memory_space<hbm>>
      %dma_wait3A_198 = tpu.memref_squeeze %dma_wait3A_197 : memref<1x320xi32, #tpu.memory_space<hbm>> -> memref<320xi32, #tpu.memory_space<hbm>>
      tpu.wait_dma2 semaphore(%arg54 : memref<!tpu.dma_semaphore, #tpu.memory_space<semaphore_mem>>) src(%dma_wait3A_198 : memref<320xi32, #tpu.memory_space<hbm>>) dst(%arg21 : memref<320xi32, #tpu.memory_space<vmem>>)
      %dma_start3A_199 = arith.constant 0 : i32
      %dma_start3A_200 = arith.constant 0 : i32
      %dma_start3A_201 = tpu.memref_slice %arg2[%arg0, %dma_start3A_199, %dma_start3A_200] : memref<2x10240x64xbf16, #tpu.memory_space<hbm>> -> memref<1x10240x64xbf16, #tpu.memory_space<hbm>>
      %dma_start3A_202 = tpu.memref_squeeze %dma_start3A_201 : memref<1x10240x64xbf16, #tpu.memory_space<hbm>> -> memref<10240x64xbf16, #tpu.memory_space<hbm>>
      %dma_start3A_203 = arith.constant 0 : i32
      %dma_start3A_204 = arith.constant 0 : i32
      %dma_start3A_205 = tpu.memref_slice %dma_start3A_202[%dma_start3A_203, %dma_start3A_204] : memref<10240x64xbf16, #tpu.memory_space<hbm>> -> memref<10240x64xbf16, #tpu.memory_space<hbm>>
      tpu.enqueue_indirect_dma source(%dma_start3A_205 : memref<10240x64xbf16, #tpu.memory_space<hbm>>) target(%arg29 : memref<320x64xbf16, #tpu.memory_space<vmem>>) offsets(%arg13 : memref<320xi32, #tpu.memory_space<vmem>>) semaphore(%arg38 : memref<!tpu.dma_semaphore, #tpu.memory_space<semaphore_mem>>)
      %dma_wait3A_206 = arith.constant 0 : i32
      %dma_wait3A_207 = tpu.memref_slice %arg3[%add3A_76, %dma_wait3A_206] : memref<1024x320xi32, #tpu.memory_space<hbm>> -> memref<1x320xi32, #tpu.memory_space<hbm>>
      %dma_wait3A_208 = tpu.memref_squeeze %dma_wait3A_207 : memref<1x320xi32, #tpu.memory_space<hbm>> -> memref<320xi32, #tpu.memory_space<hbm>>
      %dma_wait3A_209 = arith.constant 0 : i32
      %dma_wait3A_210 = tpu.memref_slice %arg3[%add3A_76, %dma_wait3A_209] : memref<1024x320xi32, #tpu.memory_space<hbm>> -> memref<1x320xi32, #tpu.memory_space<hbm>>
      %dma_wait3A_211 = tpu.memref_squeeze %dma_wait3A_210 : memref<1x320xi32, #tpu.memory_space<hbm>> -> memref<320xi32, #tpu.memory_space<hbm>>
      tpu.wait_dma2 semaphore(%arg55 : memref<!tpu.dma_semaphore, #tpu.memory_space<semaphore_mem>>) src(%dma_wait3A_211 : memref<320xi32, #tpu.memory_space<hbm>>) dst(%arg14 : memref<320xi32, #tpu.memory_space<vmem>>)
      %dma_wait3A_212 = arith.constant 0 : i32
      %dma_wait3A_213 = tpu.memref_slice %arg4[%add3A_76, %dma_wait3A_212] : memref<1024x320xi32, #tpu.memory_space<hbm>> -> memref<1x320xi32, #tpu.memory_space<hbm>>
      %dma_wait3A_214 = tpu.memref_squeeze %dma_wait3A_213 : memref<1x320xi32, #tpu.memory_space<hbm>> -> memref<320xi32, #tpu.memory_space<hbm>>
      %dma_wait3A_215 = arith.constant 0 : i32
      %dma_wait3A_216 = tpu.memref_slice %arg4[%add3A_76, %dma_wait3A_215] : memref<1024x320xi32, #tpu.memory_space<hbm>> -> memref<1x320xi32, #tpu.memory_space<hbm>>
      %dma_wait3A_217 = tpu.memref_squeeze %dma_wait3A_216 : memref<1x320xi32, #tpu.memory_space<hbm>> -> memref<320xi32, #tpu.memory_space<hbm>>
      tpu.wait_dma2 semaphore(%arg55 : memref<!tpu.dma_semaphore, #tpu.memory_space<semaphore_mem>>) src(%dma_wait3A_217 : memref<320xi32, #tpu.memory_space<hbm>>) dst(%arg22 : memref<320xi32, #tpu.memory_space<vmem>>)
      %dma_start3A_218 = arith.constant 0 : i32
      %dma_start3A_219 = arith.constant 0 : i32
      %dma_start3A_220 = tpu.memref_slice %arg2[%arg0, %dma_start3A_218, %dma_start3A_219] : memref<2x10240x64xbf16, #tpu.memory_space<hbm>> -> memref<1x10240x64xbf16, #tpu.memory_space<hbm>>
      %dma_start3A_221 = tpu.memref_squeeze %dma_start3A_220 : memref<1x10240x64xbf16, #tpu.memory_space<hbm>> -> memref<10240x64xbf16, #tpu.memory_space<hbm>>
      %dma_start3A_222 = arith.constant 0 : i32
      %dma_start3A_223 = arith.constant 0 : i32
      %dma_start3A_224 = tpu.memref_slice %dma_start3A_221[%dma_start3A_222, %dma_start3A_223] : memref<10240x64xbf16, #tpu.memory_space<hbm>> -> memref<10240x64xbf16, #tpu.memory_space<hbm>>
      tpu.enqueue_indirect_dma source(%dma_start3A_224 : memref<10240x64xbf16, #tpu.memory_space<hbm>>) target(%arg30 : memref<320x64xbf16, #tpu.memory_space<vmem>>) offsets(%arg14 : memref<320xi32, #tpu.memory_space<vmem>>) semaphore(%arg39 : memref<!tpu.dma_semaphore, #tpu.memory_space<semaphore_mem>>)
      %dma_wait3A_225 = arith.constant 0 : i32
      %dma_wait3A_226 = tpu.memref_slice %arg3[%add3A_90, %dma_wait3A_225] : memref<1024x320xi32, #tpu.memory_space<hbm>> -> memref<1x320xi32, #tpu.memory_space<hbm>>
      %dma_wait3A_227 = tpu.memref_squeeze %dma_wait3A_226 : memref<1x320xi32, #tpu.memory_space<hbm>> -> memref<320xi32, #tpu.memory_space<hbm>>
      %dma_wait3A_228 = arith.constant 0 : i32
      %dma_wait3A_229 = tpu.memref_slice %arg3[%add3A_90, %dma_wait3A_228] : memref<1024x320xi32, #tpu.memory_space<hbm>> -> memref<1x320xi32, #tpu.memory_space<hbm>>
      %dma_wait3A_230 = tpu.memref_squeeze %dma_wait3A_229 : memref<1x320xi32, #tpu.memory_space<hbm>> -> memref<320xi32, #tpu.memory_space<hbm>>
      tpu.wait_dma2 semaphore(%arg56 : memref<!tpu.dma_semaphore, #tpu.memory_space<semaphore_mem>>) src(%dma_wait3A_230 : memref<320xi32, #tpu.memory_space<hbm>>) dst(%arg15 : memref<320xi32, #tpu.memory_space<vmem>>)
      %dma_wait3A_231 = arith.constant 0 : i32
      %dma_wait3A_232 = tpu.memref_slice %arg4[%add3A_90, %dma_wait3A_231] : memref<1024x320xi32, #tpu.memory_space<hbm>> -> memref<1x320xi32, #tpu.memory_space<hbm>>
      %dma_wait3A_233 = tpu.memref_squeeze %dma_wait3A_232 : memref<1x320xi32, #tpu.memory_space<hbm>> -> memref<320xi32, #tpu.memory_space<hbm>>
      %dma_wait3A_234 = arith.constant 0 : i32
      %dma_wait3A_235 = tpu.memref_slice %arg4[%add3A_90, %dma_wait3A_234] : memref<1024x320xi32, #tpu.memory_space<hbm>> -> memref<1x320xi32, #tpu.memory_space<hbm>>
      %dma_wait3A_236 = tpu.memref_squeeze %dma_wait3A_235 : memref<1x320xi32, #tpu.memory_space<hbm>> -> memref<320xi32, #tpu.memory_space<hbm>>
      tpu.wait_dma2 semaphore(%arg56 : memref<!tpu.dma_semaphore, #tpu.memory_space<semaphore_mem>>) src(%dma_wait3A_236 : memref<320xi32, #tpu.memory_space<hbm>>) dst(%arg23 : memref<320xi32, #tpu.memory_space<vmem>>)
      %dma_start3A_237 = arith.constant 0 : i32
      %dma_start3A_238 = arith.constant 0 : i32
      %dma_start3A_239 = tpu.memref_slice %arg2[%arg0, %dma_start3A_237, %dma_start3A_238] : memref<2x10240x64xbf16, #tpu.memory_space<hbm>> -> memref<1x10240x64xbf16, #tpu.memory_space<hbm>>
      %dma_start3A_240 = tpu.memref_squeeze %dma_start3A_239 : memref<1x10240x64xbf16, #tpu.memory_space<hbm>> -> memref<10240x64xbf16, #tpu.memory_space<hbm>>
      %dma_start3A_241 = arith.constant 0 : i32
      %dma_start3A_242 = arith.constant 0 : i32
      %dma_start3A_243 = tpu.memref_slice %dma_start3A_240[%dma_start3A_241, %dma_start3A_242] : memref<10240x64xbf16, #tpu.memory_space<hbm>> -> memref<10240x64xbf16, #tpu.memory_space<hbm>>
      tpu.enqueue_indirect_dma source(%dma_start3A_243 : memref<10240x64xbf16, #tpu.memory_space<hbm>>) target(%arg31 : memref<320x64xbf16, #tpu.memory_space<vmem>>) offsets(%arg15 : memref<320xi32, #tpu.memory_space<vmem>>) semaphore(%arg40 : memref<!tpu.dma_semaphore, #tpu.memory_space<semaphore_mem>>)
      %dma_wait3A_244 = arith.constant 0 : i32
      %dma_wait3A_245 = arith.constant 0 : i32
      %dma_wait3A_246 = tpu.memref_slice %arg2[%arg0, %dma_wait3A_244, %dma_wait3A_245] : memref<2x10240x64xbf16, #tpu.memory_space<hbm>> -> memref<1x10240x64xbf16, #tpu.memory_space<hbm>>
      %dma_wait3A_247 = tpu.memref_squeeze %dma_wait3A_246 : memref<1x10240x64xbf16, #tpu.memory_space<hbm>> -> memref<10240x64xbf16, #tpu.memory_space<hbm>>
      %dma_wait3A_248 = arith.constant 0 : i32
      %dma_wait3A_249 = arith.constant 0 : i32
      %dma_wait3A_250 = tpu.memref_slice %dma_wait3A_247[%dma_wait3A_248, %dma_wait3A_249] : memref<10240x64xbf16, #tpu.memory_space<hbm>> -> memref<10240x64xbf16, #tpu.memory_space<hbm>>
      tpu.wait_indirect_dma semaphore(%arg35 : memref<!tpu.dma_semaphore, #tpu.memory_space<semaphore_mem>>) src(%dma_wait3A_250 : memref<10240x64xbf16, #tpu.memory_space<hbm>>) dst(%arg26 : memref<320x64xbf16, #tpu.memory_space<vmem>>)
      %dma_start3A_251 = arith.constant 0 : i32
      %dma_start3A_252 = arith.constant 0 : i32
      %dma_start3A_253 = tpu.memref_slice %arg34[%dma_start3A_251, %dma_start3A_252] : memref<10240x64xbf16, #tpu.memory_space<vmem_shared>> -> memref<10240x64xbf16, #tpu.memory_space<vmem_shared>>
      tpu.enqueue_indirect_dma source(%arg26 : memref<320x64xbf16, #tpu.memory_space<vmem>>) target(%dma_start3A_253 : memref<10240x64xbf16, #tpu.memory_space<vmem_shared>>) offsets(%arg18 : memref<320xi32, #tpu.memory_space<vmem>>) semaphore(%arg43 : memref<!tpu.dma_semaphore, #tpu.memory_space<semaphore_mem>>) {add = true}
      %dma_wait3A_254 = arith.constant 0 : i32
      %dma_wait3A_255 = tpu.memref_slice %arg3[%add3A_104, %dma_wait3A_254] : memref<1024x320xi32, #tpu.memory_space<hbm>> -> memref<1x320xi32, #tpu.memory_space<hbm>>
      %dma_wait3A_256 = tpu.memref_squeeze %dma_wait3A_255 : memref<1x320xi32, #tpu.memory_space<hbm>> -> memref<320xi32, #tpu.memory_space<hbm>>
      %dma_wait3A_257 = arith.constant 0 : i32
      %dma_wait3A_258 = tpu.memref_slice %arg3[%add3A_104, %dma_wait3A_257] : memref<1024x320xi32, #tpu.memory_space<hbm>> -> memref<1x320xi32, #tpu.memory_space<hbm>>
      %dma_wait3A_259 = tpu.memref_squeeze %dma_wait3A_258 : memref<1x320xi32, #tpu.memory_space<hbm>> -> memref<320xi32, #tpu.memory_space<hbm>>
      tpu.wait_dma2 semaphore(%arg57 : memref<!tpu.dma_semaphore, #tpu.memory_space<semaphore_mem>>) src(%dma_wait3A_259 : memref<320xi32, #tpu.memory_space<hbm>>) dst(%arg16 : memref<320xi32, #tpu.memory_space<vmem>>)
      %dma_wait3A_260 = arith.constant 0 : i32
      %dma_wait3A_261 = tpu.memref_slice %arg4[%add3A_104, %dma_wait3A_260] : memref<1024x320xi32, #tpu.memory_space<hbm>> -> memref<1x320xi32, #tpu.memory_space<hbm>>
      %dma_wait3A_262 = tpu.memref_squeeze %dma_wait3A_261 : memref<1x320xi32, #tpu.memory_space<hbm>> -> memref<320xi32, #tpu.memory_space<hbm>>
      %dma_wait3A_263 = arith.constant 0 : i32
      %dma_wait3A_264 = tpu.memref_slice %arg4[%add3A_104, %dma_wait3A_263] : memref<1024x320xi32, #tpu.memory_space<hbm>> -> memref<1x320xi32, #tpu.memory_space<hbm>>
      %dma_wait3A_265 = tpu.memref_squeeze %dma_wait3A_264 : memref<1x320xi32, #tpu.memory_space<hbm>> -> memref<320xi32, #tpu.memory_space<hbm>>
      tpu.wait_dma2 semaphore(%arg57 : memref<!tpu.dma_semaphore, #tpu.memory_space<semaphore_mem>>) src(%dma_wait3A_265 : memref<320xi32, #tpu.memory_space<hbm>>) dst(%arg24 : memref<320xi32, #tpu.memory_space<vmem>>)
      %dma_start3A_266 = arith.constant 0 : i32
      %dma_start3A_267 = arith.constant 0 : i32
      %dma_start3A_268 = tpu.memref_slice %arg2[%arg0, %dma_start3A_266, %dma_start3A_267] : memref<2x10240x64xbf16, #tpu.memory_space<hbm>> -> memref<1x10240x64xbf16, #tpu.memory_space<hbm>>
      %dma_start3A_269 = tpu.memref_squeeze %dma_start3A_268 : memref<1x10240x64xbf16, #tpu.memory_space<hbm>> -> memref<10240x64xbf16, #tpu.memory_space<hbm>>
      %dma_start3A_270 = arith.constant 0 : i32
      %dma_start3A_271 = arith.constant 0 : i32
      %dma_start3A_272 = tpu.memref_slice %dma_start3A_269[%dma_start3A_270, %dma_start3A_271] : memref<10240x64xbf16, #tpu.memory_space<hbm>> -> memref<10240x64xbf16, #tpu.memory_space<hbm>>
      tpu.enqueue_indirect_dma source(%dma_start3A_272 : memref<10240x64xbf16, #tpu.memory_space<hbm>>) target(%arg32 : memref<320x64xbf16, #tpu.memory_space<vmem>>) offsets(%arg16 : memref<320xi32, #tpu.memory_space<vmem>>) semaphore(%arg41 : memref<!tpu.dma_semaphore, #tpu.memory_space<semaphore_mem>>)
      %convert_element_type3A = arith.extui %eq3A_16 : i1 to i32
      %cond3A = arith.constant 0 : i32
      %cond3A_273 = arith.cmpi ne, %convert_element_type3A, %cond3A : i32
      scf.if %cond3A_273 {
        "tpu.region"() ({
          %run_scoped3A = tpu.sem_alloc : memref<!tpu.dma_semaphore, #tpu.memory_space<semaphore_mem>>
          %dma_start3A_408 = arith.constant 0 : i32
          %dma_start3A_409 = arith.constant 0 : i32
          %dma_start3A_410 = tpu.memref_slice %arg60[%dma_start3A_408, %dma_start3A_409] : memref<10240x16xf32, #tpu.memory_space<vmem_shared>> -> memref<10240x16xf32, #tpu.memory_space<vmem_shared>>
          tpu.enqueue_indirect_dma source(%arg59 : memref<320x16xf32, #tpu.memory_space<vmem>>) target(%dma_start3A_410 : memref<10240x16xf32, #tpu.memory_space<vmem_shared>>) offsets(%arg18 : memref<320xi32, #tpu.memory_space<vmem>>) semaphore(%run_scoped3A : memref<!tpu.dma_semaphore, #tpu.memory_space<semaphore_mem>>) {add = true}
          %dma_wait3A_411 = arith.constant 0 : i32
          %dma_wait3A_412 = arith.constant 0 : i32
          %dma_wait3A_413 = tpu.memref_slice %arg60[%dma_wait3A_411, %dma_wait3A_412] : memref<10240x16xf32, #tpu.memory_space<vmem_shared>> -> memref<10240x16xf32, #tpu.memory_space<vmem_shared>>
          tpu.wait_indirect_dma semaphore(%run_scoped3A : memref<!tpu.dma_semaphore, #tpu.memory_space<semaphore_mem>>) src(%arg59 : memref<320x16xf32, #tpu.memory_space<vmem>>) dst(%dma_wait3A_413 : memref<10240x16xf32, #tpu.memory_space<vmem_shared>>)
          tpu.yield
        }) : () -> ()
      } else {
      }
      %dma_wait3A_274 = arith.constant 0 : i32
      %dma_wait3A_275 = arith.constant 0 : i32
      %dma_wait3A_276 = tpu.memref_slice %arg2[%arg0, %dma_wait3A_274, %dma_wait3A_275] : memref<2x10240x64xbf16, #tpu.memory_space<hbm>> -> memref<1x10240x64xbf16, #tpu.memory_space<hbm>>
      %dma_wait3A_277 = tpu.memref_squeeze %dma_wait3A_276 : memref<1x10240x64xbf16, #tpu.memory_space<hbm>> -> memref<10240x64xbf16, #tpu.memory_space<hbm>>
      %dma_wait3A_278 = arith.constant 0 : i32
      %dma_wait3A_279 = arith.constant 0 : i32
      %dma_wait3A_280 = tpu.memref_slice %dma_wait3A_277[%dma_wait3A_278, %dma_wait3A_279] : memref<10240x64xbf16, #tpu.memory_space<hbm>> -> memref<10240x64xbf16, #tpu.memory_space<hbm>>
      tpu.wait_indirect_dma semaphore(%arg36 : memref<!tpu.dma_semaphore, #tpu.memory_space<semaphore_mem>>) src(%dma_wait3A_280 : memref<10240x64xbf16, #tpu.memory_space<hbm>>) dst(%arg27 : memref<320x64xbf16, #tpu.memory_space<vmem>>)
      %dma_start3A_281 = arith.constant 0 : i32
      %dma_start3A_282 = arith.constant 0 : i32
      %dma_start3A_283 = tpu.memref_slice %arg34[%dma_start3A_281, %dma_start3A_282] : memref<10240x64xbf16, #tpu.memory_space<vmem_shared>> -> memref<10240x64xbf16, #tpu.memory_space<vmem_shared>>
      tpu.enqueue_indirect_dma source(%arg27 : memref<320x64xbf16, #tpu.memory_space<vmem>>) target(%dma_start3A_283 : memref<10240x64xbf16, #tpu.memory_space<vmem_shared>>) offsets(%arg19 : memref<320xi32, #tpu.memory_space<vmem>>) semaphore(%arg44 : memref<!tpu.dma_semaphore, #tpu.memory_space<semaphore_mem>>) {add = true}
      %dma_wait3A_284 = arith.constant 0 : i32
      %dma_wait3A_285 = tpu.memref_slice %arg3[%add3A_118, %dma_wait3A_284] : memref<1024x320xi32, #tpu.memory_space<hbm>> -> memref<1x320xi32, #tpu.memory_space<hbm>>
      %dma_wait3A_286 = tpu.memref_squeeze %dma_wait3A_285 : memref<1x320xi32, #tpu.memory_space<hbm>> -> memref<320xi32, #tpu.memory_space<hbm>>
      %dma_wait3A_287 = arith.constant 0 : i32
      %dma_wait3A_288 = tpu.memref_slice %arg3[%add3A_118, %dma_wait3A_287] : memref<1024x320xi32, #tpu.memory_space<hbm>> -> memref<1x320xi32, #tpu.memory_space<hbm>>
      %dma_wait3A_289 = tpu.memref_squeeze %dma_wait3A_288 : memref<1x320xi32, #tpu.memory_space<hbm>> -> memref<320xi32, #tpu.memory_space<hbm>>
      tpu.wait_dma2 semaphore(%arg58 : memref<!tpu.dma_semaphore, #tpu.memory_space<semaphore_mem>>) src(%dma_wait3A_289 : memref<320xi32, #tpu.memory_space<hbm>>) dst(%arg17 : memref<320xi32, #tpu.memory_space<vmem>>)
      %dma_wait3A_290 = arith.constant 0 : i32
      %dma_wait3A_291 = tpu.memref_slice %arg4[%add3A_118, %dma_wait3A_290] : memref<1024x320xi32, #tpu.memory_space<hbm>> -> memref<1x320xi32, #tpu.memory_space<hbm>>
      %dma_wait3A_292 = tpu.memref_squeeze %dma_wait3A_291 : memref<1x320xi32, #tpu.memory_space<hbm>> -> memref<320xi32, #tpu.memory_space<hbm>>
      %dma_wait3A_293 = arith.constant 0 : i32
      %dma_wait3A_294 = tpu.memref_slice %arg4[%add3A_118, %dma_wait3A_293] : memref<1024x320xi32, #tpu.memory_space<hbm>> -> memref<1x320xi32, #tpu.memory_space<hbm>>
      %dma_wait3A_295 = tpu.memref_squeeze %dma_wait3A_294 : memref<1x320xi32, #tpu.memory_space<hbm>> -> memref<320xi32, #tpu.memory_space<hbm>>
      tpu.wait_dma2 semaphore(%arg58 : memref<!tpu.dma_semaphore, #tpu.memory_space<semaphore_mem>>) src(%dma_wait3A_295 : memref<320xi32, #tpu.memory_space<hbm>>) dst(%arg25 : memref<320xi32, #tpu.memory_space<vmem>>)
      %dma_start3A_296 = arith.constant 0 : i32
      %dma_start3A_297 = arith.constant 0 : i32
      %dma_start3A_298 = tpu.memref_slice %arg2[%arg0, %dma_start3A_296, %dma_start3A_297] : memref<2x10240x64xbf16, #tpu.memory_space<hbm>> -> memref<1x10240x64xbf16, #tpu.memory_space<hbm>>
      %dma_start3A_299 = tpu.memref_squeeze %dma_start3A_298 : memref<1x10240x64xbf16, #tpu.memory_space<hbm>> -> memref<10240x64xbf16, #tpu.memory_space<hbm>>
      %dma_start3A_300 = arith.constant 0 : i32
      %dma_start3A_301 = arith.constant 0 : i32
      %dma_start3A_302 = tpu.memref_slice %dma_start3A_299[%dma_start3A_300, %dma_start3A_301] : memref<10240x64xbf16, #tpu.memory_space<hbm>> -> memref<10240x64xbf16, #tpu.memory_space<hbm>>
      tpu.enqueue_indirect_dma source(%dma_start3A_302 : memref<10240x64xbf16, #tpu.memory_space<hbm>>) target(%arg33 : memref<320x64xbf16, #tpu.memory_space<vmem>>) offsets(%arg17 : memref<320xi32, #tpu.memory_space<vmem>>) semaphore(%arg42 : memref<!tpu.dma_semaphore, #tpu.memory_space<semaphore_mem>>)
      %convert_element_type3A_303 = arith.extui %eq3A_16 : i1 to i32
      %cond3A_304 = arith.constant 0 : i32
      %cond3A_305 = arith.cmpi ne, %convert_element_type3A_303, %cond3A_304 : i32
      scf.if %cond3A_305 {
        "tpu.region"() ({
          %run_scoped3A = tpu.sem_alloc : memref<!tpu.dma_semaphore, #tpu.memory_space<semaphore_mem>>
          %dma_start3A_408 = arith.constant 0 : i32
          %dma_start3A_409 = arith.constant 0 : i32
          %dma_start3A_410 = tpu.memref_slice %arg60[%dma_start3A_408, %dma_start3A_409] : memref<10240x16xf32, #tpu.memory_space<vmem_shared>> -> memref<10240x16xf32, #tpu.memory_space<vmem_shared>>
          tpu.enqueue_indirect_dma source(%arg59 : memref<320x16xf32, #tpu.memory_space<vmem>>) target(%dma_start3A_410 : memref<10240x16xf32, #tpu.memory_space<vmem_shared>>) offsets(%arg19 : memref<320xi32, #tpu.memory_space<vmem>>) semaphore(%run_scoped3A : memref<!tpu.dma_semaphore, #tpu.memory_space<semaphore_mem>>) {add = true}
          %dma_wait3A_411 = arith.constant 0 : i32
          %dma_wait3A_412 = arith.constant 0 : i32
          %dma_wait3A_413 = tpu.memref_slice %arg60[%dma_wait3A_411, %dma_wait3A_412] : memref<10240x16xf32, #tpu.memory_space<vmem_shared>> -> memref<10240x16xf32, #tpu.memory_space<vmem_shared>>
          tpu.wait_indirect_dma semaphore(%run_scoped3A : memref<!tpu.dma_semaphore, #tpu.memory_space<semaphore_mem>>) src(%arg59 : memref<320x16xf32, #tpu.memory_space<vmem>>) dst(%dma_wait3A_413 : memref<10240x16xf32, #tpu.memory_space<vmem_shared>>)
          tpu.yield
        }) : () -> ()
      } else {
      }
      %dma_wait3A_306 = arith.constant 0 : i32
      %dma_wait3A_307 = arith.constant 0 : i32
      %dma_wait3A_308 = tpu.memref_slice %arg2[%arg0, %dma_wait3A_306, %dma_wait3A_307] : memref<2x10240x64xbf16, #tpu.memory_space<hbm>> -> memref<1x10240x64xbf16, #tpu.memory_space<hbm>>
      %dma_wait3A_309 = tpu.memref_squeeze %dma_wait3A_308 : memref<1x10240x64xbf16, #tpu.memory_space<hbm>> -> memref<10240x64xbf16, #tpu.memory_space<hbm>>
      %dma_wait3A_310 = arith.constant 0 : i32
      %dma_wait3A_311 = arith.constant 0 : i32
      %dma_wait3A_312 = tpu.memref_slice %dma_wait3A_309[%dma_wait3A_310, %dma_wait3A_311] : memref<10240x64xbf16, #tpu.memory_space<hbm>> -> memref<10240x64xbf16, #tpu.memory_space<hbm>>
      tpu.wait_indirect_dma semaphore(%arg37 : memref<!tpu.dma_semaphore, #tpu.memory_space<semaphore_mem>>) src(%dma_wait3A_312 : memref<10240x64xbf16, #tpu.memory_space<hbm>>) dst(%arg28 : memref<320x64xbf16, #tpu.memory_space<vmem>>)
      %dma_start3A_313 = arith.constant 0 : i32
      %dma_start3A_314 = arith.constant 0 : i32
      %dma_start3A_315 = tpu.memref_slice %arg34[%dma_start3A_313, %dma_start3A_314] : memref<10240x64xbf16, #tpu.memory_space<vmem_shared>> -> memref<10240x64xbf16, #tpu.memory_space<vmem_shared>>
      tpu.enqueue_indirect_dma source(%arg28 : memref<320x64xbf16, #tpu.memory_space<vmem>>) target(%dma_start3A_315 : memref<10240x64xbf16, #tpu.memory_space<vmem_shared>>) offsets(%arg20 : memref<320xi32, #tpu.memory_space<vmem>>) semaphore(%arg45 : memref<!tpu.dma_semaphore, #tpu.memory_space<semaphore_mem>>) {add = true}
      %convert_element_type3A_316 = arith.extui %eq3A_16 : i1 to i32
      %cond3A_317 = arith.constant 0 : i32
      %cond3A_318 = arith.cmpi ne, %convert_element_type3A_316, %cond3A_317 : i32
      scf.if %cond3A_318 {
        "tpu.region"() ({
          %run_scoped3A = tpu.sem_alloc : memref<!tpu.dma_semaphore, #tpu.memory_space<semaphore_mem>>
          %dma_start3A_408 = arith.constant 0 : i32
          %dma_start3A_409 = arith.constant 0 : i32
          %dma_start3A_410 = tpu.memref_slice %arg60[%dma_start3A_408, %dma_start3A_409] : memref<10240x16xf32, #tpu.memory_space<vmem_shared>> -> memref<10240x16xf32, #tpu.memory_space<vmem_shared>>
          tpu.enqueue_indirect_dma source(%arg59 : memref<320x16xf32, #tpu.memory_space<vmem>>) target(%dma_start3A_410 : memref<10240x16xf32, #tpu.memory_space<vmem_shared>>) offsets(%arg20 : memref<320xi32, #tpu.memory_space<vmem>>) semaphore(%run_scoped3A : memref<!tpu.dma_semaphore, #tpu.memory_space<semaphore_mem>>) {add = true}
          %dma_wait3A_411 = arith.constant 0 : i32
          %dma_wait3A_412 = arith.constant 0 : i32
          %dma_wait3A_413 = tpu.memref_slice %arg60[%dma_wait3A_411, %dma_wait3A_412] : memref<10240x16xf32, #tpu.memory_space<vmem_shared>> -> memref<10240x16xf32, #tpu.memory_space<vmem_shared>>
          tpu.wait_indirect_dma semaphore(%run_scoped3A : memref<!tpu.dma_semaphore, #tpu.memory_space<semaphore_mem>>) src(%arg59 : memref<320x16xf32, #tpu.memory_space<vmem>>) dst(%dma_wait3A_413 : memref<10240x16xf32, #tpu.memory_space<vmem_shared>>)
          tpu.yield
        }) : () -> ()
      } else {
      }
      %dma_wait3A_319 = arith.constant 0 : i32
      %dma_wait3A_320 = arith.constant 0 : i32
      %dma_wait3A_321 = tpu.memref_slice %arg2[%arg0, %dma_wait3A_319, %dma_wait3A_320] : memref<2x10240x64xbf16, #tpu.memory_space<hbm>> -> memref<1x10240x64xbf16, #tpu.memory_space<hbm>>
      %dma_wait3A_322 = tpu.memref_squeeze %dma_wait3A_321 : memref<1x10240x64xbf16, #tpu.memory_space<hbm>> -> memref<10240x64xbf16, #tpu.memory_space<hbm>>
      %dma_wait3A_323 = arith.constant 0 : i32
      %dma_wait3A_324 = arith.constant 0 : i32
      %dma_wait3A_325 = tpu.memref_slice %dma_wait3A_322[%dma_wait3A_323, %dma_wait3A_324] : memref<10240x64xbf16, #tpu.memory_space<hbm>> -> memref<10240x64xbf16, #tpu.memory_space<hbm>>
      tpu.wait_indirect_dma semaphore(%arg38 : memref<!tpu.dma_semaphore, #tpu.memory_space<semaphore_mem>>) src(%dma_wait3A_325 : memref<10240x64xbf16, #tpu.memory_space<hbm>>) dst(%arg29 : memref<320x64xbf16, #tpu.memory_space<vmem>>)
      %dma_start3A_326 = arith.constant 0 : i32
      %dma_start3A_327 = arith.constant 0 : i32
      %dma_start3A_328 = tpu.memref_slice %arg34[%dma_start3A_326, %dma_start3A_327] : memref<10240x64xbf16, #tpu.memory_space<vmem_shared>> -> memref<10240x64xbf16, #tpu.memory_space<vmem_shared>>
      tpu.enqueue_indirect_dma source(%arg29 : memref<320x64xbf16, #tpu.memory_space<vmem>>) target(%dma_start3A_328 : memref<10240x64xbf16, #tpu.memory_space<vmem_shared>>) offsets(%arg21 : memref<320xi32, #tpu.memory_space<vmem>>) semaphore(%arg46 : memref<!tpu.dma_semaphore, #tpu.memory_space<semaphore_mem>>) {add = true}
      %convert_element_type3A_329 = arith.extui %eq3A_16 : i1 to i32
      %cond3A_330 = arith.constant 0 : i32
      %cond3A_331 = arith.cmpi ne, %convert_element_type3A_329, %cond3A_330 : i32
      scf.if %cond3A_331 {
        "tpu.region"() ({
          %run_scoped3A = tpu.sem_alloc : memref<!tpu.dma_semaphore, #tpu.memory_space<semaphore_mem>>
          %dma_start3A_408 = arith.constant 0 : i32
          %dma_start3A_409 = arith.constant 0 : i32
          %dma_start3A_410 = tpu.memref_slice %arg60[%dma_start3A_408, %dma_start3A_409] : memref<10240x16xf32, #tpu.memory_space<vmem_shared>> -> memref<10240x16xf32, #tpu.memory_space<vmem_shared>>
          tpu.enqueue_indirect_dma source(%arg59 : memref<320x16xf32, #tpu.memory_space<vmem>>) target(%dma_start3A_410 : memref<10240x16xf32, #tpu.memory_space<vmem_shared>>) offsets(%arg21 : memref<320xi32, #tpu.memory_space<vmem>>) semaphore(%run_scoped3A : memref<!tpu.dma_semaphore, #tpu.memory_space<semaphore_mem>>) {add = true}
          %dma_wait3A_411 = arith.constant 0 : i32
          %dma_wait3A_412 = arith.constant 0 : i32
          %dma_wait3A_413 = tpu.memref_slice %arg60[%dma_wait3A_411, %dma_wait3A_412] : memref<10240x16xf32, #tpu.memory_space<vmem_shared>> -> memref<10240x16xf32, #tpu.memory_space<vmem_shared>>
          tpu.wait_indirect_dma semaphore(%run_scoped3A : memref<!tpu.dma_semaphore, #tpu.memory_space<semaphore_mem>>) src(%arg59 : memref<320x16xf32, #tpu.memory_space<vmem>>) dst(%dma_wait3A_413 : memref<10240x16xf32, #tpu.memory_space<vmem_shared>>)
          tpu.yield
        }) : () -> ()
      } else {
      }
      %dma_wait3A_332 = arith.constant 0 : i32
      %dma_wait3A_333 = arith.constant 0 : i32
      %dma_wait3A_334 = tpu.memref_slice %arg2[%arg0, %dma_wait3A_332, %dma_wait3A_333] : memref<2x10240x64xbf16, #tpu.memory_space<hbm>> -> memref<1x10240x64xbf16, #tpu.memory_space<hbm>>
      %dma_wait3A_335 = tpu.memref_squeeze %dma_wait3A_334 : memref<1x10240x64xbf16, #tpu.memory_space<hbm>> -> memref<10240x64xbf16, #tpu.memory_space<hbm>>
      %dma_wait3A_336 = arith.constant 0 : i32
      %dma_wait3A_337 = arith.constant 0 : i32
      %dma_wait3A_338 = tpu.memref_slice %dma_wait3A_335[%dma_wait3A_336, %dma_wait3A_337] : memref<10240x64xbf16, #tpu.memory_space<hbm>> -> memref<10240x64xbf16, #tpu.memory_space<hbm>>
      tpu.wait_indirect_dma semaphore(%arg39 : memref<!tpu.dma_semaphore, #tpu.memory_space<semaphore_mem>>) src(%dma_wait3A_338 : memref<10240x64xbf16, #tpu.memory_space<hbm>>) dst(%arg30 : memref<320x64xbf16, #tpu.memory_space<vmem>>)
      %dma_start3A_339 = arith.constant 0 : i32
      %dma_start3A_340 = arith.constant 0 : i32
      %dma_start3A_341 = tpu.memref_slice %arg34[%dma_start3A_339, %dma_start3A_340] : memref<10240x64xbf16, #tpu.memory_space<vmem_shared>> -> memref<10240x64xbf16, #tpu.memory_space<vmem_shared>>
      tpu.enqueue_indirect_dma source(%arg30 : memref<320x64xbf16, #tpu.memory_space<vmem>>) target(%dma_start3A_341 : memref<10240x64xbf16, #tpu.memory_space<vmem_shared>>) offsets(%arg22 : memref<320xi32, #tpu.memory_space<vmem>>) semaphore(%arg47 : memref<!tpu.dma_semaphore, #tpu.memory_space<semaphore_mem>>) {add = true}
      %convert_element_type3A_342 = arith.extui %eq3A_16 : i1 to i32
      %cond3A_343 = arith.constant 0 : i32
      %cond3A_344 = arith.cmpi ne, %convert_element_type3A_342, %cond3A_343 : i32
      scf.if %cond3A_344 {
        "tpu.region"() ({
          %run_scoped3A = tpu.sem_alloc : memref<!tpu.dma_semaphore, #tpu.memory_space<semaphore_mem>>
          %dma_start3A_408 = arith.constant 0 : i32
          %dma_start3A_409 = arith.constant 0 : i32
          %dma_start3A_410 = tpu.memref_slice %arg60[%dma_start3A_408, %dma_start3A_409] : memref<10240x16xf32, #tpu.memory_space<vmem_shared>> -> memref<10240x16xf32, #tpu.memory_space<vmem_shared>>
          tpu.enqueue_indirect_dma source(%arg59 : memref<320x16xf32, #tpu.memory_space<vmem>>) target(%dma_start3A_410 : memref<10240x16xf32, #tpu.memory_space<vmem_shared>>) offsets(%arg22 : memref<320xi32, #tpu.memory_space<vmem>>) semaphore(%run_scoped3A : memref<!tpu.dma_semaphore, #tpu.memory_space<semaphore_mem>>) {add = true}
          %dma_wait3A_411 = arith.constant 0 : i32
          %dma_wait3A_412 = arith.constant 0 : i32
          %dma_wait3A_413 = tpu.memref_slice %arg60[%dma_wait3A_411, %dma_wait3A_412] : memref<10240x16xf32, #tpu.memory_space<vmem_shared>> -> memref<10240x16xf32, #tpu.memory_space<vmem_shared>>
          tpu.wait_indirect_dma semaphore(%run_scoped3A : memref<!tpu.dma_semaphore, #tpu.memory_space<semaphore_mem>>) src(%arg59 : memref<320x16xf32, #tpu.memory_space<vmem>>) dst(%dma_wait3A_413 : memref<10240x16xf32, #tpu.memory_space<vmem_shared>>)
          tpu.yield
        }) : () -> ()
      } else {
      }
      %dma_wait3A_345 = arith.constant 0 : i32
      %dma_wait3A_346 = arith.constant 0 : i32
      %dma_wait3A_347 = tpu.memref_slice %arg2[%arg0, %dma_wait3A_345, %dma_wait3A_346] : memref<2x10240x64xbf16, #tpu.memory_space<hbm>> -> memref<1x10240x64xbf16, #tpu.memory_space<hbm>>
      %dma_wait3A_348 = tpu.memref_squeeze %dma_wait3A_347 : memref<1x10240x64xbf16, #tpu.memory_space<hbm>> -> memref<10240x64xbf16, #tpu.memory_space<hbm>>
      %dma_wait3A_349 = arith.constant 0 : i32
      %dma_wait3A_350 = arith.constant 0 : i32
      %dma_wait3A_351 = tpu.memref_slice %dma_wait3A_348[%dma_wait3A_349, %dma_wait3A_350] : memref<10240x64xbf16, #tpu.memory_space<hbm>> -> memref<10240x64xbf16, #tpu.memory_space<hbm>>
      tpu.wait_indirect_dma semaphore(%arg40 : memref<!tpu.dma_semaphore, #tpu.memory_space<semaphore_mem>>) src(%dma_wait3A_351 : memref<10240x64xbf16, #tpu.memory_space<hbm>>) dst(%arg31 : memref<320x64xbf16, #tpu.memory_space<vmem>>)
      %dma_start3A_352 = arith.constant 0 : i32
      %dma_start3A_353 = arith.constant 0 : i32
      %dma_start3A_354 = tpu.memref_slice %arg34[%dma_start3A_352, %dma_start3A_353] : memref<10240x64xbf16, #tpu.memory_space<vmem_shared>> -> memref<10240x64xbf16, #tpu.memory_space<vmem_shared>>
      tpu.enqueue_indirect_dma source(%arg31 : memref<320x64xbf16, #tpu.memory_space<vmem>>) target(%dma_start3A_354 : memref<10240x64xbf16, #tpu.memory_space<vmem_shared>>) offsets(%arg23 : memref<320xi32, #tpu.memory_space<vmem>>) semaphore(%arg48 : memref<!tpu.dma_semaphore, #tpu.memory_space<semaphore_mem>>) {add = true}
      %convert_element_type3A_355 = arith.extui %eq3A_16 : i1 to i32
      %cond3A_356 = arith.constant 0 : i32
      %cond3A_357 = arith.cmpi ne, %convert_element_type3A_355, %cond3A_356 : i32
      scf.if %cond3A_357 {
        "tpu.region"() ({
          %run_scoped3A = tpu.sem_alloc : memref<!tpu.dma_semaphore, #tpu.memory_space<semaphore_mem>>
          %dma_start3A_408 = arith.constant 0 : i32
          %dma_start3A_409 = arith.constant 0 : i32
          %dma_start3A_410 = tpu.memref_slice %arg60[%dma_start3A_408, %dma_start3A_409] : memref<10240x16xf32, #tpu.memory_space<vmem_shared>> -> memref<10240x16xf32, #tpu.memory_space<vmem_shared>>
          tpu.enqueue_indirect_dma source(%arg59 : memref<320x16xf32, #tpu.memory_space<vmem>>) target(%dma_start3A_410 : memref<10240x16xf32, #tpu.memory_space<vmem_shared>>) offsets(%arg23 : memref<320xi32, #tpu.memory_space<vmem>>) semaphore(%run_scoped3A : memref<!tpu.dma_semaphore, #tpu.memory_space<semaphore_mem>>) {add = true}
          %dma_wait3A_411 = arith.constant 0 : i32
          %dma_wait3A_412 = arith.constant 0 : i32
          %dma_wait3A_413 = tpu.memref_slice %arg60[%dma_wait3A_411, %dma_wait3A_412] : memref<10240x16xf32, #tpu.memory_space<vmem_shared>> -> memref<10240x16xf32, #tpu.memory_space<vmem_shared>>
          tpu.wait_indirect_dma semaphore(%run_scoped3A : memref<!tpu.dma_semaphore, #tpu.memory_space<semaphore_mem>>) src(%arg59 : memref<320x16xf32, #tpu.memory_space<vmem>>) dst(%dma_wait3A_413 : memref<10240x16xf32, #tpu.memory_space<vmem_shared>>)
          tpu.yield
        }) : () -> ()
      } else {
      }
      %dma_wait3A_358 = arith.constant 0 : i32
      %dma_wait3A_359 = arith.constant 0 : i32
      %dma_wait3A_360 = tpu.memref_slice %arg2[%arg0, %dma_wait3A_358, %dma_wait3A_359] : memref<2x10240x64xbf16, #tpu.memory_space<hbm>> -> memref<1x10240x64xbf16, #tpu.memory_space<hbm>>
      %dma_wait3A_361 = tpu.memref_squeeze %dma_wait3A_360 : memref<1x10240x64xbf16, #tpu.memory_space<hbm>> -> memref<10240x64xbf16, #tpu.memory_space<hbm>>
      %dma_wait3A_362 = arith.constant 0 : i32
      %dma_wait3A_363 = arith.constant 0 : i32
      %dma_wait3A_364 = tpu.memref_slice %dma_wait3A_361[%dma_wait3A_362, %dma_wait3A_363] : memref<10240x64xbf16, #tpu.memory_space<hbm>> -> memref<10240x64xbf16, #tpu.memory_space<hbm>>
      tpu.wait_indirect_dma semaphore(%arg41 : memref<!tpu.dma_semaphore, #tpu.memory_space<semaphore_mem>>) src(%dma_wait3A_364 : memref<10240x64xbf16, #tpu.memory_space<hbm>>) dst(%arg32 : memref<320x64xbf16, #tpu.memory_space<vmem>>)
      %dma_start3A_365 = arith.constant 0 : i32
      %dma_start3A_366 = arith.constant 0 : i32
      %dma_start3A_367 = tpu.memref_slice %arg34[%dma_start3A_365, %dma_start3A_366] : memref<10240x64xbf16, #tpu.memory_space<vmem_shared>> -> memref<10240x64xbf16, #tpu.memory_space<vmem_shared>>
      tpu.enqueue_indirect_dma source(%arg32 : memref<320x64xbf16, #tpu.memory_space<vmem>>) target(%dma_start3A_367 : memref<10240x64xbf16, #tpu.memory_space<vmem_shared>>) offsets(%arg24 : memref<320xi32, #tpu.memory_space<vmem>>) semaphore(%arg49 : memref<!tpu.dma_semaphore, #tpu.memory_space<semaphore_mem>>) {add = true}
      %convert_element_type3A_368 = arith.extui %eq3A_16 : i1 to i32
      %cond3A_369 = arith.constant 0 : i32
      %cond3A_370 = arith.cmpi ne, %convert_element_type3A_368, %cond3A_369 : i32
      scf.if %cond3A_370 {
        "tpu.region"() ({
          %run_scoped3A = tpu.sem_alloc : memref<!tpu.dma_semaphore, #tpu.memory_space<semaphore_mem>>
          %dma_start3A_408 = arith.constant 0 : i32
          %dma_start3A_409 = arith.constant 0 : i32
          %dma_start3A_410 = tpu.memref_slice %arg60[%dma_start3A_408, %dma_start3A_409] : memref<10240x16xf32, #tpu.memory_space<vmem_shared>> -> memref<10240x16xf32, #tpu.memory_space<vmem_shared>>
          tpu.enqueue_indirect_dma source(%arg59 : memref<320x16xf32, #tpu.memory_space<vmem>>) target(%dma_start3A_410 : memref<10240x16xf32, #tpu.memory_space<vmem_shared>>) offsets(%arg24 : memref<320xi32, #tpu.memory_space<vmem>>) semaphore(%run_scoped3A : memref<!tpu.dma_semaphore, #tpu.memory_space<semaphore_mem>>) {add = true}
          %dma_wait3A_411 = arith.constant 0 : i32
          %dma_wait3A_412 = arith.constant 0 : i32
          %dma_wait3A_413 = tpu.memref_slice %arg60[%dma_wait3A_411, %dma_wait3A_412] : memref<10240x16xf32, #tpu.memory_space<vmem_shared>> -> memref<10240x16xf32, #tpu.memory_space<vmem_shared>>
          tpu.wait_indirect_dma semaphore(%run_scoped3A : memref<!tpu.dma_semaphore, #tpu.memory_space<semaphore_mem>>) src(%arg59 : memref<320x16xf32, #tpu.memory_space<vmem>>) dst(%dma_wait3A_413 : memref<10240x16xf32, #tpu.memory_space<vmem_shared>>)
          tpu.yield
        }) : () -> ()
      } else {
      }
      %dma_wait3A_371 = arith.constant 0 : i32
      %dma_wait3A_372 = arith.constant 0 : i32
      %dma_wait3A_373 = tpu.memref_slice %arg2[%arg0, %dma_wait3A_371, %dma_wait3A_372] : memref<2x10240x64xbf16, #tpu.memory_space<hbm>> -> memref<1x10240x64xbf16, #tpu.memory_space<hbm>>
      %dma_wait3A_374 = tpu.memref_squeeze %dma_wait3A_373 : memref<1x10240x64xbf16, #tpu.memory_space<hbm>> -> memref<10240x64xbf16, #tpu.memory_space<hbm>>
      %dma_wait3A_375 = arith.constant 0 : i32
      %dma_wait3A_376 = arith.constant 0 : i32
      %dma_wait3A_377 = tpu.memref_slice %dma_wait3A_374[%dma_wait3A_375, %dma_wait3A_376] : memref<10240x64xbf16, #tpu.memory_space<hbm>> -> memref<10240x64xbf16, #tpu.memory_space<hbm>>
      tpu.wait_indirect_dma semaphore(%arg42 : memref<!tpu.dma_semaphore, #tpu.memory_space<semaphore_mem>>) src(%dma_wait3A_377 : memref<10240x64xbf16, #tpu.memory_space<hbm>>) dst(%arg33 : memref<320x64xbf16, #tpu.memory_space<vmem>>)
      %dma_start3A_378 = arith.constant 0 : i32
      %dma_start3A_379 = arith.constant 0 : i32
      %dma_start3A_380 = tpu.memref_slice %arg34[%dma_start3A_378, %dma_start3A_379] : memref<10240x64xbf16, #tpu.memory_space<vmem_shared>> -> memref<10240x64xbf16, #tpu.memory_space<vmem_shared>>
      tpu.enqueue_indirect_dma source(%arg33 : memref<320x64xbf16, #tpu.memory_space<vmem>>) target(%dma_start3A_380 : memref<10240x64xbf16, #tpu.memory_space<vmem_shared>>) offsets(%arg25 : memref<320xi32, #tpu.memory_space<vmem>>) semaphore(%arg50 : memref<!tpu.dma_semaphore, #tpu.memory_space<semaphore_mem>>) {add = true}
      %convert_element_type3A_381 = arith.extui %eq3A_16 : i1 to i32
      %cond3A_382 = arith.constant 0 : i32
      %cond3A_383 = arith.cmpi ne, %convert_element_type3A_381, %cond3A_382 : i32
      scf.if %cond3A_383 {
        "tpu.region"() ({
          %run_scoped3A = tpu.sem_alloc : memref<!tpu.dma_semaphore, #tpu.memory_space<semaphore_mem>>
          %dma_start3A_408 = arith.constant 0 : i32
          %dma_start3A_409 = arith.constant 0 : i32
          %dma_start3A_410 = tpu.memref_slice %arg60[%dma_start3A_408, %dma_start3A_409] : memref<10240x16xf32, #tpu.memory_space<vmem_shared>> -> memref<10240x16xf32, #tpu.memory_space<vmem_shared>>
          tpu.enqueue_indirect_dma source(%arg59 : memref<320x16xf32, #tpu.memory_space<vmem>>) target(%dma_start3A_410 : memref<10240x16xf32, #tpu.memory_space<vmem_shared>>) offsets(%arg25 : memref<320xi32, #tpu.memory_space<vmem>>) semaphore(%run_scoped3A : memref<!tpu.dma_semaphore, #tpu.memory_space<semaphore_mem>>) {add = true}
          %dma_wait3A_411 = arith.constant 0 : i32
          %dma_wait3A_412 = arith.constant 0 : i32
          %dma_wait3A_413 = tpu.memref_slice %arg60[%dma_wait3A_411, %dma_wait3A_412] : memref<10240x16xf32, #tpu.memory_space<vmem_shared>> -> memref<10240x16xf32, #tpu.memory_space<vmem_shared>>
          tpu.wait_indirect_dma semaphore(%run_scoped3A : memref<!tpu.dma_semaphore, #tpu.memory_space<semaphore_mem>>) src(%arg59 : memref<320x16xf32, #tpu.memory_space<vmem>>) dst(%dma_wait3A_413 : memref<10240x16xf32, #tpu.memory_space<vmem_shared>>)
          tpu.yield
        }) : () -> ()
      } else {
      }
      %dma_wait3A_384 = arith.constant 0 : i32
      %dma_wait3A_385 = arith.constant 0 : i32
      %dma_wait3A_386 = tpu.memref_slice %arg34[%dma_wait3A_384, %dma_wait3A_385] : memref<10240x64xbf16, #tpu.memory_space<vmem_shared>> -> memref<10240x64xbf16, #tpu.memory_space<vmem_shared>>
      tpu.wait_indirect_dma semaphore(%arg43 : memref<!tpu.dma_semaphore, #tpu.memory_space<semaphore_mem>>) src(%arg26 : memref<320x64xbf16, #tpu.memory_space<vmem>>) dst(%dma_wait3A_386 : memref<10240x64xbf16, #tpu.memory_space<vmem_shared>>)
      %dma_wait3A_387 = arith.constant 0 : i32
      %dma_wait3A_388 = arith.constant 0 : i32
      %dma_wait3A_389 = tpu.memref_slice %arg34[%dma_wait3A_387, %dma_wait3A_388] : memref<10240x64xbf16, #tpu.memory_space<vmem_shared>> -> memref<10240x64xbf16, #tpu.memory_space<vmem_shared>>
      tpu.wait_indirect_dma semaphore(%arg44 : memref<!tpu.dma_semaphore, #tpu.memory_space<semaphore_mem>>) src(%arg27 : memref<320x64xbf16, #tpu.memory_space<vmem>>) dst(%dma_wait3A_389 : memref<10240x64xbf16, #tpu.memory_space<vmem_shared>>)
      %dma_wait3A_390 = arith.constant 0 : i32
      %dma_wait3A_391 = arith.constant 0 : i32
      %dma_wait3A_392 = tpu.memref_slice %arg34[%dma_wait3A_390, %dma_wait3A_391] : memref<10240x64xbf16, #tpu.memory_space<vmem_shared>> -> memref<10240x64xbf16, #tpu.memory_space<vmem_shared>>
      tpu.wait_indirect_dma semaphore(%arg45 : memref<!tpu.dma_semaphore, #tpu.memory_space<semaphore_mem>>) src(%arg28 : memref<320x64xbf16, #tpu.memory_space<vmem>>) dst(%dma_wait3A_392 : memref<10240x64xbf16, #tpu.memory_space<vmem_shared>>)
      %dma_wait3A_393 = arith.constant 0 : i32
      %dma_wait3A_394 = arith.constant 0 : i32
      %dma_wait3A_395 = tpu.memref_slice %arg34[%dma_wait3A_393, %dma_wait3A_394] : memref<10240x64xbf16, #tpu.memory_space<vmem_shared>> -> memref<10240x64xbf16, #tpu.memory_space<vmem_shared>>
      tpu.wait_indirect_dma semaphore(%arg46 : memref<!tpu.dma_semaphore, #tpu.memory_space<semaphore_mem>>) src(%arg29 : memref<320x64xbf16, #tpu.memory_space<vmem>>) dst(%dma_wait3A_395 : memref<10240x64xbf16, #tpu.memory_space<vmem_shared>>)
      %dma_wait3A_396 = arith.constant 0 : i32
      %dma_wait3A_397 = arith.constant 0 : i32
      %dma_wait3A_398 = tpu.memref_slice %arg34[%dma_wait3A_396, %dma_wait3A_397] : memref<10240x64xbf16, #tpu.memory_space<vmem_shared>> -> memref<10240x64xbf16, #tpu.memory_space<vmem_shared>>
      tpu.wait_indirect_dma semaphore(%arg47 : memref<!tpu.dma_semaphore, #tpu.memory_space<semaphore_mem>>) src(%arg30 : memref<320x64xbf16, #tpu.memory_space<vmem>>) dst(%dma_wait3A_398 : memref<10240x64xbf16, #tpu.memory_space<vmem_shared>>)
      %dma_wait3A_399 = arith.constant 0 : i32
      %dma_wait3A_400 = arith.constant 0 : i32
      %dma_wait3A_401 = tpu.memref_slice %arg34[%dma_wait3A_399, %dma_wait3A_400] : memref<10240x64xbf16, #tpu.memory_space<vmem_shared>> -> memref<10240x64xbf16, #tpu.memory_space<vmem_shared>>
      tpu.wait_indirect_dma semaphore(%arg48 : memref<!tpu.dma_semaphore, #tpu.memory_space<semaphore_mem>>) src(%arg31 : memref<320x64xbf16, #tpu.memory_space<vmem>>) dst(%dma_wait3A_401 : memref<10240x64xbf16, #tpu.memory_space<vmem_shared>>)
      %dma_wait3A_402 = arith.constant 0 : i32
      %dma_wait3A_403 = arith.constant 0 : i32
      %dma_wait3A_404 = tpu.memref_slice %arg34[%dma_wait3A_402, %dma_wait3A_403] : memref<10240x64xbf16, #tpu.memory_space<vmem_shared>> -> memref<10240x64xbf16, #tpu.memory_space<vmem_shared>>
      tpu.wait_indirect_dma semaphore(%arg49 : memref<!tpu.dma_semaphore, #tpu.memory_space<semaphore_mem>>) src(%arg32 : memref<320x64xbf16, #tpu.memory_space<vmem>>) dst(%dma_wait3A_404 : memref<10240x64xbf16, #tpu.memory_space<vmem_shared>>)
      %dma_wait3A_405 = arith.constant 0 : i32
      %dma_wait3A_406 = arith.constant 0 : i32
      %dma_wait3A_407 = tpu.memref_slice %arg34[%dma_wait3A_405, %dma_wait3A_406] : memref<10240x64xbf16, #tpu.memory_space<vmem_shared>> -> memref<10240x64xbf16, #tpu.memory_space<vmem_shared>>
      tpu.wait_indirect_dma semaphore(%arg50 : memref<!tpu.dma_semaphore, #tpu.memory_space<semaphore_mem>>) src(%arg33 : memref<320x64xbf16, #tpu.memory_space<vmem>>) dst(%dma_wait3A_407 : memref<10240x64xbf16, #tpu.memory_space<vmem_shared>>)
    }
    %scan3A_6 = arith.constant 8 : i32
    %barrier3A_7 = arith.constant 0 : index
    tpu.barrier barrier_id(%barrier3A_7)
    "tpu.region"() ({
      %run_scoped3A = tpu.sem_alloc : memref<!tpu.dma_semaphore, #tpu.memory_space<semaphore_mem>>
      %dma_start3A = arith.constant 0 : i32
      %dma_start3A_8 = arith.constant 0 : i32
      %dma_start3A_9 = tpu.memref_slice %arg8[%arg0, %dma_start3A, %dma_start3A_8] : memref<2x10240x64xbf16, #tpu.memory_space<hbm>> -> memref<1x10240x64xbf16, #tpu.memory_space<hbm>>
      %dma_start3A_10 = tpu.memref_squeeze %dma_start3A_9 : memref<1x10240x64xbf16, #tpu.memory_space<hbm>> -> memref<10240x64xbf16, #tpu.memory_space<hbm>>
      %dma_start3A_11 = arith.constant 0 : i32
      %dma_start3A_12 = tpu.memref_slice %dma_start3A_10[%mul3A_0, %dma_start3A_11] : memref<10240x64xbf16, #tpu.memory_space<hbm>> -> memref<640x64xbf16, #tpu.memory_space<hbm>>
      %dma_start3A_13 = arith.constant 0 : i32
      %dma_start3A_14 = tpu.memref_slice %arg34[%mul3A_0, %dma_start3A_13] : memref<10240x64xbf16, #tpu.memory_space<vmem_shared>> -> memref<640x64xbf16, #tpu.memory_space<vmem_shared>>
      tpu.enqueue_dma source(%dma_start3A_14 : memref<640x64xbf16, #tpu.memory_space<vmem_shared>>) target(%dma_start3A_12 : memref<640x64xbf16, #tpu.memory_space<hbm>>) target_semaphore(%run_scoped3A : memref<!tpu.dma_semaphore, #tpu.memory_space<semaphore_mem>>)
      %dma_wait3A = arith.constant 0 : i32
      %dma_wait3A_15 = arith.constant 0 : i32
      %dma_wait3A_16 = tpu.memref_slice %arg8[%arg0, %dma_wait3A, %dma_wait3A_15] : memref<2x10240x64xbf16, #tpu.memory_space<hbm>> -> memref<1x10240x64xbf16, #tpu.memory_space<hbm>>
      %dma_wait3A_17 = tpu.memref_squeeze %dma_wait3A_16 : memref<1x10240x64xbf16, #tpu.memory_space<hbm>> -> memref<10240x64xbf16, #tpu.memory_space<hbm>>
      %dma_wait3A_18 = arith.constant 0 : i32
      %dma_wait3A_19 = tpu.memref_slice %dma_wait3A_17[%mul3A_0, %dma_wait3A_18] : memref<10240x64xbf16, #tpu.memory_space<hbm>> -> memref<640x64xbf16, #tpu.memory_space<hbm>>
      %dma_wait3A_20 = arith.constant 0 : i32
      %dma_wait3A_21 = tpu.memref_slice %arg34[%mul3A_0, %dma_wait3A_20] : memref<10240x64xbf16, #tpu.memory_space<vmem_shared>> -> memref<640x64xbf16, #tpu.memory_space<vmem_shared>>
      tpu.wait_dma2 semaphore(%run_scoped3A : memref<!tpu.dma_semaphore, #tpu.memory_space<semaphore_mem>>) src(%dma_wait3A_21 : memref<640x64xbf16, #tpu.memory_space<vmem_shared>>) dst(%dma_wait3A_19 : memref<640x64xbf16, #tpu.memory_space<hbm>>)
      tpu.yield
    }) : () -> ()
    "tpu.region"() ({
      %run_scoped3A = tpu.sem_alloc : memref<!tpu.dma_semaphore, #tpu.memory_space<semaphore_mem>>
      %dma_start3A = arith.constant 0 : i32
      %dma_start3A_8 = arith.constant 0 : i32
      %dma_start3A_9 = tpu.memref_slice %arg9[%arg0, %dma_start3A, %dma_start3A_8] : memref<2x10240x16xf32, #tpu.memory_space<hbm>> -> memref<1x10240x16xf32, #tpu.memory_space<hbm>>
      %dma_start3A_10 = tpu.memref_squeeze %dma_start3A_9 : memref<1x10240x16xf32, #tpu.memory_space<hbm>> -> memref<10240x16xf32, #tpu.memory_space<hbm>>
      %dma_start3A_11 = arith.constant 0 : i32
      %dma_start3A_12 = tpu.memref_slice %dma_start3A_10[%mul3A_0, %dma_start3A_11] : memref<10240x16xf32, #tpu.memory_space<hbm>> -> memref<640x16xf32, #tpu.memory_space<hbm>>
      %dma_start3A_13 = arith.constant 0 : i32
      %dma_start3A_14 = tpu.memref_slice %arg60[%mul3A_0, %dma_start3A_13] : memref<10240x16xf32, #tpu.memory_space<vmem_shared>> -> memref<640x16xf32, #tpu.memory_space<vmem_shared>>
      tpu.enqueue_dma source(%dma_start3A_14 : memref<640x16xf32, #tpu.memory_space<vmem_shared>>) target(%dma_start3A_12 : memref<640x16xf32, #tpu.memory_space<hbm>>) target_semaphore(%run_scoped3A : memref<!tpu.dma_semaphore, #tpu.memory_space<semaphore_mem>>)
      %dma_wait3A = arith.constant 0 : i32
      %dma_wait3A_15 = arith.constant 0 : i32
      %dma_wait3A_16 = tpu.memref_slice %arg9[%arg0, %dma_wait3A, %dma_wait3A_15] : memref<2x10240x16xf32, #tpu.memory_space<hbm>> -> memref<1x10240x16xf32, #tpu.memory_space<hbm>>
      %dma_wait3A_17 = tpu.memref_squeeze %dma_wait3A_16 : memref<1x10240x16xf32, #tpu.memory_space<hbm>> -> memref<10240x16xf32, #tpu.memory_space<hbm>>
      %dma_wait3A_18 = arith.constant 0 : i32
      %dma_wait3A_19 = tpu.memref_slice %dma_wait3A_17[%mul3A_0, %dma_wait3A_18] : memref<10240x16xf32, #tpu.memory_space<hbm>> -> memref<640x16xf32, #tpu.memory_space<hbm>>
      %dma_wait3A_20 = arith.constant 0 : i32
      %dma_wait3A_21 = tpu.memref_slice %arg60[%mul3A_0, %dma_wait3A_20] : memref<10240x16xf32, #tpu.memory_space<vmem_shared>> -> memref<640x16xf32, #tpu.memory_space<vmem_shared>>
      tpu.wait_dma2 semaphore(%run_scoped3A : memref<!tpu.dma_semaphore, #tpu.memory_space<semaphore_mem>>) src(%dma_wait3A_21 : memref<640x16xf32, #tpu.memory_space<vmem_shared>>) dst(%dma_wait3A_19 : memref<640x16xf32, #tpu.memory_space<hbm>>)
      tpu.yield
    }) : () -> ()
    return
  }
}

module attributes {stable_mosaic.version = 14 : i64} {
  func.func @_mm_body(%arg0: i32, %arg1: memref<512x128xf32, #tpu.memory_space<vmem>>, %arg2: memref<128x128xf32, #tpu.memory_space<vmem>>, %arg3: memref<2x512x64xbf16, #tpu.memory_space<vmem>>) attributes {dimension_semantics = [#tpu.dimension_semantics<arbitrary>], iteration_bounds = array<i64: 20>, scalar_prefetch = 0 : i64, scratch_operands = 0 : i64, tpu.core_type = #tpu.core_type<tc>, window_params = [{transform_indices = @transform_0, window_bounds = array<i64: 512, 128>}, {pipeline_mode = #tpu.pipeline_mode<synchronous>, transform_indices = @transform_1, window_bounds = array<i64: 128, 128>}, {transform_indices = @transform_2, window_bounds = array<i64: 2, 512, 64>}]} {
    %get3A = arith.constant 0 : index
    %get3A_0 = arith.constant 0 : index
    %get3A_1 = vector.load %arg1[%get3A, %get3A_0] : memref<512x128xf32, #tpu.memory_space<vmem>>, vector<512x128xf32>
    %get3A_2 = arith.constant 0 : index
    %get3A_3 = arith.constant 0 : index
    %get3A_4 = vector.load %arg2[%get3A_2, %get3A_3] : memref<128x128xf32, #tpu.memory_space<vmem>>, vector<128x128xf32>
    %dot_general3A = arith.constant dense<0.000000e+00> : vector<512x128xf32>
    %dot_general3A_5 = tpu.matmul %get3A_1, %get3A_4, %dot_general3A {dimension_numbers = #tpu.dot_dimension_numbers<[1], [0], [0], [1], [0, 0, 1, 1], [], []>, transpose_lhs_hint = false} : vector<512x128xf32>, vector<128x128xf32>, vector<512x128xf32> -> vector<512x128xf32>
    %convert_element_type3A = arith.truncf %dot_general3A_5 : vector<512x128xf32> to vector<512x128xbf16>
    %slice3A = vector.extract_strided_slice %convert_element_type3A {offsets = [0, 0], sizes = [512, 64], strides = [1, 1]} : vector<512x128xbf16> to vector<512x64xbf16>
    %swap3A = arith.constant 0 : index
    %swap3A_6 = arith.constant 0 : index
    %swap3A_7 = arith.constant 0 : index
    %swap3A_8 = vector.load %arg3[%swap3A, %swap3A_6, %swap3A_7] : memref<2x512x64xbf16, #tpu.memory_space<vmem>>, vector<1x512x64xbf16>
    %swap3A_9 = vector.shape_cast %swap3A_8 : vector<1x512x64xbf16> to vector<512x64xbf16>
    %swap3A_10 = vector.shape_cast %slice3A : vector<512x64xbf16> to vector<1x512x64xbf16>
    tpu.vector_store %arg3[%swap3A, %swap3A_6, %swap3A_7], %swap3A_10 {strides = array<i32>} : memref<2x512x64xbf16, #tpu.memory_space<vmem>>, vector<1x512x64xbf16>,
    %slice3A_11 = vector.extract_strided_slice %convert_element_type3A {offsets = [0, 64], sizes = [512, 64], strides = [1, 1]} : vector<512x128xbf16> to vector<512x64xbf16>
    %swap3A_12 = arith.constant 1 : index
    %swap3A_13 = arith.constant 0 : index
    %swap3A_14 = arith.constant 0 : index
    %swap3A_15 = vector.load %arg3[%swap3A_12, %swap3A_13, %swap3A_14] : memref<2x512x64xbf16, #tpu.memory_space<vmem>>, vector<1x512x64xbf16>
    %swap3A_16 = vector.shape_cast %swap3A_15 : vector<1x512x64xbf16> to vector<512x64xbf16>
    %swap3A_17 = vector.shape_cast %slice3A_11 : vector<512x64xbf16> to vector<1x512x64xbf16>
    tpu.vector_store %arg3[%swap3A_12, %swap3A_13, %swap3A_14], %swap3A_17 {strides = array<i32>} : memref<2x512x64xbf16, #tpu.memory_space<vmem>>, vector<1x512x64xbf16>,
    return
  }
  func.func @transform_0(%arg0: i32) -> (i32, i32) {
    %c0_i32 = arith.constant 0 : i32
    %c0_i32_0 = arith.constant 0 : i32
    return %arg0, %c0_i32 : i32, i32
  }
  func.func @transform_1(%arg0: i32) -> (i32, i32) {
    %c0_i32 = arith.constant 0 : i32
    %c0_i32_0 = arith.constant 0 : i32
    %c0_i32_1 = arith.constant 0 : i32
    return %c0_i32, %c0_i32_0 : i32, i32
  }
  func.func @transform_2(%arg0: i32) -> (i32, i32, i32) {
    %c0_i32 = arith.constant 0 : i32
    %c0_i32_0 = arith.constant 0 : i32
    %c0_i32_1 = arith.constant 0 : i32
    return %c0_i32, %arg0, %c0_i32_0 : i32, i32, i32
  }
}

module attributes {stable_mosaic.version = 14 : i64} {
  func.func @_combine_body(%arg0: i32, %arg1: memref<2x512x64xbf16, #tpu.memory_space<vmem>>, %arg2: memref<2x512x16xf32, #tpu.memory_space<vmem>>, %arg3: memref<512x128xf32, #tpu.memory_space<vmem>>, %arg4: memref<128x128xf32, #tpu.memory_space<vmem>>, %arg5: memref<128x128xf32, #tpu.memory_space<vmem>>, %arg6: memref<1x128xf32, #tpu.memory_space<vmem>>, %arg7: memref<1x128xf32, #tpu.memory_space<vmem>>, %arg8: memref<1x128xf32, #tpu.memory_space<vmem>>, %arg9: memref<512x128xf32, #tpu.memory_space<vmem>>, %arg10: memref<2x512x64xbf16, #tpu.memory_space<vmem>>) attributes {dimension_semantics = [#tpu.dimension_semantics<arbitrary>], iteration_bounds = array<i64: 20>, scalar_prefetch = 0 : i64, scratch_operands = 0 : i64, tpu.core_type = #tpu.core_type<tc>, window_params = [{transform_indices = @transform_0, window_bounds = array<i64: 2, 512, 64>}, {transform_indices = @transform_1, window_bounds = array<i64: 2, 512, 16>}, {transform_indices = @transform_2, window_bounds = array<i64: 512, 128>}, {pipeline_mode = #tpu.pipeline_mode<synchronous>, transform_indices = @transform_3, window_bounds = array<i64: 128, 128>}, {pipeline_mode = #tpu.pipeline_mode<synchronous>, transform_indices = @transform_4, window_bounds = array<i64: 128, 128>}, {pipeline_mode = #tpu.pipeline_mode<synchronous>, transform_indices = @transform_5, window_bounds = array<i64: 1, 128>}, {pipeline_mode = #tpu.pipeline_mode<synchronous>, transform_indices = @transform_6, window_bounds = array<i64: 1, 128>}, {pipeline_mode = #tpu.pipeline_mode<synchronous>, transform_indices = @transform_7, window_bounds = array<i64: 1, 128>}, {transform_indices = @transform_8, window_bounds = array<i64: 512, 128>}, {transform_indices = @transform_9, window_bounds = array<i64: 2, 512, 64>}]} {
    %get3A = arith.constant 0 : index
    %get3A_0 = arith.constant 0 : index
    %get3A_1 = arith.constant 0 : index
    %get3A_2 = vector.load %arg2[%get3A, %get3A_0, %get3A_1] : memref<2x512x16xf32, #tpu.memory_space<vmem>>, vector<1x512x1xf32>
    %get3A_3 = vector.shape_cast %get3A_2 : vector<1x512x1xf32> to vector<512x1xf32>
    %get3A_4 = arith.constant 1 : index
    %get3A_5 = arith.constant 0 : index
    %get3A_6 = arith.constant 0 : index
    %get3A_7 = vector.load %arg2[%get3A_4, %get3A_5, %get3A_6] : memref<2x512x16xf32, #tpu.memory_space<vmem>>, vector<1x512x1xf32>
    %get3A_8 = vector.shape_cast %get3A_7 : vector<1x512x1xf32> to vector<512x1xf32>
    %add3A = arith.addf %get3A_3, %get3A_8 : vector<512x1xf32>
    %max3A = arith.constant 1.000000e+00 : f32
    %max3A_9 = vector.broadcast %max3A : f32 to vector<512x1xf32>
    %max3A_10 = arith.maximumf %add3A, %max3A_9 : vector<512x1xf32>
    %div3A = arith.constant 1.000000e+00 : f32
    %div3A_11 = vector.broadcast %div3A : f32 to vector<512x1xf32>
    %div3A_12 = arith.divf %div3A_11, %max3A_10 : vector<512x1xf32>
    %get3A_13 = arith.constant 0 : index
    %get3A_14 = arith.constant 0 : index
    %get3A_15 = arith.constant 0 : index
    %get3A_16 = vector.load %arg1[%get3A_13, %get3A_14, %get3A_15] : memref<2x512x64xbf16, #tpu.memory_space<vmem>>, vector<1x512x64xbf16>
    %get3A_17 = vector.shape_cast %get3A_16 : vector<1x512x64xbf16> to vector<512x64xbf16>
    %get3A_18 = arith.constant 1 : index
    %get3A_19 = arith.constant 0 : index
    %get3A_20 = arith.constant 0 : index
    %get3A_21 = vector.load %arg1[%get3A_18, %get3A_19, %get3A_20] : memref<2x512x64xbf16, #tpu.memory_space<vmem>>, vector<1x512x64xbf16>
    %get3A_22 = vector.shape_cast %get3A_21 : vector<1x512x64xbf16> to vector<512x64xbf16>
    %concatenate3A = tpu.concatenate %get3A_17, %get3A_22 in 1 : vector<512x64xbf16>, vector<512x64xbf16> -> vector<512x128xbf16>
    %convert_element_type3A = arith.extf %concatenate3A : vector<512x128xbf16> to vector<512x128xf32>
    %mul3A = vector.broadcast %div3A_12 : vector<512x1xf32> to vector<512x128xf32>
    %mul3A_23 = arith.mulf %convert_element_type3A, %mul3A : vector<512x128xf32>
    %get3A_24 = arith.constant 0 : index
    %get3A_25 = arith.constant 0 : index
    %get3A_26 = vector.load %arg6[%get3A_24, %get3A_25] : memref<1x128xf32, #tpu.memory_space<vmem>>, vector<1x128xf32>
    %add3A_27 = vector.broadcast %get3A_26 : vector<1x128xf32> to vector<512x128xf32>
    %add3A_28 = arith.addf %mul3A_23, %add3A_27 : vector<512x128xf32>
    %get3A_29 = arith.constant 0 : index
    %get3A_30 = arith.constant 0 : index
    %get3A_31 = vector.load %arg3[%get3A_29, %get3A_30] : memref<512x128xf32, #tpu.memory_space<vmem>>, vector<512x128xf32>
    %get3A_32 = arith.constant 0 : index
    %get3A_33 = arith.constant 0 : index
    %get3A_34 = vector.load %arg4[%get3A_32, %get3A_33] : memref<128x128xf32, #tpu.memory_space<vmem>>, vector<128x128xf32>
    %dot_general3A = arith.constant dense<0.000000e+00> : vector<512x128xf32>
    %dot_general3A_35 = tpu.matmul %get3A_31, %get3A_34, %dot_general3A {dimension_numbers = #tpu.dot_dimension_numbers<[1], [0], [0], [1], [0, 0, 1, 1], [], []>, transpose_lhs_hint = false} : vector<512x128xf32>, vector<128x128xf32>, vector<512x128xf32> -> vector<512x128xf32>
    %add3A_36 = arith.addf %add3A_28, %dot_general3A_35 : vector<512x128xf32>
    %get3A_37 = arith.constant 0 : index
    %get3A_38 = arith.constant 0 : index
    %get3A_39 = vector.load %arg7[%get3A_37, %get3A_38] : memref<1x128xf32, #tpu.memory_space<vmem>>, vector<1x128xf32>
    %sqrt3A = arith.constant 1.000010e+00 : f32
    %sqrt3A_40 = math.sqrt %sqrt3A : f32
    %div3A_41 = arith.constant 1.000000e+00 : f32
    %div3A_42 = arith.divf %div3A_41, %sqrt3A_40 : f32
    %mul3A_43 = vector.broadcast %div3A_42 : f32 to vector<1x128xf32>
    %mul3A_44 = arith.mulf %get3A_39, %mul3A_43 : vector<1x128xf32>
    %mul3A_45 = vector.broadcast %mul3A_44 : vector<1x128xf32> to vector<512x128xf32>
    %mul3A_46 = arith.mulf %mul3A_45, %add3A_36 : vector<512x128xf32>
    %get3A_47 = arith.constant 0 : index
    %get3A_48 = arith.constant 0 : index
    %get3A_49 = vector.load %arg8[%get3A_47, %get3A_48] : memref<1x128xf32, #tpu.memory_space<vmem>>, vector<1x128xf32>
    %add3A_50 = vector.broadcast %get3A_49 : vector<1x128xf32> to vector<512x128xf32>
    %add3A_51 = arith.addf %mul3A_46, %add3A_50 : vector<512x128xf32>
    %max3A_52 = arith.constant 0.000000e+00 : f32
    %max3A_53 = vector.broadcast %max3A_52 : f32 to vector<512x128xf32>
    %max3A_54 = arith.maximumf %add3A_51, %max3A_53 : vector<512x128xf32>
    %swap3A = arith.constant 0 : index
    %swap3A_55 = arith.constant 0 : index
    %swap3A_56 = vector.load %arg9[%swap3A, %swap3A_55] : memref<512x128xf32, #tpu.memory_space<vmem>>, vector<512x128xf32>
    tpu.vector_store %arg9[%swap3A, %swap3A_55], %max3A_54 {strides = array<i32>} : memref<512x128xf32, #tpu.memory_space<vmem>>, vector<512x128xf32>,
    %get3A_57 = arith.constant 0 : index
    %get3A_58 = arith.constant 0 : index
    %get3A_59 = vector.load %arg5[%get3A_57, %get3A_58] : memref<128x128xf32, #tpu.memory_space<vmem>>, vector<128x128xf32>
    %dot_general3A_60 = arith.constant dense<0.000000e+00> : vector<512x128xf32>
    %dot_general3A_61 = tpu.matmul %max3A_54, %get3A_59, %dot_general3A_60 {dimension_numbers = #tpu.dot_dimension_numbers<[1], [0], [0], [1], [0, 0, 1, 1], [], []>, transpose_lhs_hint = false} : vector<512x128xf32>, vector<128x128xf32>, vector<512x128xf32> -> vector<512x128xf32>
    %convert_element_type3A_62 = arith.truncf %dot_general3A_61 : vector<512x128xf32> to vector<512x128xbf16>
    %slice3A = vector.extract_strided_slice %convert_element_type3A_62 {offsets = [0, 0], sizes = [512, 64], strides = [1, 1]} : vector<512x128xbf16> to vector<512x64xbf16>
    %swap3A_63 = arith.constant 0 : index
    %swap3A_64 = arith.constant 0 : index
    %swap3A_65 = arith.constant 0 : index
    %swap3A_66 = vector.load %arg10[%swap3A_63, %swap3A_64, %swap3A_65] : memref<2x512x64xbf16, #tpu.memory_space<vmem>>, vector<1x512x64xbf16>
    %swap3A_67 = vector.shape_cast %swap3A_66 : vector<1x512x64xbf16> to vector<512x64xbf16>
    %swap3A_68 = vector.shape_cast %slice3A : vector<512x64xbf16> to vector<1x512x64xbf16>
    tpu.vector_store %arg10[%swap3A_63, %swap3A_64, %swap3A_65], %swap3A_68 {strides = array<i32>} : memref<2x512x64xbf16, #tpu.memory_space<vmem>>, vector<1x512x64xbf16>,
    %slice3A_69 = vector.extract_strided_slice %convert_element_type3A_62 {offsets = [0, 64], sizes = [512, 64], strides = [1, 1]} : vector<512x128xbf16> to vector<512x64xbf16>
    %swap3A_70 = arith.constant 1 : index
    %swap3A_71 = arith.constant 0 : index
    %swap3A_72 = arith.constant 0 : index
    %swap3A_73 = vector.load %arg10[%swap3A_70, %swap3A_71, %swap3A_72] : memref<2x512x64xbf16, #tpu.memory_space<vmem>>, vector<1x512x64xbf16>
    %swap3A_74 = vector.shape_cast %swap3A_73 : vector<1x512x64xbf16> to vector<512x64xbf16>
    %swap3A_75 = vector.shape_cast %slice3A_69 : vector<512x64xbf16> to vector<1x512x64xbf16>
    tpu.vector_store %arg10[%swap3A_70, %swap3A_71, %swap3A_72], %swap3A_75 {strides = array<i32>} : memref<2x512x64xbf16, #tpu.memory_space<vmem>>, vector<1x512x64xbf16>,
    return
  }
  func.func @transform_0(%arg0: i32) -> (i32, i32, i32) {
    %c0_i32 = arith.constant 0 : i32
    %c0_i32_0 = arith.constant 0 : i32
    %c0_i32_1 = arith.constant 0 : i32
    return %c0_i32, %arg0, %c0_i32_0 : i32, i32, i32
  }
  func.func @transform_1(%arg0: i32) -> (i32, i32, i32) {
    %c0_i32 = arith.constant 0 : i32
    %c0_i32_0 = arith.constant 0 : i32
    %c0_i32_1 = arith.constant 0 : i32
    return %c0_i32, %arg0, %c0_i32_0 : i32, i32, i32
  }
  func.func @transform_2(%arg0: i32) -> (i32, i32) {
    %c0_i32 = arith.constant 0 : i32
    %c0_i32_0 = arith.constant 0 : i32
    return %arg0, %c0_i32 : i32, i32
  }
  func.func @transform_3(%arg0: i32) -> (i32, i32) {
    %c0_i32 = arith.constant 0 : i32
    %c0_i32_0 = arith.constant 0 : i32
    %c0_i32_1 = arith.constant 0 : i32
    return %c0_i32, %c0_i32_0 : i32, i32
  }
  func.func @transform_4(%arg0: i32) -> (i32, i32) {
    %c0_i32 = arith.constant 0 : i32
    %c0_i32_0 = arith.constant 0 : i32
    %c0_i32_1 = arith.constant 0 : i32
    return %c0_i32, %c0_i32_0 : i32, i32
  }
  func.func @transform_5(%arg0: i32) -> (i32, i32) {
    %c0_i32 = arith.constant 0 : i32
    %c0_i32_0 = arith.constant 0 : i32
    %c0_i32_1 = arith.constant 0 : i32
    return %c0_i32, %c0_i32_0 : i32, i32
  }
  func.func @transform_6(%arg0: i32) -> (i32, i32) {
    %c0_i32 = arith.constant 0 : i32
    %c0_i32_0 = arith.constant 0 : i32
    %c0_i32_1 = arith.constant 0 : i32
    return %c0_i32, %c0_i32_0 : i32, i32
  }
  func.func @transform_7(%arg0: i32) -> (i32, i32) {
    %c0_i32 = arith.constant 0 : i32
    %c0_i32_0 = arith.constant 0 : i32
    %c0_i32_1 = arith.constant 0 : i32
    return %c0_i32, %c0_i32_0 : i32, i32
  }
  func.func @transform_8(%arg0: i32) -> (i32, i32) {
    %c0_i32 = arith.constant 0 : i32
    %c0_i32_0 = arith.constant 0 : i32
    return %arg0, %c0_i32 : i32, i32
  }
  func.func @transform_9(%arg0: i32) -> (i32, i32, i32) {
    %c0_i32 = arith.constant 0 : i32
    %c0_i32_0 = arith.constant 0 : i32
    %c0_i32_1 = arith.constant 0 : i32
    return %c0_i32, %arg0, %c0_i32_0 : i32, i32, i32
  }
}

module attributes {stable_mosaic.version = 14 : i64} {
  func.func @_combine_body(%arg0: i32, %arg1: memref<2x512x64xbf16, #tpu.memory_space<vmem>>, %arg2: memref<2x512x16xf32, #tpu.memory_space<vmem>>, %arg3: memref<512x128xf32, #tpu.memory_space<vmem>>, %arg4: memref<128x128xf32, #tpu.memory_space<vmem>>, %arg5: memref<128x64xf32, #tpu.memory_space<vmem>>, %arg6: memref<1x128xf32, #tpu.memory_space<vmem>>, %arg7: memref<1x128xf32, #tpu.memory_space<vmem>>, %arg8: memref<1x128xf32, #tpu.memory_space<vmem>>, %arg9: memref<512x128xf32, #tpu.memory_space<vmem>>, %arg10: memref<2x512x32xbf16, #tpu.memory_space<vmem>>) attributes {dimension_semantics = [#tpu.dimension_semantics<arbitrary>], iteration_bounds = array<i64: 20>, scalar_prefetch = 0 : i64, scratch_operands = 0 : i64, tpu.core_type = #tpu.core_type<tc>, window_params = [{transform_indices = @transform_0, window_bounds = array<i64: 2, 512, 64>}, {transform_indices = @transform_1, window_bounds = array<i64: 2, 512, 16>}, {transform_indices = @transform_2, window_bounds = array<i64: 512, 128>}, {pipeline_mode = #tpu.pipeline_mode<synchronous>, transform_indices = @transform_3, window_bounds = array<i64: 128, 128>}, {pipeline_mode = #tpu.pipeline_mode<synchronous>, transform_indices = @transform_4, window_bounds = array<i64: 128, 64>}, {pipeline_mode = #tpu.pipeline_mode<synchronous>, transform_indices = @transform_5, window_bounds = array<i64: 1, 128>}, {pipeline_mode = #tpu.pipeline_mode<synchronous>, transform_indices = @transform_6, window_bounds = array<i64: 1, 128>}, {pipeline_mode = #tpu.pipeline_mode<synchronous>, transform_indices = @transform_7, window_bounds = array<i64: 1, 128>}, {transform_indices = @transform_8, window_bounds = array<i64: 512, 128>}, {transform_indices = @transform_9, window_bounds = array<i64: 2, 512, 32>}]} {
    %get3A = arith.constant 0 : index
    %get3A_0 = arith.constant 0 : index
    %get3A_1 = arith.constant 0 : index
    %get3A_2 = vector.load %arg2[%get3A, %get3A_0, %get3A_1] : memref<2x512x16xf32, #tpu.memory_space<vmem>>, vector<1x512x1xf32>
    %get3A_3 = vector.shape_cast %get3A_2 : vector<1x512x1xf32> to vector<512x1xf32>
    %get3A_4 = arith.constant 1 : index
    %get3A_5 = arith.constant 0 : index
    %get3A_6 = arith.constant 0 : index
    %get3A_7 = vector.load %arg2[%get3A_4, %get3A_5, %get3A_6] : memref<2x512x16xf32, #tpu.memory_space<vmem>>, vector<1x512x1xf32>
    %get3A_8 = vector.shape_cast %get3A_7 : vector<1x512x1xf32> to vector<512x1xf32>
    %add3A = arith.addf %get3A_3, %get3A_8 : vector<512x1xf32>
    %max3A = arith.constant 1.000000e+00 : f32
    %max3A_9 = vector.broadcast %max3A : f32 to vector<512x1xf32>
    %max3A_10 = arith.maximumf %add3A, %max3A_9 : vector<512x1xf32>
    %div3A = arith.constant 1.000000e+00 : f32
    %div3A_11 = vector.broadcast %div3A : f32 to vector<512x1xf32>
    %div3A_12 = arith.divf %div3A_11, %max3A_10 : vector<512x1xf32>
    %get3A_13 = arith.constant 0 : index
    %get3A_14 = arith.constant 0 : index
    %get3A_15 = arith.constant 0 : index
    %get3A_16 = vector.load %arg1[%get3A_13, %get3A_14, %get3A_15] : memref<2x512x64xbf16, #tpu.memory_space<vmem>>, vector<1x512x64xbf16>
    %get3A_17 = vector.shape_cast %get3A_16 : vector<1x512x64xbf16> to vector<512x64xbf16>
    %get3A_18 = arith.constant 1 : index
    %get3A_19 = arith.constant 0 : index
    %get3A_20 = arith.constant 0 : index
    %get3A_21 = vector.load %arg1[%get3A_18, %get3A_19, %get3A_20] : memref<2x512x64xbf16, #tpu.memory_space<vmem>>, vector<1x512x64xbf16>
    %get3A_22 = vector.shape_cast %get3A_21 : vector<1x512x64xbf16> to vector<512x64xbf16>
    %concatenate3A = tpu.concatenate %get3A_17, %get3A_22 in 1 : vector<512x64xbf16>, vector<512x64xbf16> -> vector<512x128xbf16>
    %convert_element_type3A = arith.extf %concatenate3A : vector<512x128xbf16> to vector<512x128xf32>
    %mul3A = vector.broadcast %div3A_12 : vector<512x1xf32> to vector<512x128xf32>
    %mul3A_23 = arith.mulf %convert_element_type3A, %mul3A : vector<512x128xf32>
    %get3A_24 = arith.constant 0 : index
    %get3A_25 = arith.constant 0 : index
    %get3A_26 = vector.load %arg6[%get3A_24, %get3A_25] : memref<1x128xf32, #tpu.memory_space<vmem>>, vector<1x128xf32>
    %add3A_27 = vector.broadcast %get3A_26 : vector<1x128xf32> to vector<512x128xf32>
    %add3A_28 = arith.addf %mul3A_23, %add3A_27 : vector<512x128xf32>
    %get3A_29 = arith.constant 0 : index
    %get3A_30 = arith.constant 0 : index
    %get3A_31 = vector.load %arg3[%get3A_29, %get3A_30] : memref<512x128xf32, #tpu.memory_space<vmem>>, vector<512x128xf32>
    %get3A_32 = arith.constant 0 : index
    %get3A_33 = arith.constant 0 : index
    %get3A_34 = vector.load %arg4[%get3A_32, %get3A_33] : memref<128x128xf32, #tpu.memory_space<vmem>>, vector<128x128xf32>
    %dot_general3A = arith.constant dense<0.000000e+00> : vector<512x128xf32>
    %dot_general3A_35 = tpu.matmul %get3A_31, %get3A_34, %dot_general3A {dimension_numbers = #tpu.dot_dimension_numbers<[1], [0], [0], [1], [0, 0, 1, 1], [], []>, transpose_lhs_hint = false} : vector<512x128xf32>, vector<128x128xf32>, vector<512x128xf32> -> vector<512x128xf32>
    %add3A_36 = arith.addf %add3A_28, %dot_general3A_35 : vector<512x128xf32>
    %get3A_37 = arith.constant 0 : index
    %get3A_38 = arith.constant 0 : index
    %get3A_39 = vector.load %arg7[%get3A_37, %get3A_38] : memref<1x128xf32, #tpu.memory_space<vmem>>, vector<1x128xf32>
    %sqrt3A = arith.constant 1.000010e+00 : f32
    %sqrt3A_40 = math.sqrt %sqrt3A : f32
    %div3A_41 = arith.constant 1.000000e+00 : f32
    %div3A_42 = arith.divf %div3A_41, %sqrt3A_40 : f32
    %mul3A_43 = vector.broadcast %div3A_42 : f32 to vector<1x128xf32>
    %mul3A_44 = arith.mulf %get3A_39, %mul3A_43 : vector<1x128xf32>
    %mul3A_45 = vector.broadcast %mul3A_44 : vector<1x128xf32> to vector<512x128xf32>
    %mul3A_46 = arith.mulf %mul3A_45, %add3A_36 : vector<512x128xf32>
    %get3A_47 = arith.constant 0 : index
    %get3A_48 = arith.constant 0 : index
    %get3A_49 = vector.load %arg8[%get3A_47, %get3A_48] : memref<1x128xf32, #tpu.memory_space<vmem>>, vector<1x128xf32>
    %add3A_50 = vector.broadcast %get3A_49 : vector<1x128xf32> to vector<512x128xf32>
    %add3A_51 = arith.addf %mul3A_46, %add3A_50 : vector<512x128xf32>
    %max3A_52 = arith.constant 0.000000e+00 : f32
    %max3A_53 = vector.broadcast %max3A_52 : f32 to vector<512x128xf32>
    %max3A_54 = arith.maximumf %add3A_51, %max3A_53 : vector<512x128xf32>
    %swap3A = arith.constant 0 : index
    %swap3A_55 = arith.constant 0 : index
    %swap3A_56 = vector.load %arg9[%swap3A, %swap3A_55] : memref<512x128xf32, #tpu.memory_space<vmem>>, vector<512x128xf32>
    tpu.vector_store %arg9[%swap3A, %swap3A_55], %max3A_54 {strides = array<i32>} : memref<512x128xf32, #tpu.memory_space<vmem>>, vector<512x128xf32>,
    %get3A_57 = arith.constant 0 : index
    %get3A_58 = arith.constant 0 : index
    %get3A_59 = vector.load %arg5[%get3A_57, %get3A_58] : memref<128x64xf32, #tpu.memory_space<vmem>>, vector<128x64xf32>
    %dot_general3A_60 = arith.constant dense<0.000000e+00> : vector<512x64xf32>
    %dot_general3A_61 = tpu.matmul %max3A_54, %get3A_59, %dot_general3A_60 {dimension_numbers = #tpu.dot_dimension_numbers<[1], [0], [0], [1], [0, 0, 1, 1], [], []>, transpose_lhs_hint = false} : vector<512x128xf32>, vector<128x64xf32>, vector<512x64xf32> -> vector<512x64xf32>
    %convert_element_type3A_62 = arith.truncf %dot_general3A_61 : vector<512x64xf32> to vector<512x64xbf16>
    %slice3A = vector.extract_strided_slice %convert_element_type3A_62 {offsets = [0, 0], sizes = [512, 32], strides = [1, 1]} : vector<512x64xbf16> to vector<512x32xbf16>
    %swap3A_63 = arith.constant 0 : index
    %swap3A_64 = arith.constant 0 : index
    %swap3A_65 = arith.constant 0 : index
    %swap3A_66 = vector.load %arg10[%swap3A_63, %swap3A_64, %swap3A_65] : memref<2x512x32xbf16, #tpu.memory_space<vmem>>, vector<1x512x32xbf16>
    %swap3A_67 = vector.shape_cast %swap3A_66 : vector<1x512x32xbf16> to vector<512x32xbf16>
    %swap3A_68 = vector.shape_cast %slice3A : vector<512x32xbf16> to vector<1x512x32xbf16>
    tpu.vector_store %arg10[%swap3A_63, %swap3A_64, %swap3A_65], %swap3A_68 {strides = array<i32>} : memref<2x512x32xbf16, #tpu.memory_space<vmem>>, vector<1x512x32xbf16>,
    %slice3A_69 = vector.extract_strided_slice %convert_element_type3A_62 {offsets = [0, 32], sizes = [512, 32], strides = [1, 1]} : vector<512x64xbf16> to vector<512x32xbf16>
    %swap3A_70 = arith.constant 1 : index
    %swap3A_71 = arith.constant 0 : index
    %swap3A_72 = arith.constant 0 : index
    %swap3A_73 = vector.load %arg10[%swap3A_70, %swap3A_71, %swap3A_72] : memref<2x512x32xbf16, #tpu.memory_space<vmem>>, vector<1x512x32xbf16>
    %swap3A_74 = vector.shape_cast %swap3A_73 : vector<1x512x32xbf16> to vector<512x32xbf16>
    %swap3A_75 = vector.shape_cast %slice3A_69 : vector<512x32xbf16> to vector<1x512x32xbf16>
    tpu.vector_store %arg10[%swap3A_70, %swap3A_71, %swap3A_72], %swap3A_75 {strides = array<i32>} : memref<2x512x32xbf16, #tpu.memory_space<vmem>>, vector<1x512x32xbf16>,
    return
  }
  func.func @transform_0(%arg0: i32) -> (i32, i32, i32) {
    %c0_i32 = arith.constant 0 : i32
    %c0_i32_0 = arith.constant 0 : i32
    %c0_i32_1 = arith.constant 0 : i32
    return %c0_i32, %arg0, %c0_i32_0 : i32, i32, i32
  }
  func.func @transform_1(%arg0: i32) -> (i32, i32, i32) {
    %c0_i32 = arith.constant 0 : i32
    %c0_i32_0 = arith.constant 0 : i32
    %c0_i32_1 = arith.constant 0 : i32
    return %c0_i32, %arg0, %c0_i32_0 : i32, i32, i32
  }
  func.func @transform_2(%arg0: i32) -> (i32, i32) {
    %c0_i32 = arith.constant 0 : i32
    %c0_i32_0 = arith.constant 0 : i32
    return %arg0, %c0_i32 : i32, i32
  }
  func.func @transform_3(%arg0: i32) -> (i32, i32) {
    %c0_i32 = arith.constant 0 : i32
    %c0_i32_0 = arith.constant 0 : i32
    %c0_i32_1 = arith.constant 0 : i32
    return %c0_i32, %c0_i32_0 : i32, i32
  }
  func.func @transform_4(%arg0: i32) -> (i32, i32) {
    %c0_i32 = arith.constant 0 : i32
    %c0_i32_0 = arith.constant 0 : i32
    %c0_i32_1 = arith.constant 0 : i32
    return %c0_i32, %c0_i32_0 : i32, i32
  }
  func.func @transform_5(%arg0: i32) -> (i32, i32) {
    %c0_i32 = arith.constant 0 : i32
    %c0_i32_0 = arith.constant 0 : i32
    %c0_i32_1 = arith.constant 0 : i32
    return %c0_i32, %c0_i32_0 : i32, i32
  }
  func.func @transform_6(%arg0: i32) -> (i32, i32) {
    %c0_i32 = arith.constant 0 : i32
    %c0_i32_0 = arith.constant 0 : i32
    %c0_i32_1 = arith.constant 0 : i32
    return %c0_i32, %c0_i32_0 : i32, i32
  }
  func.func @transform_7(%arg0: i32) -> (i32, i32) {
    %c0_i32 = arith.constant 0 : i32
    %c0_i32_0 = arith.constant 0 : i32
    %c0_i32_1 = arith.constant 0 : i32
    return %c0_i32, %c0_i32_0 : i32, i32
  }
  func.func @transform_8(%arg0: i32) -> (i32, i32) {
    %c0_i32 = arith.constant 0 : i32
    %c0_i32_0 = arith.constant 0 : i32
    return %arg0, %c0_i32 : i32, i32
  }
  func.func @transform_9(%arg0: i32) -> (i32, i32, i32) {
    %c0_i32 = arith.constant 0 : i32
    %c0_i32_0 = arith.constant 0 : i32
    %c0_i32_1 = arith.constant 0 : i32
    return %c0_i32, %arg0, %c0_i32_0 : i32, i32, i32
  }
}

module attributes {stable_mosaic.version = 14 : i64} {
  func.func @_final_body(%arg0: i32, %arg1: memref<2x512x32xbf16, #tpu.memory_space<vmem>>, %arg2: memref<2x512x16xf32, #tpu.memory_space<vmem>>, %arg3: memref<512x128xf32, #tpu.memory_space<vmem>>, %arg4: memref<128x64xf32, #tpu.memory_space<vmem>>, %arg5: memref<1x64xf32, #tpu.memory_space<vmem>>, %arg6: memref<512x64xf32, #tpu.memory_space<vmem>>) attributes {dimension_semantics = [#tpu.dimension_semantics<arbitrary>], iteration_bounds = array<i64: 20>, scalar_prefetch = 0 : i64, scratch_operands = 0 : i64, tpu.core_type = #tpu.core_type<tc>, window_params = [{transform_indices = @transform_0, window_bounds = array<i64: 2, 512, 32>}, {transform_indices = @transform_1, window_bounds = array<i64: 2, 512, 16>}, {transform_indices = @transform_2, window_bounds = array<i64: 512, 128>}, {pipeline_mode = #tpu.pipeline_mode<synchronous>, transform_indices = @transform_3, window_bounds = array<i64: 128, 64>}, {pipeline_mode = #tpu.pipeline_mode<synchronous>, transform_indices = @transform_4, window_bounds = array<i64: 1, 64>}, {transform_indices = @transform_5, window_bounds = array<i64: 512, 64>}]} {
    %get3A = arith.constant 0 : index
    %get3A_0 = arith.constant 0 : index
    %get3A_1 = arith.constant 0 : index
    %get3A_2 = vector.load %arg2[%get3A, %get3A_0, %get3A_1] : memref<2x512x16xf32, #tpu.memory_space<vmem>>, vector<1x512x1xf32>
    %get3A_3 = vector.shape_cast %get3A_2 : vector<1x512x1xf32> to vector<512x1xf32>
    %get3A_4 = arith.constant 1 : index
    %get3A_5 = arith.constant 0 : index
    %get3A_6 = arith.constant 0 : index
    %get3A_7 = vector.load %arg2[%get3A_4, %get3A_5, %get3A_6] : memref<2x512x16xf32, #tpu.memory_space<vmem>>, vector<1x512x1xf32>
    %get3A_8 = vector.shape_cast %get3A_7 : vector<1x512x1xf32> to vector<512x1xf32>
    %add3A = arith.addf %get3A_3, %get3A_8 : vector<512x1xf32>
    %max3A = arith.constant 1.000000e+00 : f32
    %max3A_9 = vector.broadcast %max3A : f32 to vector<512x1xf32>
    %max3A_10 = arith.maximumf %add3A, %max3A_9 : vector<512x1xf32>
    %div3A = arith.constant 1.000000e+00 : f32
    %div3A_11 = vector.broadcast %div3A : f32 to vector<512x1xf32>
    %div3A_12 = arith.divf %div3A_11, %max3A_10 : vector<512x1xf32>
    %get3A_13 = arith.constant 0 : index
    %get3A_14 = arith.constant 0 : index
    %get3A_15 = arith.constant 0 : index
    %get3A_16 = vector.load %arg1[%get3A_13, %get3A_14, %get3A_15] : memref<2x512x32xbf16, #tpu.memory_space<vmem>>, vector<1x512x32xbf16>
    %get3A_17 = vector.shape_cast %get3A_16 : vector<1x512x32xbf16> to vector<512x32xbf16>
    %get3A_18 = arith.constant 1 : index
    %get3A_19 = arith.constant 0 : index
    %get3A_20 = arith.constant 0 : index
    %get3A_21 = vector.load %arg1[%get3A_18, %get3A_19, %get3A_20] : memref<2x512x32xbf16, #tpu.memory_space<vmem>>, vector<1x512x32xbf16>
    %get3A_22 = vector.shape_cast %get3A_21 : vector<1x512x32xbf16> to vector<512x32xbf16>
    %concatenate3A = tpu.concatenate %get3A_17, %get3A_22 in 1 : vector<512x32xbf16>, vector<512x32xbf16> -> vector<512x64xbf16>
    %convert_element_type3A = arith.extf %concatenate3A : vector<512x64xbf16> to vector<512x64xf32>
    %mul3A = vector.broadcast %div3A_12 : vector<512x1xf32> to vector<512x64xf32>
    %mul3A_23 = arith.mulf %convert_element_type3A, %mul3A : vector<512x64xf32>
    %get3A_24 = arith.constant 0 : index
    %get3A_25 = arith.constant 0 : index
    %get3A_26 = vector.load %arg5[%get3A_24, %get3A_25] : memref<1x64xf32, #tpu.memory_space<vmem>>, vector<1x64xf32>
    %add3A_27 = vector.broadcast %get3A_26 : vector<1x64xf32> to vector<512x64xf32>
    %add3A_28 = arith.addf %mul3A_23, %add3A_27 : vector<512x64xf32>
    %get3A_29 = arith.constant 0 : index
    %get3A_30 = arith.constant 0 : index
    %get3A_31 = vector.load %arg3[%get3A_29, %get3A_30] : memref<512x128xf32, #tpu.memory_space<vmem>>, vector<512x128xf32>
    %get3A_32 = arith.constant 0 : index
    %get3A_33 = arith.constant 0 : index
    %get3A_34 = vector.load %arg4[%get3A_32, %get3A_33] : memref<128x64xf32, #tpu.memory_space<vmem>>, vector<128x64xf32>
    %dot_general3A = arith.constant dense<0.000000e+00> : vector<512x64xf32>
    %dot_general3A_35 = tpu.matmul %get3A_31, %get3A_34, %dot_general3A {dimension_numbers = #tpu.dot_dimension_numbers<[1], [0], [0], [1], [0, 0, 1, 1], [], []>, transpose_lhs_hint = false} : vector<512x128xf32>, vector<128x64xf32>, vector<512x64xf32> -> vector<512x64xf32>
    %add3A_36 = arith.addf %add3A_28, %dot_general3A_35 : vector<512x64xf32>
    %iota3A = tpu.iota {dimensions = array<i32: 1>} : vector<512x64xi32>
    %lt3A = arith.constant 47 : i32
    %lt3A_37 = vector.broadcast %lt3A : i32 to vector<512x64xi32>
    %lt3A_38 = arith.cmpi slt, %iota3A, %lt3A_37 : vector<512x64xi32>
    %jit3A = arith.constant 0xFF800000 : f32
    %broadcast_in_dim3A = vector.broadcast %jit3A : f32 to vector<512x64xf32>
    %select_n3A = arith.select %lt3A_38, %add3A_36, %broadcast_in_dim3A : vector<512x64xi1>, vector<512x64xf32>
    %reduce_max3A = arith.constant dense<0xFF800000> : vector<512xf32>
    %reduce_max3A_39 = vector.multi_reduction <maximumf>, %select_n3A, %reduce_max3A [1] : vector<512x64xf32> to vector<512xf32>
    %broadcast_in_dim3A_40 = vector.shape_cast %reduce_max3A_39 : vector<512xf32> to vector<512x1xf32>
    %sub3A = vector.broadcast %broadcast_in_dim3A_40 : vector<512x1xf32> to vector<512x64xf32>
    %sub3A_41 = arith.subf %add3A_36, %sub3A : vector<512x64xf32>
    %exp3A = math.exp %sub3A_41 : vector<512x64xf32>
    %jit3A_42 = arith.constant 0.000000e+00 : f32
    %broadcast_in_dim3A_43 = vector.broadcast %jit3A_42 : f32 to vector<512x64xf32>
    %select_n3A_44 = arith.select %lt3A_38, %exp3A, %broadcast_in_dim3A_43 : vector<512x64xi1>, vector<512x64xf32>
    %reduce_sum3A = arith.constant dense<0.000000e+00> : vector<512xf32>
    %reduce_sum3A_45 = vector.multi_reduction <add>, %select_n3A_44, %reduce_sum3A [1] : vector<512x64xf32> to vector<512xf32>
    %broadcast_in_dim3A_46 = vector.shape_cast %reduce_sum3A_45 : vector<512xf32> to vector<512x1xf32>
    %log3A = math.log %broadcast_in_dim3A_46 : vector<512x1xf32>
    %sub3A_47 = vector.broadcast %broadcast_in_dim3A_40 : vector<512x1xf32> to vector<512x64xf32>
    %sub3A_48 = arith.subf %add3A_36, %sub3A_47 : vector<512x64xf32>
    %sub3A_49 = vector.broadcast %log3A : vector<512x1xf32> to vector<512x64xf32>
    %sub3A_50 = arith.subf %sub3A_48, %sub3A_49 : vector<512x64xf32>
    %swap3A = arith.constant 0 : index
    %swap3A_51 = arith.constant 0 : index
    %swap3A_52 = vector.load %arg6[%swap3A, %swap3A_51] : memref<512x64xf32, #tpu.memory_space<vmem>>, vector<512x64xf32>
    tpu.vector_store %arg6[%swap3A, %swap3A_51], %sub3A_50 {strides = array<i32>} : memref<512x64xf32, #tpu.memory_space<vmem>>, vector<512x64xf32>,
    return
  }
  func.func @transform_0(%arg0: i32) -> (i32, i32, i32) {
    %c0_i32 = arith.constant 0 : i32
    %c0_i32_0 = arith.constant 0 : i32
    %c0_i32_1 = arith.constant 0 : i32
    return %c0_i32, %arg0, %c0_i32_0 : i32, i32, i32
  }
  func.func @transform_1(%arg0: i32) -> (i32, i32, i32) {
    %c0_i32 = arith.constant 0 : i32
    %c0_i32_0 = arith.constant 0 : i32
    %c0_i32_1 = arith.constant 0 : i32
    return %c0_i32, %arg0, %c0_i32_0 : i32, i32, i32
  }
  func.func @transform_2(%arg0: i32) -> (i32, i32) {
    %c0_i32 = arith.constant 0 : i32
    %c0_i32_0 = arith.constant 0 : i32
    return %arg0, %c0_i32 : i32, i32
  }
  func.func @transform_3(%arg0: i32) -> (i32, i32) {
    %c0_i32 = arith.constant 0 : i32
    %c0_i32_0 = arith.constant 0 : i32
    %c0_i32_1 = arith.constant 0 : i32
    return %c0_i32, %c0_i32_0 : i32, i32
  }
  func.func @transform_4(%arg0: i32) -> (i32, i32) {
    %c0_i32 = arith.constant 0 : i32
    %c0_i32_0 = arith.constant 0 : i32
    %c0_i32_1 = arith.constant 0 : i32
    return %c0_i32, %c0_i32_0 : i32, i32
  }
  func.func @transform_5(%arg0: i32) -> (i32, i32) {
    %c0_i32 = arith.constant 0 : i32
    %c0_i32_0 = arith.constant 0 : i32
    return %arg0, %c0_i32 : i32, i32
  }
}

</mosaic_0001>

<sc_bundles>
// kernel: kernel.12.cloned.1.call-start
scs
__scs_entry_jumppad:
0x0: {  	(pc) =	sbr.rel $0x88, $3  }
0x1: {  	(tag) =	ssettag $0x0;
	lr =	simm.s32 $0x1  }
0x2: {  	[smem:$0x3F92] =	sst lr;
	_ =	strace $0xD0000000  }
0x3: {  	_ = 	snop  }
0x4: {  	_ = 	snop  }
0x5: {  	_ = 	snop  }
0x6: {  	_ = 	snop  }
0x7: {  	_ = 	snop  }
__scs_overlays_trampoline_lowered:
0x8: {  	[smem:$0x3FA1] =	sst s0  }
0x9: {  	[smem:$0x3FA2] =	sst s1  }
0xa: {  	[smem:$0x3FA3] =	sst s2  }
0xb: {  	[smem:$0x3FA4] =	sst s3  }
0xc: {  	[smem:$0x3FA5] =	sst s4  }
0xd: {  	[smem:$0x3FA6] =	sst s5  }
0xe: {  	[smem:$0x3FA7] =	sst s6  }
0xf: {  	[smem:$0x3FA8] =	sst s7  }
0x10: {  	[smem:$0x3FA9] =	sst s8  }
0x11: {  	[smem:$0x3FAA] =	sst s9;
	s0 =	simm.s32 @!p0 $0x0  }
0x12: {  	s1 =	sld [smem:$0x3F90];
	s0 =	simm.s32 @p0 $0x1  }
0x13: {  	[smem:$0x3FAB] =	sst s0;
	s0 =	simm.s32 @!p1 $0x0  }
0x14: {  	s2 =	sld [smem:$0x3F8F];
	s0 =	simm.s32 @p1 $0x1  }
0x15: {  	[smem:$0x3FAC] =	sst s0;
	s0 =	simm.s32 @!p2 $0x0  }
0x16: {  	s3 =	sld [smem:$0x3FDB];
	s0 =	simm.s32 @p2 $0x1  }
0x17: {  	s4 =	simm.s32 $0x1BF5;
	[smem:$0x3FAE] =	sst s0  }
0x18: {  	s0 =	sld [smem:$0x3F91];
	_ =	swait.ge [sflag:s4], $0x0  }
0x19: {  	s7 =	sld [smem:$0x3F92]  }
0x1a: {  	s8 =	sadd.s32 $0xFFFFE003, lr  }
0x1b: {  	s9 =	sadd.s32 $0xFFFFFEF7, lr;
	s5 =	simm.s32 $0xFFFFFFFF;
	p2 =	slt.u32 s8, $0xFFFFF086  }
0x1c: {  	p1 =	slt.u32 s9, $0xF7A;
	s5 =	simm.s32 @!p2 $0x0  }
0x1d: {  	s5 =	simm.s32 @p1 $0x1;
	p0 =	seq.s32 s7, s2  }
0x1e: {  	s7 =	smul.u32 @!p0 $0xF7A, s2;
	p2 =	seq.s32 @!p0 s5, $0x0  }
0x1f: {  	s9 =	smul.u32 $0xF7A, s1;
	s8 =	simm.s32 @!p0 $0x1BF5;
	p2 =	por !p2, p0  }
0x20: {  	[sflag:s8] =	ssyncset.s32 @!p0 $0xFFFFF086;
	s6 =	sadd.s32 @!p0 s3, s7;
	s7 =	simm.s32 @!p0 $0x108  }
0x21: {  	s3 =	sadd.s32 s3, s9;
	s6 =	sadd.s32 @!p0 $0x88, s6;
	s7 =	simm.s32 @p2 $0x1082  }
0x22: {  	[simem:s7], [sflag:s8] =	dma.local @!p0 [hbm:s6], $0xF7A  }
0x23: {  	s9 =	sor.u32 $0xD0000000, s2;
	s6 =	simm.s32 $0x108;
	_ =	swait.ge @!p0 [sflag:s8], $0x0  }
0x24: {  	s3 =	sadd.s32 $0x88, s3;
	s6 =	simm.s32 @!p1 $0x1082;
	[sflag:s4] =	ssyncset.s32 $0xFFFFF086  }
0x25: {  	[simem:s6], [sflag:s4] =	dma.local [hbm:s3], $0xF7A  }
0x26: {  	[smem:$0x3F92] =	sst s1;
	(tag) =	ssettag s2;
	_ =	strace s9  }
0x27: {  	s1 =	sld [smem:$0x3FA2]  }
0x28: {  	s2 =	sld [smem:$0x3FA3]  }
0x29: {  	s4 =	sld [smem:$0x3FA5]  }
0x2a: {  	p0 =	seq.s32 s5, $0x0;
	s5 =	sld [smem:$0x3FA6]  }
0x2b: {  	s6 =	sld [smem:$0x3FA7]  }
0x2c: {  	s7 =	sld [smem:$0x3FA8]  }
0x2d: {  	s3 =	simm.s32 $0x108;
	s8 =	sld [smem:$0x3FA9]  }
0x2e: {  	s3 =	simm.s32 @!p0 $0x1082;
	s9 =	sld [smem:$0x3FAA]  }
0x2f: {  	lr =	sadd.s32 s0, s3;
	s0 =	sld [smem:$0x3FA1]  }
0x30: {  	s3 =	sld [smem:$0x3FA4]  }
0x31: {  	[smem:$0x3FAD] =	sst s10  }
0x32: {  	s10 =	sld [smem:$0x3FAB];
	_ =	sdelay $0x3  }
0x33: {  	p0 =	seq.s32 s10, $0x1;
	s10 =	sld [smem:$0x3FAD];
	_ =	sdelay $0x3  }
0x34: {  	[smem:$0x3FAD] =	sst s10  }
0x35: {  	s10 =	sld [smem:$0x3FAC];
	_ =	sdelay $0x3  }
0x36: {  	p1 =	seq.s32 s10, $0x1;
	s10 =	sld [smem:$0x3FAD];
	_ =	sdelay $0x3  }
0x37: {  	[smem:$0x3FAD] =	sst s10  }
0x38: {  	s10 =	sld [smem:$0x3FAE]  }
0x39: {  	_ = 	snop;
	(pc) =	sbr.ind lr, $3  }
0x3a: {  	_ = 	snop  }
0x3b: {  	_ = 	snop  }
0x3c: {  	p2 =	seq.s32 s10, $0x1;
	s10 =	sld [smem:$0x3FAD]  }
0x3d: {  	_ =	shalt  }
0x3e: {  	_ =	shalt  }
0x3f: {  	_ =	shalt  }
0x40: {  	_ =	shalt  }
0x41: {  	_ =	shalt  }
0x42: {  	_ =	shalt  }
0x43: {  	_ =	shalt  }
0x44: {  	_ =	shalt  }
0x45: {  	_ =	shalt  }
0x46: {  	_ =	shalt  }
0x47: {  	_ =	shalt  }
0x48: {  	_ =	shalt  }
0x49: {  	_ =	shalt  }
0x4a: {  	_ =	shalt  }
0x4b: {  	_ =	shalt  }
0x4c: {  	_ =	shalt  }
0x4d: {  	_ =	shalt  }
0x4e: {  	_ =	shalt  }
0x4f: {  	_ =	shalt  }
0x50: {  	_ =	shalt  }
0x51: {  	_ =	shalt  }
0x52: {  	_ =	shalt  }
0x53: {  	_ =	shalt  }
0x54: {  	_ =	shalt  }
0x55: {  	_ =	shalt  }
0x56: {  	_ =	shalt  }
0x57: {  	_ =	shalt  }
0x58: {  	_ =	shalt  }
0x59: {  	_ =	shalt  }
0x5a: {  	_ =	shalt  }
0x5b: {  	_ =	shalt  }
0x5c: {  	_ =	shalt  }
0x5d: {  	_ =	shalt  }
0x5e: {  	_ =	shalt  }
0x5f: {  	_ =	shalt  }
0x60: {  	_ =	shalt  }
0x61: {  	_ =	shalt  }
0x62: {  	_ =	shalt  }
0x63: {  	_ =	shalt  }
0x64: {  	_ =	shalt  }
0x65: {  	_ =	shalt  }
0x66: {  	_ =	shalt  }
0x67: {  	_ =	shalt  }
0x68: {  	_ =	shalt  }
0x69: {  	_ =	shalt  }
0x6a: {  	_ =	shalt  }
0x6b: {  	_ =	shalt  }
0x6c: {  	_ =	shalt  }
0x6d: {  	_ =	shalt  }
0x6e: {  	_ =	shalt  }
0x6f: {  	_ =	shalt  }
0x70: {  	_ =	shalt  }
0x71: {  	_ =	shalt  }
0x72: {  	_ =	shalt  }
0x73: {  	_ =	shalt  }
0x74: {  	_ =	shalt  }
0x75: {  	_ =	shalt  }
0x76: {  	_ =	shalt  }
0x77: {  	_ =	shalt  }
0x78: {  	_ =	shalt  }
0x79: {  	_ =	shalt  }
0x7a: {  	_ =	shalt  }
0x7b: {  	_ =	shalt  }
0x7c: {  	_ =	shalt  }
0x7d: {  	_ =	shalt  }
0x7e: {  	_ =	shalt  }
0x7f: {  	_ =	shalt  }
0x80: {  	_ =	shalt  }
0x81: {  	_ =	shalt  }
0x82: {  	_ =	shalt  }
0x83: {  	_ =	shalt  }
0x84: {  	_ =	shalt  }
0x85: {  	_ =	shalt  }
0x86: {  	_ =	shalt  }
0x87: {  	_ =	shalt  }
.Lfunc_end0:
.L_simem_size_0:
called_computation.1_lowered:
.L_overlay_start_0:
0x88: {  	s2 =	sld [smem:$0x3FD9]  }
0x89: {  	s3 =	sld [smem:$0x3FFE];
	_ =	sdelay $0x1  }
0x8a: {  	s1 =	srdreg.scid  }
0x8b: {  	s0 =	sand.u32 $0x1, s1  }
0x8c: {  	s17 =	sshll.u32 s0, $0xA;
	s2 =	sadd.s32 s3, s2  }
0x8d: {  	s2 =	sadd.s32 s2, s17  }
0x8e: {  	[smem:$0x3FB9] =	sst s2  }
0x8f: {  	_ = 	snop  }
0x90: {  	s2 =	sld [smem:$0x3FD0];
	(tm) =	ssettm $0x1  }
0x91: {  	s18 =	sld [smem:$0x3FFB];
	_ =	sdelay $0x3  }
0x92: {  	_ =	strace s18  }
0x93: {  	s3 =	sld [smem:$0x3FFC];
	_ =	sdelay $0x3  }
0x94: {  	_ =	strace s3  }
0x95: {  	s3 =	sld [smem:$0x3FFD];
	_ =	sdelay $0x3  }
0x96: {  	_ =	strace s3  }
0x97: {  	_ =	strace $0x8FFFFFFF  }
0x98: {  	s19 =	sld [smem:$0x3FDB];
	_ =	sdelay $0x1  }
0x99: {  	s4 =	simm.s32 $_scs_section_size  }
0x9a: {  	s5 =	simm.s32 $_size__tile_overlayer_lowered;
	s6 =	simm.s32 $_tile_overlayer_lowered  }
0x9b: {  	s22 =	simm.s32 $0x1BFF;
	s21 =	sshll.u32 s6, $0x1;
	s3 =	sadd.s32 s4, s19  }
0x9c: {  	s7 =	simm.s32 $0x0;
	s20 =	sshll.u32 s5, $0x1;
	s5 =	sadd.s32 s21, s3  }
0x9d: {  	[timem:s7], [sflag:s22] =	dma.local [hbm:s5], s20  }
0x9e: {  	_ =	swait.ge [sflag:s22], s20  }
0x9f: {  	s4 =	ssub.s32 $0x0, s20;
	[sflag:s22] =	ssyncset.done $0x0  }
0xa0: {  	[sflag:s22] =	ssyncadd.s32 s4;
	_ =	sdelay $0x1  }
0xa1: {  	s23 =	simm.s32 $0x1B8B  }
0xa2: {  	_ =	swait.ge [sflag:s23], $0x1  }
0xa3: {  	[sflag:s23] =	ssyncset.done $0x0  }
0xa4: {  	s25 =	simm.s32 $0x1B8E;
	s24 =	sld [smem:$0x3FFE];
	[sflag:s23] =	ssyncadd.s32 $0xFFFFFFFF  }
0xa5: {  	s26 =	simm.s32 $execute0_lowered;
	[smem:$0x3FD2] =	sst s25  }
0xa6: {  	s5 =	sshll.u32 s26, $0x1;
	_ =	strace $0x80000049;
	[dreg:$0x1] =	wrdreg $0xFFFFFFFF  }
0xa7: {  	s28 =	simm.s32 $_size_execute0_lowered;
	s3 =	sadd.s32 s3, s5;
	[dreg:$0x0] =	wrdreg $0x0  }
0xa8: {  	s5 =	sshll.u32 s28, $0x1;
	[dreg:$0x2] =	wrdreg s3  }
0xa9: {  	[dreg:$0x3] =	wrdreg s5  }
0xaa: {  	[dreg:$0x4] =	wrdreg $0xC0  }
0xab: {  	_ =	task [dreg:s7], $0x5FFFF  }
0xac: {  	[dreg:$0x1] =	wrdreg $0xFFFFFFFF  }
0xad: {  	[dreg:$0x0] =	wrdreg $0x60  }
0xae: {  	[dreg:$0x2] =	wrdreg s24  }
0xaf: {  	[dreg:$0x3] =	wrdreg s2  }
0xb0: {  	[dreg:$0x4] =	wrdreg $0x154000  }
0xb1: {  	[dreg:$0x5] =	wrdreg $0x9  }
0xb2: {  	_ =	task.clear_ibuf [dreg:s7], $0x6FFFF;
	_ =	strace $0x90000049  }
0xb3: {  	s29 =	simm.s32 $0x9;
	_ =	strace $0x8000004B  }
0xb4: {  	_ =	swait.ge [sflag:s29], $0x1  }
0xb5: {  	[sflag:s29] =	ssyncadd.s32 $0xFFFFFFFF  }
0xb6: {  	_ =	strace $0x9000004B  }
0xb7: {  	_ =	sfence  }
0xb8: {  	s30 =	sld [smem:$0x0];
	_ =	sdelay $0x2  }
0xb9: {  	s31 =	sshll.u32 s1, $0xD;
	s1 =	sshrl.u32 s1, $0x2  }
0xba: {  	s3 =	sand.u32 $0x4000, s31;
	s1 =	sadd.s32 s1, s30  }
0xbb: {  	s0 =	sor.u32 s3, s0;
	s1 =	sshll.u32 s1, $0x11  }
0xbc: {  	s0 =	sor.u32 s1, s0  }
0xbd: {  	s0 =	sadd.s32 $0x8F2B, s0  }
0xbe: {  	[sflag:s0] =	ssyncadd.remote.s32 $0x1  }
0xbf: {  	_ =	sfence.sel $0xFFFF  }
0xc0: {  	[dreg:$0x0] =	wrdreg $0xFFFFFFFF;
	(pc) =	sbr.abs _section_cstart, $3  }
0xc1: {  	[dreg:$0x1] =	wrdreg $0xFFFFFFFF  }
0xc2: {  	_ =	task.clear_ibuf [dreg:s7], $0x2FFFF;
	_ =	strace $0x9FFFFFFF  }
0xc3: {  	(tm) =	ssettm $0x7FFFFFFF  }
tec
execute0_lowered:
.L_overlay_start_1:
0x0: {  	(tag) =	ssettag $0x1  }
0x1: {  	s0 =	rddreg [dreg:$0x0]  }
0x2: {  	s1 =	rddreg [dreg:$0x1]  }
0x3: {  	s2 =	rddreg [dreg:$0x2];
	s10 =	stileid.u32  }
0x4: {  	s4 =	srdreg.scid;
	s3 =	simm.s32 $0x0;
	s13 =	simm.s32 $0x19  }
0x5: {  	s11 =	simm.s32 $0x140;
	s29 =	simm.s32 $0x12;
	s31 =	simm.s32 $0x13  }
0x6: {  	s14 =	simm.s32 $0x18;
	s28 =	simm.s32 $0x1040;
	s30 =	simm.s32 $0x780  }
0x7: {  	s5 =	smul.u32 $0xA00, s10;
	s4 =	sand.u32 $0x1, s4;
	[smem:$0x7FF] =	sst s3  }
0x8: {  	s7 =	smul.u32 $0xA000, s10;
	s9 =	sadd.s32 $0x2600, s0;
	s25 =	sshll.u32 s10, $0x6  }
0x9: {  	s10 =	simm.s32 $0x17;
	s6 =	smul.u32 $0xA000, s4;
	_ =	strace $0x8000004A  }
0xa: {  	[dreg:$0x6] =	wrdreg s9;
	s4 =	ssub.s32 $0x2, s4;
	s12 =	sor.u32 $0x1C19, s25  }
0xb: {  	s8 =	sadd.s32 s5, s0;
	s23 =	sshrl.u32 s4, $0x1;
	s24 =	sshrl.u32 s7, $0x1  }
0xc: {  	s1 =	sadd.s32 s5, s1;
	s26 =	sshrl.u32 s7, $0x4;
	s7 =	simm.s32 $0x15  }
0xd: {  	[dreg:$0x7] =	wrdreg s12;
	s0 =	sadd.s32 s6, s0;
	s4 =	ssub.s32 s4, s23  }
0xe: {  	s9 =	sadd.s32 s24, s2;
	s8 =	sadd.s32 $0x17000, s8;
	[dreg:$0x5] =	wrdreg s1  }
0xf: {  	s6 =	sadd.s32 $0x3000, s0;
	[dreg:$0x4] =	wrdreg s8;
	s4 =	smax.u32 s4, $0x1  }
0x10: {  	s0 =	sadd.s32 $0x21A00, s0;
	s9 =	sshrl.u32 s9, $0x3;
	[dreg:$0x8] =	wrdreg s4  }
0x11: {  	s5 =	simm.s32 $0x16;
	s0 =	sadd.s32 s26, s0;
	[dreg:$0x9] =	wrdreg s9  }
0x12: {  	s1 =	simm.s32 $0x14;
	[dreg:$0xa] =	wrdreg s0;
	s0 =	simm.s32 $0x0  }
.LBB2_1:
0x13: {  	[dreg:$0xb] =	wrdreg s0  }
0x14: {  	s8 =	rddreg [dreg:$0x6]  }
0x15: {  	[spmem:s9], [sflag:s12] =	dma.local [hbm:s8], $0xA00  }
0x16: {  	_ =	swait.ge [sflag:s13], $0xA00  }
0x17: {  	[sflag:s13] =	ssyncset.done $0x0  }
0x18: {  	[sflag:s13] =	ssyncadd.s32 $0xFFFFF600  }
0x19: {  	[bflag:$0x0] =	sbarrier.arrive $0xFFFF  }
0x1a: {  	s16 =	rddreg [dreg:$0x5]  }
0x1b: {  	s17 =	rddreg [dreg:$0x4];
	s8 =	sadd.s32 $0x0, s16  }
0x1c: {  	[tilespmem:s3], [sflag:$0x11] =	stream.linear.gather [hbm4b:s8+s3], $0x140, $0x38;
	[tilespmem:$0x1A400] =	vst v63  }
0x1d: {  	s9 =	simm.s32 $0xA00;
	s12 =	sadd.s32 $0x0, s17  }
0x1e: {  	[tilespmem:s9], [sflag:$0x11] =	stream.linear.gather [hbm4b:s12+s3], $0x140, $0x38;
	[tilespmem:$0x1A400] =	vst v63  }
0x1f: {  	s15 =	sadd.s32 $0x28, s8  }
0x20: {  	[tilespmem:s11], [sflag:$0x12] =	stream.linear.gather [hbm4b:s15+s3], $0x140, $0x38;
	[tilespmem:$0x1A400] =	vst v63  }
0x21: {  	s13 =	simm.s32 $0xB40;
	s18 =	sadd.s32 $0x28, s12  }
0x22: {  	[tilespmem:s13], [sflag:$0x12] =	stream.linear.gather [hbm4b:s18+s3], $0x140, $0x38;
	[tilespmem:$0x1A400] =	vst v63  }
0x23: {  	s16 =	simm.s32 $0x280;
	s19 =	sadd.s32 $0x50, s8  }
0x24: {  	[tilespmem:s16], [sflag:$0x13] =	stream.linear.gather [hbm4b:s19+s3], $0x140, $0x38;
	[tilespmem:$0x1A400] =	vst v63  }
0x25: {  	s17 =	simm.s32 $0xC80;
	s20 =	sadd.s32 $0x50, s12  }
0x26: {  	[tilespmem:s17], [sflag:$0x13] =	stream.linear.gather [hbm4b:s20+s3], $0x140, $0x38;
	[tilespmem:$0x1A400] =	vst v63  }
0x27: {  	s21 =	sadd.s32 $0x78, s8;
	s18 =	simm.s32 $0x3C0  }
0x28: {  	[tilespmem:s18], [sflag:$0x14] =	stream.linear.gather [hbm4b:s21+s3], $0x140, $0x38;
	[tilespmem:$0x1A400] =	vst v63  }
0x29: {  	s22 =	sadd.s32 $0x78, s12;
	s19 =	simm.s32 $0xDC0  }
0x2a: {  	[tilespmem:s19], [sflag:$0x14] =	stream.linear.gather [hbm4b:s22+s3], $0x140, $0x38;
	[tilespmem:$0x1A400] =	vst v63  }
0x2b: {  	s23 =	sadd.s32 $0xA0, s8;
	s20 =	simm.s32 $0x500  }
0x2c: {  	[tilespmem:s20], [sflag:$0x15] =	stream.linear.gather [hbm4b:s23+s3], $0x140, $0x38;
	[tilespmem:$0x1A400] =	vst v63  }
0x2d: {  	s24 =	sadd.s32 $0xA0, s12;
	s21 =	simm.s32 $0xF00  }
0x2e: {  	[tilespmem:s21], [sflag:$0x15] =	stream.linear.gather [hbm4b:s24+s3], $0x140, $0x38;
	[tilespmem:$0x1A400] =	vst v63  }
0x2f: {  	s25 =	sadd.s32 $0xC8, s8;
	s22 =	simm.s32 $0x640  }
0x30: {  	[tilespmem:s22], [sflag:$0x16] =	stream.linear.gather [hbm4b:s25+s3], $0x140, $0x38;
	[tilespmem:$0x1A400] =	vst v63  }
0x31: {  	s26 =	sadd.s32 $0xC8, s12;
	s23 =	simm.s32 $0x1040  }
0x32: {  	[tilespmem:s23], [sflag:$0x16] =	stream.linear.gather [hbm4b:s26+s3], $0x140, $0x38;
	[tilespmem:$0x1A400] =	vst v63  }
0x33: {  	s0 =	sadd.s32 $0xF0, s8;
	s25 =	simm.s32 $0x780  }
0x34: {  	[tilespmem:s25], [sflag:$0x17] =	stream.linear.gather [hbm4b:s0+s3], $0x140, $0x38;
	[tilespmem:$0x1A400] =	vst v63  }
0x35: {  	s4 =	sadd.s32 $0xF0, s12;
	s0 =	simm.s32 $0x1180  }
0x36: {  	[tilespmem:s0], [sflag:$0x17] =	stream.linear.gather [hbm4b:s4+s3], $0x140, $0x38;
	[tilespmem:$0x1A400] =	vst v63  }
0x37: {  	s8 =	sadd.s32 $0x118, s8;
	s15 =	simm.s32 $0x8C0  }
0x38: {  	[tilespmem:s15], [sflag:$0x18] =	stream.linear.gather [hbm4b:s8+s3], $0x140, $0x38;
	[tilespmem:$0x1A400] =	vst v63  }
0x39: {  	s24 =	sadd.s32 $0x118, s12;
	s12 =	simm.s32 $0x12C0;
	s4 =	simm.s32 $0x11  }
0x3a: {  	[tilespmem:s12], [sflag:$0x18] =	stream.linear.gather [hbm4b:s24+s3], $0x140, $0x38;
	[tilespmem:$0x1A400] =	vst v63  }
0x3b: {  	_ =	swait.ge [sflag:s4], $0x140  }
0x3c: {  	[sflag:s4] =	ssyncset.done $0x0  }
0x3d: {  	[sflag:s4] =	ssyncadd.s32 $0xFFFFFEC0  }
0x3e: {  	_ =	swait.ge [sflag:s4], $0x140  }
0x3f: {  	[sflag:s4] =	ssyncset.done $0x0  }
0x40: {  	s8 =	simm.s32 $0x1400;
	[sflag:s4] =	ssyncadd.s32 $0xFFFFFEC0  }
0x41: {  	[tilespmem:s8], [sflag:$0x1] =	stream.indirect.gather [hbm4b:s6+s11], $0x20, s3, s11, $0xb8;
	[tilespmem:$0x1A400] =	vst v63  }
0x42: {  	_ =	swait.ge [sflag:s29], $0x140  }
0x43: {  	[sflag:s29] =	ssyncset.done $0x0  }
0x44: {  	[sflag:s29] =	ssyncadd.s32 $0xFFFFFEC0  }
0x45: {  	_ =	swait.ge [sflag:s29], $0x140  }
0x46: {  	[sflag:s29] =	ssyncset.done $0x0  }
0x47: {  	s4 =	simm.s32 $0x3C00;
	[sflag:s29] =	ssyncadd.s32 $0xFFFFFEC0  }
0x48: {  	[tilespmem:s4], [sflag:$0x2] =	stream.indirect.gather [hbm4b:s6+s11], $0x20, s11, s11, $0xb8;
	[tilespmem:$0x1A400] =	vst v63  }
0x49: {  	_ =	swait.ge [sflag:s31], $0x140  }
0x4a: {  	[sflag:s31] =	ssyncset.done $0x0  }
0x4b: {  	[sflag:s31] =	ssyncadd.s32 $0xFFFFFEC0  }
0x4c: {  	_ =	swait.ge [sflag:s31], $0x140  }
0x4d: {  	[sflag:s31] =	ssyncset.done $0x0  }
0x4e: {  	s24 =	simm.s32 $0x6400;
	[sflag:s31] =	ssyncadd.s32 $0xFFFFFEC0  }
0x4f: {  	[tilespmem:s24], [sflag:$0x3] =	stream.indirect.gather [hbm4b:s6+s11], $0x20, s16, s11, $0xb8;
	[tilespmem:$0x1A400] =	vst v63  }
0x50: {  	_ =	swait.ge [sflag:s1], $0x140  }
0x51: {  	[sflag:s1] =	ssyncset.done $0x0  }
0x52: {  	[sflag:s1] =	ssyncadd.s32 $0xFFFFFEC0  }
0x53: {  	_ =	swait.ge [sflag:s1], $0x140  }
0x54: {  	[sflag:s1] =	ssyncset.done $0x0  }
0x55: {  	s16 =	simm.s32 $0x8C00;
	[sflag:s1] =	ssyncadd.s32 $0xFFFFFEC0  }
0x56: {  	[tilespmem:s16], [sflag:$0x4] =	stream.indirect.gather [hbm4b:s6+s11], $0x20, s18, s11, $0xb8;
	[tilespmem:$0x1A400] =	vst v63  }
0x57: {  	_ =	swait.ge [sflag:s7], $0x140  }
0x58: {  	[sflag:s7] =	ssyncset.done $0x0  }
0x59: {  	[sflag:s7] =	ssyncadd.s32 $0xFFFFFEC0  }
0x5a: {  	_ =	swait.ge [sflag:s7], $0x140  }
0x5b: {  	[sflag:s7] =	ssyncset.done $0x0  }
0x5c: {  	s18 =	simm.s32 $0xB400;
	[sflag:s7] =	ssyncadd.s32 $0xFFFFFEC0  }
0x5d: {  	[tilespmem:s18], [sflag:$0x5] =	stream.indirect.gather [hbm4b:s6+s11], $0x20, s20, s11, $0xb8;
	[tilespmem:$0x1A400] =	vst v63  }
0x5e: {  	_ =	swait.ge [sflag:s5], $0x140  }
0x5f: {  	[sflag:s5] =	ssyncset.done $0x0  }
0x60: {  	[sflag:s5] =	ssyncadd.s32 $0xFFFFFEC0  }
0x61: {  	_ =	swait.ge [sflag:s5], $0x140  }
0x62: {  	[sflag:s5] =	ssyncset.done $0x0  }
0x63: {  	s26 =	simm.s32 $0x1;
	s20 =	simm.s32 $0xDC00;
	[sflag:s5] =	ssyncadd.s32 $0xFFFFFEC0  }
0x64: {  	[tilespmem:s20], [sflag:$0x6] =	stream.indirect.gather [hbm4b:s6+s11], $0x20, s22, s11, $0xb8;
	[tilespmem:$0x1A400] =	vst v63  }
0x65: {  	_ =	swait.ge [sflag:s26], $0x2800  }
0x66: {  	[sflag:s26] =	ssyncset.done $0x0  }
0x67: {  	[sflag:s26] =	ssyncadd.s32 $0xFFFFD800  }
0x68: {  	[spmem:s2] =	stream.indirect.scatter.add.bf16 [tilespmem:s8], [sflag:$0x9], $0x20, s9, s11, $0xb8;
	[tilespmem:$0x1A400] =	vst v63  }
0x69: {  	_ =	swait.ge [sflag:s10], $0x140  }
0x6a: {  	[sflag:s10] =	ssyncset.done $0x0  }
0x6b: {  	[sflag:s10] =	ssyncadd.s32 $0xFFFFFEC0  }
0x6c: {  	_ =	swait.ge [sflag:s10], $0x140  }
0x6d: {  	[sflag:s10] =	ssyncset.done $0x0  }
0x6e: {  	s22 =	simm.s32 $0x2;
	s8 =	simm.s32 $0x10400;
	[sflag:s10] =	ssyncadd.s32 $0xFFFFFEC0  }
0x6f: {  	[tilespmem:s8], [sflag:$0x7] =	stream.indirect.gather [hbm4b:s6+s11], $0x20, s25, s11, $0xb8;
	[tilespmem:$0x1A400] =	vst v63  }
0x70: {  	_ =	swait.ge [sflag:s22], $0x2800  }
0x71: {  	[sflag:s22] =	ssyncset.done $0x0  }
0x72: {  	[sflag:s22] =	ssyncadd.s32 $0xFFFFD800  }
0x73: {  	[spmem:s2] =	stream.indirect.scatter.add.bf16 [tilespmem:s4], [sflag:$0xA], $0x20, s13, s11, $0xb8;
	[tilespmem:$0x1A400] =	vst v63  }
0x74: {  	_ =	swait.ge [sflag:s14], $0x140  }
0x75: {  	[sflag:s14] =	ssyncset.done $0x0  }
0x76: {  	[sflag:s14] =	ssyncadd.s32 $0xFFFFFEC0  }
0x77: {  	_ =	swait.ge [sflag:s14], $0x140  }
0x78: {  	[sflag:s14] =	ssyncset.done $0x0  }
0x79: {  	s26 =	simm.s32 $0x3;
	s25 =	simm.s32 $0x12C00;
	[sflag:s14] =	ssyncadd.s32 $0xFFFFFEC0  }
0x7a: {  	[tilespmem:s25], [sflag:$0x8] =	stream.indirect.gather [hbm4b:s6+s11], $0x20, s15, s11, $0xb8;
	[tilespmem:$0x1A400] =	vst v63  }
0x7b: {  	_ =	swait.ge [sflag:s26], $0x2800  }
0x7c: {  	[sflag:s26] =	ssyncset.done $0x0  }
0x7d: {  	s13 =	simm.s32 $0x4;
	[sflag:s26] =	ssyncadd.s32 $0xFFFFD800  }
0x7e: {  	[spmem:s2] =	stream.indirect.scatter.add.bf16 [tilespmem:s24], [sflag:$0xB], $0x20, s17, s11, $0xb8;
	[tilespmem:$0x1A400] =	vst v63  }
0x7f: {  	_ =	swait.ge [sflag:s13], $0x2800  }
0x80: {  	[sflag:s13] =	ssyncset.done $0x0  }
0x81: {  	s15 =	simm.s32 $0x5;
	[sflag:s13] =	ssyncadd.s32 $0xFFFFD800  }
0x82: {  	[spmem:s2] =	stream.indirect.scatter.add.bf16 [tilespmem:s16], [sflag:$0xC], $0x20, s19, s11, $0xb8;
	[tilespmem:$0x1A400] =	vst v63  }
0x83: {  	_ =	swait.ge [sflag:s15], $0x2800  }
0x84: {  	[sflag:s15] =	ssyncset.done $0x0  }
0x85: {  	s16 =	simm.s32 $0x6;
	[sflag:s15] =	ssyncadd.s32 $0xFFFFD800  }
0x86: {  	[spmem:s2] =	stream.indirect.scatter.add.bf16 [tilespmem:s18], [sflag:$0xD], $0x20, s21, s11, $0xb8;
	[tilespmem:$0x1A400] =	vst v63  }
0x87: {  	_ =	swait.ge [sflag:s16], $0x2800  }
0x88: {  	[sflag:s16] =	ssyncset.done $0x0  }
0x89: {  	s17 =	simm.s32 $0x7;
	[sflag:s16] =	ssyncadd.s32 $0xFFFFD800  }
0x8a: {  	[spmem:s2] =	stream.indirect.scatter.add.bf16 [tilespmem:s20], [sflag:$0xE], $0x20, s23, s11, $0xb8;
	[tilespmem:$0x1A400] =	vst v63  }
0x8b: {  	_ =	swait.ge [sflag:s17], $0x2800  }
0x8c: {  	[sflag:s17] =	ssyncset.done $0x0  }
0x8d: {  	s18 =	simm.s32 $0x8;
	[sflag:s17] =	ssyncadd.s32 $0xFFFFD800  }
0x8e: {  	[spmem:s2] =	stream.indirect.scatter.add.bf16 [tilespmem:s8], [sflag:$0xF], $0x20, s0, s11, $0xb8;
	[tilespmem:$0x1A400] =	vst v63  }
0x8f: {  	_ =	swait.ge [sflag:s18], $0x2800  }
0x90: {  	[sflag:s18] =	ssyncset.done $0x0  }
0x91: {  	s19 =	simm.s32 $0x9;
	[sflag:s18] =	ssyncadd.s32 $0xFFFFD800  }
0x92: {  	[spmem:s2] =	stream.indirect.scatter.add.bf16 [tilespmem:s25], [sflag:$0x10], $0x20, s12, s11, $0xb8;
	[tilespmem:$0x1A400] =	vst v63  }
0x93: {  	_ =	swait.ge [sflag:s19], $0x2800  }
0x94: {  	[sflag:s19] =	ssyncset.done $0x0  }
0x95: {  	s20 =	simm.s32 $0xA;
	[sflag:s19] =	ssyncadd.s32 $0xFFFFD800  }
0x96: {  	_ =	swait.ge [sflag:s20], $0x2800  }
0x97: {  	[sflag:s20] =	ssyncset.done $0x0  }
0x98: {  	s21 =	simm.s32 $0xB;
	[sflag:s20] =	ssyncadd.s32 $0xFFFFD800  }
0x99: {  	_ =	swait.ge [sflag:s21], $0x2800  }
0x9a: {  	[sflag:s21] =	ssyncset.done $0x0  }
0x9b: {  	s22 =	simm.s32 $0xC;
	[sflag:s21] =	ssyncadd.s32 $0xFFFFD800  }
0x9c: {  	_ =	swait.ge [sflag:s22], $0x2800  }
0x9d: {  	[sflag:s22] =	ssyncset.done $0x0  }
0x9e: {  	s23 =	simm.s32 $0xD;
	[sflag:s22] =	ssyncadd.s32 $0xFFFFD800  }
0x9f: {  	_ =	swait.ge [sflag:s23], $0x2800  }
0xa0: {  	[sflag:s23] =	ssyncset.done $0x0  }
0xa1: {  	s24 =	simm.s32 $0xE;
	[sflag:s23] =	ssyncadd.s32 $0xFFFFD800  }
0xa2: {  	_ =	swait.ge [sflag:s24], $0x2800  }
0xa3: {  	[sflag:s24] =	ssyncset.done $0x0  }
0xa4: {  	s25 =	simm.s32 $0xF;
	[sflag:s24] =	ssyncadd.s32 $0xFFFFD800  }
0xa5: {  	_ =	swait.ge [sflag:s25], $0x2800  }
0xa6: {  	[sflag:s25] =	ssyncset.done $0x0  }
0xa7: {  	s26 =	simm.s32 $0x10;
	[sflag:s25] =	ssyncadd.s32 $0xFFFFD800  }
0xa8: {  	s8 =	simm.s32 $0x140;
	_ =	swait.ge [sflag:s26], $0x2800  }
0xa9: {  	s12 =	simm.s32 $0x280;
	s15 =	rddreg [dreg:$0x5];
	[sflag:s26] =	ssyncset.done $0x0  }
.LBB2_2:
0xaa: {  	s26 =	simm.s32 $0x10  }
0xab: {  	s13 =	rddreg [dreg:$0x4];
	s15 =	sadd.s32 s8, s15;
	[sflag:s26] =	ssyncadd.s32 $0xFFFFD800  }
0xac: {  	[tilespmem:s3], [sflag:$0x11] =	stream.linear.gather [hbm4b:s15+s3], $0x140, $0x38;
	[tilespmem:$0x1A400] =	vst v63  }
0xad: {  	s16 =	simm.s32 $0xA00;
	s13 =	sadd.s32 s8, s13  }
0xae: {  	[tilespmem:s16], [sflag:$0x11] =	stream.linear.gather [hbm4b:s13+s3], $0x140, $0x38;
	[tilespmem:$0x1A400] =	vst v63  }
0xaf: {  	s20 =	sadd.s32 $0x28, s15  }
0xb0: {  	[tilespmem:s11], [sflag:$0x12] =	stream.linear.gather [hbm4b:s20+s3], $0x140, $0x38;
	[tilespmem:$0x1A400] =	vst v63  }
0xb1: {  	s17 =	simm.s32 $0xB40;
	s21 =	sadd.s32 $0x28, s13  }
0xb2: {  	[tilespmem:s17], [sflag:$0x12] =	stream.linear.gather [hbm4b:s21+s3], $0x140, $0x38;
	[tilespmem:$0x1A400] =	vst v63  }
0xb3: {  	s18 =	simm.s32 $0x280;
	s22 =	sadd.s32 $0x50, s15  }
0xb4: {  	[tilespmem:s18], [sflag:$0x13] =	stream.linear.gather [hbm4b:s22+s3], $0x140, $0x38;
	[tilespmem:$0x1A400] =	vst v63  }
0xb5: {  	s19 =	simm.s32 $0xC80;
	s23 =	sadd.s32 $0x50, s13  }
0xb6: {  	[tilespmem:s19], [sflag:$0x13] =	stream.linear.gather [hbm4b:s23+s3], $0x140, $0x38;
	[tilespmem:$0x1A400] =	vst v63  }
0xb7: {  	s24 =	sadd.s32 $0x78, s15;
	s20 =	simm.s32 $0x3C0  }
0xb8: {  	[tilespmem:s20], [sflag:$0x14] =	stream.linear.gather [hbm4b:s24+s3], $0x140, $0x38;
	[tilespmem:$0x1A400] =	vst v63  }
0xb9: {  	s25 =	sadd.s32 $0x78, s13;
	s21 =	simm.s32 $0xDC0  }
0xba: {  	[tilespmem:s21], [sflag:$0x14] =	stream.linear.gather [hbm4b:s25+s3], $0x140, $0x38;
	[tilespmem:$0x1A400] =	vst v63  }
0xbb: {  	s0 =	sadd.s32 $0xA0, s15;
	s22 =	simm.s32 $0x500  }
0xbc: {  	[tilespmem:s22], [sflag:$0x15] =	stream.linear.gather [hbm4b:s0+s3], $0x140, $0x38;
	[tilespmem:$0x1A400] =	vst v63  }
0xbd: {  	s4 =	sadd.s32 $0xA0, s13;
	s23 =	simm.s32 $0xF00  }
0xbe: {  	[tilespmem:s23], [sflag:$0x15] =	stream.linear.gather [hbm4b:s4+s3], $0x140, $0x38;
	[tilespmem:$0x1A400] =	vst v63  }
0xbf: {  	s24 =	sadd.s32 $0xC8, s15;
	s25 =	simm.s32 $0x640  }
0xc0: {  	[tilespmem:s25], [sflag:$0x16] =	stream.linear.gather [hbm4b:s24+s3], $0x140, $0x38;
	[tilespmem:$0x1A400] =	vst v63  }
0xc1: {  	s0 =	sadd.s32 $0xC8, s13  }
0xc2: {  	[tilespmem:s28], [sflag:$0x16] =	stream.linear.gather [hbm4b:s0+s3], $0x140, $0x38;
	[tilespmem:$0x1A400] =	vst v63  }
0xc3: {  	s4 =	sadd.s32 $0xF0, s15  }
0xc4: {  	[tilespmem:s30], [sflag:$0x17] =	stream.linear.gather [hbm4b:s4+s3], $0x140, $0x38;
	[tilespmem:$0x1A400] =	vst v63  }
0xc5: {  	s24 =	sadd.s32 $0xF0, s13;
	s0 =	simm.s32 $0x1180  }
0xc6: {  	[tilespmem:s0], [sflag:$0x17] =	stream.linear.gather [hbm4b:s24+s3], $0x140, $0x38;
	[tilespmem:$0x1A400] =	vst v63  }
0xc7: {  	s4 =	sadd.s32 $0x118, s15;
	s15 =	simm.s32 $0x8C0  }
0xc8: {  	[tilespmem:s15], [sflag:$0x18] =	stream.linear.gather [hbm4b:s4+s3], $0x140, $0x38;
	[tilespmem:$0x1A400] =	vst v63  }
0xc9: {  	s24 =	sadd.s32 $0x118, s13;
	s13 =	simm.s32 $0x12C0;
	s4 =	simm.s32 $0x11  }
0xca: {  	[tilespmem:s13], [sflag:$0x18] =	stream.linear.gather [hbm4b:s24+s3], $0x140, $0x38;
	[tilespmem:$0x1A400] =	vst v63  }
0xcb: {  	_ =	swait.ge [sflag:s4], $0x140  }
0xcc: {  	[sflag:s4] =	ssyncset.done $0x0  }
0xcd: {  	[sflag:s4] =	ssyncadd.s32 $0xFFFFFEC0  }
0xce: {  	_ =	swait.ge [sflag:s4], $0x140  }
0xcf: {  	s9 =	smov.u32 s12;
	[sflag:s4] =	ssyncset.done $0x0  }
0xd0: {  	s8 =	smov.u32 s9;
	s9 =	simm.s32 $0x1400;
	[sflag:s4] =	ssyncadd.s32 $0xFFFFFEC0  }
0xd1: {  	[tilespmem:s9], [sflag:$0x1] =	stream.indirect.gather [hbm4b:s6+s11], $0x20, s3, s11, $0xb8;
	[tilespmem:$0x1A400] =	vst v63  }
0xd2: {  	_ =	swait.ge [sflag:s29], $0x140  }
0xd3: {  	[sflag:s29] =	ssyncset.done $0x0  }
0xd4: {  	[sflag:s29] =	ssyncadd.s32 $0xFFFFFEC0  }
0xd5: {  	_ =	swait.ge [sflag:s29], $0x140  }
0xd6: {  	[sflag:s29] =	ssyncset.done $0x0  }
0xd7: {  	s4 =	simm.s32 $0x3C00;
	[sflag:s29] =	ssyncadd.s32 $0xFFFFFEC0  }
0xd8: {  	[tilespmem:s4], [sflag:$0x2] =	stream.indirect.gather [hbm4b:s6+s11], $0x20, s11, s11, $0xb8;
	[tilespmem:$0x1A400] =	vst v63  }
0xd9: {  	_ =	swait.ge [sflag:s31], $0x140  }
0xda: {  	[sflag:s31] =	ssyncset.done $0x0  }
0xdb: {  	[sflag:s31] =	ssyncadd.s32 $0xFFFFFEC0  }
0xdc: {  	_ =	swait.ge [sflag:s31], $0x140  }
0xdd: {  	[sflag:s31] =	ssyncset.done $0x0  }
0xde: {  	s24 =	simm.s32 $0x6400;
	[sflag:s31] =	ssyncadd.s32 $0xFFFFFEC0  }
0xdf: {  	[tilespmem:s24], [sflag:$0x3] =	stream.indirect.gather [hbm4b:s6+s11], $0x20, s18, s11, $0xb8;
	[tilespmem:$0x1A400] =	vst v63  }
0xe0: {  	_ =	swait.ge [sflag:s1], $0x140  }
0xe1: {  	[sflag:s1] =	ssyncset.done $0x0  }
0xe2: {  	[sflag:s1] =	ssyncadd.s32 $0xFFFFFEC0  }
0xe3: {  	_ =	swait.ge [sflag:s1], $0x140  }
0xe4: {  	[sflag:s1] =	ssyncset.done $0x0  }
0xe5: {  	s18 =	simm.s32 $0x8C00;
	[sflag:s1] =	ssyncadd.s32 $0xFFFFFEC0  }
0xe6: {  	[tilespmem:s18], [sflag:$0x4] =	stream.indirect.gather [hbm4b:s6+s11], $0x20, s20, s11, $0xb8;
	[tilespmem:$0x1A400] =	vst v63  }
0xe7: {  	_ =	swait.ge [sflag:s7], $0x140  }
0xe8: {  	[sflag:s7] =	ssyncset.done $0x0  }
0xe9: {  	[sflag:s7] =	ssyncadd.s32 $0xFFFFFEC0  }
0xea: {  	_ =	swait.ge [sflag:s7], $0x140  }
0xeb: {  	[sflag:s7] =	ssyncset.done $0x0  }
0xec: {  	s20 =	simm.s32 $0xB400;
	[sflag:s7] =	ssyncadd.s32 $0xFFFFFEC0  }
0xed: {  	[tilespmem:s20], [sflag:$0x5] =	stream.indirect.gather [hbm4b:s6+s11], $0x20, s22, s11, $0xb8;
	[tilespmem:$0x1A400] =	vst v63  }
0xee: {  	_ =	swait.ge [sflag:s5], $0x140  }
0xef: {  	[sflag:s5] =	ssyncset.done $0x0  }
0xf0: {  	[sflag:s5] =	ssyncadd.s32 $0xFFFFFEC0  }
0xf1: {  	_ =	swait.ge [sflag:s5], $0x140  }
0xf2: {  	[sflag:s5] =	ssyncset.done $0x0  }
0xf3: {  	s22 =	simm.s32 $0xDC00;
	[sflag:s5] =	ssyncadd.s32 $0xFFFFFEC0  }
0xf4: {  	[tilespmem:s22], [sflag:$0x6] =	stream.indirect.gather [hbm4b:s6+s11], $0x20, s25, s11, $0xb8;
	[tilespmem:$0x1A400] =	vst v63  }
0xf5: {  	s25 =	simm.s32 $0x1  }
0xf6: {  	_ =	swait.ge [sflag:s25], $0x2800  }
0xf7: {  	[sflag:s25] =	ssyncset.done $0x0  }
0xf8: {  	[sflag:s25] =	ssyncadd.s32 $0xFFFFD800  }
0xf9: {  	[spmem:s2] =	stream.indirect.scatter.add.bf16 [tilespmem:s9], [sflag:$0x9], $0x20, s16, s11, $0xb8;
	[tilespmem:$0x1A400] =	vst v63  }
0xfa: {  	_ =	swait.ge [sflag:s10], $0x140  }
0xfb: {  	[sflag:s10] =	ssyncset.done $0x0  }
0xfc: {  	[sflag:s10] =	ssyncadd.s32 $0xFFFFFEC0  }
0xfd: {  	_ =	swait.ge [sflag:s10], $0x140  }
0xfe: {  	[sflag:s10] =	ssyncset.done $0x0  }
0xff: {  	s25 =	simm.s32 $0x2;
	s9 =	simm.s32 $0x10400;
	[sflag:s10] =	ssyncadd.s32 $0xFFFFFEC0  }
0x100: {  	[tilespmem:s9], [sflag:$0x7] =	stream.indirect.gather [hbm4b:s6+s11], $0x20, s30, s11, $0xb8;
	[tilespmem:$0x1A400] =	vst v63  }
0x101: {  	_ =	swait.ge [sflag:s25], $0x2800  }
0x102: {  	[sflag:s25] =	ssyncset.done $0x0  }
0x103: {  	[sflag:s25] =	ssyncadd.s32 $0xFFFFD800  }
0x104: {  	[spmem:s2] =	stream.indirect.scatter.add.bf16 [tilespmem:s4], [sflag:$0xA], $0x20, s17, s11, $0xb8;
	[tilespmem:$0x1A400] =	vst v63  }
0x105: {  	_ =	swait.ge [sflag:s14], $0x140  }
0x106: {  	[sflag:s14] =	ssyncset.done $0x0  }
0x107: {  	[sflag:s14] =	ssyncadd.s32 $0xFFFFFEC0  }
0x108: {  	_ =	swait.ge [sflag:s14], $0x140  }
0x109: {  	[sflag:s14] =	ssyncset.done $0x0  }
0x10a: {  	s4 =	simm.s32 $0x12C00;
	s17 =	simm.s32 $0x3;
	[sflag:s14] =	ssyncadd.s32 $0xFFFFFEC0  }
0x10b: {  	[tilespmem:s4], [sflag:$0x8] =	stream.indirect.gather [hbm4b:s6+s11], $0x20, s15, s11, $0xb8;
	[tilespmem:$0x1A400] =	vst v63  }
0x10c: {  	_ =	swait.ge [sflag:s17], $0x2800  }
0x10d: {  	[sflag:s17] =	ssyncset.done $0x0  }
0x10e: {  	[sflag:s17] =	ssyncadd.s32 $0xFFFFD800  }
0x10f: {  	[spmem:s2] =	stream.indirect.scatter.add.bf16 [tilespmem:s24], [sflag:$0xB], $0x20, s19, s11, $0xb8;
	[tilespmem:$0x1A400] =	vst v63  }
0x110: {  	s24 =	simm.s32 $0x4  }
0x111: {  	_ =	swait.ge [sflag:s24], $0x2800  }
0x112: {  	[sflag:s24] =	ssyncset.done $0x0  }
0x113: {  	s25 =	simm.s32 $0x5;
	[sflag:s24] =	ssyncadd.s32 $0xFFFFD800  }
0x114: {  	[spmem:s2] =	stream.indirect.scatter.add.bf16 [tilespmem:s18], [sflag:$0xC], $0x20, s21, s11, $0xb8;
	[tilespmem:$0x1A400] =	vst v63  }
0x115: {  	_ =	swait.ge [sflag:s25], $0x2800  }
0x116: {  	[sflag:s25] =	ssyncset.done $0x0  }
0x117: {  	s16 =	simm.s32 $0x6;
	[sflag:s25] =	ssyncadd.s32 $0xFFFFD800  }
0x118: {  	[spmem:s2] =	stream.indirect.scatter.add.bf16 [tilespmem:s20], [sflag:$0xD], $0x20, s23, s11, $0xb8;
	[tilespmem:$0x1A400] =	vst v63  }
0x119: {  	_ =	swait.ge [sflag:s16], $0x2800  }
0x11a: {  	[sflag:s16] =	ssyncset.done $0x0  }
0x11b: {  	s17 =	simm.s32 $0x7;
	[sflag:s16] =	ssyncadd.s32 $0xFFFFD800  }
0x11c: {  	[spmem:s2] =	stream.indirect.scatter.add.bf16 [tilespmem:s22], [sflag:$0xE], $0x20, s28, s11, $0xb8;
	[tilespmem:$0x1A400] =	vst v63  }
0x11d: {  	_ =	swait.ge [sflag:s17], $0x2800  }
0x11e: {  	[sflag:s17] =	ssyncset.done $0x0  }
0x11f: {  	s18 =	simm.s32 $0x8;
	[sflag:s17] =	ssyncadd.s32 $0xFFFFD800  }
0x120: {  	[spmem:s2] =	stream.indirect.scatter.add.bf16 [tilespmem:s9], [sflag:$0xF], $0x20, s0, s11, $0xb8;
	[tilespmem:$0x1A400] =	vst v63  }
0x121: {  	_ =	swait.ge [sflag:s18], $0x2800  }
0x122: {  	[sflag:s18] =	ssyncset.done $0x0  }
0x123: {  	s19 =	simm.s32 $0x9;
	[sflag:s18] =	ssyncadd.s32 $0xFFFFD800  }
0x124: {  	[spmem:s2] =	stream.indirect.scatter.add.bf16 [tilespmem:s4], [sflag:$0x10], $0x20, s13, s11, $0xb8;
	[tilespmem:$0x1A400] =	vst v63  }
0x125: {  	_ =	swait.ge [sflag:s19], $0x2800  }
0x126: {  	[sflag:s19] =	ssyncset.done $0x0  }
0x127: {  	s20 =	simm.s32 $0xA;
	[sflag:s19] =	ssyncadd.s32 $0xFFFFD800  }
0x128: {  	_ =	swait.ge [sflag:s20], $0x2800  }
0x129: {  	[sflag:s20] =	ssyncset.done $0x0  }
0x12a: {  	s21 =	simm.s32 $0xB;
	[sflag:s20] =	ssyncadd.s32 $0xFFFFD800  }
0x12b: {  	_ =	swait.ge [sflag:s21], $0x2800  }
0x12c: {  	[sflag:s21] =	ssyncset.done $0x0  }
0x12d: {  	s22 =	simm.s32 $0xC;
	[sflag:s21] =	ssyncadd.s32 $0xFFFFD800  }
0x12e: {  	_ =	swait.ge [sflag:s22], $0x2800  }
0x12f: {  	[sflag:s22] =	ssyncset.done $0x0  }
0x130: {  	s23 =	simm.s32 $0xD;
	[sflag:s22] =	ssyncadd.s32 $0xFFFFD800  }
0x131: {  	_ =	swait.ge [sflag:s23], $0x2800  }
0x132: {  	[sflag:s23] =	ssyncset.done $0x0  }
0x133: {  	s24 =	simm.s32 $0xE;
	[sflag:s23] =	ssyncadd.s32 $0xFFFFD800  }
0x134: {  	_ =	swait.ge [sflag:s24], $0x2800  }
0x135: {  	[sflag:s24] =	ssyncset.done $0x0  }
0x136: {  	p0 =	sne.s32 s12, $0x8C0;
	s25 =	simm.s32 $0xF;
	[sflag:s24] =	ssyncadd.s32 $0xFFFFD800  }
.Ltmp0:
0x137: {  	_ =	swait.ge [sflag:s25], $0x2800;
	(pc) =	sbr.rel @p0 .LBB2_2-.Ltmp0, $4  }
0x138: {  	[sflag:s25] =	ssyncset.done $0x0  }
0x139: {  	[sflag:s25] =	ssyncadd.s32 $0xFFFFD800  }
0x13a: {  	_ =	swait.ge [sflag:s26], $0x2800  }
0x13b: {  	s12 =	sadd.s32 $0x140, s12;
	s15 =	rddreg [dreg:$0x5];
	[sflag:s26] =	ssyncset.done $0x0  }
0x13c: {  	s26 =	simm.s32 $0x10  }
0x13d: {  	s9 =	rddreg [dreg:$0x4];
	s12 =	sadd.s32 s8, s15;
	[sflag:s26] =	ssyncadd.s32 $0xFFFFD800  }
0x13e: {  	[tilespmem:s3], [sflag:$0x11] =	stream.linear.gather [hbm4b:s12+s3], $0x140, $0x38;
	[tilespmem:$0x1A400] =	vst v63  }
0x13f: {  	s13 =	simm.s32 $0xA00;
	s8 =	sadd.s32 s8, s9  }
0x140: {  	[tilespmem:s13], [sflag:$0x11] =	stream.linear.gather [hbm4b:s8+s3], $0x140, $0x38;
	[tilespmem:$0x1A400] =	vst v63  }
0x141: {  	s16 =	sadd.s32 $0x28, s12  }
0x142: {  	[tilespmem:s11], [sflag:$0x12] =	stream.linear.gather [hbm4b:s16+s3], $0x140, $0x38;
	[tilespmem:$0x1A400] =	vst v63  }
0x143: {  	s15 =	simm.s32 $0xB40;
	s17 =	sadd.s32 $0x28, s8  }
0x144: {  	[tilespmem:s15], [sflag:$0x12] =	stream.linear.gather [hbm4b:s17+s3], $0x140, $0x38;
	[tilespmem:$0x1A400] =	vst v63  }
0x145: {  	s18 =	sadd.s32 $0x50, s12;
	s16 =	simm.s32 $0x280  }
0x146: {  	[tilespmem:s16], [sflag:$0x13] =	stream.linear.gather [hbm4b:s18+s3], $0x140, $0x38;
	[tilespmem:$0x1A400] =	vst v63  }
0x147: {  	s19 =	sadd.s32 $0x50, s8;
	s17 =	simm.s32 $0xC80  }
0x148: {  	[tilespmem:s17], [sflag:$0x13] =	stream.linear.gather [hbm4b:s19+s3], $0x140, $0x38;
	[tilespmem:$0x1A400] =	vst v63  }
0x149: {  	s20 =	sadd.s32 $0x78, s12;
	s18 =	simm.s32 $0x3C0  }
0x14a: {  	[tilespmem:s18], [sflag:$0x14] =	stream.linear.gather [hbm4b:s20+s3], $0x140, $0x38;
	[tilespmem:$0x1A400] =	vst v63  }
0x14b: {  	s21 =	sadd.s32 $0x78, s8;
	s19 =	simm.s32 $0xDC0  }
0x14c: {  	[tilespmem:s19], [sflag:$0x14] =	stream.linear.gather [hbm4b:s21+s3], $0x140, $0x38;
	[tilespmem:$0x1A400] =	vst v63  }
0x14d: {  	s22 =	sadd.s32 $0xA0, s12;
	s20 =	simm.s32 $0x500  }
0x14e: {  	[tilespmem:s20], [sflag:$0x15] =	stream.linear.gather [hbm4b:s22+s3], $0x140, $0x38;
	[tilespmem:$0x1A400] =	vst v63  }
0x14f: {  	s23 =	sadd.s32 $0xA0, s8;
	s21 =	simm.s32 $0xF00  }
0x150: {  	[tilespmem:s21], [sflag:$0x15] =	stream.linear.gather [hbm4b:s23+s3], $0x140, $0x38;
	[tilespmem:$0x1A400] =	vst v63  }
0x151: {  	s24 =	sadd.s32 $0xC8, s12;
	s22 =	simm.s32 $0x640  }
0x152: {  	[tilespmem:s22], [sflag:$0x16] =	stream.linear.gather [hbm4b:s24+s3], $0x140, $0x38;
	[tilespmem:$0x1A400] =	vst v63  }
0x153: {  	s25 =	sadd.s32 $0xC8, s8;
	s23 =	simm.s32 $0x1040  }
0x154: {  	[tilespmem:s23], [sflag:$0x16] =	stream.linear.gather [hbm4b:s25+s3], $0x140, $0x38;
	[tilespmem:$0x1A400] =	vst v63  }
0x155: {  	s0 =	sadd.s32 $0xF0, s12;
	s25 =	simm.s32 $0x780  }
0x156: {  	[tilespmem:s25], [sflag:$0x17] =	stream.linear.gather [hbm4b:s0+s3], $0x140, $0x38;
	[tilespmem:$0x1A400] =	vst v63  }
0x157: {  	s4 =	sadd.s32 $0xF0, s8;
	s0 =	simm.s32 $0x1180  }
0x158: {  	[tilespmem:s0], [sflag:$0x17] =	stream.linear.gather [hbm4b:s4+s3], $0x140, $0x38;
	[tilespmem:$0x1A400] =	vst v63  }
0x159: {  	s24 =	sadd.s32 $0x118, s12;
	s12 =	simm.s32 $0x8C0  }
0x15a: {  	[tilespmem:s12], [sflag:$0x18] =	stream.linear.gather [hbm4b:s24+s3], $0x140, $0x38;
	[tilespmem:$0x1A400] =	vst v63  }
0x15b: {  	s9 =	simm.s32 $0x12C0;
	s8 =	sadd.s32 $0x118, s8;
	s4 =	simm.s32 $0x11  }
0x15c: {  	[tilespmem:s9], [sflag:$0x18] =	stream.linear.gather [hbm4b:s8+s3], $0x140, $0x38;
	[tilespmem:$0x1A400] =	vst v63  }
0x15d: {  	_ =	swait.ge [sflag:s4], $0x140  }
0x15e: {  	[sflag:s4] =	ssyncset.done $0x0  }
0x15f: {  	[sflag:s4] =	ssyncadd.s32 $0xFFFFFEC0  }
0x160: {  	_ =	swait.ge [sflag:s4], $0x140  }
0x161: {  	[sflag:s4] =	ssyncset.done $0x0  }
0x162: {  	s8 =	simm.s32 $0x1400;
	[sflag:s4] =	ssyncadd.s32 $0xFFFFFEC0  }
0x163: {  	[tilespmem:s8], [sflag:$0x1] =	stream.indirect.gather [hbm4b:s6+s11], $0x20, s3, s11, $0xb8;
	[tilespmem:$0x1A400] =	vst v63  }
0x164: {  	_ =	swait.ge [sflag:s29], $0x140  }
0x165: {  	[sflag:s29] =	ssyncset.done $0x0  }
0x166: {  	[sflag:s29] =	ssyncadd.s32 $0xFFFFFEC0  }
0x167: {  	_ =	swait.ge [sflag:s29], $0x140  }
0x168: {  	[sflag:s29] =	ssyncset.done $0x0  }
0x169: {  	s4 =	simm.s32 $0x3C00;
	[sflag:s29] =	ssyncadd.s32 $0xFFFFFEC0  }
0x16a: {  	[tilespmem:s4], [sflag:$0x2] =	stream.indirect.gather [hbm4b:s6+s11], $0x20, s11, s11, $0xb8;
	[tilespmem:$0x1A400] =	vst v63  }
0x16b: {  	_ =	swait.ge [sflag:s31], $0x140  }
0x16c: {  	[sflag:s31] =	ssyncset.done $0x0  }
0x16d: {  	[sflag:s31] =	ssyncadd.s32 $0xFFFFFEC0  }
0x16e: {  	_ =	swait.ge [sflag:s31], $0x140  }
0x16f: {  	[sflag:s31] =	ssyncset.done $0x0  }
0x170: {  	s24 =	simm.s32 $0x6400;
	[sflag:s31] =	ssyncadd.s32 $0xFFFFFEC0  }
0x171: {  	[tilespmem:s24], [sflag:$0x3] =	stream.indirect.gather [hbm4b:s6+s11], $0x20, s16, s11, $0xb8;
	[tilespmem:$0x1A400] =	vst v63  }
0x172: {  	_ =	swait.ge [sflag:s1], $0x140  }
0x173: {  	[sflag:s1] =	ssyncset.done $0x0  }
0x174: {  	[sflag:s1] =	ssyncadd.s32 $0xFFFFFEC0  }
0x175: {  	_ =	swait.ge [sflag:s1], $0x140  }
0x176: {  	[sflag:s1] =	ssyncset.done $0x0  }
0x177: {  	s16 =	simm.s32 $0x8C00;
	[sflag:s1] =	ssyncadd.s32 $0xFFFFFEC0  }
0x178: {  	[tilespmem:s16], [sflag:$0x4] =	stream.indirect.gather [hbm4b:s6+s11], $0x20, s18, s11, $0xb8;
	[tilespmem:$0x1A400] =	vst v63  }
0x179: {  	_ =	swait.ge [sflag:s7], $0x140  }
0x17a: {  	[sflag:s7] =	ssyncset.done $0x0  }
0x17b: {  	[sflag:s7] =	ssyncadd.s32 $0xFFFFFEC0  }
0x17c: {  	_ =	swait.ge [sflag:s7], $0x140  }
0x17d: {  	[sflag:s7] =	ssyncset.done $0x0  }
0x17e: {  	s18 =	simm.s32 $0xB400;
	[sflag:s7] =	ssyncadd.s32 $0xFFFFFEC0  }
0x17f: {  	[tilespmem:s18], [sflag:$0x5] =	stream.indirect.gather [hbm4b:s6+s11], $0x20, s20, s11, $0xb8;
	[tilespmem:$0x1A400] =	vst v63  }
0x180: {  	_ =	swait.ge [sflag:s5], $0x140  }
0x181: {  	[sflag:s5] =	ssyncset.done $0x0  }
0x182: {  	[sflag:s5] =	ssyncadd.s32 $0xFFFFFEC0  }
0x183: {  	_ =	swait.ge [sflag:s5], $0x140  }
0x184: {  	[sflag:s5] =	ssyncset.done $0x0  }
0x185: {  	s20 =	simm.s32 $0xDC00;
	[sflag:s5] =	ssyncadd.s32 $0xFFFFFEC0  }
0x186: {  	[tilespmem:s20], [sflag:$0x6] =	stream.indirect.gather [hbm4b:s6+s11], $0x20, s22, s11, $0xb8;
	[tilespmem:$0x1A400] =	vst v63  }
0x187: {  	s22 =	simm.s32 $0x1  }
0x188: {  	_ =	swait.ge [sflag:s22], $0x2800  }
0x189: {  	[sflag:s22] =	ssyncset.done $0x0  }
0x18a: {  	[sflag:s22] =	ssyncadd.s32 $0xFFFFD800  }
0x18b: {  	[spmem:s2] =	stream.indirect.scatter.add.bf16 [tilespmem:s8], [sflag:$0x9], $0x20, s13, s11, $0xb8;
	[tilespmem:$0x1A400] =	vst v63  }
0x18c: {  	_ =	swait.ge [sflag:s10], $0x140  }
0x18d: {  	[sflag:s10] =	ssyncset.done $0x0  }
0x18e: {  	[sflag:s10] =	ssyncadd.s32 $0xFFFFFEC0  }
0x18f: {  	_ =	swait.ge [sflag:s10], $0x140  }
0x190: {  	[sflag:s10] =	ssyncset.done $0x0  }
0x191: {  	s8 =	simm.s32 $0x10400;
	[sflag:s10] =	ssyncadd.s32 $0xFFFFFEC0  }
0x192: {  	[tilespmem:s8], [sflag:$0x7] =	stream.indirect.gather [hbm4b:s6+s11], $0x20, s25, s11, $0xb8;
	[tilespmem:$0x1A400] =	vst v63  }
0x193: {  	s25 =	simm.s32 $0x2  }
0x194: {  	_ =	swait.ge [sflag:s25], $0x2800  }
0x195: {  	[sflag:s25] =	ssyncset.done $0x0  }
0x196: {  	[sflag:s25] =	ssyncadd.s32 $0xFFFFD800  }
0x197: {  	[spmem:s2] =	stream.indirect.scatter.add.bf16 [tilespmem:s4], [sflag:$0xA], $0x20, s15, s11, $0xb8;
	[tilespmem:$0x1A400] =	vst v63  }
0x198: {  	_ =	swait.ge [sflag:s14], $0x140  }
0x199: {  	[sflag:s14] =	ssyncset.done $0x0  }
0x19a: {  	[sflag:s14] =	ssyncadd.s32 $0xFFFFFEC0  }
0x19b: {  	_ =	swait.ge [sflag:s14], $0x140  }
0x19c: {  	[sflag:s14] =	ssyncset.done $0x0  }
0x19d: {  	s22 =	simm.s32 $0x3;
	s4 =	simm.s32 $0x12C00;
	[sflag:s14] =	ssyncadd.s32 $0xFFFFFEC0  }
0x19e: {  	[tilespmem:s4], [sflag:$0x8] =	stream.indirect.gather [hbm4b:s6+s11], $0x20, s12, s11, $0xb8;
	[tilespmem:$0x1A400] =	vst v63  }
0x19f: {  	_ =	swait.ge [sflag:s22], $0x2800  }
0x1a0: {  	[sflag:s22] =	ssyncset.done $0x0  }
0x1a1: {  	[sflag:s22] =	ssyncadd.s32 $0xFFFFD800  }
0x1a2: {  	[spmem:s2] =	stream.indirect.scatter.add.bf16 [tilespmem:s24], [sflag:$0xB], $0x20, s17, s11, $0xb8;
	[tilespmem:$0x1A400] =	vst v63  }
0x1a3: {  	s24 =	simm.s32 $0x4  }
0x1a4: {  	_ =	swait.ge [sflag:s24], $0x2800  }
0x1a5: {  	[sflag:s24] =	ssyncset.done $0x0  }
0x1a6: {  	s25 =	simm.s32 $0x5;
	[sflag:s24] =	ssyncadd.s32 $0xFFFFD800  }
0x1a7: {  	[spmem:s2] =	stream.indirect.scatter.add.bf16 [tilespmem:s16], [sflag:$0xC], $0x20, s19, s11, $0xb8;
	[tilespmem:$0x1A400] =	vst v63  }
0x1a8: {  	_ =	swait.ge [sflag:s25], $0x2800  }
0x1a9: {  	[sflag:s25] =	ssyncset.done $0x0  }
0x1aa: {  	s13 =	simm.s32 $0x6;
	[sflag:s25] =	ssyncadd.s32 $0xFFFFD800  }
0x1ab: {  	[spmem:s2] =	stream.indirect.scatter.add.bf16 [tilespmem:s18], [sflag:$0xD], $0x20, s21, s11, $0xb8;
	[tilespmem:$0x1A400] =	vst v63  }
0x1ac: {  	_ =	swait.ge [sflag:s13], $0x2800  }
0x1ad: {  	[sflag:s13] =	ssyncset.done $0x0  }
0x1ae: {  	s15 =	simm.s32 $0x7;
	[sflag:s13] =	ssyncadd.s32 $0xFFFFD800  }
0x1af: {  	[spmem:s2] =	stream.indirect.scatter.add.bf16 [tilespmem:s20], [sflag:$0xE], $0x20, s23, s11, $0xb8;
	[tilespmem:$0x1A400] =	vst v63  }
0x1b0: {  	_ =	swait.ge [sflag:s15], $0x2800  }
0x1b1: {  	[sflag:s15] =	ssyncset.done $0x0  }
0x1b2: {  	s16 =	simm.s32 $0x8;
	[sflag:s15] =	ssyncadd.s32 $0xFFFFD800  }
0x1b3: {  	[spmem:s2] =	stream.indirect.scatter.add.bf16 [tilespmem:s8], [sflag:$0xF], $0x20, s0, s11, $0xb8;
	[tilespmem:$0x1A400] =	vst v63  }
0x1b4: {  	_ =	swait.ge [sflag:s16], $0x2800  }
0x1b5: {  	[sflag:s16] =	ssyncset.done $0x0  }
0x1b6: {  	s17 =	simm.s32 $0x9;
	[sflag:s16] =	ssyncadd.s32 $0xFFFFD800  }
0x1b7: {  	[spmem:s2] =	stream.indirect.scatter.add.bf16 [tilespmem:s4], [sflag:$0x10], $0x20, s9, s11, $0xb8;
	[tilespmem:$0x1A400] =	vst v63  }
0x1b8: {  	_ =	swait.ge [sflag:s17], $0x2800  }
0x1b9: {  	[sflag:s17] =	ssyncset.done $0x0  }
0x1ba: {  	s18 =	simm.s32 $0xA;
	[sflag:s17] =	ssyncadd.s32 $0xFFFFD800  }
0x1bb: {  	_ =	swait.ge [sflag:s18], $0x2800  }
0x1bc: {  	[sflag:s18] =	ssyncset.done $0x0  }
0x1bd: {  	s19 =	simm.s32 $0xB;
	[sflag:s18] =	ssyncadd.s32 $0xFFFFD800  }
0x1be: {  	_ =	swait.ge [sflag:s19], $0x2800  }
0x1bf: {  	[sflag:s19] =	ssyncset.done $0x0  }
0x1c0: {  	s20 =	simm.s32 $0xC;
	[sflag:s19] =	ssyncadd.s32 $0xFFFFD800  }
0x1c1: {  	_ =	swait.ge [sflag:s20], $0x2800  }
0x1c2: {  	[sflag:s20] =	ssyncset.done $0x0  }
0x1c3: {  	s21 =	simm.s32 $0xD;
	[sflag:s20] =	ssyncadd.s32 $0xFFFFD800  }
0x1c4: {  	_ =	swait.ge [sflag:s21], $0x2800  }
0x1c5: {  	[sflag:s21] =	ssyncset.done $0x0  }
0x1c6: {  	s22 =	simm.s32 $0xE;
	[sflag:s21] =	ssyncadd.s32 $0xFFFFD800  }
0x1c7: {  	_ =	swait.ge [sflag:s22], $0x2800  }
0x1c8: {  	[sflag:s22] =	ssyncset.done $0x0  }
0x1c9: {  	s23 =	simm.s32 $0xF;
	[sflag:s22] =	ssyncadd.s32 $0xFFFFD800  }
0x1ca: {  	_ =	swait.ge [sflag:s23], $0x2800  }
0x1cb: {  	[sflag:s23] =	ssyncset.done $0x0  }
0x1cc: {  	[sflag:s23] =	ssyncadd.s32 $0xFFFFD800  }
0x1cd: {  	_ =	swait.ge [sflag:s26], $0x2800  }
0x1ce: {  	[sflag:s26] =	ssyncset.done $0x0  }
0x1cf: {  	[sflag:s26] =	ssyncadd.s32 $0xFFFFD800  }
0x1d0: {  	[bflag:$0x0] =	sbarrier.arrive $0xFFFF  }
0x1d1: {  	s12 =	rddreg [dreg:$0x7]  }
0x1d2: {  	s9 =	rddreg [dreg:$0x9]  }
0x1d3: {  	s13 =	simm.s32 $0x19;
	s24 =	rddreg [dreg:$0xa]  }
0x1d4: {  	[hbm:s24], [sflag:s12] =	dma.local [spmem:s9], $0xA00  }
0x1d5: {  	_ =	swait.ge [sflag:s13], $0xA00  }
0x1d6: {  	s25 =	rddreg [dreg:$0xb]  }
0x1d7: {  	s26 =	rddreg [dreg:$0x8];
	s0 =	sadd.s32 $0x1, s25  }
0x1d8: {  	p0 =	sne.s32 s0, s26  }
.Ltmp1:
0x1d9: {  	_ = 	snop;
	(pc) =	sbr.rel @p0 .LBB2_1-.Ltmp1, $3  }
0x1da: {  	_ =	sdelay $0x1  }
0x1db: {  	[sflag:s13] =	ssyncset.done $0x0  }
0x1dc: {  	[sflag:s13] =	ssyncadd.s32 $0xFFFFF600  }
0x1dd: {  	_ =	sfence.sel $0x180000  }
0x1de: {  	[bflag:$0x0] =	sbarrier.arrive $0xFFFF  }
0x1df: {  	_ =	strace $0x9000004A  }
0x1e0: {  	s0 =	stileid.u32;
	[bflag:$0x2] =	sbarrier.arrive $0xFFFF  }
0x1e1: {  	p0 =	sne.s32 s0, $0x0;
	s0 =	rddreg [dreg:$0x3]  }
0x1e2: {  	s0 =	sadd.s32 @!p0 $0x100000, s0  }
0x1e3: {  	[sflag:s0] =	ssyncadd.tile.s32 @!p0 $0x1;
	_ =	shalt  }
.Lfunc_end2:
_tile_overlayer_lowered:
.L_overlay_start_2:
0x1e4: {  	(tag) =	ssettag $0x2  }
0x1e5: {  	s0 =	rddreg [dreg:$0x0];
	s2 =	stileid.u32  }
0x1e6: {  	s1 =	rddreg [dreg:$0x1];
	p0 =	sne.s32 s2, $0x0  }
0x1e7: {  	s3 =	rddreg [dreg:$0x2];
	[bflag:$0x3] =	sbarrier.arrive $0xFFFF;
	s2 =	simm.s32 @!p0 $0x1C19  }
0x1e8: {  	[timem:s3], [sflag:s2] =	dma.local @!p0 [hbm:s0], s1  }
0x1e9: {  	s0 =	simm.s32 @!p0 $0x19  }
0x1ea: {  	_ =	swait.ge @!p0 [sflag:s0], s1  }
0x1eb: {  	s1 =	ssub.s32 @!p0 $0x0, s1;
	[sflag:s0] =	ssyncset.done @!p0 $0x0  }
0x1ec: {  	[sflag:s0] =	ssyncadd.s32 @!p0 s1  }
0x1ed: {  	[bflag:$0x3] =	sbarrier.arrive $0xFFFF  }
0x1ee: {  	_ =	shalt  }

// kernel: kernel.15.cloned.1.call-start
scs
__scs_entry_jumppad:
0x0: {  	(pc) =	sbr.rel $0x88, $3  }
0x1: {  	(tag) =	ssettag $0x0;
	lr =	simm.s32 $0x1  }
0x2: {  	[smem:$0x3F92] =	sst lr;
	_ =	strace $0xD0000000  }
0x3: {  	_ = 	snop  }
0x4: {  	_ = 	snop  }
0x5: {  	_ = 	snop  }
0x6: {  	_ = 	snop  }
0x7: {  	_ = 	snop  }
__scs_overlays_trampoline_lowered:
0x8: {  	[smem:$0x3FA1] =	sst s0  }
0x9: {  	[smem:$0x3FA2] =	sst s1  }
0xa: {  	[smem:$0x3FA3] =	sst s2  }
0xb: {  	[smem:$0x3FA4] =	sst s3  }
0xc: {  	[smem:$0x3FA5] =	sst s4  }
0xd: {  	[smem:$0x3FA6] =	sst s5  }
0xe: {  	[smem:$0x3FA7] =	sst s6  }
0xf: {  	[smem:$0x3FA8] =	sst s7  }
0x10: {  	[smem:$0x3FA9] =	sst s8  }
0x11: {  	[smem:$0x3FAA] =	sst s9;
	s0 =	simm.s32 @!p0 $0x0  }
0x12: {  	s1 =	sld [smem:$0x3F90];
	s0 =	simm.s32 @p0 $0x1  }
0x13: {  	[smem:$0x3FAB] =	sst s0;
	s0 =	simm.s32 @!p1 $0x0  }
0x14: {  	s2 =	sld [smem:$0x3F8F];
	s0 =	simm.s32 @p1 $0x1  }
0x15: {  	[smem:$0x3FAC] =	sst s0;
	s0 =	simm.s32 @!p2 $0x0  }
0x16: {  	s3 =	sld [smem:$0x3FDB];
	s0 =	simm.s32 @p2 $0x1  }
0x17: {  	s4 =	simm.s32 $0x1BF5;
	[smem:$0x3FAE] =	sst s0  }
0x18: {  	s0 =	sld [smem:$0x3F91];
	_ =	swait.ge [sflag:s4], $0x0  }
0x19: {  	s7 =	sld [smem:$0x3F92]  }
0x1a: {  	s8 =	sadd.s32 $0xFFFFE003, lr  }
0x1b: {  	s9 =	sadd.s32 $0xFFFFFEF7, lr;
	s5 =	simm.s32 $0xFFFFFFFF;
	p2 =	slt.u32 s8, $0xFFFFF086  }
0x1c: {  	p1 =	slt.u32 s9, $0xF7A;
	s5 =	simm.s32 @!p2 $0x0  }
0x1d: {  	s5 =	simm.s32 @p1 $0x1;
	p0 =	seq.s32 s7, s2  }
0x1e: {  	s7 =	smul.u32 @!p0 $0xF7A, s2;
	p2 =	seq.s32 @!p0 s5, $0x0  }
0x1f: {  	s9 =	smul.u32 $0xF7A, s1;
	s8 =	simm.s32 @!p0 $0x1BF5;
	p2 =	por !p2, p0  }
0x20: {  	[sflag:s8] =	ssyncset.s32 @!p0 $0xFFFFF086;
	s6 =	sadd.s32 @!p0 s3, s7;
	s7 =	simm.s32 @!p0 $0x108  }
0x21: {  	s3 =	sadd.s32 s3, s9;
	s6 =	sadd.s32 @!p0 $0x88, s6;
	s7 =	simm.s32 @p2 $0x1082  }
0x22: {  	[simem:s7], [sflag:s8] =	dma.local @!p0 [hbm:s6], $0xF7A  }
0x23: {  	s9 =	sor.u32 $0xD0000000, s2;
	s6 =	simm.s32 $0x108;
	_ =	swait.ge @!p0 [sflag:s8], $0x0  }
0x24: {  	s3 =	sadd.s32 $0x88, s3;
	s6 =	simm.s32 @!p1 $0x1082;
	[sflag:s4] =	ssyncset.s32 $0xFFFFF086  }
0x25: {  	[simem:s6], [sflag:s4] =	dma.local [hbm:s3], $0xF7A  }
0x26: {  	[smem:$0x3F92] =	sst s1;
	(tag) =	ssettag s2;
	_ =	strace s9  }
0x27: {  	s1 =	sld [smem:$0x3FA2]  }
0x28: {  	s2 =	sld [smem:$0x3FA3]  }
0x29: {  	s4 =	sld [smem:$0x3FA5]  }
0x2a: {  	p0 =	seq.s32 s5, $0x0;
	s5 =	sld [smem:$0x3FA6]  }
0x2b: {  	s6 =	sld [smem:$0x3FA7]  }
0x2c: {  	s7 =	sld [smem:$0x3FA8]  }
0x2d: {  	s3 =	simm.s32 $0x108;
	s8 =	sld [smem:$0x3FA9]  }
0x2e: {  	s3 =	simm.s32 @!p0 $0x1082;
	s9 =	sld [smem:$0x3FAA]  }
0x2f: {  	lr =	sadd.s32 s0, s3;
	s0 =	sld [smem:$0x3FA1]  }
0x30: {  	s3 =	sld [smem:$0x3FA4]  }
0x31: {  	[smem:$0x3FAD] =	sst s10  }
0x32: {  	s10 =	sld [smem:$0x3FAB];
	_ =	sdelay $0x3  }
0x33: {  	p0 =	seq.s32 s10, $0x1;
	s10 =	sld [smem:$0x3FAD];
	_ =	sdelay $0x3  }
0x34: {  	[smem:$0x3FAD] =	sst s10  }
0x35: {  	s10 =	sld [smem:$0x3FAC];
	_ =	sdelay $0x3  }
0x36: {  	p1 =	seq.s32 s10, $0x1;
	s10 =	sld [smem:$0x3FAD];
	_ =	sdelay $0x3  }
0x37: {  	[smem:$0x3FAD] =	sst s10  }
0x38: {  	s10 =	sld [smem:$0x3FAE]  }
0x39: {  	_ = 	snop;
	(pc) =	sbr.ind lr, $3  }
0x3a: {  	_ = 	snop  }
0x3b: {  	_ = 	snop  }
0x3c: {  	p2 =	seq.s32 s10, $0x1;
	s10 =	sld [smem:$0x3FAD]  }
0x3d: {  	_ =	shalt  }
0x3e: {  	_ =	shalt  }
0x3f: {  	_ =	shalt  }
0x40: {  	_ =	shalt  }
0x41: {  	_ =	shalt  }
0x42: {  	_ =	shalt  }
0x43: {  	_ =	shalt  }
0x44: {  	_ =	shalt  }
0x45: {  	_ =	shalt  }
0x46: {  	_ =	shalt  }
0x47: {  	_ =	shalt  }
0x48: {  	_ =	shalt  }
0x49: {  	_ =	shalt  }
0x4a: {  	_ =	shalt  }
0x4b: {  	_ =	shalt  }
0x4c: {  	_ =	shalt  }
0x4d: {  	_ =	shalt  }
0x4e: {  	_ =	shalt  }
0x4f: {  	_ =	shalt  }
0x50: {  	_ =	shalt  }
0x51: {  	_ =	shalt  }
0x52: {  	_ =	shalt  }
0x53: {  	_ =	shalt  }
0x54: {  	_ =	shalt  }
0x55: {  	_ =	shalt  }
0x56: {  	_ =	shalt  }
0x57: {  	_ =	shalt  }
0x58: {  	_ =	shalt  }
0x59: {  	_ =	shalt  }
0x5a: {  	_ =	shalt  }
0x5b: {  	_ =	shalt  }
0x5c: {  	_ =	shalt  }
0x5d: {  	_ =	shalt  }
0x5e: {  	_ =	shalt  }
0x5f: {  	_ =	shalt  }
0x60: {  	_ =	shalt  }
0x61: {  	_ =	shalt  }
0x62: {  	_ =	shalt  }
0x63: {  	_ =	shalt  }
0x64: {  	_ =	shalt  }
0x65: {  	_ =	shalt  }
0x66: {  	_ =	shalt  }
0x67: {  	_ =	shalt  }
0x68: {  	_ =	shalt  }
0x69: {  	_ =	shalt  }
0x6a: {  	_ =	shalt  }
0x6b: {  	_ =	shalt  }
0x6c: {  	_ =	shalt  }
0x6d: {  	_ =	shalt  }
0x6e: {  	_ =	shalt  }
0x6f: {  	_ =	shalt  }
0x70: {  	_ =	shalt  }
0x71: {  	_ =	shalt  }
0x72: {  	_ =	shalt  }
0x73: {  	_ =	shalt  }
0x74: {  	_ =	shalt  }
0x75: {  	_ =	shalt  }
0x76: {  	_ =	shalt  }
0x77: {  	_ =	shalt  }
0x78: {  	_ =	shalt  }
0x79: {  	_ =	shalt  }
0x7a: {  	_ =	shalt  }
0x7b: {  	_ =	shalt  }
0x7c: {  	_ =	shalt  }
0x7d: {  	_ =	shalt  }
0x7e: {  	_ =	shalt  }
0x7f: {  	_ =	shalt  }
0x80: {  	_ =	shalt  }
0x81: {  	_ =	shalt  }
0x82: {  	_ =	shalt  }
0x83: {  	_ =	shalt  }
0x84: {  	_ =	shalt  }
0x85: {  	_ =	shalt  }
0x86: {  	_ =	shalt  }
0x87: {  	_ =	shalt  }
.Lfunc_end0:
.L_simem_size_0:
called_computation.2_lowered:
.L_overlay_start_0:
0x88: {  	s2 =	sld [smem:$0x3FD9]  }
0x89: {  	s3 =	sld [smem:$0x3FFE];
	_ =	sdelay $0x1  }
0x8a: {  	s1 =	srdreg.scid  }
0x8b: {  	s0 =	sand.u32 $0x1, s1  }
0x8c: {  	s17 =	sshll.u32 s0, $0xA;
	s2 =	sadd.s32 s3, s2  }
0x8d: {  	s2 =	sadd.s32 s2, s17  }
0x8e: {  	[smem:$0x3FB9] =	sst s2  }
0x8f: {  	_ = 	snop  }
0x90: {  	s2 =	sld [smem:$0x3FD0];
	(tm) =	ssettm $0x1  }
0x91: {  	s18 =	sld [smem:$0x3FFB];
	_ =	sdelay $0x3  }
0x92: {  	_ =	strace s18  }
0x93: {  	s3 =	sld [smem:$0x3FFC];
	_ =	sdelay $0x3  }
0x94: {  	_ =	strace s3  }
0x95: {  	s3 =	sld [smem:$0x3FFD];
	_ =	sdelay $0x3  }
0x96: {  	_ =	strace s3  }
0x97: {  	_ =	strace $0x8FFFFFFF  }
0x98: {  	s19 =	sld [smem:$0x3FDB];
	_ =	sdelay $0x1  }
0x99: {  	s4 =	simm.s32 $_scs_section_size  }
0x9a: {  	s5 =	simm.s32 $_size__tile_overlayer_lowered;
	s6 =	simm.s32 $_tile_overlayer_lowered  }
0x9b: {  	s22 =	simm.s32 $0x1BFF;
	s21 =	sshll.u32 s6, $0x1;
	s3 =	sadd.s32 s4, s19  }
0x9c: {  	s7 =	simm.s32 $0x0;
	s20 =	sshll.u32 s5, $0x1;
	s5 =	sadd.s32 s21, s3  }
0x9d: {  	[timem:s7], [sflag:s22] =	dma.local [hbm:s5], s20  }
0x9e: {  	_ =	swait.ge [sflag:s22], s20  }
0x9f: {  	s4 =	ssub.s32 $0x0, s20;
	[sflag:s22] =	ssyncset.done $0x0  }
0xa0: {  	[sflag:s22] =	ssyncadd.s32 s4;
	_ =	sdelay $0x1  }
0xa1: {  	s23 =	simm.s32 $0x1B8B  }
0xa2: {  	_ =	swait.ge [sflag:s23], $0x1  }
0xa3: {  	[sflag:s23] =	ssyncset.done $0x0  }
0xa4: {  	s25 =	simm.s32 $0x1B8E;
	s24 =	sld [smem:$0x3FFE];
	[sflag:s23] =	ssyncadd.s32 $0xFFFFFFFF  }
0xa5: {  	s26 =	simm.s32 $execute0_lowered;
	[smem:$0x3FD2] =	sst s25  }
0xa6: {  	s5 =	sshll.u32 s26, $0x1;
	_ =	strace $0x8000004C;
	[dreg:$0x1] =	wrdreg $0xFFFFFFFF  }
0xa7: {  	s28 =	simm.s32 $_size_execute0_lowered;
	s3 =	sadd.s32 s3, s5;
	[dreg:$0x0] =	wrdreg $0x0  }
0xa8: {  	s5 =	sshll.u32 s28, $0x1;
	[dreg:$0x2] =	wrdreg s3  }
0xa9: {  	[dreg:$0x3] =	wrdreg s5  }
0xaa: {  	[dreg:$0x4] =	wrdreg $0xC0  }
0xab: {  	_ =	task [dreg:s7], $0x5FFFF  }
0xac: {  	[dreg:$0x1] =	wrdreg $0xFFFFFFFF  }
0xad: {  	[dreg:$0x0] =	wrdreg $0x60  }
0xae: {  	[dreg:$0x2] =	wrdreg s24  }
0xaf: {  	[dreg:$0x3] =	wrdreg s2  }
0xb0: {  	[dreg:$0x4] =	wrdreg $0xB4000  }
0xb1: {  	[dreg:$0x5] =	wrdreg $0x9  }
0xb2: {  	_ =	task.clear_ibuf [dreg:s7], $0x6FFFF;
	_ =	strace $0x9000004C  }
0xb3: {  	s29 =	simm.s32 $0x9;
	_ =	strace $0x8000004E  }
0xb4: {  	_ =	swait.ge [sflag:s29], $0x1  }
0xb5: {  	[sflag:s29] =	ssyncadd.s32 $0xFFFFFFFF  }
0xb6: {  	_ =	strace $0x9000004E  }
0xb7: {  	_ =	sfence  }
0xb8: {  	s30 =	sld [smem:$0x0];
	_ =	sdelay $0x2  }
0xb9: {  	s31 =	sshll.u32 s1, $0xD;
	s1 =	sshrl.u32 s1, $0x2  }
0xba: {  	s3 =	sand.u32 $0x4000, s31;
	s1 =	sadd.s32 s1, s30  }
0xbb: {  	s0 =	sor.u32 s3, s0;
	s1 =	sshll.u32 s1, $0x11  }
0xbc: {  	s0 =	sor.u32 s1, s0  }
0xbd: {  	s0 =	sadd.s32 $0x8F2B, s0  }
0xbe: {  	[sflag:s0] =	ssyncadd.remote.s32 $0x1  }
0xbf: {  	_ =	sfence.sel $0xFFFF  }
0xc0: {  	[dreg:$0x0] =	wrdreg $0xFFFFFFFF;
	(pc) =	sbr.abs _section_cstart, $3  }
0xc1: {  	[dreg:$0x1] =	wrdreg $0xFFFFFFFF  }
0xc2: {  	_ =	task.clear_ibuf [dreg:s7], $0x2FFFF;
	_ =	strace $0x9FFFFFFF  }
0xc3: {  	(tm) =	ssettm $0x7FFFFFFF  }
tec
execute0_lowered:
.L_overlay_start_1:
0x0: {  	(tag) =	ssettag $0x1  }
0x1: {  	s0 =	rddreg [dreg:$0x0]  }
0x2: {  	s1 =	rddreg [dreg:$0x1]  }
0x3: {  	s2 =	rddreg [dreg:$0x2];
	s10 =	stileid.u32  }
0x4: {  	s4 =	srdreg.scid;
	s3 =	simm.s32 $0x0;
	s13 =	simm.s32 $0x19  }
0x5: {  	s11 =	simm.s32 $0x140;
	s29 =	simm.s32 $0x12;
	s31 =	simm.s32 $0x13  }
0x6: {  	s14 =	simm.s32 $0x18;
	s28 =	simm.s32 $0x1040;
	s30 =	simm.s32 $0x780  }
0x7: {  	s5 =	smul.u32 $0xA00, s10;
	s4 =	sand.u32 $0x1, s4;
	[smem:$0x7FF] =	sst s3  }
0x8: {  	s7 =	smul.u32 $0x5000, s10;
	s9 =	sadd.s32 $0x35C00, s0;
	s25 =	sshll.u32 s10, $0x6  }
0x9: {  	s10 =	simm.s32 $0x17;
	s6 =	smul.u32 $0x5000, s4;
	_ =	strace $0x8000004D  }
0xa: {  	[dreg:$0x6] =	wrdreg s9;
	s4 =	ssub.s32 $0x2, s4;
	s12 =	sor.u32 $0x1C19, s25  }
0xb: {  	s8 =	sadd.s32 s5, s0;
	s23 =	sshrl.u32 s4, $0x1;
	s24 =	sshrl.u32 s7, $0x1  }
0xc: {  	s1 =	sadd.s32 s5, s1;
	s26 =	sshrl.u32 s7, $0x4;
	s7 =	simm.s32 $0x15  }
0xd: {  	[dreg:$0x7] =	wrdreg s12;
	s0 =	sadd.s32 s6, s0;
	s4 =	ssub.s32 s4, s23  }
0xe: {  	s9 =	sadd.s32 s24, s2;
	s8 =	sadd.s32 $0x17000, s8;
	[dreg:$0x5] =	wrdreg s1  }
0xf: {  	s6 =	sadd.s32 $0x21A00, s0;
	[dreg:$0x4] =	wrdreg s8;
	s4 =	smax.u32 s4, $0x1  }
0x10: {  	s0 =	sadd.s32 $0x2BA00, s0;
	s9 =	sshrl.u32 s9, $0x3;
	[dreg:$0x8] =	wrdreg s4  }
0x11: {  	s5 =	simm.s32 $0x16;
	s0 =	sadd.s32 s26, s0;
	[dreg:$0x9] =	wrdreg s9  }
0x12: {  	s1 =	simm.s32 $0x14;
	[dreg:$0xa] =	wrdreg s0;
	s0 =	simm.s32 $0x0  }
.LBB2_1:
0x13: {  	[dreg:$0xb] =	wrdreg s0  }
0x14: {  	s8 =	rddreg [dreg:$0x6]  }
0x15: {  	[spmem:s9], [sflag:s12] =	dma.local [hbm:s8], $0x500  }
0x16: {  	_ =	swait.ge [sflag:s13], $0x500  }
0x17: {  	[sflag:s13] =	ssyncset.done $0x0  }
0x18: {  	[sflag:s13] =	ssyncadd.s32 $0xFFFFFB00  }
0x19: {  	[bflag:$0x0] =	sbarrier.arrive $0xFFFF  }
0x1a: {  	s16 =	rddreg [dreg:$0x5]  }
0x1b: {  	s17 =	rddreg [dreg:$0x4];
	s8 =	sadd.s32 $0x0, s16  }
0x1c: {  	[tilespmem:s3], [sflag:$0x11] =	stream.linear.gather [hbm4b:s8+s3], $0x140, $0x38;
	[tilespmem:$0xDC00] =	vst v63  }
0x1d: {  	s9 =	simm.s32 $0xA00;
	s12 =	sadd.s32 $0x0, s17  }
0x1e: {  	[tilespmem:s9], [sflag:$0x11] =	stream.linear.gather [hbm4b:s12+s3], $0x140, $0x38;
	[tilespmem:$0xDC00] =	vst v63  }
0x1f: {  	s15 =	sadd.s32 $0x28, s8  }
0x20: {  	[tilespmem:s11], [sflag:$0x12] =	stream.linear.gather [hbm4b:s15+s3], $0x140, $0x38;
	[tilespmem:$0xDC00] =	vst v63  }
0x21: {  	s13 =	simm.s32 $0xB40;
	s18 =	sadd.s32 $0x28, s12  }
0x22: {  	[tilespmem:s13], [sflag:$0x12] =	stream.linear.gather [hbm4b:s18+s3], $0x140, $0x38;
	[tilespmem:$0xDC00] =	vst v63  }
0x23: {  	s16 =	simm.s32 $0x280;
	s19 =	sadd.s32 $0x50, s8  }
0x24: {  	[tilespmem:s16], [sflag:$0x13] =	stream.linear.gather [hbm4b:s19+s3], $0x140, $0x38;
	[tilespmem:$0xDC00] =	vst v63  }
0x25: {  	s17 =	simm.s32 $0xC80;
	s20 =	sadd.s32 $0x50, s12  }
0x26: {  	[tilespmem:s17], [sflag:$0x13] =	stream.linear.gather [hbm4b:s20+s3], $0x140, $0x38;
	[tilespmem:$0xDC00] =	vst v63  }
0x27: {  	s21 =	sadd.s32 $0x78, s8;
	s18 =	simm.s32 $0x3C0  }
0x28: {  	[tilespmem:s18], [sflag:$0x14] =	stream.linear.gather [hbm4b:s21+s3], $0x140, $0x38;
	[tilespmem:$0xDC00] =	vst v63  }
0x29: {  	s22 =	sadd.s32 $0x78, s12;
	s19 =	simm.s32 $0xDC0  }
0x2a: {  	[tilespmem:s19], [sflag:$0x14] =	stream.linear.gather [hbm4b:s22+s3], $0x140, $0x38;
	[tilespmem:$0xDC00] =	vst v63  }
0x2b: {  	s23 =	sadd.s32 $0xA0, s8;
	s20 =	simm.s32 $0x500  }
0x2c: {  	[tilespmem:s20], [sflag:$0x15] =	stream.linear.gather [hbm4b:s23+s3], $0x140, $0x38;
	[tilespmem:$0xDC00] =	vst v63  }
0x2d: {  	s24 =	sadd.s32 $0xA0, s12;
	s21 =	simm.s32 $0xF00  }
0x2e: {  	[tilespmem:s21], [sflag:$0x15] =	stream.linear.gather [hbm4b:s24+s3], $0x140, $0x38;
	[tilespmem:$0xDC00] =	vst v63  }
0x2f: {  	s25 =	sadd.s32 $0xC8, s8;
	s22 =	simm.s32 $0x640  }
0x30: {  	[tilespmem:s22], [sflag:$0x16] =	stream.linear.gather [hbm4b:s25+s3], $0x140, $0x38;
	[tilespmem:$0xDC00] =	vst v63  }
0x31: {  	s26 =	sadd.s32 $0xC8, s12;
	s23 =	simm.s32 $0x1040  }
0x32: {  	[tilespmem:s23], [sflag:$0x16] =	stream.linear.gather [hbm4b:s26+s3], $0x140, $0x38;
	[tilespmem:$0xDC00] =	vst v63  }
0x33: {  	s0 =	sadd.s32 $0xF0, s8;
	s25 =	simm.s32 $0x780  }
0x34: {  	[tilespmem:s25], [sflag:$0x17] =	stream.linear.gather [hbm4b:s0+s3], $0x140, $0x38;
	[tilespmem:$0xDC00] =	vst v63  }
0x35: {  	s4 =	sadd.s32 $0xF0, s12;
	s0 =	simm.s32 $0x1180  }
0x36: {  	[tilespmem:s0], [sflag:$0x17] =	stream.linear.gather [hbm4b:s4+s3], $0x140, $0x38;
	[tilespmem:$0xDC00] =	vst v63  }
0x37: {  	s8 =	sadd.s32 $0x118, s8;
	s15 =	simm.s32 $0x8C0  }
0x38: {  	[tilespmem:s15], [sflag:$0x18] =	stream.linear.gather [hbm4b:s8+s3], $0x140, $0x38;
	[tilespmem:$0xDC00] =	vst v63  }
0x39: {  	s24 =	sadd.s32 $0x118, s12;
	s12 =	simm.s32 $0x12C0;
	s4 =	simm.s32 $0x11  }
0x3a: {  	[tilespmem:s12], [sflag:$0x18] =	stream.linear.gather [hbm4b:s24+s3], $0x140, $0x38;
	[tilespmem:$0xDC00] =	vst v63  }
0x3b: {  	_ =	swait.ge [sflag:s4], $0x140  }
0x3c: {  	[sflag:s4] =	ssyncset.done $0x0  }
0x3d: {  	[sflag:s4] =	ssyncadd.s32 $0xFFFFFEC0  }
0x3e: {  	_ =	swait.ge [sflag:s4], $0x140  }
0x3f: {  	[sflag:s4] =	ssyncset.done $0x0  }
0x40: {  	s8 =	simm.s32 $0x1400;
	[sflag:s4] =	ssyncadd.s32 $0xFFFFFEC0  }
0x41: {  	[tilespmem:s8], [sflag:$0x1] =	stream.indirect.gather [hbm4b:s6+s11], $0x10, s3, s11, $0xb8;
	[tilespmem:$0xDC00] =	vst v63  }
0x42: {  	_ =	swait.ge [sflag:s29], $0x140  }
0x43: {  	[sflag:s29] =	ssyncset.done $0x0  }
0x44: {  	[sflag:s29] =	ssyncadd.s32 $0xFFFFFEC0  }
0x45: {  	_ =	swait.ge [sflag:s29], $0x140  }
0x46: {  	[sflag:s29] =	ssyncset.done $0x0  }
0x47: {  	s4 =	simm.s32 $0x2800;
	[sflag:s29] =	ssyncadd.s32 $0xFFFFFEC0  }
0x48: {  	[tilespmem:s4], [sflag:$0x2] =	stream.indirect.gather [hbm4b:s6+s11], $0x10, s11, s11, $0xb8;
	[tilespmem:$0xDC00] =	vst v63  }
0x49: {  	_ =	swait.ge [sflag:s31], $0x140  }
0x4a: {  	[sflag:s31] =	ssyncset.done $0x0  }
0x4b: {  	[sflag:s31] =	ssyncadd.s32 $0xFFFFFEC0  }
0x4c: {  	_ =	swait.ge [sflag:s31], $0x140  }
0x4d: {  	[sflag:s31] =	ssyncset.done $0x0  }
0x4e: {  	s24 =	simm.s32 $0x3C00;
	[sflag:s31] =	ssyncadd.s32 $0xFFFFFEC0  }
0x4f: {  	[tilespmem:s24], [sflag:$0x3] =	stream.indirect.gather [hbm4b:s6+s11], $0x10, s16, s11, $0xb8;
	[tilespmem:$0xDC00] =	vst v63  }
0x50: {  	_ =	swait.ge [sflag:s1], $0x140  }
0x51: {  	[sflag:s1] =	ssyncset.done $0x0  }
0x52: {  	[sflag:s1] =	ssyncadd.s32 $0xFFFFFEC0  }
0x53: {  	_ =	swait.ge [sflag:s1], $0x140  }
0x54: {  	[sflag:s1] =	ssyncset.done $0x0  }
0x55: {  	s16 =	simm.s32 $0x5000;
	[sflag:s1] =	ssyncadd.s32 $0xFFFFFEC0  }
0x56: {  	[tilespmem:s16], [sflag:$0x4] =	stream.indirect.gather [hbm4b:s6+s11], $0x10, s18, s11, $0xb8;
	[tilespmem:$0xDC00] =	vst v63  }
0x57: {  	_ =	swait.ge [sflag:s7], $0x140  }
0x58: {  	[sflag:s7] =	ssyncset.done $0x0  }
0x59: {  	[sflag:s7] =	ssyncadd.s32 $0xFFFFFEC0  }
0x5a: {  	_ =	swait.ge [sflag:s7], $0x140  }
0x5b: {  	[sflag:s7] =	ssyncset.done $0x0  }
0x5c: {  	s18 =	simm.s32 $0x6400;
	[sflag:s7] =	ssyncadd.s32 $0xFFFFFEC0  }
0x5d: {  	[tilespmem:s18], [sflag:$0x5] =	stream.indirect.gather [hbm4b:s6+s11], $0x10, s20, s11, $0xb8;
	[tilespmem:$0xDC00] =	vst v63  }
0x5e: {  	_ =	swait.ge [sflag:s5], $0x140  }
0x5f: {  	[sflag:s5] =	ssyncset.done $0x0  }
0x60: {  	[sflag:s5] =	ssyncadd.s32 $0xFFFFFEC0  }
0x61: {  	_ =	swait.ge [sflag:s5], $0x140  }
0x62: {  	[sflag:s5] =	ssyncset.done $0x0  }
0x63: {  	s26 =	simm.s32 $0x1;
	s20 =	simm.s32 $0x7800;
	[sflag:s5] =	ssyncadd.s32 $0xFFFFFEC0  }
0x64: {  	[tilespmem:s20], [sflag:$0x6] =	stream.indirect.gather [hbm4b:s6+s11], $0x10, s22, s11, $0xb8;
	[tilespmem:$0xDC00] =	vst v63  }
0x65: {  	_ =	swait.ge [sflag:s26], $0x1400  }
0x66: {  	[sflag:s26] =	ssyncset.done $0x0  }
0x67: {  	[sflag:s26] =	ssyncadd.s32 $0xFFFFEC00  }
0x68: {  	[spmem:s2] =	stream.indirect.scatter.add.bf16 [tilespmem:s8], [sflag:$0x9], $0x10, s9, s11, $0xb8;
	[tilespmem:$0xDC00] =	vst v63  }
0x69: {  	_ =	swait.ge [sflag:s10], $0x140  }
0x6a: {  	[sflag:s10] =	ssyncset.done $0x0  }
0x6b: {  	[sflag:s10] =	ssyncadd.s32 $0xFFFFFEC0  }
0x6c: {  	_ =	swait.ge [sflag:s10], $0x140  }
0x6d: {  	[sflag:s10] =	ssyncset.done $0x0  }
0x6e: {  	s22 =	simm.s32 $0x2;
	s8 =	simm.s32 $0x8C00;
	[sflag:s10] =	ssyncadd.s32 $0xFFFFFEC0  }
0x6f: {  	[tilespmem:s8], [sflag:$0x7] =	stream.indirect.gather [hbm4b:s6+s11], $0x10, s25, s11, $0xb8;
	[tilespmem:$0xDC00] =	vst v63  }
0x70: {  	_ =	swait.ge [sflag:s22], $0x1400  }
0x71: {  	[sflag:s22] =	ssyncset.done $0x0  }
0x72: {  	[sflag:s22] =	ssyncadd.s32 $0xFFFFEC00  }
0x73: {  	[spmem:s2] =	stream.indirect.scatter.add.bf16 [tilespmem:s4], [sflag:$0xA], $0x10, s13, s11, $0xb8;
	[tilespmem:$0xDC00] =	vst v63  }
0x74: {  	_ =	swait.ge [sflag:s14], $0x140  }
0x75: {  	[sflag:s14] =	ssyncset.done $0x0  }
0x76: {  	[sflag:s14] =	ssyncadd.s32 $0xFFFFFEC0  }
0x77: {  	_ =	swait.ge [sflag:s14], $0x140  }
0x78: {  	[sflag:s14] =	ssyncset.done $0x0  }
0x79: {  	s26 =	simm.s32 $0x3;
	s25 =	simm.s32 $0xA000;
	[sflag:s14] =	ssyncadd.s32 $0xFFFFFEC0  }
0x7a: {  	[tilespmem:s25], [sflag:$0x8] =	stream.indirect.gather [hbm4b:s6+s11], $0x10, s15, s11, $0xb8;
	[tilespmem:$0xDC00] =	vst v63  }
0x7b: {  	_ =	swait.ge [sflag:s26], $0x1400  }
0x7c: {  	[sflag:s26] =	ssyncset.done $0x0  }
0x7d: {  	s13 =	simm.s32 $0x4;
	[sflag:s26] =	ssyncadd.s32 $0xFFFFEC00  }
0x7e: {  	[spmem:s2] =	stream.indirect.scatter.add.bf16 [tilespmem:s24], [sflag:$0xB], $0x10, s17, s11, $0xb8;
	[tilespmem:$0xDC00] =	vst v63  }
0x7f: {  	_ =	swait.ge [sflag:s13], $0x1400  }
0x80: {  	[sflag:s13] =	ssyncset.done $0x0  }
0x81: {  	s15 =	simm.s32 $0x5;
	[sflag:s13] =	ssyncadd.s32 $0xFFFFEC00  }
0x82: {  	[spmem:s2] =	stream.indirect.scatter.add.bf16 [tilespmem:s16], [sflag:$0xC], $0x10, s19, s11, $0xb8;
	[tilespmem:$0xDC00] =	vst v63  }
0x83: {  	_ =	swait.ge [sflag:s15], $0x1400  }
0x84: {  	[sflag:s15] =	ssyncset.done $0x0  }
0x85: {  	s16 =	simm.s32 $0x6;
	[sflag:s15] =	ssyncadd.s32 $0xFFFFEC00  }
0x86: {  	[spmem:s2] =	stream.indirect.scatter.add.bf16 [tilespmem:s18], [sflag:$0xD], $0x10, s21, s11, $0xb8;
	[tilespmem:$0xDC00] =	vst v63  }
0x87: {  	_ =	swait.ge [sflag:s16], $0x1400  }
0x88: {  	[sflag:s16] =	ssyncset.done $0x0  }
0x89: {  	s17 =	simm.s32 $0x7;
	[sflag:s16] =	ssyncadd.s32 $0xFFFFEC00  }
0x8a: {  	[spmem:s2] =	stream.indirect.scatter.add.bf16 [tilespmem:s20], [sflag:$0xE], $0x10, s23, s11, $0xb8;
	[tilespmem:$0xDC00] =	vst v63  }
0x8b: {  	_ =	swait.ge [sflag:s17], $0x1400  }
0x8c: {  	[sflag:s17] =	ssyncset.done $0x0  }
0x8d: {  	s18 =	simm.s32 $0x8;
	[sflag:s17] =	ssyncadd.s32 $0xFFFFEC00  }
0x8e: {  	[spmem:s2] =	stream.indirect.scatter.add.bf16 [tilespmem:s8], [sflag:$0xF], $0x10, s0, s11, $0xb8;
	[tilespmem:$0xDC00] =	vst v63  }
0x8f: {  	_ =	swait.ge [sflag:s18], $0x1400  }
0x90: {  	[sflag:s18] =	ssyncset.done $0x0  }
0x91: {  	s19 =	simm.s32 $0x9;
	[sflag:s18] =	ssyncadd.s32 $0xFFFFEC00  }
0x92: {  	[spmem:s2] =	stream.indirect.scatter.add.bf16 [tilespmem:s25], [sflag:$0x10], $0x10, s12, s11, $0xb8;
	[tilespmem:$0xDC00] =	vst v63  }
0x93: {  	_ =	swait.ge [sflag:s19], $0x1400  }
0x94: {  	[sflag:s19] =	ssyncset.done $0x0  }
0x95: {  	s20 =	simm.s32 $0xA;
	[sflag:s19] =	ssyncadd.s32 $0xFFFFEC00  }
0x96: {  	_ =	swait.ge [sflag:s20], $0x1400  }
0x97: {  	[sflag:s20] =	ssyncset.done $0x0  }
0x98: {  	s21 =	simm.s32 $0xB;
	[sflag:s20] =	ssyncadd.s32 $0xFFFFEC00  }
0x99: {  	_ =	swait.ge [sflag:s21], $0x1400  }
0x9a: {  	[sflag:s21] =	ssyncset.done $0x0  }
0x9b: {  	s22 =	simm.s32 $0xC;
	[sflag:s21] =	ssyncadd.s32 $0xFFFFEC00  }
0x9c: {  	_ =	swait.ge [sflag:s22], $0x1400  }
0x9d: {  	[sflag:s22] =	ssyncset.done $0x0  }
0x9e: {  	s23 =	simm.s32 $0xD;
	[sflag:s22] =	ssyncadd.s32 $0xFFFFEC00  }
0x9f: {  	_ =	swait.ge [sflag:s23], $0x1400  }
0xa0: {  	[sflag:s23] =	ssyncset.done $0x0  }
0xa1: {  	s24 =	simm.s32 $0xE;
	[sflag:s23] =	ssyncadd.s32 $0xFFFFEC00  }
0xa2: {  	_ =	swait.ge [sflag:s24], $0x1400  }
0xa3: {  	[sflag:s24] =	ssyncset.done $0x0  }
0xa4: {  	s25 =	simm.s32 $0xF;
	[sflag:s24] =	ssyncadd.s32 $0xFFFFEC00  }
0xa5: {  	_ =	swait.ge [sflag:s25], $0x1400  }
0xa6: {  	[sflag:s25] =	ssyncset.done $0x0  }
0xa7: {  	s26 =	simm.s32 $0x10;
	[sflag:s25] =	ssyncadd.s32 $0xFFFFEC00  }
0xa8: {  	s8 =	simm.s32 $0x140;
	_ =	swait.ge [sflag:s26], $0x1400  }
0xa9: {  	s12 =	simm.s32 $0x280;
	s15 =	rddreg [dreg:$0x5];
	[sflag:s26] =	ssyncset.done $0x0  }
.LBB2_2:
0xaa: {  	s26 =	simm.s32 $0x10  }
0xab: {  	s13 =	rddreg [dreg:$0x4];
	s15 =	sadd.s32 s8, s15;
	[sflag:s26] =	ssyncadd.s32 $0xFFFFEC00  }
0xac: {  	[tilespmem:s3], [sflag:$0x11] =	stream.linear.gather [hbm4b:s15+s3], $0x140, $0x38;
	[tilespmem:$0xDC00] =	vst v63  }
0xad: {  	s16 =	simm.s32 $0xA00;
	s13 =	sadd.s32 s8, s13  }
0xae: {  	[tilespmem:s16], [sflag:$0x11] =	stream.linear.gather [hbm4b:s13+s3], $0x140, $0x38;
	[tilespmem:$0xDC00] =	vst v63  }
0xaf: {  	s20 =	sadd.s32 $0x28, s15  }
0xb0: {  	[tilespmem:s11], [sflag:$0x12] =	stream.linear.gather [hbm4b:s20+s3], $0x140, $0x38;
	[tilespmem:$0xDC00] =	vst v63  }
0xb1: {  	s17 =	simm.s32 $0xB40;
	s21 =	sadd.s32 $0x28, s13  }
0xb2: {  	[tilespmem:s17], [sflag:$0x12] =	stream.linear.gather [hbm4b:s21+s3], $0x140, $0x38;
	[tilespmem:$0xDC00] =	vst v63  }
0xb3: {  	s18 =	simm.s32 $0x280;
	s22 =	sadd.s32 $0x50, s15  }
0xb4: {  	[tilespmem:s18], [sflag:$0x13] =	stream.linear.gather [hbm4b:s22+s3], $0x140, $0x38;
	[tilespmem:$0xDC00] =	vst v63  }
0xb5: {  	s19 =	simm.s32 $0xC80;
	s23 =	sadd.s32 $0x50, s13  }
0xb6: {  	[tilespmem:s19], [sflag:$0x13] =	stream.linear.gather [hbm4b:s23+s3], $0x140, $0x38;
	[tilespmem:$0xDC00] =	vst v63  }
0xb7: {  	s24 =	sadd.s32 $0x78, s15;
	s20 =	simm.s32 $0x3C0  }
0xb8: {  	[tilespmem:s20], [sflag:$0x14] =	stream.linear.gather [hbm4b:s24+s3], $0x140, $0x38;
	[tilespmem:$0xDC00] =	vst v63  }
0xb9: {  	s25 =	sadd.s32 $0x78, s13;
	s21 =	simm.s32 $0xDC0  }
0xba: {  	[tilespmem:s21], [sflag:$0x14] =	stream.linear.gather [hbm4b:s25+s3], $0x140, $0x38;
	[tilespmem:$0xDC00] =	vst v63  }
0xbb: {  	s0 =	sadd.s32 $0xA0, s15;
	s22 =	simm.s32 $0x500  }
0xbc: {  	[tilespmem:s22], [sflag:$0x15] =	stream.linear.gather [hbm4b:s0+s3], $0x140, $0x38;
	[tilespmem:$0xDC00] =	vst v63  }
0xbd: {  	s4 =	sadd.s32 $0xA0, s13;
	s23 =	simm.s32 $0xF00  }
0xbe: {  	[tilespmem:s23], [sflag:$0x15] =	stream.linear.gather [hbm4b:s4+s3], $0x140, $0x38;
	[tilespmem:$0xDC00] =	vst v63  }
0xbf: {  	s24 =	sadd.s32 $0xC8, s15;
	s25 =	simm.s32 $0x640  }
0xc0: {  	[tilespmem:s25], [sflag:$0x16] =	stream.linear.gather [hbm4b:s24+s3], $0x140, $0x38;
	[tilespmem:$0xDC00] =	vst v63  }
0xc1: {  	s0 =	sadd.s32 $0xC8, s13  }
0xc2: {  	[tilespmem:s28], [sflag:$0x16] =	stream.linear.gather [hbm4b:s0+s3], $0x140, $0x38;
	[tilespmem:$0xDC00] =	vst v63  }
0xc3: {  	s4 =	sadd.s32 $0xF0, s15  }
0xc4: {  	[tilespmem:s30], [sflag:$0x17] =	stream.linear.gather [hbm4b:s4+s3], $0x140, $0x38;
	[tilespmem:$0xDC00] =	vst v63  }
0xc5: {  	s24 =	sadd.s32 $0xF0, s13;
	s0 =	simm.s32 $0x1180  }
0xc6: {  	[tilespmem:s0], [sflag:$0x17] =	stream.linear.gather [hbm4b:s24+s3], $0x140, $0x38;
	[tilespmem:$0xDC00] =	vst v63  }
0xc7: {  	s4 =	sadd.s32 $0x118, s15;
	s15 =	simm.s32 $0x8C0  }
0xc8: {  	[tilespmem:s15], [sflag:$0x18] =	stream.linear.gather [hbm4b:s4+s3], $0x140, $0x38;
	[tilespmem:$0xDC00] =	vst v63  }
0xc9: {  	s24 =	sadd.s32 $0x118, s13;
	s13 =	simm.s32 $0x12C0;
	s4 =	simm.s32 $0x11  }
0xca: {  	[tilespmem:s13], [sflag:$0x18] =	stream.linear.gather [hbm4b:s24+s3], $0x140, $0x38;
	[tilespmem:$0xDC00] =	vst v63  }
0xcb: {  	_ =	swait.ge [sflag:s4], $0x140  }
0xcc: {  	[sflag:s4] =	ssyncset.done $0x0  }
0xcd: {  	[sflag:s4] =	ssyncadd.s32 $0xFFFFFEC0  }
0xce: {  	_ =	swait.ge [sflag:s4], $0x140  }
0xcf: {  	s9 =	smov.u32 s12;
	[sflag:s4] =	ssyncset.done $0x0  }
0xd0: {  	s8 =	smov.u32 s9;
	s9 =	simm.s32 $0x1400;
	[sflag:s4] =	ssyncadd.s32 $0xFFFFFEC0  }
0xd1: {  	[tilespmem:s9], [sflag:$0x1] =	stream.indirect.gather [hbm4b:s6+s11], $0x10, s3, s11, $0xb8;
	[tilespmem:$0xDC00] =	vst v63  }
0xd2: {  	_ =	swait.ge [sflag:s29], $0x140  }
0xd3: {  	[sflag:s29] =	ssyncset.done $0x0  }
0xd4: {  	[sflag:s29] =	ssyncadd.s32 $0xFFFFFEC0  }
0xd5: {  	_ =	swait.ge [sflag:s29], $0x140  }
0xd6: {  	[sflag:s29] =	ssyncset.done $0x0  }
0xd7: {  	s4 =	simm.s32 $0x2800;
	[sflag:s29] =	ssyncadd.s32 $0xFFFFFEC0  }
0xd8: {  	[tilespmem:s4], [sflag:$0x2] =	stream.indirect.gather [hbm4b:s6+s11], $0x10, s11, s11, $0xb8;
	[tilespmem:$0xDC00] =	vst v63  }
0xd9: {  	_ =	swait.ge [sflag:s31], $0x140  }
0xda: {  	[sflag:s31] =	ssyncset.done $0x0  }
0xdb: {  	[sflag:s31] =	ssyncadd.s32 $0xFFFFFEC0  }
0xdc: {  	_ =	swait.ge [sflag:s31], $0x140  }
0xdd: {  	[sflag:s31] =	ssyncset.done $0x0  }
0xde: {  	s24 =	simm.s32 $0x3C00;
	[sflag:s31] =	ssyncadd.s32 $0xFFFFFEC0  }
0xdf: {  	[tilespmem:s24], [sflag:$0x3] =	stream.indirect.gather [hbm4b:s6+s11], $0x10, s18, s11, $0xb8;
	[tilespmem:$0xDC00] =	vst v63  }
0xe0: {  	_ =	swait.ge [sflag:s1], $0x140  }
0xe1: {  	[sflag:s1] =	ssyncset.done $0x0  }
0xe2: {  	[sflag:s1] =	ssyncadd.s32 $0xFFFFFEC0  }
0xe3: {  	_ =	swait.ge [sflag:s1], $0x140  }
0xe4: {  	[sflag:s1] =	ssyncset.done $0x0  }
0xe5: {  	s18 =	simm.s32 $0x5000;
	[sflag:s1] =	ssyncadd.s32 $0xFFFFFEC0  }
0xe6: {  	[tilespmem:s18], [sflag:$0x4] =	stream.indirect.gather [hbm4b:s6+s11], $0x10, s20, s11, $0xb8;
	[tilespmem:$0xDC00] =	vst v63  }
0xe7: {  	_ =	swait.ge [sflag:s7], $0x140  }
0xe8: {  	[sflag:s7] =	ssyncset.done $0x0  }
0xe9: {  	[sflag:s7] =	ssyncadd.s32 $0xFFFFFEC0  }
0xea: {  	_ =	swait.ge [sflag:s7], $0x140  }
0xeb: {  	[sflag:s7] =	ssyncset.done $0x0  }
0xec: {  	s20 =	simm.s32 $0x6400;
	[sflag:s7] =	ssyncadd.s32 $0xFFFFFEC0  }
0xed: {  	[tilespmem:s20], [sflag:$0x5] =	stream.indirect.gather [hbm4b:s6+s11], $0x10, s22, s11, $0xb8;
	[tilespmem:$0xDC00] =	vst v63  }
0xee: {  	_ =	swait.ge [sflag:s5], $0x140  }
0xef: {  	[sflag:s5] =	ssyncset.done $0x0  }
0xf0: {  	[sflag:s5] =	ssyncadd.s32 $0xFFFFFEC0  }
0xf1: {  	_ =	swait.ge [sflag:s5], $0x140  }
0xf2: {  	[sflag:s5] =	ssyncset.done $0x0  }
0xf3: {  	s22 =	simm.s32 $0x7800;
	[sflag:s5] =	ssyncadd.s32 $0xFFFFFEC0  }
0xf4: {  	[tilespmem:s22], [sflag:$0x6] =	stream.indirect.gather [hbm4b:s6+s11], $0x10, s25, s11, $0xb8;
	[tilespmem:$0xDC00] =	vst v63  }
0xf5: {  	s25 =	simm.s32 $0x1  }
0xf6: {  	_ =	swait.ge [sflag:s25], $0x1400  }
0xf7: {  	[sflag:s25] =	ssyncset.done $0x0  }
0xf8: {  	[sflag:s25] =	ssyncadd.s32 $0xFFFFEC00  }
0xf9: {  	[spmem:s2] =	stream.indirect.scatter.add.bf16 [tilespmem:s9], [sflag:$0x9], $0x10, s16, s11, $0xb8;
	[tilespmem:$0xDC00] =	vst v63  }
0xfa: {  	_ =	swait.ge [sflag:s10], $0x140  }
0xfb: {  	[sflag:s10] =	ssyncset.done $0x0  }
0xfc: {  	[sflag:s10] =	ssyncadd.s32 $0xFFFFFEC0  }
0xfd: {  	_ =	swait.ge [sflag:s10], $0x140  }
0xfe: {  	[sflag:s10] =	ssyncset.done $0x0  }
0xff: {  	s25 =	simm.s32 $0x2;
	s9 =	simm.s32 $0x8C00;
	[sflag:s10] =	ssyncadd.s32 $0xFFFFFEC0  }
0x100: {  	[tilespmem:s9], [sflag:$0x7] =	stream.indirect.gather [hbm4b:s6+s11], $0x10, s30, s11, $0xb8;
	[tilespmem:$0xDC00] =	vst v63  }
0x101: {  	_ =	swait.ge [sflag:s25], $0x1400  }
0x102: {  	[sflag:s25] =	ssyncset.done $0x0  }
0x103: {  	[sflag:s25] =	ssyncadd.s32 $0xFFFFEC00  }
0x104: {  	[spmem:s2] =	stream.indirect.scatter.add.bf16 [tilespmem:s4], [sflag:$0xA], $0x10, s17, s11, $0xb8;
	[tilespmem:$0xDC00] =	vst v63  }
0x105: {  	_ =	swait.ge [sflag:s14], $0x140  }
0x106: {  	[sflag:s14] =	ssyncset.done $0x0  }
0x107: {  	[sflag:s14] =	ssyncadd.s32 $0xFFFFFEC0  }
0x108: {  	_ =	swait.ge [sflag:s14], $0x140  }
0x109: {  	[sflag:s14] =	ssyncset.done $0x0  }
0x10a: {  	s4 =	simm.s32 $0xA000;
	s17 =	simm.s32 $0x3;
	[sflag:s14] =	ssyncadd.s32 $0xFFFFFEC0  }
0x10b: {  	[tilespmem:s4], [sflag:$0x8] =	stream.indirect.gather [hbm4b:s6+s11], $0x10, s15, s11, $0xb8;
	[tilespmem:$0xDC00] =	vst v63  }
0x10c: {  	_ =	swait.ge [sflag:s17], $0x1400  }
0x10d: {  	[sflag:s17] =	ssyncset.done $0x0  }
0x10e: {  	[sflag:s17] =	ssyncadd.s32 $0xFFFFEC00  }
0x10f: {  	[spmem:s2] =	stream.indirect.scatter.add.bf16 [tilespmem:s24], [sflag:$0xB], $0x10, s19, s11, $0xb8;
	[tilespmem:$0xDC00] =	vst v63  }
0x110: {  	s24 =	simm.s32 $0x4  }
0x111: {  	_ =	swait.ge [sflag:s24], $0x1400  }
0x112: {  	[sflag:s24] =	ssyncset.done $0x0  }
0x113: {  	s25 =	simm.s32 $0x5;
	[sflag:s24] =	ssyncadd.s32 $0xFFFFEC00  }
0x114: {  	[spmem:s2] =	stream.indirect.scatter.add.bf16 [tilespmem:s18], [sflag:$0xC], $0x10, s21, s11, $0xb8;
	[tilespmem:$0xDC00] =	vst v63  }
0x115: {  	_ =	swait.ge [sflag:s25], $0x1400  }
0x116: {  	[sflag:s25] =	ssyncset.done $0x0  }
0x117: {  	s16 =	simm.s32 $0x6;
	[sflag:s25] =	ssyncadd.s32 $0xFFFFEC00  }
0x118: {  	[spmem:s2] =	stream.indirect.scatter.add.bf16 [tilespmem:s20], [sflag:$0xD], $0x10, s23, s11, $0xb8;
	[tilespmem:$0xDC00] =	vst v63  }
0x119: {  	_ =	swait.ge [sflag:s16], $0x1400  }
0x11a: {  	[sflag:s16] =	ssyncset.done $0x0  }
0x11b: {  	s17 =	simm.s32 $0x7;
	[sflag:s16] =	ssyncadd.s32 $0xFFFFEC00  }
0x11c: {  	[spmem:s2] =	stream.indirect.scatter.add.bf16 [tilespmem:s22], [sflag:$0xE], $0x10, s28, s11, $0xb8;
	[tilespmem:$0xDC00] =	vst v63  }
0x11d: {  	_ =	swait.ge [sflag:s17], $0x1400  }
0x11e: {  	[sflag:s17] =	ssyncset.done $0x0  }
0x11f: {  	s18 =	simm.s32 $0x8;
	[sflag:s17] =	ssyncadd.s32 $0xFFFFEC00  }
0x120: {  	[spmem:s2] =	stream.indirect.scatter.add.bf16 [tilespmem:s9], [sflag:$0xF], $0x10, s0, s11, $0xb8;
	[tilespmem:$0xDC00] =	vst v63  }
0x121: {  	_ =	swait.ge [sflag:s18], $0x1400  }
0x122: {  	[sflag:s18] =	ssyncset.done $0x0  }
0x123: {  	s19 =	simm.s32 $0x9;
	[sflag:s18] =	ssyncadd.s32 $0xFFFFEC00  }
0x124: {  	[spmem:s2] =	stream.indirect.scatter.add.bf16 [tilespmem:s4], [sflag:$0x10], $0x10, s13, s11, $0xb8;
	[tilespmem:$0xDC00] =	vst v63  }
0x125: {  	_ =	swait.ge [sflag:s19], $0x1400  }
0x126: {  	[sflag:s19] =	ssyncset.done $0x0  }
0x127: {  	s20 =	simm.s32 $0xA;
	[sflag:s19] =	ssyncadd.s32 $0xFFFFEC00  }
0x128: {  	_ =	swait.ge [sflag:s20], $0x1400  }
0x129: {  	[sflag:s20] =	ssyncset.done $0x0  }
0x12a: {  	s21 =	simm.s32 $0xB;
	[sflag:s20] =	ssyncadd.s32 $0xFFFFEC00  }
0x12b: {  	_ =	swait.ge [sflag:s21], $0x1400  }
0x12c: {  	[sflag:s21] =	ssyncset.done $0x0  }
0x12d: {  	s22 =	simm.s32 $0xC;
	[sflag:s21] =	ssyncadd.s32 $0xFFFFEC00  }
0x12e: {  	_ =	swait.ge [sflag:s22], $0x1400  }
0x12f: {  	[sflag:s22] =	ssyncset.done $0x0  }
0x130: {  	s23 =	simm.s32 $0xD;
	[sflag:s22] =	ssyncadd.s32 $0xFFFFEC00  }
0x131: {  	_ =	swait.ge [sflag:s23], $0x1400  }
0x132: {  	[sflag:s23] =	ssyncset.done $0x0  }
0x133: {  	s24 =	simm.s32 $0xE;
	[sflag:s23] =	ssyncadd.s32 $0xFFFFEC00  }
0x134: {  	_ =	swait.ge [sflag:s24], $0x1400  }
0x135: {  	[sflag:s24] =	ssyncset.done $0x0  }
0x136: {  	p0 =	sne.s32 s12, $0x8C0;
	s25 =	simm.s32 $0xF;
	[sflag:s24] =	ssyncadd.s32 $0xFFFFEC00  }
.Ltmp0:
0x137: {  	_ =	swait.ge [sflag:s25], $0x1400;
	(pc) =	sbr.rel @p0 .LBB2_2-.Ltmp0, $4  }
0x138: {  	[sflag:s25] =	ssyncset.done $0x0  }
0x139: {  	[sflag:s25] =	ssyncadd.s32 $0xFFFFEC00  }
0x13a: {  	_ =	swait.ge [sflag:s26], $0x1400  }
0x13b: {  	s12 =	sadd.s32 $0x140, s12;
	s15 =	rddreg [dreg:$0x5];
	[sflag:s26] =	ssyncset.done $0x0  }
0x13c: {  	s26 =	simm.s32 $0x10  }
0x13d: {  	s9 =	rddreg [dreg:$0x4];
	s12 =	sadd.s32 s8, s15;
	[sflag:s26] =	ssyncadd.s32 $0xFFFFEC00  }
0x13e: {  	[tilespmem:s3], [sflag:$0x11] =	stream.linear.gather [hbm4b:s12+s3], $0x140, $0x38;
	[tilespmem:$0xDC00] =	vst v63  }
0x13f: {  	s13 =	simm.s32 $0xA00;
	s8 =	sadd.s32 s8, s9  }
0x140: {  	[tilespmem:s13], [sflag:$0x11] =	stream.linear.gather [hbm4b:s8+s3], $0x140, $0x38;
	[tilespmem:$0xDC00] =	vst v63  }
0x141: {  	s16 =	sadd.s32 $0x28, s12  }
0x142: {  	[tilespmem:s11], [sflag:$0x12] =	stream.linear.gather [hbm4b:s16+s3], $0x140, $0x38;
	[tilespmem:$0xDC00] =	vst v63  }
0x143: {  	s15 =	simm.s32 $0xB40;
	s17 =	sadd.s32 $0x28, s8  }
0x144: {  	[tilespmem:s15], [sflag:$0x12] =	stream.linear.gather [hbm4b:s17+s3], $0x140, $0x38;
	[tilespmem:$0xDC00] =	vst v63  }
0x145: {  	s18 =	sadd.s32 $0x50, s12;
	s16 =	simm.s32 $0x280  }
0x146: {  	[tilespmem:s16], [sflag:$0x13] =	stream.linear.gather [hbm4b:s18+s3], $0x140, $0x38;
	[tilespmem:$0xDC00] =	vst v63  }
0x147: {  	s19 =	sadd.s32 $0x50, s8;
	s17 =	simm.s32 $0xC80  }
0x148: {  	[tilespmem:s17], [sflag:$0x13] =	stream.linear.gather [hbm4b:s19+s3], $0x140, $0x38;
	[tilespmem:$0xDC00] =	vst v63  }
0x149: {  	s20 =	sadd.s32 $0x78, s12;
	s18 =	simm.s32 $0x3C0  }
0x14a: {  	[tilespmem:s18], [sflag:$0x14] =	stream.linear.gather [hbm4b:s20+s3], $0x140, $0x38;
	[tilespmem:$0xDC00] =	vst v63  }
0x14b: {  	s21 =	sadd.s32 $0x78, s8;
	s19 =	simm.s32 $0xDC0  }
0x14c: {  	[tilespmem:s19], [sflag:$0x14] =	stream.linear.gather [hbm4b:s21+s3], $0x140, $0x38;
	[tilespmem:$0xDC00] =	vst v63  }
0x14d: {  	s22 =	sadd.s32 $0xA0, s12;
	s20 =	simm.s32 $0x500  }
0x14e: {  	[tilespmem:s20], [sflag:$0x15] =	stream.linear.gather [hbm4b:s22+s3], $0x140, $0x38;
	[tilespmem:$0xDC00] =	vst v63  }
0x14f: {  	s23 =	sadd.s32 $0xA0, s8;
	s21 =	simm.s32 $0xF00  }
0x150: {  	[tilespmem:s21], [sflag:$0x15] =	stream.linear.gather [hbm4b:s23+s3], $0x140, $0x38;
	[tilespmem:$0xDC00] =	vst v63  }
0x151: {  	s24 =	sadd.s32 $0xC8, s12;
	s22 =	simm.s32 $0x640  }
0x152: {  	[tilespmem:s22], [sflag:$0x16] =	stream.linear.gather [hbm4b:s24+s3], $0x140, $0x38;
	[tilespmem:$0xDC00] =	vst v63  }
0x153: {  	s25 =	sadd.s32 $0xC8, s8;
	s23 =	simm.s32 $0x1040  }
0x154: {  	[tilespmem:s23], [sflag:$0x16] =	stream.linear.gather [hbm4b:s25+s3], $0x140, $0x38;
	[tilespmem:$0xDC00] =	vst v63  }
0x155: {  	s0 =	sadd.s32 $0xF0, s12;
	s25 =	simm.s32 $0x780  }
0x156: {  	[tilespmem:s25], [sflag:$0x17] =	stream.linear.gather [hbm4b:s0+s3], $0x140, $0x38;
	[tilespmem:$0xDC00] =	vst v63  }
0x157: {  	s4 =	sadd.s32 $0xF0, s8;
	s0 =	simm.s32 $0x1180  }
0x158: {  	[tilespmem:s0], [sflag:$0x17] =	stream.linear.gather [hbm4b:s4+s3], $0x140, $0x38;
	[tilespmem:$0xDC00] =	vst v63  }
0x159: {  	s24 =	sadd.s32 $0x118, s12;
	s12 =	simm.s32 $0x8C0  }
0x15a: {  	[tilespmem:s12], [sflag:$0x18] =	stream.linear.gather [hbm4b:s24+s3], $0x140, $0x38;
	[tilespmem:$0xDC00] =	vst v63  }
0x15b: {  	s9 =	simm.s32 $0x12C0;
	s8 =	sadd.s32 $0x118, s8;
	s4 =	simm.s32 $0x11  }
0x15c: {  	[tilespmem:s9], [sflag:$0x18] =	stream.linear.gather [hbm4b:s8+s3], $0x140, $0x38;
	[tilespmem:$0xDC00] =	vst v63  }
0x15d: {  	_ =	swait.ge [sflag:s4], $0x140  }
0x15e: {  	[sflag:s4] =	ssyncset.done $0x0  }
0x15f: {  	[sflag:s4] =	ssyncadd.s32 $0xFFFFFEC0  }
0x160: {  	_ =	swait.ge [sflag:s4], $0x140  }
0x161: {  	[sflag:s4] =	ssyncset.done $0x0  }
0x162: {  	s8 =	simm.s32 $0x1400;
	[sflag:s4] =	ssyncadd.s32 $0xFFFFFEC0  }
0x163: {  	[tilespmem:s8], [sflag:$0x1] =	stream.indirect.gather [hbm4b:s6+s11], $0x10, s3, s11, $0xb8;
	[tilespmem:$0xDC00] =	vst v63  }
0x164: {  	_ =	swait.ge [sflag:s29], $0x140  }
0x165: {  	[sflag:s29] =	ssyncset.done $0x0  }
0x166: {  	[sflag:s29] =	ssyncadd.s32 $0xFFFFFEC0  }
0x167: {  	_ =	swait.ge [sflag:s29], $0x140  }
0x168: {  	[sflag:s29] =	ssyncset.done $0x0  }
0x169: {  	s4 =	simm.s32 $0x2800;
	[sflag:s29] =	ssyncadd.s32 $0xFFFFFEC0  }
0x16a: {  	[tilespmem:s4], [sflag:$0x2] =	stream.indirect.gather [hbm4b:s6+s11], $0x10, s11, s11, $0xb8;
	[tilespmem:$0xDC00] =	vst v63  }
0x16b: {  	_ =	swait.ge [sflag:s31], $0x140  }
0x16c: {  	[sflag:s31] =	ssyncset.done $0x0  }
0x16d: {  	[sflag:s31] =	ssyncadd.s32 $0xFFFFFEC0  }
0x16e: {  	_ =	swait.ge [sflag:s31], $0x140  }
0x16f: {  	[sflag:s31] =	ssyncset.done $0x0  }
0x170: {  	s24 =	simm.s32 $0x3C00;
	[sflag:s31] =	ssyncadd.s32 $0xFFFFFEC0  }
0x171: {  	[tilespmem:s24], [sflag:$0x3] =	stream.indirect.gather [hbm4b:s6+s11], $0x10, s16, s11, $0xb8;
	[tilespmem:$0xDC00] =	vst v63  }
0x172: {  	_ =	swait.ge [sflag:s1], $0x140  }
0x173: {  	[sflag:s1] =	ssyncset.done $0x0  }
0x174: {  	[sflag:s1] =	ssyncadd.s32 $0xFFFFFEC0  }
0x175: {  	_ =	swait.ge [sflag:s1], $0x140  }
0x176: {  	[sflag:s1] =	ssyncset.done $0x0  }
0x177: {  	s16 =	simm.s32 $0x5000;
	[sflag:s1] =	ssyncadd.s32 $0xFFFFFEC0  }
0x178: {  	[tilespmem:s16], [sflag:$0x4] =	stream.indirect.gather [hbm4b:s6+s11], $0x10, s18, s11, $0xb8;
	[tilespmem:$0xDC00] =	vst v63  }
0x179: {  	_ =	swait.ge [sflag:s7], $0x140  }
0x17a: {  	[sflag:s7] =	ssyncset.done $0x0  }
0x17b: {  	[sflag:s7] =	ssyncadd.s32 $0xFFFFFEC0  }
0x17c: {  	_ =	swait.ge [sflag:s7], $0x140  }
0x17d: {  	[sflag:s7] =	ssyncset.done $0x0  }
0x17e: {  	s18 =	simm.s32 $0x6400;
	[sflag:s7] =	ssyncadd.s32 $0xFFFFFEC0  }
0x17f: {  	[tilespmem:s18], [sflag:$0x5] =	stream.indirect.gather [hbm4b:s6+s11], $0x10, s20, s11, $0xb8;
	[tilespmem:$0xDC00] =	vst v63  }
0x180: {  	_ =	swait.ge [sflag:s5], $0x140  }
0x181: {  	[sflag:s5] =	ssyncset.done $0x0  }
0x182: {  	[sflag:s5] =	ssyncadd.s32 $0xFFFFFEC0  }
0x183: {  	_ =	swait.ge [sflag:s5], $0x140  }
0x184: {  	[sflag:s5] =	ssyncset.done $0x0  }
0x185: {  	s20 =	simm.s32 $0x7800;
	[sflag:s5] =	ssyncadd.s32 $0xFFFFFEC0  }
0x186: {  	[tilespmem:s20], [sflag:$0x6] =	stream.indirect.gather [hbm4b:s6+s11], $0x10, s22, s11, $0xb8;
	[tilespmem:$0xDC00] =	vst v63  }
0x187: {  	s22 =	simm.s32 $0x1  }
0x188: {  	_ =	swait.ge [sflag:s22], $0x1400  }
0x189: {  	[sflag:s22] =	ssyncset.done $0x0  }
0x18a: {  	[sflag:s22] =	ssyncadd.s32 $0xFFFFEC00  }
0x18b: {  	[spmem:s2] =	stream.indirect.scatter.add.bf16 [tilespmem:s8], [sflag:$0x9], $0x10, s13, s11, $0xb8;
	[tilespmem:$0xDC00] =	vst v63  }
0x18c: {  	_ =	swait.ge [sflag:s10], $0x140  }
0x18d: {  	[sflag:s10] =	ssyncset.done $0x0  }
0x18e: {  	[sflag:s10] =	ssyncadd.s32 $0xFFFFFEC0  }
0x18f: {  	_ =	swait.ge [sflag:s10], $0x140  }
0x190: {  	[sflag:s10] =	ssyncset.done $0x0  }
0x191: {  	s8 =	simm.s32 $0x8C00;
	[sflag:s10] =	ssyncadd.s32 $0xFFFFFEC0  }
0x192: {  	[tilespmem:s8], [sflag:$0x7] =	stream.indirect.gather [hbm4b:s6+s11], $0x10, s25, s11, $0xb8;
	[tilespmem:$0xDC00] =	vst v63  }
0x193: {  	s25 =	simm.s32 $0x2  }
0x194: {  	_ =	swait.ge [sflag:s25], $0x1400  }
0x195: {  	[sflag:s25] =	ssyncset.done $0x0  }
0x196: {  	[sflag:s25] =	ssyncadd.s32 $0xFFFFEC00  }
0x197: {  	[spmem:s2] =	stream.indirect.scatter.add.bf16 [tilespmem:s4], [sflag:$0xA], $0x10, s15, s11, $0xb8;
	[tilespmem:$0xDC00] =	vst v63  }
0x198: {  	_ =	swait.ge [sflag:s14], $0x140  }
0x199: {  	[sflag:s14] =	ssyncset.done $0x0  }
0x19a: {  	[sflag:s14] =	ssyncadd.s32 $0xFFFFFEC0  }
0x19b: {  	_ =	swait.ge [sflag:s14], $0x140  }
0x19c: {  	[sflag:s14] =	ssyncset.done $0x0  }
0x19d: {  	s22 =	simm.s32 $0x3;
	s4 =	simm.s32 $0xA000;
	[sflag:s14] =	ssyncadd.s32 $0xFFFFFEC0  }
0x19e: {  	[tilespmem:s4], [sflag:$0x8] =	stream.indirect.gather [hbm4b:s6+s11], $0x10, s12, s11, $0xb8;
	[tilespmem:$0xDC00] =	vst v63  }
0x19f: {  	_ =	swait.ge [sflag:s22], $0x1400  }
0x1a0: {  	[sflag:s22] =	ssyncset.done $0x0  }
0x1a1: {  	[sflag:s22] =	ssyncadd.s32 $0xFFFFEC00  }
0x1a2: {  	[spmem:s2] =	stream.indirect.scatter.add.bf16 [tilespmem:s24], [sflag:$0xB], $0x10, s17, s11, $0xb8;
	[tilespmem:$0xDC00] =	vst v63  }
0x1a3: {  	s24 =	simm.s32 $0x4  }
0x1a4: {  	_ =	swait.ge [sflag:s24], $0x1400  }
0x1a5: {  	[sflag:s24] =	ssyncset.done $0x0  }
0x1a6: {  	s25 =	simm.s32 $0x5;
	[sflag:s24] =	ssyncadd.s32 $0xFFFFEC00  }
0x1a7: {  	[spmem:s2] =	stream.indirect.scatter.add.bf16 [tilespmem:s16], [sflag:$0xC], $0x10, s19, s11, $0xb8;
	[tilespmem:$0xDC00] =	vst v63  }
0x1a8: {  	_ =	swait.ge [sflag:s25], $0x1400  }
0x1a9: {  	[sflag:s25] =	ssyncset.done $0x0  }
0x1aa: {  	s13 =	simm.s32 $0x6;
	[sflag:s25] =	ssyncadd.s32 $0xFFFFEC00  }
0x1ab: {  	[spmem:s2] =	stream.indirect.scatter.add.bf16 [tilespmem:s18], [sflag:$0xD], $0x10, s21, s11, $0xb8;
	[tilespmem:$0xDC00] =	vst v63  }
0x1ac: {  	_ =	swait.ge [sflag:s13], $0x1400  }
0x1ad: {  	[sflag:s13] =	ssyncset.done $0x0  }
0x1ae: {  	s15 =	simm.s32 $0x7;
	[sflag:s13] =	ssyncadd.s32 $0xFFFFEC00  }
0x1af: {  	[spmem:s2] =	stream.indirect.scatter.add.bf16 [tilespmem:s20], [sflag:$0xE], $0x10, s23, s11, $0xb8;
	[tilespmem:$0xDC00] =	vst v63  }
0x1b0: {  	_ =	swait.ge [sflag:s15], $0x1400  }
0x1b1: {  	[sflag:s15] =	ssyncset.done $0x0  }
0x1b2: {  	s16 =	simm.s32 $0x8;
	[sflag:s15] =	ssyncadd.s32 $0xFFFFEC00  }
0x1b3: {  	[spmem:s2] =	stream.indirect.scatter.add.bf16 [tilespmem:s8], [sflag:$0xF], $0x10, s0, s11, $0xb8;
	[tilespmem:$0xDC00] =	vst v63  }
0x1b4: {  	_ =	swait.ge [sflag:s16], $0x1400  }
0x1b5: {  	[sflag:s16] =	ssyncset.done $0x0  }
0x1b6: {  	s17 =	simm.s32 $0x9;
	[sflag:s16] =	ssyncadd.s32 $0xFFFFEC00  }
0x1b7: {  	[spmem:s2] =	stream.indirect.scatter.add.bf16 [tilespmem:s4], [sflag:$0x10], $0x10, s9, s11, $0xb8;
	[tilespmem:$0xDC00] =	vst v63  }
0x1b8: {  	_ =	swait.ge [sflag:s17], $0x1400  }
0x1b9: {  	[sflag:s17] =	ssyncset.done $0x0  }
0x1ba: {  	s18 =	simm.s32 $0xA;
	[sflag:s17] =	ssyncadd.s32 $0xFFFFEC00  }
0x1bb: {  	_ =	swait.ge [sflag:s18], $0x1400  }
0x1bc: {  	[sflag:s18] =	ssyncset.done $0x0  }
0x1bd: {  	s19 =	simm.s32 $0xB;
	[sflag:s18] =	ssyncadd.s32 $0xFFFFEC00  }
0x1be: {  	_ =	swait.ge [sflag:s19], $0x1400  }
0x1bf: {  	[sflag:s19] =	ssyncset.done $0x0  }
0x1c0: {  	s20 =	simm.s32 $0xC;
	[sflag:s19] =	ssyncadd.s32 $0xFFFFEC00  }
0x1c1: {  	_ =	swait.ge [sflag:s20], $0x1400  }
0x1c2: {  	[sflag:s20] =	ssyncset.done $0x0  }
0x1c3: {  	s21 =	simm.s32 $0xD;
	[sflag:s20] =	ssyncadd.s32 $0xFFFFEC00  }
0x1c4: {  	_ =	swait.ge [sflag:s21], $0x1400  }
0x1c5: {  	[sflag:s21] =	ssyncset.done $0x0  }
0x1c6: {  	s22 =	simm.s32 $0xE;
	[sflag:s21] =	ssyncadd.s32 $0xFFFFEC00  }
0x1c7: {  	_ =	swait.ge [sflag:s22], $0x1400  }
0x1c8: {  	[sflag:s22] =	ssyncset.done $0x0  }
0x1c9: {  	s23 =	simm.s32 $0xF;
	[sflag:s22] =	ssyncadd.s32 $0xFFFFEC00  }
0x1ca: {  	_ =	swait.ge [sflag:s23], $0x1400  }
0x1cb: {  	[sflag:s23] =	ssyncset.done $0x0  }
0x1cc: {  	[sflag:s23] =	ssyncadd.s32 $0xFFFFEC00  }
0x1cd: {  	_ =	swait.ge [sflag:s26], $0x1400  }
0x1ce: {  	[sflag:s26] =	ssyncset.done $0x0  }
0x1cf: {  	[sflag:s26] =	ssyncadd.s32 $0xFFFFEC00  }
0x1d0: {  	[bflag:$0x0] =	sbarrier.arrive $0xFFFF  }
0x1d1: {  	s12 =	rddreg [dreg:$0x7]  }
0x1d2: {  	s9 =	rddreg [dreg:$0x9]  }
0x1d3: {  	s13 =	simm.s32 $0x19;
	s24 =	rddreg [dreg:$0xa]  }
0x1d4: {  	[hbm:s24], [sflag:s12] =	dma.local [spmem:s9], $0x500  }
0x1d5: {  	_ =	swait.ge [sflag:s13], $0x500  }
0x1d6: {  	s25 =	rddreg [dreg:$0xb]  }
0x1d7: {  	s26 =	rddreg [dreg:$0x8];
	s0 =	sadd.s32 $0x1, s25  }
0x1d8: {  	p0 =	sne.s32 s0, s26  }
.Ltmp1:
0x1d9: {  	_ = 	snop;
	(pc) =	sbr.rel @p0 .LBB2_1-.Ltmp1, $3  }
0x1da: {  	_ =	sdelay $0x1  }
0x1db: {  	[sflag:s13] =	ssyncset.done $0x0  }
0x1dc: {  	[sflag:s13] =	ssyncadd.s32 $0xFFFFFB00  }
0x1dd: {  	_ =	sfence.sel $0x180000  }
0x1de: {  	[bflag:$0x0] =	sbarrier.arrive $0xFFFF  }
0x1df: {  	_ =	strace $0x9000004D  }
0x1e0: {  	s0 =	stileid.u32;
	[bflag:$0x2] =	sbarrier.arrive $0xFFFF  }
0x1e1: {  	p0 =	sne.s32 s0, $0x0;
	s0 =	rddreg [dreg:$0x3]  }
0x1e2: {  	s0 =	sadd.s32 @!p0 $0x100000, s0  }
0x1e3: {  	[sflag:s0] =	ssyncadd.tile.s32 @!p0 $0x1;
	_ =	shalt  }
.Lfunc_end2:
_tile_overlayer_lowered:
.L_overlay_start_2:
0x1e4: {  	(tag) =	ssettag $0x2  }
0x1e5: {  	s0 =	rddreg [dreg:$0x0];
	s2 =	stileid.u32  }
0x1e6: {  	s1 =	rddreg [dreg:$0x1];
	p0 =	sne.s32 s2, $0x0  }
0x1e7: {  	s3 =	rddreg [dreg:$0x2];
	[bflag:$0x3] =	sbarrier.arrive $0xFFFF;
	s2 =	simm.s32 @!p0 $0x1C19  }
0x1e8: {  	[timem:s3], [sflag:s2] =	dma.local @!p0 [hbm:s0], s1  }
0x1e9: {  	s0 =	simm.s32 @!p0 $0x19  }
0x1ea: {  	_ =	swait.ge @!p0 [sflag:s0], s1  }
0x1eb: {  	s1 =	ssub.s32 @!p0 $0x0, s1;
	[sflag:s0] =	ssyncset.done @!p0 $0x0  }
0x1ec: {  	[sflag:s0] =	ssyncadd.s32 @!p0 s1  }
0x1ed: {  	[bflag:$0x3] =	sbarrier.arrive $0xFFFF  }
0x1ee: {  	_ =	shalt  }

// kernel: kernel.9.cloned.1.call-start
scs
__scs_entry_jumppad:
0x0: {  	(pc) =	sbr.rel $0x88, $3  }
0x1: {  	(tag) =	ssettag $0x0;
	lr =	simm.s32 $0x1  }
0x2: {  	[smem:$0x3F92] =	sst lr;
	_ =	strace $0xD0000000  }
0x3: {  	_ = 	snop  }
0x4: {  	_ = 	snop  }
0x5: {  	_ = 	snop  }
0x6: {  	_ = 	snop  }
0x7: {  	_ = 	snop  }
__scs_overlays_trampoline_lowered:
0x8: {  	[smem:$0x3FA1] =	sst s0  }
0x9: {  	[smem:$0x3FA2] =	sst s1  }
0xa: {  	[smem:$0x3FA3] =	sst s2  }
0xb: {  	[smem:$0x3FA4] =	sst s3  }
0xc: {  	[smem:$0x3FA5] =	sst s4  }
0xd: {  	[smem:$0x3FA6] =	sst s5  }
0xe: {  	[smem:$0x3FA7] =	sst s6  }
0xf: {  	[smem:$0x3FA8] =	sst s7  }
0x10: {  	[smem:$0x3FA9] =	sst s8  }
0x11: {  	[smem:$0x3FAA] =	sst s9;
	s0 =	simm.s32 @!p0 $0x0  }
0x12: {  	s1 =	sld [smem:$0x3F90];
	s0 =	simm.s32 @p0 $0x1  }
0x13: {  	[smem:$0x3FAB] =	sst s0;
	s0 =	simm.s32 @!p1 $0x0  }
0x14: {  	s2 =	sld [smem:$0x3F8F];
	s0 =	simm.s32 @p1 $0x1  }
0x15: {  	[smem:$0x3FAC] =	sst s0;
	s0 =	simm.s32 @!p2 $0x0  }
0x16: {  	s3 =	sld [smem:$0x3FDB];
	s0 =	simm.s32 @p2 $0x1  }
0x17: {  	s4 =	simm.s32 $0x1BF5;
	[smem:$0x3FAE] =	sst s0  }
0x18: {  	s0 =	sld [smem:$0x3F91];
	_ =	swait.ge [sflag:s4], $0x0  }
0x19: {  	s7 =	sld [smem:$0x3F92]  }
0x1a: {  	s8 =	sadd.s32 $0xFFFFE003, lr  }
0x1b: {  	s9 =	sadd.s32 $0xFFFFFEF7, lr;
	s5 =	simm.s32 $0xFFFFFFFF;
	p2 =	slt.u32 s8, $0xFFFFF086  }
0x1c: {  	p1 =	slt.u32 s9, $0xF7A;
	s5 =	simm.s32 @!p2 $0x0  }
0x1d: {  	s5 =	simm.s32 @p1 $0x1;
	p0 =	seq.s32 s7, s2  }
0x1e: {  	s7 =	smul.u32 @!p0 $0xF7A, s2;
	p2 =	seq.s32 @!p0 s5, $0x0  }
0x1f: {  	s9 =	smul.u32 $0xF7A, s1;
	s8 =	simm.s32 @!p0 $0x1BF5;
	p2 =	por !p2, p0  }
0x20: {  	[sflag:s8] =	ssyncset.s32 @!p0 $0xFFFFF086;
	s6 =	sadd.s32 @!p0 s3, s7;
	s7 =	simm.s32 @!p0 $0x108  }
0x21: {  	s3 =	sadd.s32 s3, s9;
	s6 =	sadd.s32 @!p0 $0x88, s6;
	s7 =	simm.s32 @p2 $0x1082  }
0x22: {  	[simem:s7], [sflag:s8] =	dma.local @!p0 [hbm:s6], $0xF7A  }
0x23: {  	s9 =	sor.u32 $0xD0000000, s2;
	s6 =	simm.s32 $0x108;
	_ =	swait.ge @!p0 [sflag:s8], $0x0  }
0x24: {  	s3 =	sadd.s32 $0x88, s3;
	s6 =	simm.s32 @!p1 $0x1082;
	[sflag:s4] =	ssyncset.s32 $0xFFFFF086  }
0x25: {  	[simem:s6], [sflag:s4] =	dma.local [hbm:s3], $0xF7A  }
0x26: {  	[smem:$0x3F92] =	sst s1;
	(tag) =	ssettag s2;
	_ =	strace s9  }
0x27: {  	s1 =	sld [smem:$0x3FA2]  }
0x28: {  	s2 =	sld [smem:$0x3FA3]  }
0x29: {  	s4 =	sld [smem:$0x3FA5]  }
0x2a: {  	p0 =	seq.s32 s5, $0x0;
	s5 =	sld [smem:$0x3FA6]  }
0x2b: {  	s6 =	sld [smem:$0x3FA7]  }
0x2c: {  	s7 =	sld [smem:$0x3FA8]  }
0x2d: {  	s3 =	simm.s32 $0x108;
	s8 =	sld [smem:$0x3FA9]  }
0x2e: {  	s3 =	simm.s32 @!p0 $0x1082;
	s9 =	sld [smem:$0x3FAA]  }
0x2f: {  	lr =	sadd.s32 s0, s3;
	s0 =	sld [smem:$0x3FA1]  }
0x30: {  	s3 =	sld [smem:$0x3FA4]  }
0x31: {  	[smem:$0x3FAD] =	sst s10  }
0x32: {  	s10 =	sld [smem:$0x3FAB];
	_ =	sdelay $0x3  }
0x33: {  	p0 =	seq.s32 s10, $0x1;
	s10 =	sld [smem:$0x3FAD];
	_ =	sdelay $0x3  }
0x34: {  	[smem:$0x3FAD] =	sst s10  }
0x35: {  	s10 =	sld [smem:$0x3FAC];
	_ =	sdelay $0x3  }
0x36: {  	p1 =	seq.s32 s10, $0x1;
	s10 =	sld [smem:$0x3FAD];
	_ =	sdelay $0x3  }
0x37: {  	[smem:$0x3FAD] =	sst s10  }
0x38: {  	s10 =	sld [smem:$0x3FAE]  }
0x39: {  	_ = 	snop;
	(pc) =	sbr.ind lr, $3  }
0x3a: {  	_ = 	snop  }
0x3b: {  	_ = 	snop  }
0x3c: {  	p2 =	seq.s32 s10, $0x1;
	s10 =	sld [smem:$0x3FAD]  }
0x3d: {  	_ =	shalt  }
0x3e: {  	_ =	shalt  }
0x3f: {  	_ =	shalt  }
0x40: {  	_ =	shalt  }
0x41: {  	_ =	shalt  }
0x42: {  	_ =	shalt  }
0x43: {  	_ =	shalt  }
0x44: {  	_ =	shalt  }
0x45: {  	_ =	shalt  }
0x46: {  	_ =	shalt  }
0x47: {  	_ =	shalt  }
0x48: {  	_ =	shalt  }
0x49: {  	_ =	shalt  }
0x4a: {  	_ =	shalt  }
0x4b: {  	_ =	shalt  }
0x4c: {  	_ =	shalt  }
0x4d: {  	_ =	shalt  }
0x4e: {  	_ =	shalt  }
0x4f: {  	_ =	shalt  }
0x50: {  	_ =	shalt  }
0x51: {  	_ =	shalt  }
0x52: {  	_ =	shalt  }
0x53: {  	_ =	shalt  }
0x54: {  	_ =	shalt  }
0x55: {  	_ =	shalt  }
0x56: {  	_ =	shalt  }
0x57: {  	_ =	shalt  }
0x58: {  	_ =	shalt  }
0x59: {  	_ =	shalt  }
0x5a: {  	_ =	shalt  }
0x5b: {  	_ =	shalt  }
0x5c: {  	_ =	shalt  }
0x5d: {  	_ =	shalt  }
0x5e: {  	_ =	shalt  }
0x5f: {  	_ =	shalt  }
0x60: {  	_ =	shalt  }
0x61: {  	_ =	shalt  }
0x62: {  	_ =	shalt  }
0x63: {  	_ =	shalt  }
0x64: {  	_ =	shalt  }
0x65: {  	_ =	shalt  }
0x66: {  	_ =	shalt  }
0x67: {  	_ =	shalt  }
0x68: {  	_ =	shalt  }
0x69: {  	_ =	shalt  }
0x6a: {  	_ =	shalt  }
0x6b: {  	_ =	shalt  }
0x6c: {  	_ =	shalt  }
0x6d: {  	_ =	shalt  }
0x6e: {  	_ =	shalt  }
0x6f: {  	_ =	shalt  }
0x70: {  	_ =	shalt  }
0x71: {  	_ =	shalt  }
0x72: {  	_ =	shalt  }
0x73: {  	_ =	shalt  }
0x74: {  	_ =	shalt  }
0x75: {  	_ =	shalt  }
0x76: {  	_ =	shalt  }
0x77: {  	_ =	shalt  }
0x78: {  	_ =	shalt  }
0x79: {  	_ =	shalt  }
0x7a: {  	_ =	shalt  }
0x7b: {  	_ =	shalt  }
0x7c: {  	_ =	shalt  }
0x7d: {  	_ =	shalt  }
0x7e: {  	_ =	shalt  }
0x7f: {  	_ =	shalt  }
0x80: {  	_ =	shalt  }
0x81: {  	_ =	shalt  }
0x82: {  	_ =	shalt  }
0x83: {  	_ =	shalt  }
0x84: {  	_ =	shalt  }
0x85: {  	_ =	shalt  }
0x86: {  	_ =	shalt  }
0x87: {  	_ =	shalt  }
.Lfunc_end0:
.L_simem_size_0:
called_computation_lowered:
.L_overlay_start_0:
0x88: {  	s2 =	sld [smem:$0x3FD9]  }
0x89: {  	s3 =	sld [smem:$0x3FFE];
	_ =	sdelay $0x1  }
0x8a: {  	s1 =	srdreg.scid  }
0x8b: {  	s0 =	sand.u32 $0x1, s1  }
0x8c: {  	s17 =	sshll.u32 s0, $0xA;
	s2 =	sadd.s32 s3, s2  }
0x8d: {  	s2 =	sadd.s32 s2, s17  }
0x8e: {  	[smem:$0x3FB9] =	sst s2  }
0x8f: {  	_ = 	snop  }
0x90: {  	s2 =	sld [smem:$0x3FD0];
	(tm) =	ssettm $0x1  }
0x91: {  	s18 =	sld [smem:$0x3FFB];
	_ =	sdelay $0x3  }
0x92: {  	_ =	strace s18  }
0x93: {  	s3 =	sld [smem:$0x3FFC];
	_ =	sdelay $0x3  }
0x94: {  	_ =	strace s3  }
0x95: {  	s3 =	sld [smem:$0x3FFD];
	_ =	sdelay $0x3  }
0x96: {  	_ =	strace s3  }
0x97: {  	_ =	strace $0x8FFFFFFF  }
0x98: {  	s19 =	sld [smem:$0x3FDB];
	_ =	sdelay $0x1  }
0x99: {  	s4 =	simm.s32 $_scs_section_size  }
0x9a: {  	s5 =	simm.s32 $_size__tile_overlayer_lowered;
	s6 =	simm.s32 $_tile_overlayer_lowered  }
0x9b: {  	s22 =	simm.s32 $0x1BFF;
	s21 =	sshll.u32 s6, $0x1;
	s3 =	sadd.s32 s4, s19  }
0x9c: {  	s7 =	simm.s32 $0x0;
	s20 =	sshll.u32 s5, $0x1;
	s5 =	sadd.s32 s21, s3  }
0x9d: {  	[timem:s7], [sflag:s22] =	dma.local [hbm:s5], s20  }
0x9e: {  	_ =	swait.ge [sflag:s22], s20  }
0x9f: {  	s4 =	ssub.s32 $0x0, s20;
	[sflag:s22] =	ssyncset.done $0x0  }
0xa0: {  	[sflag:s22] =	ssyncadd.s32 s4;
	_ =	sdelay $0x1  }
0xa1: {  	s23 =	simm.s32 $0x1B8B  }
0xa2: {  	_ =	swait.ge [sflag:s23], $0x1  }
0xa3: {  	[sflag:s23] =	ssyncset.done $0x0  }
0xa4: {  	s25 =	simm.s32 $0x1B8E;
	s24 =	sld [smem:$0x3FFE];
	[sflag:s23] =	ssyncadd.s32 $0xFFFFFFFF  }
0xa5: {  	s26 =	simm.s32 $execute0_lowered;
	[smem:$0x3FD2] =	sst s25  }
0xa6: {  	s5 =	sshll.u32 s26, $0x1;
	_ =	strace $0x80000046;
	[dreg:$0x1] =	wrdreg $0xFFFFFFFF  }
0xa7: {  	s28 =	simm.s32 $_size_execute0_lowered;
	s3 =	sadd.s32 s3, s5;
	[dreg:$0x0] =	wrdreg $0x0  }
0xa8: {  	s5 =	sshll.u32 s28, $0x1;
	[dreg:$0x2] =	wrdreg s3  }
0xa9: {  	[dreg:$0x3] =	wrdreg s5  }
0xaa: {  	[dreg:$0x4] =	wrdreg $0xC0  }
0xab: {  	_ =	task [dreg:s7], $0x5FFFF  }
0xac: {  	[dreg:$0x1] =	wrdreg $0xFFFFFFFF  }
0xad: {  	[dreg:$0x0] =	wrdreg $0x60  }
0xae: {  	[dreg:$0x2] =	wrdreg s24  }
0xaf: {  	[dreg:$0x3] =	wrdreg s2  }
0xb0: {  	[dreg:$0x4] =	wrdreg $0x154000  }
0xb1: {  	[dreg:$0x5] =	wrdreg $0x1B8000  }
0xb2: {  	[dreg:$0x6] =	wrdreg $0x9  }
0xb3: {  	_ =	task.clear_ibuf [dreg:s7], $0x7FFFF;
	_ =	strace $0x90000046  }
0xb4: {  	s29 =	simm.s32 $0x9;
	_ =	strace $0x80000048  }
0xb5: {  	_ =	swait.ge [sflag:s29], $0x1  }
0xb6: {  	[sflag:s29] =	ssyncadd.s32 $0xFFFFFFFF  }
0xb7: {  	_ =	strace $0x90000048  }
0xb8: {  	_ =	sfence  }
0xb9: {  	s30 =	sld [smem:$0x0];
	_ =	sdelay $0x2  }
0xba: {  	s31 =	sshll.u32 s1, $0xD;
	s1 =	sshrl.u32 s1, $0x2  }
0xbb: {  	s3 =	sand.u32 $0x4000, s31;
	s1 =	sadd.s32 s1, s30  }
0xbc: {  	s0 =	sor.u32 s3, s0;
	s1 =	sshll.u32 s1, $0x11  }
0xbd: {  	s0 =	sor.u32 s1, s0  }
0xbe: {  	s0 =	sadd.s32 $0x8F2B, s0  }
0xbf: {  	[sflag:s0] =	ssyncadd.remote.s32 $0x1  }
0xc0: {  	_ =	sfence.sel $0xFFFF  }
0xc1: {  	[dreg:$0x0] =	wrdreg $0xFFFFFFFF;
	(pc) =	sbr.abs _section_cstart, $3  }
0xc2: {  	[dreg:$0x1] =	wrdreg $0xFFFFFFFF  }
0xc3: {  	_ =	task.clear_ibuf [dreg:s7], $0x2FFFF;
	_ =	strace $0x9FFFFFFF  }
0xc4: {  	(tm) =	ssettm $0x7FFFFFFF  }
0xc5: {  	_ =	shalt  }
tec
execute0_lowered:
.L_overlay_start_1:
0x0: {  	(tag) =	ssettag $0x1  }
0x1: {  	s0 =	rddreg [dreg:$0x0]  }
0x2: {  	s1 =	rddreg [dreg:$0x1]  }
0x3: {  	s2 =	rddreg [dreg:$0x2]  }
0x4: {  	s3 =	rddreg [dreg:$0x3]  }
0x5: {  	s14 =	stileid.u32;
	s4 =	simm.s32 $0x0;
	s6 =	srdreg.scid  }
0x6: {  	s22 =	simm.s32 $0xC80;
	s23 =	simm.s32 $0xF00;
	s24 =	simm.s32 $0x1180  }
0x7: {  	s25 =	simm.s32 $0x6400;
	[smem:$0x7FF] =	sst s4;
	s9 =	sadd.s32 $0x2600, s0  }
0x8: {  	s16 =	sadd.s32 $0x21000, s0;
	_ =	strace $0x80000047;
	[dreg:$0xe] =	wrdreg s9  }
0x9: {  	s26 =	simm.s32 $0xB400;
	s10 =	sadd.s32 $0x21600, s0;
	[dreg:$0xf] =	wrdreg s16  }
0xa: {  	s28 =	simm.s32 $0x10400;
	s5 =	smul.u32 $0xA00, s14;
	[dreg:$0x10] =	wrdreg s10  }
0xb: {  	s6 =	sand.u32 $0x1, s6;
	s11 =	smul.u32 $0xA000, s14;
	[dreg:$0x7] =	wrdreg s22  }
0xc: {  	s13 =	sshll.u32 s14, $0x6;
	s14 =	smul.u32 $0x2800, s14;
	[dreg:$0x8] =	wrdreg s23  }
0xd: {  	s29 =	simm.s32 $0x10;
	s8 =	smul.u32 $0xA000, s6;
	[dreg:$0x9] =	wrdreg s24  }
0xe: {  	s30 =	simm.s32 $0x3C00;
	s17 =	smul.u32 $0x5000, s6;
	[dreg:$0xa] =	wrdreg s25  }
0xf: {  	s18 =	ssub.s32 $0x2, s6;
	s15 =	sor.u32 $0x1C19, s13;
	[dreg:$0xb] =	wrdreg s26  }
0x10: {  	p0 =	seq.s32 s6, $0x0;
	s16 =	simm.s32 $0x140;
	[dreg:$0xc] =	wrdreg s28  }
0x11: {  	s7 =	sadd.s32 s5, s0;
	s19 =	sshrl.u32 s18, $0x1;
	s12 =	sshrl.u32 s11, $0x1  }
0x12: {  	s20 =	sadd.s32 s14, s3;
	s11 =	sshrl.u32 s11, $0x4;
	s14 =	sshrl.u32 s14, $0x3  }
0x13: {  	s1 =	sadd.s32 s5, s1;
	s5 =	simm.s32 $0x14;
	[dreg:$0x11] =	wrdreg s15  }
0x14: {  	s8 =	sadd.s32 s8, s0;
	s0 =	sadd.s32 s17, s0;
	s10 =	ssub.s32 s18, s19  }
0x15: {  	s12 =	sadd.s32 s12, s2;
	s7 =	sadd.s32 $0x17000, s7;
	[dreg:$0x6] =	wrdreg s1  }
0x16: {  	s17 =	simm.s32 $0x19;
	s13 =	sshrl.u32 s20, $0x3;
	s9 =	sadd.s32 $0x3000, s8  }
0x17: {  	s8 =	sadd.s32 $0x2BA00, s8;
	s0 =	sadd.s32 $0x21A00, s0;
	[dreg:$0x5] =	wrdreg s7  }
0x18: {  	s21 =	smax.u32 s10, $0x1;
	s12 =	sshrl.u32 s12, $0x3;
	[dreg:$0x14] =	wrdreg s13  }
0x19: {  	s7 =	simm.s32 $0x15;
	s10 =	simm.s32 $0x16;
	[dreg:$0x12] =	wrdreg s21  }
0x1a: {  	s31 =	sadd.s32 s11, s8;
	s0 =	sadd.s32 s14, s0;
	[dreg:$0x13] =	wrdreg s12  }
0x1b: {  	s14 =	simm.s32 $0x13;
	s11 =	simm.s32 $0x17;
	[dreg:$0x15] =	wrdreg s31  }
0x1c: {  	s8 =	simm.s32 $0x18;
	[dreg:$0x16] =	wrdreg s0;
	s0 =	simm.s32 $0x0  }
.LBB2_1:
0x1d: {  	[dreg:$0x17] =	wrdreg s0  }
0x1e: {  	s1 =	rddreg [dreg:$0xe]  }
0x1f: {  	[spmem:s12], [sflag:s15] =	dma.local [hbm:s1], $0xA00  }
0x20: {  	_ =	swait.ge [sflag:s17], $0xA00  }
0x21: {  	[sflag:s17] =	ssyncset.done $0x0  }
0x22: {  	s22 =	rddreg [dreg:$0xf];
	[sflag:s17] =	ssyncadd.s32 $0xFFFFF600  }
0x23: {  	[spmem:s13], [sflag:s15] =	dma.local [hbm:s22], $0x500  }
0x24: {  	_ =	swait.ge [sflag:s17], $0x500  }
0x25: {  	[sflag:s17] =	ssyncset.done $0x0  }
0x26: {  	s6 =	simm.s32 $0x1A400;
	s23 =	rddreg [dreg:$0x10];
	[sflag:s17] =	ssyncadd.s32 $0xFFFFFB00  }
0x27: {  	[tilespmem:s6], [sflag:$0x19] =	stream.linear.gather [hbm4b:s23+s4], $0x1400, $0x38;
	[tilespmem:$0x1E000] =	vst v63  }
0x28: {  	_ =	swait.ge [sflag:s17], $0x1400  }
0x29: {  	[sflag:s17] =	ssyncset.done $0x0  }
0x2a: {  	[sflag:s17] =	ssyncadd.s32 $0xFFFFEC00  }
0x2b: {  	[bflag:$0x0] =	sbarrier.arrive $0xFFFF  }
0x2c: {  	s24 =	rddreg [dreg:$0x6]  }
0x2d: {  	s25 =	rddreg [dreg:$0x5];
	s1 =	sadd.s32 $0x0, s24  }
0x2e: {  	[tilespmem:s4], [sflag:$0x11] =	stream.linear.gather [hbm4b:s1+s4], $0x140, $0x38;
	[tilespmem:$0x1E000] =	vst v63  }
0x2f: {  	s15 =	simm.s32 $0xA00;
	s6 =	sadd.s32 $0x0, s25  }
0x30: {  	[tilespmem:s15], [sflag:$0x11] =	stream.linear.gather [hbm4b:s6+s4], $0x140, $0x38;
	[tilespmem:$0x1E000] =	vst v63  }
0x31: {  	s26 =	sadd.s32 $0x28, s1  }
0x32: {  	[tilespmem:s16], [sflag:$0x12] =	stream.linear.gather [hbm4b:s26+s4], $0x140, $0x38;
	[tilespmem:$0x1E000] =	vst v63  }
0x33: {  	s17 =	simm.s32 $0xB40;
	s28 =	sadd.s32 $0x28, s6  }
0x34: {  	[tilespmem:s17], [sflag:$0x12] =	stream.linear.gather [hbm4b:s28+s4], $0x140, $0x38;
	[tilespmem:$0x1E000] =	vst v63  }
0x35: {  	s18 =	simm.s32 $0x280;
	s31 =	sadd.s32 $0x50, s1  }
0x36: {  	[tilespmem:s18], [sflag:$0x13] =	stream.linear.gather [hbm4b:s31+s4], $0x140, $0x38;
	[tilespmem:$0x1E000] =	vst v63  }
0x37: {  	s0 =	rddreg [dreg:$0x7];
	s19 =	sadd.s32 $0x50, s6  }
0x38: {  	[tilespmem:s0], [sflag:$0x13] =	stream.linear.gather [hbm4b:s19+s4], $0x140, $0x38;
	[tilespmem:$0x1E000] =	vst v63  }
0x39: {  	s20 =	sadd.s32 $0x78, s1;
	s19 =	simm.s32 $0x3C0  }
0x3a: {  	[tilespmem:s19], [sflag:$0x14] =	stream.linear.gather [hbm4b:s20+s4], $0x140, $0x38;
	[tilespmem:$0x1E000] =	vst v63  }
0x3b: {  	s21 =	sadd.s32 $0x78, s6;
	s20 =	simm.s32 $0xDC0  }
0x3c: {  	[tilespmem:s20], [sflag:$0x14] =	stream.linear.gather [hbm4b:s21+s4], $0x140, $0x38;
	[tilespmem:$0x1E000] =	vst v63  }
0x3d: {  	s22 =	sadd.s32 $0xA0, s1;
	s21 =	simm.s32 $0x500  }
0x3e: {  	[tilespmem:s21], [sflag:$0x15] =	stream.linear.gather [hbm4b:s22+s4], $0x140, $0x38;
	[tilespmem:$0x1E000] =	vst v63  }
0x3f: {  	s23 =	rddreg [dreg:$0x8];
	s24 =	sadd.s32 $0xA0, s6  }
0x40: {  	[tilespmem:s23], [sflag:$0x15] =	stream.linear.gather [hbm4b:s24+s4], $0x140, $0x38;
	[tilespmem:$0x1E000] =	vst v63  }
0x41: {  	s25 =	sadd.s32 $0xC8, s1;
	s22 =	simm.s32 $0x640  }
0x42: {  	[tilespmem:s22], [sflag:$0x16] =	stream.linear.gather [hbm4b:s25+s4], $0x140, $0x38;
	[tilespmem:$0x1E000] =	vst v63  }
0x43: {  	s26 =	sadd.s32 $0xC8, s6;
	s23 =	simm.s32 $0x1040  }
0x44: {  	[tilespmem:s23], [sflag:$0x16] =	stream.linear.gather [hbm4b:s26+s4], $0x140, $0x38;
	[tilespmem:$0x1E000] =	vst v63  }
0x45: {  	s28 =	sadd.s32 $0xF0, s1;
	s24 =	simm.s32 $0x780  }
0x46: {  	[tilespmem:s24], [sflag:$0x17] =	stream.linear.gather [hbm4b:s28+s4], $0x140, $0x38;
	[tilespmem:$0x1E000] =	vst v63  }
0x47: {  	s31 =	rddreg [dreg:$0x9];
	s0 =	sadd.s32 $0xF0, s6  }
0x48: {  	[tilespmem:s31], [sflag:$0x17] =	stream.linear.gather [hbm4b:s0+s4], $0x140, $0x38;
	[tilespmem:$0x1E000] =	vst v63  }
0x49: {  	s1 =	sadd.s32 $0x118, s1;
	s25 =	simm.s32 $0x8C0  }
0x4a: {  	[tilespmem:s25], [sflag:$0x18] =	stream.linear.gather [hbm4b:s1+s4], $0x140, $0x38;
	[tilespmem:$0x1E000] =	vst v63  }
0x4b: {  	s13 =	sadd.s32 $0x118, s6;
	s26 =	simm.s32 $0x12C0;
	s28 =	simm.s32 $0x11  }
0x4c: {  	[tilespmem:s26], [sflag:$0x18] =	stream.linear.gather [hbm4b:s13+s4], $0x140, $0x38;
	[tilespmem:$0x1E000] =	vst v63  }
0x4d: {  	_ =	swait.ge [sflag:s28], $0x140  }
0x4e: {  	[sflag:s28] =	ssyncset.done $0x0  }
0x4f: {  	[sflag:s28] =	ssyncadd.s32 $0xFFFFFEC0  }
0x50: {  	_ =	swait.ge [sflag:s28], $0x140  }
0x51: {  	[sflag:s28] =	ssyncset.done $0x0  }
0x52: {  	s12 =	simm.s32 $0x12;
	s31 =	simm.s32 $0x1400;
	[sflag:s28] =	ssyncadd.s32 $0xFFFFFEC0  }
0x53: {  	[tilespmem:s31], [sflag:$0x1] =	stream.indirect.gather [hbm4b:s9+s16], $0x20, s4, s16, $0xb8;
	[tilespmem:$0x1E000] =	vst v63  }
0x54: {  	_ =	swait.ge [sflag:s12], $0x140  }
0x55: {  	[sflag:s12] =	ssyncset.done $0x0  }
0x56: {  	[sflag:s12] =	ssyncadd.s32 $0xFFFFFEC0  }
0x57: {  	_ =	swait.ge [sflag:s12], $0x140  }
0x58: {  	[sflag:s12] =	ssyncset.done $0x0  }
0x59: {  	s28 =	simm.s32 $0x3C00;
	[sflag:s12] =	ssyncadd.s32 $0xFFFFFEC0  }
0x5a: {  	[tilespmem:s28], [sflag:$0x2] =	stream.indirect.gather [hbm4b:s9+s16], $0x20, s16, s16, $0xb8;
	[tilespmem:$0x1E000] =	vst v63  }
0x5b: {  	_ =	swait.ge [sflag:s14], $0x140  }
0x5c: {  	[sflag:s14] =	ssyncset.done $0x0  }
0x5d: {  	[sflag:s14] =	ssyncadd.s32 $0xFFFFFEC0  }
0x5e: {  	_ =	swait.ge [sflag:s14], $0x140  }
0x5f: {  	[sflag:s14] =	ssyncset.done $0x0  }
0x60: {  	s13 =	rddreg [dreg:$0xa];
	[sflag:s14] =	ssyncadd.s32 $0xFFFFFEC0  }
0x61: {  	[tilespmem:s13], [sflag:$0x3] =	stream.indirect.gather [hbm4b:s9+s16], $0x20, s18, s16, $0xb8;
	[tilespmem:$0x1E000] =	vst v63  }
0x62: {  	_ =	swait.ge [sflag:s5], $0x140  }
0x63: {  	[sflag:s5] =	ssyncset.done $0x0  }
0x64: {  	[sflag:s5] =	ssyncadd.s32 $0xFFFFFEC0  }
0x65: {  	_ =	swait.ge [sflag:s5], $0x140  }
0x66: {  	[sflag:s5] =	ssyncset.done $0x0  }
0x67: {  	s0 =	simm.s32 $0x8C00;
	[sflag:s5] =	ssyncadd.s32 $0xFFFFFEC0  }
0x68: {  	[tilespmem:s0], [sflag:$0x4] =	stream.indirect.gather [hbm4b:s9+s16], $0x20, s19, s16, $0xb8;
	[tilespmem:$0x1E000] =	vst v63  }
0x69: {  	_ =	swait.ge [sflag:s7], $0x140  }
0x6a: {  	[sflag:s7] =	ssyncset.done $0x0  }
0x6b: {  	[sflag:s7] =	ssyncadd.s32 $0xFFFFFEC0  }
0x6c: {  	_ =	swait.ge [sflag:s7], $0x140  }
0x6d: {  	[sflag:s7] =	ssyncset.done $0x0  }
0x6e: {  	s19 =	rddreg [dreg:$0xb];
	[sflag:s7] =	ssyncadd.s32 $0xFFFFFEC0  }
0x6f: {  	[tilespmem:s19], [sflag:$0x5] =	stream.indirect.gather [hbm4b:s9+s16], $0x20, s21, s16, $0xb8;
	[tilespmem:$0x1E000] =	vst v63  }
0x70: {  	_ =	swait.ge [sflag:s10], $0x140  }
0x71: {  	[sflag:s10] =	ssyncset.done $0x0  }
0x72: {  	[sflag:s10] =	ssyncadd.s32 $0xFFFFFEC0  }
0x73: {  	_ =	swait.ge [sflag:s10], $0x140  }
0x74: {  	[sflag:s10] =	ssyncset.done $0x0  }
0x75: {  	s18 =	simm.s32 $0xDC00;
	s21 =	simm.s32 $0x1;
	[sflag:s10] =	ssyncadd.s32 $0xFFFFFEC0  }
0x76: {  	[tilespmem:s18], [sflag:$0x6] =	stream.indirect.gather [hbm4b:s9+s16], $0x20, s22, s16, $0xb8;
	[tilespmem:$0x1E000] =	vst v63  }
0x77: {  	_ =	swait.ge [sflag:s21], $0x2800  }
0x78: {  	[sflag:s21] =	ssyncset.done $0x0  }
0x79: {  	[sflag:s21] =	ssyncadd.s32 $0xFFFFD800  }
0x7a: {  	[spmem:s2] =	stream.indirect.scatter.add.bf16 [tilespmem:s31], [sflag:$0x9], $0x20, s15, s16, $0xb8;
	[tilespmem:$0x1E000] =	vst v63  }
0x7b: {  	p2 =	por $0x0, $0x0;
	_ =	swait.ge [sflag:s11], $0x140  }
0x7c: {  	s1 =	simm.s32 $0x1;
	s12 =	simm.s32 $0x1;
	[sflag:s11] =	ssyncset.done $0x0  }
0x7d: {  	s1 =	simm.s32 @!p2 $0x0;
	s12 =	simm.s32 @!p0 $0x0;
	[sflag:s11] =	ssyncadd.s32 $0xFFFFFEC0  }
0x7e: {  	p1 =	seq.s32 s12, s1;
	_ =	swait.ge [sflag:s11], $0x140  }
0x7f: {  	s1 =	simm.s32 @!p1 $0x1A400;
	[sflag:s11] =	ssyncset.done $0x0  }
0x80: {  	s6 =	simm.s32 @!p1 $0x19;
	s22 =	rddreg [dreg:$0xc];
	[sflag:s11] =	ssyncadd.s32 $0xFFFFFEC0  }
0x81: {  	[tilespmem:s22], [sflag:$0x7] =	stream.indirect.gather [hbm4b:s9+s16], $0x20, s24, s16, $0xb8;
	[tilespmem:$0x1E000] =	vst v63  }
0x82: {  	s13 =	simm.s32 @!p1 $0xA00;
	[dreg:$0xd] =	wrdreg s12;
	s12 =	simm.s32 @!p1 $0x140  }
0x83: {  	[spmem:s3] =	stream.indirect.scatter.add.f32 @!p1 [tilespmem:s1], [sflag:$0x19], $0x10, s13, s12, $0xb8;
	[tilespmem:$0x1E000] =	vst v63  }
0x84: {  	_ =	swait.ge @!p1 [sflag:s6], $0x1400  }
0x85: {  	[sflag:s6] =	ssyncset.done @!p1 $0x0  }
0x86: {  	s24 =	simm.s32 $0x2;
	[sflag:s6] =	ssyncadd.s32 @!p1 $0xFFFFEC00  }
0x87: {  	_ =	swait.ge [sflag:s24], $0x2800  }
0x88: {  	[sflag:s24] =	ssyncset.done $0x0  }
0x89: {  	[sflag:s24] =	ssyncadd.s32 $0xFFFFD800  }
0x8a: {  	[spmem:s2] =	stream.indirect.scatter.add.bf16 [tilespmem:s28], [sflag:$0xA], $0x20, s17, s16, $0xb8;
	[tilespmem:$0x1E000] =	vst v63  }
0x8b: {  	_ =	swait.ge [sflag:s8], $0x140  }
0x8c: {  	[sflag:s8] =	ssyncset.done $0x0  }
0x8d: {  	[sflag:s8] =	ssyncadd.s32 $0xFFFFFEC0  }
0x8e: {  	p1 =	por !p2, !p2;
	_ =	swait.ge [sflag:s8], $0x140  }
0x8f: {  	p1 =	por @!p0 p2, p2;
	[sflag:s8] =	ssyncset.done $0x0  }
0x90: {  	s31 =	simm.s32 $0x12C00;
	s6 =	simm.s32 @!p1 $0x3;
	[sflag:s8] =	ssyncadd.s32 $0xFFFFFEC0  }
0x91: {  	[tilespmem:s31], [sflag:$0x8] =	stream.indirect.gather [hbm4b:s9+s16], $0x20, s25, s16, $0xb8;
	[tilespmem:$0x1E000] =	vst v63  }
0x92: {  	_ =	swait.ge @!p1 [sflag:s6], $0x2800  }
0x93: {  	s12 =	simm.s32 @!p1 $0x6400;
	s1 =	simm.s32 @p1 $0x1A400;
	[sflag:s6] =	ssyncset.done @!p1 $0x0  }
0x94: {  	s13 =	simm.s32 @!p1 $0x140;
	s22 =	simm.s32 @!p1 $0xC80;
	[sflag:s6] =	ssyncadd.s32 @!p1 $0xFFFFD800  }
0x95: {  	[spmem:s2] =	stream.indirect.scatter.add.bf16 @!p1 [tilespmem:s12], [sflag:$0xB], $0x20, s22, s13, $0xb8;
	[tilespmem:$0x1E000] =	vst v63  }
0x96: {  	s6 =	simm.s32 @p1 $0x19;
	s12 =	simm.s32 @p1 $0x140;
	s22 =	simm.s32 @p1 $0xB40  }
0x97: {  	[spmem:s3] =	stream.indirect.scatter.add.f32 @p1 [tilespmem:s1], [sflag:$0x19], $0x10, s22, s12, $0xb8;
	[tilespmem:$0x1E000] =	vst v63  }
0x98: {  	_ =	swait.ge @p1 [sflag:s6], $0x1400  }
0x99: {  	[sflag:s6] =	ssyncset.done @p1 $0x0  }
0x9a: {  	s22 =	simm.s32 @p1 $0x3;
	[sflag:s6] =	ssyncadd.s32 @p1 $0xFFFFEC00  }
0x9b: {  	_ =	swait.ge @p1 [sflag:s22], $0x2800  }
0x9c: {  	[sflag:s22] =	ssyncset.done @p1 $0x0  }
0x9d: {  	s24 =	simm.s32 @p1 $0xC80;
	[sflag:s22] =	ssyncadd.s32 @p1 $0xFFFFD800;
	s22 =	simm.s32 @p1 $0x6400  }
0x9e: {  	[spmem:s2] =	stream.indirect.scatter.add.bf16 @p1 [tilespmem:s22], [sflag:$0xB], $0x20, s24, s12, $0xb8;
	[tilespmem:$0x1E000] =	vst v63  }
0x9f: {  	_ = 	snop  }
0xa0: {  	[spmem:s3] =	stream.indirect.scatter.add.f32 @p1 [tilespmem:s1], [sflag:$0x19], $0x10, s24, s12, $0xb8;
	[tilespmem:$0x1E000] =	vst v63  }
0xa1: {  	_ =	swait.ge @p1 [sflag:s6], $0x1400  }
0xa2: {  	[sflag:s6] =	ssyncset.done @p1 $0x0  }
0xa3: {  	s19 =	simm.s32 $0x4;
	[sflag:s6] =	ssyncadd.s32 @p1 $0xFFFFEC00  }
0xa4: {  	_ =	swait.ge [sflag:s19], $0x2800  }
0xa5: {  	[sflag:s19] =	ssyncset.done $0x0  }
0xa6: {  	s22 =	simm.s32 @!p1 $0x5;
	[sflag:s19] =	ssyncadd.s32 $0xFFFFD800  }
0xa7: {  	[spmem:s2] =	stream.indirect.scatter.add.bf16 [tilespmem:s0], [sflag:$0xC], $0x20, s20, s16, $0xb8;
	[tilespmem:$0x1E000] =	vst v63  }
0xa8: {  	_ =	swait.ge @!p1 [sflag:s22], $0x2800  }
0xa9: {  	[sflag:s22] =	ssyncset.done @!p1 $0x0  }
0xaa: {  	s24 =	simm.s32 @!p1 $0xF00;
	[sflag:s22] =	ssyncadd.s32 @!p1 $0xFFFFD800;
	s22 =	simm.s32 @!p1 $0xB400  }
0xab: {  	[spmem:s2] =	stream.indirect.scatter.add.bf16 @!p1 [tilespmem:s22], [sflag:$0xD], $0x20, s24, s13, $0xb8;
	[tilespmem:$0x1E000] =	vst v63  }
0xac: {  	s22 =	simm.s32 @p1 $0xDC0  }
0xad: {  	[spmem:s3] =	stream.indirect.scatter.add.f32 @p1 [tilespmem:s1], [sflag:$0x19], $0x10, s22, s12, $0xb8;
	[tilespmem:$0x1E000] =	vst v63  }
0xae: {  	_ =	swait.ge @p1 [sflag:s6], $0x1400  }
0xaf: {  	[sflag:s6] =	ssyncset.done @p1 $0x0  }
0xb0: {  	s22 =	simm.s32 @p1 $0x5;
	[sflag:s6] =	ssyncadd.s32 @p1 $0xFFFFEC00  }
0xb1: {  	_ =	swait.ge @p1 [sflag:s22], $0x2800  }
0xb2: {  	[sflag:s22] =	ssyncset.done @p1 $0x0  }
0xb3: {  	s24 =	simm.s32 @p1 $0xF00;
	[sflag:s22] =	ssyncadd.s32 @p1 $0xFFFFD800;
	s22 =	simm.s32 @p1 $0xB400  }
0xb4: {  	[spmem:s2] =	stream.indirect.scatter.add.bf16 @p1 [tilespmem:s22], [sflag:$0xD], $0x20, s24, s12, $0xb8;
	[tilespmem:$0x1E000] =	vst v63  }
0xb5: {  	_ = 	snop  }
0xb6: {  	[spmem:s3] =	stream.indirect.scatter.add.f32 @p1 [tilespmem:s1], [sflag:$0x19], $0x10, s24, s12, $0xb8;
	[tilespmem:$0x1E000] =	vst v63  }
0xb7: {  	_ =	swait.ge @p1 [sflag:s6], $0x1400  }
0xb8: {  	[sflag:s6] =	ssyncset.done @p1 $0x0  }
0xb9: {  	s20 =	simm.s32 $0x6;
	[sflag:s6] =	ssyncadd.s32 @p1 $0xFFFFEC00  }
0xba: {  	_ =	swait.ge [sflag:s20], $0x2800  }
0xbb: {  	[sflag:s20] =	ssyncset.done $0x0  }
0xbc: {  	s22 =	simm.s32 @!p1 $0x7;
	[sflag:s20] =	ssyncadd.s32 $0xFFFFD800  }
0xbd: {  	[spmem:s2] =	stream.indirect.scatter.add.bf16 [tilespmem:s18], [sflag:$0xE], $0x20, s23, s16, $0xb8;
	[tilespmem:$0x1E000] =	vst v63  }
0xbe: {  	_ =	swait.ge @!p1 [sflag:s22], $0x2800  }
0xbf: {  	[sflag:s22] =	ssyncset.done @!p1 $0x0  }
0xc0: {  	s24 =	simm.s32 @!p1 $0x1180;
	[sflag:s22] =	ssyncadd.s32 @!p1 $0xFFFFD800;
	s22 =	simm.s32 @!p1 $0x10400  }
0xc1: {  	[spmem:s2] =	stream.indirect.scatter.add.bf16 @!p1 [tilespmem:s22], [sflag:$0xF], $0x20, s24, s13, $0xb8;
	[tilespmem:$0x1E000] =	vst v63  }
0xc2: {  	s13 =	simm.s32 @p1 $0x1040  }
0xc3: {  	[spmem:s3] =	stream.indirect.scatter.add.f32 @p1 [tilespmem:s1], [sflag:$0x19], $0x10, s13, s12, $0xb8;
	[tilespmem:$0x1E000] =	vst v63  }
0xc4: {  	_ =	swait.ge @p1 [sflag:s6], $0x1400  }
0xc5: {  	[sflag:s6] =	ssyncset.done @p1 $0x0  }
0xc6: {  	s13 =	simm.s32 @p1 $0x7;
	[sflag:s6] =	ssyncadd.s32 @p1 $0xFFFFEC00  }
0xc7: {  	_ =	swait.ge @p1 [sflag:s13], $0x2800  }
0xc8: {  	[sflag:s13] =	ssyncset.done @p1 $0x0  }
0xc9: {  	s22 =	simm.s32 @p1 $0x1180;
	[sflag:s13] =	ssyncadd.s32 @p1 $0xFFFFD800;
	s13 =	simm.s32 @p1 $0x10400  }
0xca: {  	[spmem:s2] =	stream.indirect.scatter.add.bf16 @p1 [tilespmem:s13], [sflag:$0xF], $0x20, s22, s12, $0xb8;
	[tilespmem:$0x1E000] =	vst v63  }
0xcb: {  	_ = 	snop  }
0xcc: {  	[spmem:s3] =	stream.indirect.scatter.add.f32 @p1 [tilespmem:s1], [sflag:$0x19], $0x10, s22, s12, $0xb8;
	[tilespmem:$0x1E000] =	vst v63  }
0xcd: {  	_ =	swait.ge @p1 [sflag:s6], $0x1400  }
0xce: {  	[sflag:s6] =	ssyncset.done @p1 $0x0  }
0xcf: {  	s21 =	simm.s32 $0x8;
	[sflag:s6] =	ssyncadd.s32 @p1 $0xFFFFEC00  }
0xd0: {  	_ =	swait.ge [sflag:s21], $0x2800  }
0xd1: {  	[sflag:s21] =	ssyncset.done $0x0  }
0xd2: {  	[sflag:s21] =	ssyncadd.s32 $0xFFFFD800  }
0xd3: {  	[spmem:s2] =	stream.indirect.scatter.add.bf16 [tilespmem:s31], [sflag:$0x10], $0x20, s26, s16, $0xb8;
	[tilespmem:$0x1E000] =	vst v63  }
0xd4: {  	s13 =	simm.s32 @p1 $0x12C0  }
0xd5: {  	[spmem:s3] =	stream.indirect.scatter.add.f32 @p1 [tilespmem:s1], [sflag:$0x19], $0x10, s13, s12, $0xb8;
	[tilespmem:$0x1E000] =	vst v63  }
0xd6: {  	_ =	swait.ge @p1 [sflag:s6], $0x1400  }
0xd7: {  	[sflag:s6] =	ssyncset.done @p1 $0x0  }
0xd8: {  	s22 =	simm.s32 $0x9;
	[sflag:s6] =	ssyncadd.s32 @p1 $0xFFFFEC00  }
0xd9: {  	_ =	swait.ge [sflag:s22], $0x2800  }
0xda: {  	[sflag:s22] =	ssyncset.done $0x0  }
0xdb: {  	s23 =	simm.s32 $0xA;
	[sflag:s22] =	ssyncadd.s32 $0xFFFFD800  }
0xdc: {  	_ =	swait.ge [sflag:s23], $0x2800  }
0xdd: {  	[sflag:s23] =	ssyncset.done $0x0  }
0xde: {  	s24 =	simm.s32 $0xB;
	[sflag:s23] =	ssyncadd.s32 $0xFFFFD800  }
0xdf: {  	_ =	swait.ge [sflag:s24], $0x2800  }
0xe0: {  	[sflag:s24] =	ssyncset.done $0x0  }
0xe1: {  	s25 =	simm.s32 $0xC;
	[sflag:s24] =	ssyncadd.s32 $0xFFFFD800  }
0xe2: {  	_ =	swait.ge [sflag:s25], $0x2800  }
0xe3: {  	[sflag:s25] =	ssyncset.done $0x0  }
0xe4: {  	s26 =	simm.s32 $0xD;
	[sflag:s25] =	ssyncadd.s32 $0xFFFFD800  }
0xe5: {  	_ =	swait.ge [sflag:s26], $0x2800  }
0xe6: {  	[sflag:s26] =	ssyncset.done $0x0  }
0xe7: {  	s28 =	simm.s32 $0xE;
	[sflag:s26] =	ssyncadd.s32 $0xFFFFD800  }
0xe8: {  	_ =	swait.ge [sflag:s28], $0x2800  }
0xe9: {  	[sflag:s28] =	ssyncset.done $0x0  }
0xea: {  	s31 =	simm.s32 $0xF;
	[sflag:s28] =	ssyncadd.s32 $0xFFFFD800  }
0xeb: {  	_ =	swait.ge [sflag:s31], $0x2800  }
0xec: {  	s1 =	simm.s32 $0x0;
	[sflag:s31] =	ssyncset.done $0x0  }
0xed: {  	s6 =	simm.s32 $0x140;
	s22 =	simm.s32 $0x280;
	[sflag:s31] =	ssyncadd.s32 $0xFFFFD800  }
.LBB2_2:
0xee: {  	_ =	swait.ge [sflag:s29], $0x2800  }
0xef: {  	s13 =	rddreg [dreg:$0x6];
	[sflag:s29] =	ssyncset.done $0x0  }
0xf0: {  	s24 =	rddreg [dreg:$0x5];
	[sflag:s29] =	ssyncadd.s32 $0xFFFFD800;
	s13 =	sadd.s32 s6, s13  }
0xf1: {  	[tilespmem:s4], [sflag:$0x11] =	stream.linear.gather [hbm4b:s13+s4], $0x140, $0x38;
	[tilespmem:$0x1E000] =	vst v63  }
0xf2: {  	s15 =	simm.s32 $0xA00;
	s24 =	sadd.s32 s6, s24  }
0xf3: {  	[tilespmem:s15], [sflag:$0x11] =	stream.linear.gather [hbm4b:s24+s4], $0x140, $0x38;
	[tilespmem:$0x1E000] =	vst v63  }
0xf4: {  	s19 =	sadd.s32 $0x28, s13  }
0xf5: {  	[tilespmem:s16], [sflag:$0x12] =	stream.linear.gather [hbm4b:s19+s4], $0x140, $0x38;
	[tilespmem:$0x1E000] =	vst v63  }
0xf6: {  	s17 =	simm.s32 $0xB40;
	s20 =	sadd.s32 $0x28, s24  }
0xf7: {  	[tilespmem:s17], [sflag:$0x12] =	stream.linear.gather [hbm4b:s20+s4], $0x140, $0x38;
	[tilespmem:$0x1E000] =	vst v63  }
0xf8: {  	s18 =	simm.s32 $0x280;
	s21 =	sadd.s32 $0x50, s13  }
0xf9: {  	[tilespmem:s18], [sflag:$0x13] =	stream.linear.gather [hbm4b:s21+s4], $0x140, $0x38;
	[tilespmem:$0x1E000] =	vst v63  }
0xfa: {  	s31 =	rddreg [dreg:$0x7];
	s23 =	sadd.s32 $0x50, s24  }
0xfb: {  	[tilespmem:s31], [sflag:$0x13] =	stream.linear.gather [hbm4b:s23+s4], $0x140, $0x38;
	[tilespmem:$0x1E000] =	vst v63  }
0xfc: {  	s25 =	sadd.s32 $0x78, s13;
	s19 =	simm.s32 $0x3C0  }
0xfd: {  	[tilespmem:s19], [sflag:$0x14] =	stream.linear.gather [hbm4b:s25+s4], $0x140, $0x38;
	[tilespmem:$0x1E000] =	vst v63  }
0xfe: {  	s26 =	sadd.s32 $0x78, s24;
	s20 =	simm.s32 $0xDC0  }
0xff: {  	[tilespmem:s20], [sflag:$0x14] =	stream.linear.gather [hbm4b:s26+s4], $0x140, $0x38;
	[tilespmem:$0x1E000] =	vst v63  }
0x100: {  	s28 =	sadd.s32 $0xA0, s13;
	s21 =	simm.s32 $0x500  }
0x101: {  	[tilespmem:s21], [sflag:$0x15] =	stream.linear.gather [hbm4b:s28+s4], $0x140, $0x38;
	[tilespmem:$0x1E000] =	vst v63  }
0x102: {  	s0 =	rddreg [dreg:$0x8];
	s23 =	sadd.s32 $0xA0, s24  }
0x103: {  	[tilespmem:s0], [sflag:$0x15] =	stream.linear.gather [hbm4b:s23+s4], $0x140, $0x38;
	[tilespmem:$0x1E000] =	vst v63  }
0x104: {  	s25 =	sadd.s32 $0xC8, s13;
	s23 =	simm.s32 $0x640  }
0x105: {  	[tilespmem:s23], [sflag:$0x16] =	stream.linear.gather [hbm4b:s25+s4], $0x140, $0x38;
	[tilespmem:$0x1E000] =	vst v63  }
0x106: {  	s26 =	sadd.s32 $0xC8, s24;
	s25 =	simm.s32 $0x1040  }
0x107: {  	[tilespmem:s25], [sflag:$0x16] =	stream.linear.gather [hbm4b:s26+s4], $0x140, $0x38;
	[tilespmem:$0x1E000] =	vst v63  }
0x108: {  	s28 =	sadd.s32 $0xF0, s13;
	s26 =	simm.s32 $0x780  }
0x109: {  	[tilespmem:s26], [sflag:$0x17] =	stream.linear.gather [hbm4b:s28+s4], $0x140, $0x38;
	[tilespmem:$0x1E000] =	vst v63  }
0x10a: {  	s0 =	rddreg [dreg:$0x9];
	s28 =	sadd.s32 $0xF0, s24  }
0x10b: {  	[tilespmem:s0], [sflag:$0x17] =	stream.linear.gather [hbm4b:s28+s4], $0x140, $0x38;
	[tilespmem:$0x1E000] =	vst v63  }
0x10c: {  	s31 =	sadd.s32 $0x118, s13;
	s28 =	simm.s32 $0x8C0  }
0x10d: {  	[tilespmem:s28], [sflag:$0x18] =	stream.linear.gather [hbm4b:s31+s4], $0x140, $0x38;
	[tilespmem:$0x1E000] =	vst v63  }
0x10e: {  	s29 =	simm.s32 $0x12C0;
	s13 =	simm.s32 $0x11;
	s0 =	sadd.s32 $0x118, s24  }
0x10f: {  	[tilespmem:s29], [sflag:$0x18] =	stream.linear.gather [hbm4b:s0+s4], $0x140, $0x38;
	[tilespmem:$0x1E000] =	vst v63  }
0x110: {  	_ =	swait.ge [sflag:s13], $0x140  }
0x111: {  	[sflag:s13] =	ssyncset.done $0x0  }
0x112: {  	[sflag:s13] =	ssyncadd.s32 $0xFFFFFEC0  }
0x113: {  	_ =	swait.ge [sflag:s13], $0x140  }
0x114: {  	[sflag:s13] =	ssyncset.done $0x0  }
0x115: {  	s0 =	simm.s32 $0x12;
	[sflag:s13] =	ssyncadd.s32 $0xFFFFFEC0;
	s13 =	simm.s32 $0x1400  }
0x116: {  	[tilespmem:s13], [sflag:$0x1] =	stream.indirect.gather [hbm4b:s9+s16], $0x20, s4, s16, $0xb8;
	[tilespmem:$0x1E000] =	vst v63  }
0x117: {  	_ =	swait.ge [sflag:s0], $0x140  }
0x118: {  	[sflag:s0] =	ssyncset.done $0x0  }
0x119: {  	[sflag:s0] =	ssyncadd.s32 $0xFFFFFEC0  }
0x11a: {  	_ =	swait.ge [sflag:s0], $0x140  }
0x11b: {  	[sflag:s0] =	ssyncset.done $0x0  }
0x11c: {  	[sflag:s0] =	ssyncadd.s32 $0xFFFFFEC0  }
0x11d: {  	[tilespmem:s30], [sflag:$0x2] =	stream.indirect.gather [hbm4b:s9+s16], $0x20, s16, s16, $0xb8;
	[tilespmem:$0x1E000] =	vst v63  }
0x11e: {  	_ =	swait.ge [sflag:s14], $0x140  }
0x11f: {  	[sflag:s14] =	ssyncset.done $0x0  }
0x120: {  	[sflag:s14] =	ssyncadd.s32 $0xFFFFFEC0  }
0x121: {  	_ =	swait.ge [sflag:s14], $0x140  }
0x122: {  	[sflag:s14] =	ssyncset.done $0x0  }
0x123: {  	s24 =	rddreg [dreg:$0xa];
	[sflag:s14] =	ssyncadd.s32 $0xFFFFFEC0  }
0x124: {  	[tilespmem:s24], [sflag:$0x3] =	stream.indirect.gather [hbm4b:s9+s16], $0x20, s18, s16, $0xb8;
	[tilespmem:$0x1E000] =	vst v63  }
0x125: {  	_ =	swait.ge [sflag:s5], $0x140  }
0x126: {  	[sflag:s5] =	ssyncset.done $0x0  }
0x127: {  	[sflag:s5] =	ssyncadd.s32 $0xFFFFFEC0  }
0x128: {  	_ =	swait.ge [sflag:s5], $0x140  }
0x129: {  	[sflag:s5] =	ssyncset.done $0x0  }
0x12a: {  	s0 =	simm.s32 $0x8C00;
	[sflag:s5] =	ssyncadd.s32 $0xFFFFFEC0  }
0x12b: {  	[tilespmem:s0], [sflag:$0x4] =	stream.indirect.gather [hbm4b:s9+s16], $0x20, s19, s16, $0xb8;
	[tilespmem:$0x1E000] =	vst v63  }
0x12c: {  	_ =	swait.ge [sflag:s7], $0x140  }
0x12d: {  	[sflag:s7] =	ssyncset.done $0x0  }
0x12e: {  	[sflag:s7] =	ssyncadd.s32 $0xFFFFFEC0  }
0x12f: {  	_ =	swait.ge [sflag:s7], $0x140  }
0x130: {  	[sflag:s7] =	ssyncset.done $0x0  }
0x131: {  	s31 =	rddreg [dreg:$0xb];
	[sflag:s7] =	ssyncadd.s32 $0xFFFFFEC0  }
0x132: {  	[tilespmem:s31], [sflag:$0x5] =	stream.indirect.gather [hbm4b:s9+s16], $0x20, s21, s16, $0xb8;
	[tilespmem:$0x1E000] =	vst v63  }
0x133: {  	_ =	swait.ge [sflag:s10], $0x140  }
0x134: {  	[sflag:s10] =	ssyncset.done $0x0  }
0x135: {  	[sflag:s10] =	ssyncadd.s32 $0xFFFFFEC0  }
0x136: {  	_ =	swait.ge [sflag:s10], $0x140  }
0x137: {  	[sflag:s10] =	ssyncset.done $0x0  }
0x138: {  	s18 =	simm.s32 $0x1;
	s19 =	simm.s32 $0xDC00;
	[sflag:s10] =	ssyncadd.s32 $0xFFFFFEC0  }
0x139: {  	[tilespmem:s19], [sflag:$0x6] =	stream.indirect.gather [hbm4b:s9+s16], $0x20, s23, s16, $0xb8;
	[tilespmem:$0x1E000] =	vst v63  }
0x13a: {  	_ =	swait.ge [sflag:s18], $0x2800  }
0x13b: {  	[sflag:s18] =	ssyncset.done $0x0  }
0x13c: {  	[sflag:s18] =	ssyncadd.s32 $0xFFFFD800  }
0x13d: {  	[spmem:s2] =	stream.indirect.scatter.add.bf16 [tilespmem:s13], [sflag:$0x9], $0x20, s15, s16, $0xb8;
	[tilespmem:$0x1E000] =	vst v63  }
0x13e: {  	_ =	swait.ge [sflag:s11], $0x140  }
0x13f: {  	[sflag:s11] =	ssyncset.done $0x0  }
0x140: {  	s1 =	sadd.s32 $0x1, s1;
	[sflag:s11] =	ssyncadd.s32 $0xFFFFFEC0  }
0x141: {  	p3 =	sgt.u32 s1, $0x3;
	s13 =	simm.s32 $0x1;
	_ =	swait.ge [sflag:s11], $0x140  }
0x142: {  	s12 =	smov.u32 s22;
	s13 =	simm.s32 @!p3 $0x0;
	s23 =	rddreg [dreg:$0xd]  }
0x143: {  	s6 =	smov.u32 s12;
	[sflag:s11] =	ssyncset.done $0x0;
	p4 =	seq.s32 s23, s13  }
0x144: {  	s21 =	rddreg [dreg:$0xc];
	[sflag:s11] =	ssyncadd.s32 $0xFFFFFEC0;
	s13 =	simm.s32 @!p4 $0x1A400  }
0x145: {  	[tilespmem:s21], [sflag:$0x7] =	stream.indirect.gather [hbm4b:s9+s16], $0x20, s26, s16, $0xb8;
	[tilespmem:$0x1E000] =	vst v63  }
0x146: {  	s24 =	simm.s32 @!p4 $0x19;
	s12 =	simm.s32 @!p4 $0x140;
	s31 =	simm.s32 @!p4 $0xA00  }
0x147: {  	[spmem:s3] =	stream.indirect.scatter.add.f32 @!p4 [tilespmem:s13], [sflag:$0x19], $0x10, s31, s12, $0xb8;
	[tilespmem:$0x1E000] =	vst v63  }
0x148: {  	_ =	swait.ge @!p4 [sflag:s24], $0x1400  }
0x149: {  	[sflag:s24] =	ssyncset.done @!p4 $0x0  }
0x14a: {  	[sflag:s24] =	ssyncadd.s32 @!p4 $0xFFFFEC00;
	s24 =	simm.s32 $0x2  }
0x14b: {  	_ =	swait.ge [sflag:s24], $0x2800  }
0x14c: {  	[sflag:s24] =	ssyncset.done $0x0  }
0x14d: {  	[sflag:s24] =	ssyncadd.s32 $0xFFFFD800  }
0x14e: {  	[spmem:s2] =	stream.indirect.scatter.add.bf16 [tilespmem:s30], [sflag:$0xA], $0x20, s17, s16, $0xb8;
	[tilespmem:$0x1E000] =	vst v63  }
0x14f: {  	_ =	swait.ge [sflag:s8], $0x140  }
0x150: {  	[sflag:s8] =	ssyncset.done $0x0  }
0x151: {  	[sflag:s8] =	ssyncadd.s32 $0xFFFFFEC0  }
0x152: {  	p2 =	por !p3, !p3;
	_ =	swait.ge [sflag:s8], $0x140  }
0x153: {  	p2 =	por @!p0 p3, p3;
	[sflag:s8] =	ssyncset.done $0x0  }
0x154: {  	s26 =	simm.s32 $0x12C00;
	s24 =	simm.s32 @!p2 $0x3;
	[sflag:s8] =	ssyncadd.s32 $0xFFFFFEC0  }
0x155: {  	[tilespmem:s26], [sflag:$0x8] =	stream.indirect.gather [hbm4b:s9+s16], $0x20, s28, s16, $0xb8;
	[tilespmem:$0x1E000] =	vst v63  }
0x156: {  	_ =	swait.ge @!p2 [sflag:s24], $0x2800  }
0x157: {  	s15 =	simm.s32 @!p2 $0xC80;
	s31 =	simm.s32 @!p2 $0x6400;
	[sflag:s24] =	ssyncset.done @!p2 $0x0  }
0x158: {  	s12 =	simm.s32 @p2 $0x1A400;
	s13 =	simm.s32 @!p2 $0x140;
	[sflag:s24] =	ssyncadd.s32 @!p2 $0xFFFFD800  }
0x159: {  	[spmem:s2] =	stream.indirect.scatter.add.bf16 @!p2 [tilespmem:s31], [sflag:$0xB], $0x20, s15, s13, $0xb8;
	[tilespmem:$0x1E000] =	vst v63  }
0x15a: {  	s17 =	simm.s32 @p2 $0xB40;
	s24 =	simm.s32 @p2 $0x140;
	s31 =	simm.s32 @p2 $0x19  }
0x15b: {  	[spmem:s3] =	stream.indirect.scatter.add.f32 @p2 [tilespmem:s12], [sflag:$0x19], $0x10, s17, s24, $0xb8;
	[tilespmem:$0x1E000] =	vst v63  }
0x15c: {  	_ =	swait.ge @p2 [sflag:s31], $0x1400  }
0x15d: {  	[sflag:s31] =	ssyncset.done @p2 $0x0  }
0x15e: {  	s15 =	simm.s32 @p2 $0x3;
	[sflag:s31] =	ssyncadd.s32 @p2 $0xFFFFEC00  }
0x15f: {  	_ =	swait.ge @p2 [sflag:s15], $0x2800  }
0x160: {  	[sflag:s15] =	ssyncset.done @p2 $0x0  }
0x161: {  	s18 =	simm.s32 @p2 $0x6400;
	s17 =	simm.s32 @p2 $0xC80;
	[sflag:s15] =	ssyncadd.s32 @p2 $0xFFFFD800  }
0x162: {  	[spmem:s2] =	stream.indirect.scatter.add.bf16 @p2 [tilespmem:s18], [sflag:$0xB], $0x20, s17, s24, $0xb8;
	[tilespmem:$0x1E000] =	vst v63  }
0x163: {  	_ = 	snop  }
0x164: {  	[spmem:s3] =	stream.indirect.scatter.add.f32 @p2 [tilespmem:s12], [sflag:$0x19], $0x10, s17, s24, $0xb8;
	[tilespmem:$0x1E000] =	vst v63  }
0x165: {  	_ =	swait.ge @p2 [sflag:s31], $0x1400  }
0x166: {  	[sflag:s31] =	ssyncset.done @p2 $0x0  }
0x167: {  	s17 =	simm.s32 $0x4;
	[sflag:s31] =	ssyncadd.s32 @p2 $0xFFFFEC00  }
0x168: {  	_ =	swait.ge [sflag:s17], $0x2800  }
0x169: {  	[sflag:s17] =	ssyncset.done $0x0  }
0x16a: {  	s15 =	simm.s32 @!p2 $0x5;
	[sflag:s17] =	ssyncadd.s32 $0xFFFFD800  }
0x16b: {  	[spmem:s2] =	stream.indirect.scatter.add.bf16 [tilespmem:s0], [sflag:$0xC], $0x20, s20, s16, $0xb8;
	[tilespmem:$0x1E000] =	vst v63  }
0x16c: {  	_ =	swait.ge @!p2 [sflag:s15], $0x2800  }
0x16d: {  	[sflag:s15] =	ssyncset.done @!p2 $0x0  }
0x16e: {  	s18 =	simm.s32 @!p2 $0xB400;
	s17 =	simm.s32 @!p2 $0xF00;
	[sflag:s15] =	ssyncadd.s32 @!p2 $0xFFFFD800  }
0x16f: {  	[spmem:s2] =	stream.indirect.scatter.add.bf16 @!p2 [tilespmem:s18], [sflag:$0xD], $0x20, s17, s13, $0xb8;
	[tilespmem:$0x1E000] =	vst v63  }
0x170: {  	s15 =	simm.s32 @p2 $0xDC0  }
0x171: {  	[spmem:s3] =	stream.indirect.scatter.add.f32 @p2 [tilespmem:s12], [sflag:$0x19], $0x10, s15, s24, $0xb8;
	[tilespmem:$0x1E000] =	vst v63  }
0x172: {  	_ =	swait.ge @p2 [sflag:s31], $0x1400  }
0x173: {  	[sflag:s31] =	ssyncset.done @p2 $0x0  }
0x174: {  	s15 =	simm.s32 @p2 $0x5;
	[sflag:s31] =	ssyncadd.s32 @p2 $0xFFFFEC00  }
0x175: {  	_ =	swait.ge @p2 [sflag:s15], $0x2800  }
0x176: {  	[sflag:s15] =	ssyncset.done @p2 $0x0  }
0x177: {  	s17 =	simm.s32 @p2 $0xF00;
	s18 =	simm.s32 @p2 $0xB400;
	[sflag:s15] =	ssyncadd.s32 @p2 $0xFFFFD800  }
0x178: {  	[spmem:s2] =	stream.indirect.scatter.add.bf16 @p2 [tilespmem:s18], [sflag:$0xD], $0x20, s17, s24, $0xb8;
	[tilespmem:$0x1E000] =	vst v63  }
0x179: {  	_ = 	snop  }
0x17a: {  	[spmem:s3] =	stream.indirect.scatter.add.f32 @p2 [tilespmem:s12], [sflag:$0x19], $0x10, s17, s24, $0xb8;
	[tilespmem:$0x1E000] =	vst v63  }
0x17b: {  	_ =	swait.ge @p2 [sflag:s31], $0x1400  }
0x17c: {  	[sflag:s31] =	ssyncset.done @p2 $0x0  }
0x17d: {  	s18 =	simm.s32 $0x6;
	[sflag:s31] =	ssyncadd.s32 @p2 $0xFFFFEC00  }
0x17e: {  	_ =	swait.ge [sflag:s18], $0x2800  }
0x17f: {  	[sflag:s18] =	ssyncset.done $0x0  }
0x180: {  	s15 =	simm.s32 @!p2 $0x7;
	[sflag:s18] =	ssyncadd.s32 $0xFFFFD800  }
0x181: {  	[spmem:s2] =	stream.indirect.scatter.add.bf16 [tilespmem:s19], [sflag:$0xE], $0x20, s25, s16, $0xb8;
	[tilespmem:$0x1E000] =	vst v63  }
0x182: {  	_ =	swait.ge @!p2 [sflag:s15], $0x2800  }
0x183: {  	[sflag:s15] =	ssyncset.done @!p2 $0x0  }
0x184: {  	s17 =	simm.s32 @!p2 $0x1180;
	s18 =	simm.s32 @!p2 $0x10400;
	[sflag:s15] =	ssyncadd.s32 @!p2 $0xFFFFD800  }
0x185: {  	[spmem:s2] =	stream.indirect.scatter.add.bf16 @!p2 [tilespmem:s18], [sflag:$0xF], $0x20, s17, s13, $0xb8;
	[tilespmem:$0x1E000] =	vst v63  }
0x186: {  	s15 =	simm.s32 @p2 $0x1040  }
0x187: {  	[spmem:s3] =	stream.indirect.scatter.add.f32 @p2 [tilespmem:s12], [sflag:$0x19], $0x10, s15, s24, $0xb8;
	[tilespmem:$0x1E000] =	vst v63  }
0x188: {  	_ =	swait.ge @p2 [sflag:s31], $0x1400  }
0x189: {  	[sflag:s31] =	ssyncset.done @p2 $0x0  }
0x18a: {  	s13 =	simm.s32 @p2 $0x7;
	[sflag:s31] =	ssyncadd.s32 @p2 $0xFFFFEC00  }
0x18b: {  	_ =	swait.ge @p2 [sflag:s13], $0x2800  }
0x18c: {  	[sflag:s13] =	ssyncset.done @p2 $0x0  }
0x18d: {  	s17 =	simm.s32 @p2 $0x10400;
	s15 =	simm.s32 @p2 $0x1180;
	[sflag:s13] =	ssyncadd.s32 @p2 $0xFFFFD800  }
0x18e: {  	[spmem:s2] =	stream.indirect.scatter.add.bf16 @p2 [tilespmem:s17], [sflag:$0xF], $0x20, s15, s24, $0xb8;
	[tilespmem:$0x1E000] =	vst v63  }
0x18f: {  	_ = 	snop  }
0x190: {  	[spmem:s3] =	stream.indirect.scatter.add.f32 @p2 [tilespmem:s12], [sflag:$0x19], $0x10, s15, s24, $0xb8;
	[tilespmem:$0x1E000] =	vst v63  }
0x191: {  	_ =	swait.ge @p2 [sflag:s31], $0x1400  }
0x192: {  	[sflag:s31] =	ssyncset.done @p2 $0x0  }
0x193: {  	s20 =	simm.s32 $0x8;
	[sflag:s31] =	ssyncadd.s32 @p2 $0xFFFFEC00  }
0x194: {  	_ =	swait.ge [sflag:s20], $0x2800  }
0x195: {  	[sflag:s20] =	ssyncset.done $0x0  }
0x196: {  	[sflag:s20] =	ssyncadd.s32 $0xFFFFD800  }
0x197: {  	[spmem:s2] =	stream.indirect.scatter.add.bf16 [tilespmem:s26], [sflag:$0x10], $0x20, s29, s16, $0xb8;
	[tilespmem:$0x1E000] =	vst v63  }
0x198: {  	s13 =	simm.s32 @p2 $0x12C0  }
0x199: {  	[spmem:s3] =	stream.indirect.scatter.add.f32 @p2 [tilespmem:s12], [sflag:$0x19], $0x10, s13, s24, $0xb8;
	[tilespmem:$0x1E000] =	vst v63  }
0x19a: {  	_ =	swait.ge @p2 [sflag:s31], $0x1400  }
0x19b: {  	[sflag:s31] =	ssyncset.done @p2 $0x0  }
0x19c: {  	s21 =	simm.s32 $0x9;
	[sflag:s31] =	ssyncadd.s32 @p2 $0xFFFFEC00  }
0x19d: {  	_ =	swait.ge [sflag:s21], $0x2800  }
0x19e: {  	[sflag:s21] =	ssyncset.done $0x0  }
0x19f: {  	s23 =	simm.s32 $0xA;
	[sflag:s21] =	ssyncadd.s32 $0xFFFFD800  }
0x1a0: {  	_ =	swait.ge [sflag:s23], $0x2800  }
0x1a1: {  	[sflag:s23] =	ssyncset.done $0x0  }
0x1a2: {  	s24 =	simm.s32 $0xB;
	[sflag:s23] =	ssyncadd.s32 $0xFFFFD800  }
0x1a3: {  	_ =	swait.ge [sflag:s24], $0x2800  }
0x1a4: {  	[sflag:s24] =	ssyncset.done $0x0  }
0x1a5: {  	s25 =	simm.s32 $0xC;
	[sflag:s24] =	ssyncadd.s32 $0xFFFFD800  }
0x1a6: {  	_ =	swait.ge [sflag:s25], $0x2800  }
0x1a7: {  	[sflag:s25] =	ssyncset.done $0x0  }
0x1a8: {  	s26 =	simm.s32 $0xD;
	[sflag:s25] =	ssyncadd.s32 $0xFFFFD800  }
0x1a9: {  	_ =	swait.ge [sflag:s26], $0x2800  }
0x1aa: {  	[sflag:s26] =	ssyncset.done $0x0  }
0x1ab: {  	s22 =	sadd.s32 $0x140, s22;
	s28 =	simm.s32 $0xE;
	[sflag:s26] =	ssyncadd.s32 $0xFFFFD800  }
0x1ac: {  	p1 =	sne.s32 s22, $0xA00;
	_ =	swait.ge [sflag:s28], $0x2800  }
.Ltmp0:
0x1ad: {  	[sflag:s28] =	ssyncset.done $0x0;
	(pc) =	sbr.rel @p1 .LBB2_2-.Ltmp0, $4  }
0x1ae: {  	s31 =	simm.s32 $0xF;
	[sflag:s28] =	ssyncadd.s32 $0xFFFFD800  }
0x1af: {  	_ =	swait.ge [sflag:s31], $0x2800  }
0x1b0: {  	[sflag:s31] =	ssyncset.done $0x0  }
0x1b1: {  	s29 =	simm.s32 $0x10;
	[sflag:s31] =	ssyncadd.s32 $0xFFFFD800  }
0x1b2: {  	_ =	swait.ge [sflag:s29], $0x2800  }
0x1b3: {  	s12 =	rddreg [dreg:$0x6];
	[sflag:s29] =	ssyncset.done $0x0  }
0x1b4: {  	s13 =	rddreg [dreg:$0x5];
	[sflag:s29] =	ssyncadd.s32 $0xFFFFD800;
	s12 =	sadd.s32 s6, s12  }
0x1b5: {  	[tilespmem:s4], [sflag:$0x11] =	stream.linear.gather [hbm4b:s12+s4], $0x140, $0x38;
	[tilespmem:$0x1E000] =	vst v63  }
0x1b6: {  	s17 =	simm.s32 $0xA00;
	s6 =	sadd.s32 s6, s13  }
0x1b7: {  	[tilespmem:s17], [sflag:$0x11] =	stream.linear.gather [hbm4b:s6+s4], $0x140, $0x38;
	[tilespmem:$0x1E000] =	vst v63  }
0x1b8: {  	s28 =	sadd.s32 $0x28, s12  }
0x1b9: {  	[tilespmem:s16], [sflag:$0x12] =	stream.linear.gather [hbm4b:s28+s4], $0x140, $0x38;
	[tilespmem:$0x1E000] =	vst v63  }
0x1ba: {  	s18 =	simm.s32 $0xB40;
	s31 =	sadd.s32 $0x28, s6  }
0x1bb: {  	[tilespmem:s18], [sflag:$0x12] =	stream.linear.gather [hbm4b:s31+s4], $0x140, $0x38;
	[tilespmem:$0x1E000] =	vst v63  }
0x1bc: {  	s22 =	simm.s32 $0x280;
	s0 =	sadd.s32 $0x50, s12  }
0x1bd: {  	[tilespmem:s22], [sflag:$0x13] =	stream.linear.gather [hbm4b:s0+s4], $0x140, $0x38;
	[tilespmem:$0x1E000] =	vst v63  }
0x1be: {  	s15 =	rddreg [dreg:$0x7];
	s19 =	sadd.s32 $0x50, s6  }
0x1bf: {  	[tilespmem:s15], [sflag:$0x13] =	stream.linear.gather [hbm4b:s19+s4], $0x140, $0x38;
	[tilespmem:$0x1E000] =	vst v63  }
0x1c0: {  	s20 =	sadd.s32 $0x78, s12;
	s19 =	simm.s32 $0x3C0  }
0x1c1: {  	[tilespmem:s19], [sflag:$0x14] =	stream.linear.gather [hbm4b:s20+s4], $0x140, $0x38;
	[tilespmem:$0x1E000] =	vst v63  }
0x1c2: {  	s21 =	sadd.s32 $0x78, s6;
	s20 =	simm.s32 $0xDC0  }
0x1c3: {  	[tilespmem:s20], [sflag:$0x14] =	stream.linear.gather [hbm4b:s21+s4], $0x140, $0x38;
	[tilespmem:$0x1E000] =	vst v63  }
0x1c4: {  	s23 =	sadd.s32 $0xA0, s12;
	s21 =	simm.s32 $0x500  }
0x1c5: {  	[tilespmem:s21], [sflag:$0x15] =	stream.linear.gather [hbm4b:s23+s4], $0x140, $0x38;
	[tilespmem:$0x1E000] =	vst v63  }
0x1c6: {  	s24 =	rddreg [dreg:$0x8];
	s25 =	sadd.s32 $0xA0, s6  }
0x1c7: {  	[tilespmem:s24], [sflag:$0x15] =	stream.linear.gather [hbm4b:s25+s4], $0x140, $0x38;
	[tilespmem:$0x1E000] =	vst v63  }
0x1c8: {  	s26 =	sadd.s32 $0xC8, s12;
	s23 =	simm.s32 $0x640  }
0x1c9: {  	[tilespmem:s23], [sflag:$0x16] =	stream.linear.gather [hbm4b:s26+s4], $0x140, $0x38;
	[tilespmem:$0x1E000] =	vst v63  }
0x1ca: {  	s28 =	sadd.s32 $0xC8, s6;
	s24 =	simm.s32 $0x1040  }
0x1cb: {  	[tilespmem:s24], [sflag:$0x16] =	stream.linear.gather [hbm4b:s28+s4], $0x140, $0x38;
	[tilespmem:$0x1E000] =	vst v63  }
0x1cc: {  	s31 =	sadd.s32 $0xF0, s12;
	s25 =	simm.s32 $0x780  }
0x1cd: {  	[tilespmem:s25], [sflag:$0x17] =	stream.linear.gather [hbm4b:s31+s4], $0x140, $0x38;
	[tilespmem:$0x1E000] =	vst v63  }
0x1ce: {  	s0 =	rddreg [dreg:$0x9];
	s26 =	sadd.s32 $0xF0, s6  }
0x1cf: {  	[tilespmem:s0], [sflag:$0x17] =	stream.linear.gather [hbm4b:s26+s4], $0x140, $0x38;
	[tilespmem:$0x1E000] =	vst v63  }
0x1d0: {  	s12 =	sadd.s32 $0x118, s12;
	s15 =	simm.s32 $0x8C0  }
0x1d1: {  	[tilespmem:s15], [sflag:$0x18] =	stream.linear.gather [hbm4b:s12+s4], $0x140, $0x38;
	[tilespmem:$0x1E000] =	vst v63  }
0x1d2: {  	s6 =	sadd.s32 $0x118, s6;
	s28 =	simm.s32 $0x11;
	s26 =	simm.s32 $0x12C0  }
0x1d3: {  	[tilespmem:s26], [sflag:$0x18] =	stream.linear.gather [hbm4b:s6+s4], $0x140, $0x38;
	[tilespmem:$0x1E000] =	vst v63  }
0x1d4: {  	_ =	swait.ge [sflag:s28], $0x140  }
0x1d5: {  	[sflag:s28] =	ssyncset.done $0x0  }
0x1d6: {  	[sflag:s28] =	ssyncadd.s32 $0xFFFFFEC0  }
0x1d7: {  	_ =	swait.ge [sflag:s28], $0x140  }
0x1d8: {  	[sflag:s28] =	ssyncset.done $0x0  }
0x1d9: {  	s31 =	simm.s32 $0x1400;
	s0 =	simm.s32 $0x12;
	[sflag:s28] =	ssyncadd.s32 $0xFFFFFEC0  }
0x1da: {  	[tilespmem:s31], [sflag:$0x1] =	stream.indirect.gather [hbm4b:s9+s16], $0x20, s4, s16, $0xb8;
	[tilespmem:$0x1E000] =	vst v63  }
0x1db: {  	_ =	swait.ge [sflag:s0], $0x140  }
0x1dc: {  	[sflag:s0] =	ssyncset.done $0x0  }
0x1dd: {  	[sflag:s0] =	ssyncadd.s32 $0xFFFFFEC0  }
0x1de: {  	_ =	swait.ge [sflag:s0], $0x140  }
0x1df: {  	[sflag:s0] =	ssyncset.done $0x0  }
0x1e0: {  	s28 =	simm.s32 $0x3C00;
	[sflag:s0] =	ssyncadd.s32 $0xFFFFFEC0  }
0x1e1: {  	[tilespmem:s28], [sflag:$0x2] =	stream.indirect.gather [hbm4b:s9+s16], $0x20, s16, s16, $0xb8;
	[tilespmem:$0x1E000] =	vst v63  }
0x1e2: {  	_ =	swait.ge [sflag:s14], $0x140  }
0x1e3: {  	[sflag:s14] =	ssyncset.done $0x0  }
0x1e4: {  	[sflag:s14] =	ssyncadd.s32 $0xFFFFFEC0  }
0x1e5: {  	_ =	swait.ge [sflag:s14], $0x140  }
0x1e6: {  	[sflag:s14] =	ssyncset.done $0x0  }
0x1e7: {  	s13 =	rddreg [dreg:$0xa];
	[sflag:s14] =	ssyncadd.s32 $0xFFFFFEC0  }
0x1e8: {  	[tilespmem:s13], [sflag:$0x3] =	stream.indirect.gather [hbm4b:s9+s16], $0x20, s22, s16, $0xb8;
	[tilespmem:$0x1E000] =	vst v63  }
0x1e9: {  	_ =	swait.ge [sflag:s5], $0x140  }
0x1ea: {  	[sflag:s5] =	ssyncset.done $0x0  }
0x1eb: {  	[sflag:s5] =	ssyncadd.s32 $0xFFFFFEC0  }
0x1ec: {  	_ =	swait.ge [sflag:s5], $0x140  }
0x1ed: {  	[sflag:s5] =	ssyncset.done $0x0  }
0x1ee: {  	s0 =	simm.s32 $0x8C00;
	[sflag:s5] =	ssyncadd.s32 $0xFFFFFEC0  }
0x1ef: {  	[tilespmem:s0], [sflag:$0x4] =	stream.indirect.gather [hbm4b:s9+s16], $0x20, s19, s16, $0xb8;
	[tilespmem:$0x1E000] =	vst v63  }
0x1f0: {  	_ =	swait.ge [sflag:s7], $0x140  }
0x1f1: {  	[sflag:s7] =	ssyncset.done $0x0  }
0x1f2: {  	[sflag:s7] =	ssyncadd.s32 $0xFFFFFEC0  }
0x1f3: {  	_ =	swait.ge [sflag:s7], $0x140  }
0x1f4: {  	[sflag:s7] =	ssyncset.done $0x0  }
0x1f5: {  	s19 =	rddreg [dreg:$0xb];
	[sflag:s7] =	ssyncadd.s32 $0xFFFFFEC0  }
0x1f6: {  	[tilespmem:s19], [sflag:$0x5] =	stream.indirect.gather [hbm4b:s9+s16], $0x20, s21, s16, $0xb8;
	[tilespmem:$0x1E000] =	vst v63  }
0x1f7: {  	_ =	swait.ge [sflag:s10], $0x140  }
0x1f8: {  	[sflag:s10] =	ssyncset.done $0x0  }
0x1f9: {  	[sflag:s10] =	ssyncadd.s32 $0xFFFFFEC0  }
0x1fa: {  	_ =	swait.ge [sflag:s10], $0x140  }
0x1fb: {  	[sflag:s10] =	ssyncset.done $0x0  }
0x1fc: {  	s19 =	simm.s32 $0xDC00;
	s21 =	simm.s32 $0x1;
	[sflag:s10] =	ssyncadd.s32 $0xFFFFFEC0  }
0x1fd: {  	[tilespmem:s19], [sflag:$0x6] =	stream.indirect.gather [hbm4b:s9+s16], $0x20, s23, s16, $0xb8;
	[tilespmem:$0x1E000] =	vst v63  }
0x1fe: {  	_ =	swait.ge [sflag:s21], $0x2800  }
0x1ff: {  	[sflag:s21] =	ssyncset.done $0x0  }
0x200: {  	[sflag:s21] =	ssyncadd.s32 $0xFFFFD800  }
0x201: {  	[spmem:s2] =	stream.indirect.scatter.add.bf16 [tilespmem:s31], [sflag:$0x9], $0x20, s17, s16, $0xb8;
	[tilespmem:$0x1E000] =	vst v63  }
0x202: {  	_ =	swait.ge [sflag:s11], $0x140  }
0x203: {  	[sflag:s11] =	ssyncset.done $0x0  }
0x204: {  	s1 =	sadd.s32 $0x1, s1;
	[sflag:s11] =	ssyncadd.s32 $0xFFFFFEC0  }
0x205: {  	p2 =	sgt.u32 s1, $0x3;
	s1 =	simm.s32 $0x1;
	_ =	swait.ge [sflag:s11], $0x140  }
0x206: {  	s1 =	simm.s32 @!p2 $0x0;
	s23 =	rddreg [dreg:$0xd]  }
0x207: {  	[sflag:s11] =	ssyncset.done $0x0;
	p1 =	seq.s32 s23, s1  }
0x208: {  	s22 =	rddreg [dreg:$0xc];
	[sflag:s11] =	ssyncadd.s32 $0xFFFFFEC0;
	s1 =	simm.s32 @!p1 $0x1A400  }
0x209: {  	[tilespmem:s22], [sflag:$0x7] =	stream.indirect.gather [hbm4b:s9+s16], $0x20, s25, s16, $0xb8;
	[tilespmem:$0x1E000] =	vst v63  }
0x20a: {  	s6 =	simm.s32 @!p1 $0x19;
	s12 =	simm.s32 @!p1 $0x140;
	s13 =	simm.s32 @!p1 $0xA00  }
0x20b: {  	[spmem:s3] =	stream.indirect.scatter.add.f32 @!p1 [tilespmem:s1], [sflag:$0x19], $0x10, s13, s12, $0xb8;
	[tilespmem:$0x1E000] =	vst v63  }
0x20c: {  	_ =	swait.ge @!p1 [sflag:s6], $0x1400  }
0x20d: {  	[sflag:s6] =	ssyncset.done @!p1 $0x0  }
0x20e: {  	s25 =	simm.s32 $0x2;
	[sflag:s6] =	ssyncadd.s32 @!p1 $0xFFFFEC00  }
0x20f: {  	_ =	swait.ge [sflag:s25], $0x2800  }
0x210: {  	[sflag:s25] =	ssyncset.done $0x0  }
0x211: {  	[sflag:s25] =	ssyncadd.s32 $0xFFFFD800  }
0x212: {  	[spmem:s2] =	stream.indirect.scatter.add.bf16 [tilespmem:s28], [sflag:$0xA], $0x20, s18, s16, $0xb8;
	[tilespmem:$0x1E000] =	vst v63  }
0x213: {  	_ =	swait.ge [sflag:s8], $0x140  }
0x214: {  	[sflag:s8] =	ssyncset.done $0x0  }
0x215: {  	[sflag:s8] =	ssyncadd.s32 $0xFFFFFEC0  }
0x216: {  	p1 =	por !p2, !p2;
	_ =	swait.ge [sflag:s8], $0x140  }
0x217: {  	p1 =	por @!p0 p2, p2;
	[sflag:s8] =	ssyncset.done $0x0  }
0x218: {  	s6 =	simm.s32 @!p1 $0x3;
	s28 =	simm.s32 $0x12C00;
	[sflag:s8] =	ssyncadd.s32 $0xFFFFFEC0  }
0x219: {  	[tilespmem:s28], [sflag:$0x8] =	stream.indirect.gather [hbm4b:s9+s16], $0x20, s15, s16, $0xb8;
	[tilespmem:$0x1E000] =	vst v63  }
0x21a: {  	_ =	swait.ge @!p1 [sflag:s6], $0x2800  }
0x21b: {  	s12 =	simm.s32 @!p1 $0x6400;
	s1 =	simm.s32 @p1 $0x1A400;
	[sflag:s6] =	ssyncset.done @!p1 $0x0  }
0x21c: {  	s13 =	simm.s32 @!p1 $0x140;
	s15 =	simm.s32 @!p1 $0xC80;
	[sflag:s6] =	ssyncadd.s32 @!p1 $0xFFFFD800  }
0x21d: {  	[spmem:s2] =	stream.indirect.scatter.add.bf16 @!p1 [tilespmem:s12], [sflag:$0xB], $0x20, s15, s13, $0xb8;
	[tilespmem:$0x1E000] =	vst v63  }
0x21e: {  	s6 =	simm.s32 @p1 $0x19;
	s12 =	simm.s32 @p1 $0x140;
	s15 =	simm.s32 @p1 $0xB40  }
0x21f: {  	[spmem:s3] =	stream.indirect.scatter.add.f32 @p1 [tilespmem:s1], [sflag:$0x19], $0x10, s15, s12, $0xb8;
	[tilespmem:$0x1E000] =	vst v63  }
0x220: {  	_ =	swait.ge @p1 [sflag:s6], $0x1400  }
0x221: {  	[sflag:s6] =	ssyncset.done @p1 $0x0  }
0x222: {  	s15 =	simm.s32 @p1 $0x3;
	[sflag:s6] =	ssyncadd.s32 @p1 $0xFFFFEC00  }
0x223: {  	_ =	swait.ge @p1 [sflag:s15], $0x2800  }
0x224: {  	[sflag:s15] =	ssyncset.done @p1 $0x0  }
0x225: {  	s17 =	simm.s32 @p1 $0xC80;
	[sflag:s15] =	ssyncadd.s32 @p1 $0xFFFFD800;
	s15 =	simm.s32 @p1 $0x6400  }
0x226: {  	[spmem:s2] =	stream.indirect.scatter.add.bf16 @p1 [tilespmem:s15], [sflag:$0xB], $0x20, s17, s12, $0xb8;
	[tilespmem:$0x1E000] =	vst v63  }
0x227: {  	_ = 	snop  }
0x228: {  	[spmem:s3] =	stream.indirect.scatter.add.f32 @p1 [tilespmem:s1], [sflag:$0x19], $0x10, s17, s12, $0xb8;
	[tilespmem:$0x1E000] =	vst v63  }
0x229: {  	_ =	swait.ge @p1 [sflag:s6], $0x1400  }
0x22a: {  	[sflag:s6] =	ssyncset.done @p1 $0x0  }
0x22b: {  	s31 =	simm.s32 $0x4;
	[sflag:s6] =	ssyncadd.s32 @p1 $0xFFFFEC00  }
0x22c: {  	_ =	swait.ge [sflag:s31], $0x2800  }
0x22d: {  	[sflag:s31] =	ssyncset.done $0x0  }
0x22e: {  	s15 =	simm.s32 @!p1 $0x5;
	[sflag:s31] =	ssyncadd.s32 $0xFFFFD800  }
0x22f: {  	[spmem:s2] =	stream.indirect.scatter.add.bf16 [tilespmem:s0], [sflag:$0xC], $0x20, s20, s16, $0xb8;
	[tilespmem:$0x1E000] =	vst v63  }
0x230: {  	_ =	swait.ge @!p1 [sflag:s15], $0x2800  }
0x231: {  	[sflag:s15] =	ssyncset.done @!p1 $0x0  }
0x232: {  	s17 =	simm.s32 @!p1 $0xF00;
	[sflag:s15] =	ssyncadd.s32 @!p1 $0xFFFFD800;
	s15 =	simm.s32 @!p1 $0xB400  }
0x233: {  	[spmem:s2] =	stream.indirect.scatter.add.bf16 @!p1 [tilespmem:s15], [sflag:$0xD], $0x20, s17, s13, $0xb8;
	[tilespmem:$0x1E000] =	vst v63  }
0x234: {  	s15 =	simm.s32 @p1 $0xDC0  }
0x235: {  	[spmem:s3] =	stream.indirect.scatter.add.f32 @p1 [tilespmem:s1], [sflag:$0x19], $0x10, s15, s12, $0xb8;
	[tilespmem:$0x1E000] =	vst v63  }
0x236: {  	_ =	swait.ge @p1 [sflag:s6], $0x1400  }
0x237: {  	[sflag:s6] =	ssyncset.done @p1 $0x0  }
0x238: {  	s15 =	simm.s32 @p1 $0x5;
	[sflag:s6] =	ssyncadd.s32 @p1 $0xFFFFEC00  }
0x239: {  	_ =	swait.ge @p1 [sflag:s15], $0x2800  }
0x23a: {  	[sflag:s15] =	ssyncset.done @p1 $0x0  }
0x23b: {  	s17 =	simm.s32 @p1 $0xF00;
	[sflag:s15] =	ssyncadd.s32 @p1 $0xFFFFD800;
	s15 =	simm.s32 @p1 $0xB400  }
0x23c: {  	[spmem:s2] =	stream.indirect.scatter.add.bf16 @p1 [tilespmem:s15], [sflag:$0xD], $0x20, s17, s12, $0xb8;
	[tilespmem:$0x1E000] =	vst v63  }
0x23d: {  	_ = 	snop  }
0x23e: {  	[spmem:s3] =	stream.indirect.scatter.add.f32 @p1 [tilespmem:s1], [sflag:$0x19], $0x10, s17, s12, $0xb8;
	[tilespmem:$0x1E000] =	vst v63  }
0x23f: {  	_ =	swait.ge @p1 [sflag:s6], $0x1400  }
0x240: {  	[sflag:s6] =	ssyncset.done @p1 $0x0  }
0x241: {  	s15 =	simm.s32 $0x6;
	[sflag:s6] =	ssyncadd.s32 @p1 $0xFFFFEC00  }
0x242: {  	_ =	swait.ge [sflag:s15], $0x2800  }
0x243: {  	[sflag:s15] =	ssyncset.done $0x0  }
0x244: {  	[sflag:s15] =	ssyncadd.s32 $0xFFFFD800;
	s15 =	simm.s32 @!p1 $0x7  }
0x245: {  	[spmem:s2] =	stream.indirect.scatter.add.bf16 [tilespmem:s19], [sflag:$0xE], $0x20, s24, s16, $0xb8;
	[tilespmem:$0x1E000] =	vst v63  }
0x246: {  	_ =	swait.ge @!p1 [sflag:s15], $0x2800  }
0x247: {  	[sflag:s15] =	ssyncset.done @!p1 $0x0  }
0x248: {  	s17 =	simm.s32 @!p1 $0x1180;
	[sflag:s15] =	ssyncadd.s32 @!p1 $0xFFFFD800;
	s15 =	simm.s32 @!p1 $0x10400  }
0x249: {  	[spmem:s2] =	stream.indirect.scatter.add.bf16 @!p1 [tilespmem:s15], [sflag:$0xF], $0x20, s17, s13, $0xb8;
	[tilespmem:$0x1E000] =	vst v63  }
0x24a: {  	s13 =	simm.s32 @p1 $0x1040  }
0x24b: {  	[spmem:s3] =	stream.indirect.scatter.add.f32 @p1 [tilespmem:s1], [sflag:$0x19], $0x10, s13, s12, $0xb8;
	[tilespmem:$0x1E000] =	vst v63  }
0x24c: {  	_ =	swait.ge @p1 [sflag:s6], $0x1400  }
0x24d: {  	[sflag:s6] =	ssyncset.done @p1 $0x0  }
0x24e: {  	s13 =	simm.s32 @p1 $0x7;
	[sflag:s6] =	ssyncadd.s32 @p1 $0xFFFFEC00  }
0x24f: {  	_ =	swait.ge @p1 [sflag:s13], $0x2800  }
0x250: {  	[sflag:s13] =	ssyncset.done @p1 $0x0  }
0x251: {  	s15 =	simm.s32 @p1 $0x1180;
	[sflag:s13] =	ssyncadd.s32 @p1 $0xFFFFD800;
	s13 =	simm.s32 @p1 $0x10400  }
0x252: {  	[spmem:s2] =	stream.indirect.scatter.add.bf16 @p1 [tilespmem:s13], [sflag:$0xF], $0x20, s15, s12, $0xb8;
	[tilespmem:$0x1E000] =	vst v63  }
0x253: {  	_ = 	snop  }
0x254: {  	[spmem:s3] =	stream.indirect.scatter.add.f32 @p1 [tilespmem:s1], [sflag:$0x19], $0x10, s15, s12, $0xb8;
	[tilespmem:$0x1E000] =	vst v63  }
0x255: {  	_ =	swait.ge @p1 [sflag:s6], $0x1400  }
0x256: {  	[sflag:s6] =	ssyncset.done @p1 $0x0  }
0x257: {  	s17 =	simm.s32 $0x8;
	[sflag:s6] =	ssyncadd.s32 @p1 $0xFFFFEC00  }
0x258: {  	_ =	swait.ge [sflag:s17], $0x2800  }
0x259: {  	[sflag:s17] =	ssyncset.done $0x0  }
0x25a: {  	[sflag:s17] =	ssyncadd.s32 $0xFFFFD800  }
0x25b: {  	[spmem:s2] =	stream.indirect.scatter.add.bf16 [tilespmem:s28], [sflag:$0x10], $0x20, s26, s16, $0xb8;
	[tilespmem:$0x1E000] =	vst v63  }
0x25c: {  	s13 =	simm.s32 @p1 $0x12C0  }
0x25d: {  	[spmem:s3] =	stream.indirect.scatter.add.f32 @p1 [tilespmem:s1], [sflag:$0x19], $0x10, s13, s12, $0xb8;
	[tilespmem:$0x1E000] =	vst v63  }
0x25e: {  	_ =	swait.ge @p1 [sflag:s6], $0x1400  }
0x25f: {  	[sflag:s6] =	ssyncset.done @p1 $0x0  }
0x260: {  	s18 =	simm.s32 $0x9;
	[sflag:s6] =	ssyncadd.s32 @p1 $0xFFFFEC00  }
0x261: {  	_ =	swait.ge [sflag:s18], $0x2800  }
0x262: {  	[sflag:s18] =	ssyncset.done $0x0  }
0x263: {  	s19 =	simm.s32 $0xA;
	[sflag:s18] =	ssyncadd.s32 $0xFFFFD800  }
0x264: {  	_ =	swait.ge [sflag:s19], $0x2800  }
0x265: {  	[sflag:s19] =	ssyncset.done $0x0  }
0x266: {  	s20 =	simm.s32 $0xB;
	[sflag:s19] =	ssyncadd.s32 $0xFFFFD800  }
0x267: {  	_ =	swait.ge [sflag:s20], $0x2800  }
0x268: {  	[sflag:s20] =	ssyncset.done $0x0  }
0x269: {  	s21 =	simm.s32 $0xC;
	[sflag:s20] =	ssyncadd.s32 $0xFFFFD800  }
0x26a: {  	_ =	swait.ge [sflag:s21], $0x2800  }
0x26b: {  	[sflag:s21] =	ssyncset.done $0x0  }
0x26c: {  	s22 =	simm.s32 $0xD;
	[sflag:s21] =	ssyncadd.s32 $0xFFFFD800  }
0x26d: {  	_ =	swait.ge [sflag:s22], $0x2800  }
0x26e: {  	[sflag:s22] =	ssyncset.done $0x0  }
0x26f: {  	s23 =	simm.s32 $0xE;
	[sflag:s22] =	ssyncadd.s32 $0xFFFFD800  }
0x270: {  	_ =	swait.ge [sflag:s23], $0x2800  }
0x271: {  	[sflag:s23] =	ssyncset.done $0x0  }
0x272: {  	s24 =	simm.s32 $0xF;
	[sflag:s23] =	ssyncadd.s32 $0xFFFFD800  }
0x273: {  	_ =	swait.ge [sflag:s24], $0x2800  }
0x274: {  	[sflag:s24] =	ssyncset.done $0x0  }
0x275: {  	[sflag:s24] =	ssyncadd.s32 $0xFFFFD800  }
0x276: {  	_ =	swait.ge [sflag:s29], $0x2800  }
0x277: {  	[sflag:s29] =	ssyncset.done $0x0  }
0x278: {  	[sflag:s29] =	ssyncadd.s32 $0xFFFFD800  }
0x279: {  	[bflag:$0x0] =	sbarrier.arrive $0xFFFF  }
0x27a: {  	s15 =	rddreg [dreg:$0x11]  }
0x27b: {  	s12 =	rddreg [dreg:$0x13]  }
0x27c: {  	s17 =	simm.s32 $0x19;
	s25 =	rddreg [dreg:$0x15]  }
0x27d: {  	[hbm:s25], [sflag:s15] =	dma.local [spmem:s12], $0xA00  }
0x27e: {  	_ =	swait.ge [sflag:s17], $0xA00  }
0x27f: {  	[sflag:s17] =	ssyncset.done $0x0;
	s13 =	rddreg [dreg:$0x14]  }
0x280: {  	s26 =	rddreg [dreg:$0x16];
	[sflag:s17] =	ssyncadd.s32 $0xFFFFF600  }
0x281: {  	[hbm:s26], [sflag:s15] =	dma.local [spmem:s13], $0x500  }
0x282: {  	_ =	swait.ge [sflag:s17], $0x500  }
0x283: {  	s28 =	rddreg [dreg:$0x17]  }
0x284: {  	s31 =	rddreg [dreg:$0x12];
	s0 =	sadd.s32 $0x1, s28  }
0x285: {  	p1 =	sne.s32 s0, s31  }
.Ltmp1:
0x286: {  	_ = 	snop;
	(pc) =	sbr.rel @p1 .LBB2_1-.Ltmp1, $3  }
0x287: {  	_ =	sdelay $0x1  }
0x288: {  	[sflag:s17] =	ssyncset.done $0x0  }
0x289: {  	[sflag:s17] =	ssyncadd.s32 $0xFFFFFB00  }
0x28a: {  	_ =	sfence.sel $0x180000  }
0x28b: {  	[bflag:$0x0] =	sbarrier.arrive $0xFFFF  }
0x28c: {  	_ =	strace $0x90000047  }
0x28d: {  	s0 =	stileid.u32;
	[bflag:$0x2] =	sbarrier.arrive $0xFFFF  }
0x28e: {  	p0 =	sne.s32 s0, $0x0;
	s0 =	rddreg [dreg:$0x4]  }
0x28f: {  	s0 =	sadd.s32 @!p0 $0x100000, s0  }
0x290: {  	[sflag:s0] =	ssyncadd.tile.s32 @!p0 $0x1;
	_ =	shalt  }
.Lfunc_end2:
_tile_overlayer_lowered:
.L_overlay_start_2:
0x291: {  	(tag) =	ssettag $0x2  }
0x292: {  	s0 =	rddreg [dreg:$0x0];
	s2 =	stileid.u32  }
0x293: {  	s1 =	rddreg [dreg:$0x1];
	p0 =	sne.s32 s2, $0x0  }
0x294: {  	s3 =	rddreg [dreg:$0x2];
	[bflag:$0x3] =	sbarrier.arrive $0xFFFF;
	s2 =	simm.s32 @!p0 $0x1C19  }
0x295: {  	[timem:s3], [sflag:s2] =	dma.local @!p0 [hbm:s0], s1  }
0x296: {  	s0 =	simm.s32 @!p0 $0x19  }
0x297: {  	_ =	swait.ge @!p0 [sflag:s0], s1  }
0x298: {  	s1 =	ssub.s32 @!p0 $0x0, s1;
	[sflag:s0] =	ssyncset.done @!p0 $0x0  }
0x299: {  	[sflag:s0] =	ssyncadd.s32 @!p0 s1  }
0x29a: {  	[bflag:$0x3] =	sbarrier.arrive $0xFFFF  }
0x29b: {  	_ =	shalt  }

</sc_bundles>
